<compile_context>
chip_gen: v7x
topology: tpu7x:2x2x1
jax: 0.10.2.dev20260603
libtpu: 0.0.44.dev20260713+nightly
codegen_flags: <defaults>
</compile_context>

<pallas_src>
import functools

import jax
import jax.numpy as jnp
from jax import lax
from jax.experimental import pallas as pl
from jax.experimental.pallas import tpu as pltpu
from jax.experimental.pallas import tpu_sc as plsc

B, C, H, W = 8, 384, 224, 224
HID, E, K = 96, 64, 2
S = H * W
HB = 28

WT, CT, SB, LN = 28, 3, 8, 128
HWT = 14
NACC = CT * (LN // 16)

H_SC = 56
H_TC = H - H_SC
WPB = 4
HPW = H_SC // WPB



def _sc_body(x_ref, out_ref, buf, accv, sem0, sem1):
    cid = lax.axis_index("c")
    sid = lax.axis_index("s")
    wid = sid * 2 + cid
    b = wid // WPB
    q = lax.rem(wid, WPB)
    h0 = H_TC + q * HPW
    sems = (sem0, sem1)

    def src(h, p):
        return x_ref.at[b, h, pl.ds(p * HWT, HWT)]

    pltpu.async_copy(src(h0, 0), buf.at[0], sem0)
    pltpu.async_copy(src(h0, 1), buf.at[1], sem1)

    def consume(p, accs):
        def inner(wi, accs):
            accs = list(accs)
            for ct in range(CT):
                for sb in range(SB):
                    for lg in range(LN // 16):
                        j = ct * (LN // 16) + lg
                        v = buf[p, wi, ct, sb, pl.ds(lg * 16, 16)]
                        accs[j] = accs[j] + v
            return tuple(accs)
        return lax.fori_loop(0, HWT, inner, accs)

    def row(t, accs):
        h = h0 + t
        for p in range(2):
            pltpu.make_async_copy(src(h0, p), buf.at[p], sems[p]).wait()
            accs = consume(p, accs)

            @pl.when(t + 1 < HPW)
            def _next(p=p, h=h):
                pltpu.async_copy(src(h + 1, p), buf.at[p], sems[p])
        return accs

    accs = tuple(jnp.zeros((16,), jnp.float32) for _ in range(NACC))
    accs = lax.fori_loop(0, HPW, row, accs)
    for j in range(NACC):
        accv[j, :] = accs[j]
    pltpu.sync_copy(accv, out_ref.at[b, q])


def _sc_reduce(xsc):
    mesh = plsc.VectorSubcoreMesh(core_axis_name="c", subcore_axis_name="s")
    return pl.kernel(
        _sc_body,
        out_type=jax.ShapeDtypeStruct((B, WPB, NACC, 16), jnp.float32),
        mesh=mesh,
        scratch_types=[
            pltpu.VMEM((2, HWT, CT, SB, LN), jnp.float32),
            pltpu.VMEM((NACC, 16), jnp.float32),
            pltpu.SemaphoreType.DMA,
            pltpu.SemaphoreType.DMA,
        ],
    )(xsc)



def _tc_body(x_ref, part_ref):
    hb = pl.program_id(1)
    psum = jnp.sum(x_ref[...], axis=(1, 2))
    b = pl.program_id(0)

    @pl.when(hb == 0)
    def _init():
        part_ref[pl.ds(b, 1), :] = psum

    @pl.when(hb != 0)
    def _acc():
        part_ref[pl.ds(b, 1), :] += psum


def _tc_reduce(xt):
    return pl.pallas_call(
        _tc_body,
        grid=(B, H_TC // HB),
        in_specs=[pl.BlockSpec((1, HB, W, C), lambda b, hb: (b, hb, 0, 0))],
        out_specs=pl.BlockSpec((B, C), lambda b, hb: (0, 0)),
        out_shape=jax.ShapeDtypeStruct((B, C), jnp.float32),
        compiler_params=pltpu.CompilerParams(
            dimension_semantics=("arbitrary", "arbitrary"),
        ),
    )(xt)



def _router_body(tc_ref, sc_ref, w1_ref, b1_ref, w2_ref, b2_ref,
                 idx_ref, val_ref, probs_ref):
    h = (tc_ref[...] + jnp.sum(sc_ref[...], axis=1)) * (1.0 / S)
    hid = lax.dot_general(h, w1_ref[...], (((1,), (1,)), ((), ())),
                          preferred_element_type=jnp.float32)
    hid = jnp.maximum(hid + b1_ref[...], 0.0)
    logits = lax.dot_general(hid, w2_ref[...], (((1,), (1,)), ((), ())),
                             preferred_element_type=jnp.float32)
    logits = logits + b2_ref[...]
    m = jnp.max(logits, axis=1, keepdims=True)
    e = jnp.exp(logits - m)
    p = e / jnp.sum(e, axis=1, keepdims=True)
    probs_ref[...] = p
    iota = lax.broadcasted_iota(jnp.int32, p.shape, 1)
    m1 = jnp.max(p, axis=1, keepdims=True)
    i1 = jnp.min(jnp.where(p == m1, iota, E), axis=1, keepdims=True)
    p2 = jnp.where(iota == i1, -jnp.inf, p)
    m2 = jnp.max(p2, axis=1, keepdims=True)
    i2 = jnp.min(jnp.where(p2 == m2, iota, E), axis=1, keepdims=True)
    val_ref[...] = jnp.concatenate([m1, m2], axis=1)
    idx_ref[...] = jnp.concatenate([i1, i2], axis=1)


def _router(tc_part, sc_part, W1, b1r, W2, b2r):
    return pl.pallas_call(
        _router_body,
        out_shape=[
            jax.ShapeDtypeStruct((B, K), jnp.int32),
            jax.ShapeDtypeStruct((B, K), jnp.float32),
            jax.ShapeDtypeStruct((B, E), jnp.float32),
        ],
    )(tc_part, sc_part, W1, b1r, W2, b2r)


@jax.jit
def kernel(x, W1, b1, W2, b2):
    xt = jnp.transpose(x, (0, 2, 3, 1))
    xsc = xt.reshape(B, H, WT, SB, CT, LN).transpose(0, 1, 2, 4, 3, 5)
    b1r = b1.reshape(1, HID)
    b2r = b2.reshape(1, E)

    if H_TC > 0:
        tc_part = _tc_reduce(xt)
    else:
        tc_part = jnp.zeros((B, C), jnp.float32)
    if H_SC > 0:
        sc_part = _sc_reduce(xsc).reshape(B, WPB, C)
    else:
        sc_part = jnp.zeros((B, WPB, C), jnp.float32)

    topk_idx, topk_val, probs = _router(tc_part, sc_part, W1, b1r, W2, b2r)
    return (topk_idx, topk_val, probs)

# --- scband reference (transcript-rebuilt; emitter-appended) ---
"""Pipeline reference for scband-top-krouter-19928648254010 (READ-ONLY COPY).

The authoritative reference and input builder live on the scoring server;
editing this copy changes nothing except your own understanding.
"""

import jax, jax.numpy as jnp
import numpy as np

B, C, H, W = 8, 384, 224, 224
HID, E, K = 96, 64, 2

def setup_inputs(seed: int = 0) -> dict:
    key = jax.random.key(seed)
    k1, k2, k3 = jax.random.split(key, 3)
    x = jax.random.normal(k1, (B, C, H, W), dtype=jnp.float32)
    W1 = jax.random.normal(k2, (HID, C), dtype=jnp.float32) * (2.0 / C) ** 0.5
    b1 = jnp.zeros((HID,), dtype=jnp.float32)
    W2 = jax.random.normal(k3, (E, HID), dtype=jnp.float32) * (2.0 / HID) ** 0.5
    b2 = jnp.zeros((E,), dtype=jnp.float32)
    return {"x": x, "W1": W1, "b1": b1, "W2": W2, "b2": b2}

def reference(x, W1, b1, W2, b2):
    # AdaptiveAvgPool2d(1) -> global average over spatial dims
    h = jnp.mean(x, axis=(2, 3))                 # [B, C]
    # 1x1 convs on a 1x1 spatial map == dense layers
    hid = jax.nn.relu(h @ W1.T + b1)             # [B, HID]
    logits = hid @ W2.T + b2                     # [B, E]
    probs = jax.nn.softmax(logits, axis=1)       # [B, E]
    topk_val, topk_idx = jax.lax.top_k(probs, K)
    return (topk_idx, topk_val, probs)

if __name__ == "__main__":
    import jax
    _d = setup_inputs()
    print(jax.jit(kernel)(*tuple(_d.values())))

</pallas_src>

<mosaic_0001>
#map = affine_map<(d0, d1) -> (0, 0, 0, 0, 0, 0)>
#map1 = affine_map<(d0, d1) -> (0, 0, 0, 0)>
module attributes {stable_mosaic.version = 14 : i64} {
  func.func @_sc_body(%arg0: i32, %arg1: i32, %arg2: memref<8x224x28x3x8x128xf32, #tpu.memory_space<hbm>>, %arg3: memref<8x4x24x16xf32, #tpu.memory_space<hbm>>, %arg4: memref<2x14x3x8x128xf32, #tpu.memory_space<vmem>>, %arg5: memref<24x16xf32, #tpu.memory_space<vmem>>, %arg6: memref<!tpu.dma_semaphore, #tpu.memory_space<semaphore_mem>>, %arg7: memref<!tpu.dma_semaphore, #tpu.memory_space<semaphore_mem>>) attributes {dimension_semantics = [#tpu.dimension_semantics<core_parallel>, #tpu.dimension_semantics<subcore_parallel>], iteration_bounds = array<i64: 2, 16>, scalar_prefetch = 0 : i64, scratch_operands = 4 : i64, tpu.core_type = #tpu.core_type<sc_vector_subcore>, window_params = [{transform_indices = #map}, {transform_indices = #map1}]} {
    %mul3A = arith.constant 2 : i32
    %mul3A_0 = arith.muli %arg1, %mul3A : i32
    %add3A = arith.addi %mul3A_0, %arg0 : i32
    %jit3A = arith.constant 4 : i32
    %div3A = arith.divsi %add3A, %jit3A : i32
    %sign3A = arith.constant 0 : i32
    %sign3A_1 = arith.cmpi sgt, %add3A, %sign3A : i32
    %sign3A_2 = arith.extui %sign3A_1 : i1 to i32
    %sign3A_3 = arith.constant 0 : i32
    %sign3A_4 = arith.cmpi slt, %add3A, %sign3A_3 : i32
    %sign3A_5 = arith.extui %sign3A_4 : i1 to i32
    %sign3A_6 = arith.subi %sign3A_2, %sign3A_5 : i32
    %sign3A_7 = arith.constant 0 : i32
    %sign3A_8 = arith.cmpi sgt, %jit3A, %sign3A_7 : i32
    %sign3A_9 = arith.extui %sign3A_8 : i1 to i32
    %sign3A_10 = arith.constant 0 : i32
    %sign3A_11 = arith.cmpi slt, %jit3A, %sign3A_10 : i32
    %sign3A_12 = arith.extui %sign3A_11 : i1 to i32
    %sign3A_13 = arith.subi %sign3A_9, %sign3A_12 : i32
    %ne3A = arith.cmpi ne, %sign3A_6, %sign3A_13 : i32
    %rem3A = arith.remsi %add3A, %jit3A : i32
    %ne3A_14 = arith.constant 0 : i32
    %ne3A_15 = arith.cmpi ne, %rem3A, %ne3A_14 : i32
    %and3A = arith.andi %ne3A, %ne3A_15 : i1
    %sub3A = arith.constant 1 : i32
    %sub3A_16 = arith.subi %div3A, %sub3A : i32
    %select_n3A = arith.select %and3A, %sub3A_16, %div3A : i32
    %rem3A_17 = arith.constant 4 : i32
    %rem3A_18 = arith.remsi %add3A, %rem3A_17 : i32
    %mul3A_19 = arith.constant 14 : i32
    %mul3A_20 = arith.muli %rem3A_18, %mul3A_19 : i32
    %add3A_21 = arith.constant 168 : i32
    %add3A_22 = arith.addi %add3A_21, %mul3A_20 : i32
    %dma_start3A = arith.constant 0 : i32
    %dma_start3A_23 = arith.constant 0 : i32
    %dma_start3A_24 = arith.constant 0 : i32
    %dma_start3A_25 = arith.constant 0 : i32
    %dma_start3A_26 = arith.constant 0 : i32
    %dma_start3A_27 = tpu.memref_slice %arg4[%dma_start3A, %dma_start3A_23, %dma_start3A_24, %dma_start3A_25, %dma_start3A_26] : memref<2x14x3x8x128xf32, #tpu.memory_space<vmem>> -> memref<1x14x3x8x128xf32, #tpu.memory_space<vmem>>
    %dma_start3A_28 = tpu.memref_squeeze %dma_start3A_27 : memref<1x14x3x8x128xf32, #tpu.memory_space<vmem>> -> memref<14x3x8x128xf32, #tpu.memory_space<vmem>>
    %dma_start3A_29 = arith.constant 0 : i32
    %dma_start3A_30 = arith.constant 0 : i32
    %dma_start3A_31 = arith.constant 0 : i32
    %dma_start3A_32 = arith.constant 0 : i32
    %dma_start3A_33 = tpu.memref_slice %arg2[%select_n3A, %add3A_22, %dma_start3A_29, %dma_start3A_30, %dma_start3A_31, %dma_start3A_32] : memref<8x224x28x3x8x128xf32, #tpu.memory_space<hbm>> -> memref<1x1x14x3x8x128xf32, #tpu.memory_space<hbm>>
    %dma_start3A_34 = tpu.memref_squeeze %dma_start3A_33 : memref<1x1x14x3x8x128xf32, #tpu.memory_space<hbm>> -> memref<14x3x8x128xf32, #tpu.memory_space<hbm>>
    %dma_start3A_35 = arith.constant 0 : i32
    %dma_start3A_36 = arith.constant 0 : i32
    %dma_start3A_37 = arith.constant 0 : i32
    %dma_start3A_38 = arith.constant 0 : i32
    %dma_start3A_39 = tpu.memref_slice %arg4[%dma_start3A, %dma_start3A_35, %dma_start3A_36, %dma_start3A_37, %dma_start3A_38] : memref<2x14x3x8x128xf32, #tpu.memory_space<vmem>> -> memref<1x14x3x8x128xf32, #tpu.memory_space<vmem>>
    %dma_start3A_40 = tpu.memref_squeeze %dma_start3A_39 : memref<1x14x3x8x128xf32, #tpu.memory_space<vmem>> -> memref<14x3x8x128xf32, #tpu.memory_space<vmem>>
    %dma_start3A_41 = arith.constant 0 : i32
    %dma_start3A_42 = arith.constant 0 : i32
    %dma_start3A_43 = arith.constant 0 : i32
    %dma_start3A_44 = arith.constant 0 : i32
    %dma_start3A_45 = tpu.memref_slice %arg2[%select_n3A, %add3A_22, %dma_start3A_41, %dma_start3A_42, %dma_start3A_43, %dma_start3A_44] : memref<8x224x28x3x8x128xf32, #tpu.memory_space<hbm>> -> memref<1x1x14x3x8x128xf32, #tpu.memory_space<hbm>>
    %dma_start3A_46 = tpu.memref_squeeze %dma_start3A_45 : memref<1x1x14x3x8x128xf32, #tpu.memory_space<hbm>> -> memref<14x3x8x128xf32, #tpu.memory_space<hbm>>
    tpu.enqueue_dma source(%dma_start3A_46 : memref<14x3x8x128xf32, #tpu.memory_space<hbm>>) target(%dma_start3A_40 : memref<14x3x8x128xf32, #tpu.memory_space<vmem>>) target_semaphore(%arg6 : memref<!tpu.dma_semaphore, #tpu.memory_space<semaphore_mem>>)
    %dma_start3A_47 = arith.constant 1 : i32
    %dma_start3A_48 = arith.constant 0 : i32
    %dma_start3A_49 = arith.constant 0 : i32
    %dma_start3A_50 = arith.constant 0 : i32
    %dma_start3A_51 = arith.constant 0 : i32
    %dma_start3A_52 = tpu.memref_slice %arg4[%dma_start3A_47, %dma_start3A_48, %dma_start3A_49, %dma_start3A_50, %dma_start3A_51] : memref<2x14x3x8x128xf32, #tpu.memory_space<vmem>> -> memref<1x14x3x8x128xf32, #tpu.memory_space<vmem>>
    %dma_start3A_53 = tpu.memref_squeeze %dma_start3A_52 : memref<1x14x3x8x128xf32, #tpu.memory_space<vmem>> -> memref<14x3x8x128xf32, #tpu.memory_space<vmem>>
    %dma_start3A_54 = arith.constant 14 : i32
    %dma_start3A_55 = arith.constant 0 : i32
    %dma_start3A_56 = arith.constant 0 : i32
    %dma_start3A_57 = arith.constant 0 : i32
    %dma_start3A_58 = tpu.memref_slice %arg2[%select_n3A, %add3A_22, %dma_start3A_54, %dma_start3A_55, %dma_start3A_56, %dma_start3A_57] : memref<8x224x28x3x8x128xf32, #tpu.memory_space<hbm>> -> memref<1x1x14x3x8x128xf32, #tpu.memory_space<hbm>>
    %dma_start3A_59 = tpu.memref_squeeze %dma_start3A_58 : memref<1x1x14x3x8x128xf32, #tpu.memory_space<hbm>> -> memref<14x3x8x128xf32, #tpu.memory_space<hbm>>
    %dma_start3A_60 = arith.constant 0 : i32
    %dma_start3A_61 = arith.constant 0 : i32
    %dma_start3A_62 = arith.constant 0 : i32
    %dma_start3A_63 = arith.constant 0 : i32
    %dma_start3A_64 = tpu.memref_slice %arg4[%dma_start3A_47, %dma_start3A_60, %dma_start3A_61, %dma_start3A_62, %dma_start3A_63] : memref<2x14x3x8x128xf32, #tpu.memory_space<vmem>> -> memref<1x14x3x8x128xf32, #tpu.memory_space<vmem>>
    %dma_start3A_65 = tpu.memref_squeeze %dma_start3A_64 : memref<1x14x3x8x128xf32, #tpu.memory_space<vmem>> -> memref<14x3x8x128xf32, #tpu.memory_space<vmem>>
    %dma_start3A_66 = arith.constant 14 : i32
    %dma_start3A_67 = arith.constant 0 : i32
    %dma_start3A_68 = arith.constant 0 : i32
    %dma_start3A_69 = arith.constant 0 : i32
    %dma_start3A_70 = tpu.memref_slice %arg2[%select_n3A, %add3A_22, %dma_start3A_66, %dma_start3A_67, %dma_start3A_68, %dma_start3A_69] : memref<8x224x28x3x8x128xf32, #tpu.memory_space<hbm>> -> memref<1x1x14x3x8x128xf32, #tpu.memory_space<hbm>>
    %dma_start3A_71 = tpu.memref_squeeze %dma_start3A_70 : memref<1x1x14x3x8x128xf32, #tpu.memory_space<hbm>> -> memref<14x3x8x128xf32, #tpu.memory_space<hbm>>
    tpu.enqueue_dma source(%dma_start3A_71 : memref<14x3x8x128xf32, #tpu.memory_space<hbm>>) target(%dma_start3A_65 : memref<14x3x8x128xf32, #tpu.memory_space<vmem>>) target_semaphore(%arg7 : memref<!tpu.dma_semaphore, #tpu.memory_space<semaphore_mem>>)
    %broadcast_in_dim3A = arith.constant 0.000000e+00 : f32
    %broadcast_in_dim3A_72 = vector.broadcast %broadcast_in_dim3A : f32 to vector<16xf32>
    %broadcast_in_dim3A_73 = arith.constant 0.000000e+00 : f32
    %broadcast_in_dim3A_74 = vector.broadcast %broadcast_in_dim3A_73 : f32 to vector<16xf32>
    %broadcast_in_dim3A_75 = arith.constant 0.000000e+00 : f32
    %broadcast_in_dim3A_76 = vector.broadcast %broadcast_in_dim3A_75 : f32 to vector<16xf32>
    %broadcast_in_dim3A_77 = arith.constant 0.000000e+00 : f32
    %broadcast_in_dim3A_78 = vector.broadcast %broadcast_in_dim3A_77 : f32 to vector<16xf32>
    %broadcast_in_dim3A_79 = arith.constant 0.000000e+00 : f32
    %broadcast_in_dim3A_80 = vector.broadcast %broadcast_in_dim3A_79 : f32 to vector<16xf32>
    %broadcast_in_dim3A_81 = arith.constant 0.000000e+00 : f32
    %broadcast_in_dim3A_82 = vector.broadcast %broadcast_in_dim3A_81 : f32 to vector<16xf32>
    %broadcast_in_dim3A_83 = arith.constant 0.000000e+00 : f32
    %broadcast_in_dim3A_84 = vector.broadcast %broadcast_in_dim3A_83 : f32 to vector<16xf32>
    %broadcast_in_dim3A_85 = arith.constant 0.000000e+00 : f32
    %broadcast_in_dim3A_86 = vector.broadcast %broadcast_in_dim3A_85 : f32 to vector<16xf32>
    %broadcast_in_dim3A_87 = arith.constant 0.000000e+00 : f32
    %broadcast_in_dim3A_88 = vector.broadcast %broadcast_in_dim3A_87 : f32 to vector<16xf32>
    %broadcast_in_dim3A_89 = arith.constant 0.000000e+00 : f32
    %broadcast_in_dim3A_90 = vector.broadcast %broadcast_in_dim3A_89 : f32 to vector<16xf32>
    %broadcast_in_dim3A_91 = arith.constant 0.000000e+00 : f32
    %broadcast_in_dim3A_92 = vector.broadcast %broadcast_in_dim3A_91 : f32 to vector<16xf32>
    %broadcast_in_dim3A_93 = arith.constant 0.000000e+00 : f32
    %broadcast_in_dim3A_94 = vector.broadcast %broadcast_in_dim3A_93 : f32 to vector<16xf32>
    %broadcast_in_dim3A_95 = arith.constant 0.000000e+00 : f32
    %broadcast_in_dim3A_96 = vector.broadcast %broadcast_in_dim3A_95 : f32 to vector<16xf32>
    %broadcast_in_dim3A_97 = arith.constant 0.000000e+00 : f32
    %broadcast_in_dim3A_98 = vector.broadcast %broadcast_in_dim3A_97 : f32 to vector<16xf32>
    %broadcast_in_dim3A_99 = arith.constant 0.000000e+00 : f32
    %broadcast_in_dim3A_100 = vector.broadcast %broadcast_in_dim3A_99 : f32 to vector<16xf32>
    %broadcast_in_dim3A_101 = arith.constant 0.000000e+00 : f32
    %broadcast_in_dim3A_102 = vector.broadcast %broadcast_in_dim3A_101 : f32 to vector<16xf32>
    %broadcast_in_dim3A_103 = arith.constant 0.000000e+00 : f32
    %broadcast_in_dim3A_104 = vector.broadcast %broadcast_in_dim3A_103 : f32 to vector<16xf32>
    %broadcast_in_dim3A_105 = arith.constant 0.000000e+00 : f32
    %broadcast_in_dim3A_106 = vector.broadcast %broadcast_in_dim3A_105 : f32 to vector<16xf32>
    %broadcast_in_dim3A_107 = arith.constant 0.000000e+00 : f32
    %broadcast_in_dim3A_108 = vector.broadcast %broadcast_in_dim3A_107 : f32 to vector<16xf32>
    %broadcast_in_dim3A_109 = arith.constant 0.000000e+00 : f32
    %broadcast_in_dim3A_110 = vector.broadcast %broadcast_in_dim3A_109 : f32 to vector<16xf32>
    %broadcast_in_dim3A_111 = arith.constant 0.000000e+00 : f32
    %broadcast_in_dim3A_112 = vector.broadcast %broadcast_in_dim3A_111 : f32 to vector<16xf32>
    %broadcast_in_dim3A_113 = arith.constant 0.000000e+00 : f32
    %broadcast_in_dim3A_114 = vector.broadcast %broadcast_in_dim3A_113 : f32 to vector<16xf32>
    %broadcast_in_dim3A_115 = arith.constant 0.000000e+00 : f32
    %broadcast_in_dim3A_116 = vector.broadcast %broadcast_in_dim3A_115 : f32 to vector<16xf32>
    %broadcast_in_dim3A_117 = arith.constant 0.000000e+00 : f32
    %broadcast_in_dim3A_118 = vector.broadcast %broadcast_in_dim3A_117 : f32 to vector<16xf32>
    %scan3A = arith.constant 0 : i32
    %scan3A_119 = arith.constant 14 : i32
    %scan3A_120 = arith.addi %scan3A, %scan3A_119 : i32
    %scan3A_121 = arith.constant 1 : i32
    %scan3A_122:24 = scf.for %scan3A_267 = %scan3A to %scan3A_120 step %scan3A_121 iter_args(%scan3A_268 = %broadcast_in_dim3A_72, %scan3A_269 = %broadcast_in_dim3A_74, %scan3A_270 = %broadcast_in_dim3A_76, %scan3A_271 = %broadcast_in_dim3A_78, %scan3A_272 = %broadcast_in_dim3A_80, %scan3A_273 = %broadcast_in_dim3A_82, %scan3A_274 = %broadcast_in_dim3A_84, %scan3A_275 = %broadcast_in_dim3A_86, %scan3A_276 = %broadcast_in_dim3A_88, %scan3A_277 = %broadcast_in_dim3A_90, %scan3A_278 = %broadcast_in_dim3A_92, %scan3A_279 = %broadcast_in_dim3A_94, %scan3A_280 = %broadcast_in_dim3A_96, %scan3A_281 = %broadcast_in_dim3A_98, %scan3A_282 = %broadcast_in_dim3A_100, %scan3A_283 = %broadcast_in_dim3A_102, %scan3A_284 = %broadcast_in_dim3A_104, %scan3A_285 = %broadcast_in_dim3A_106, %scan3A_286 = %broadcast_in_dim3A_108, %scan3A_287 = %broadcast_in_dim3A_110, %scan3A_288 = %broadcast_in_dim3A_112, %scan3A_289 = %broadcast_in_dim3A_114, %scan3A_290 = %broadcast_in_dim3A_116, %scan3A_291 = %broadcast_in_dim3A_118) -> (vector<16xf32>, vector<16xf32>, vector<16xf32>, vector<16xf32>, vector<16xf32>, vector<16xf32>, vector<16xf32>, vector<16xf32>, vector<16xf32>, vector<16xf32>, vector<16xf32>, vector<16xf32>, vector<16xf32>, vector<16xf32>, vector<16xf32>, vector<16xf32>, vector<16xf32>, vector<16xf32>, vector<16xf32>, vector<16xf32>, vector<16xf32>, vector<16xf32>, vector<16xf32>, vector<16xf32>)  : i32 {
      %add3A_292 = arith.addi %add3A_22, %scan3A_267 : i32
      %dma_wait3A = arith.constant 0 : i32
      %dma_wait3A_293 = arith.constant 0 : i32
      %dma_wait3A_294 = arith.constant 0 : i32
      %dma_wait3A_295 = arith.constant 0 : i32
      %dma_wait3A_296 = arith.constant 0 : i32
      %dma_wait3A_297 = tpu.memref_slice %arg4[%dma_wait3A, %dma_wait3A_293, %dma_wait3A_294, %dma_wait3A_295, %dma_wait3A_296] : memref<2x14x3x8x128xf32, #tpu.memory_space<vmem>> -> memref<1x14x3x8x128xf32, #tpu.memory_space<vmem>>
      %dma_wait3A_298 = tpu.memref_squeeze %dma_wait3A_297 : memref<1x14x3x8x128xf32, #tpu.memory_space<vmem>> -> memref<14x3x8x128xf32, #tpu.memory_space<vmem>>
      %dma_wait3A_299 = arith.constant 0 : i32
      %dma_wait3A_300 = arith.constant 0 : i32
      %dma_wait3A_301 = arith.constant 0 : i32
      %dma_wait3A_302 = arith.constant 0 : i32
      %dma_wait3A_303 = tpu.memref_slice %arg2[%select_n3A, %add3A_22, %dma_wait3A_299, %dma_wait3A_300, %dma_wait3A_301, %dma_wait3A_302] : memref<8x224x28x3x8x128xf32, #tpu.memory_space<hbm>> -> memref<1x1x14x3x8x128xf32, #tpu.memory_space<hbm>>
      %dma_wait3A_304 = tpu.memref_squeeze %dma_wait3A_303 : memref<1x1x14x3x8x128xf32, #tpu.memory_space<hbm>> -> memref<14x3x8x128xf32, #tpu.memory_space<hbm>>
      %dma_wait3A_305 = arith.constant 0 : i32
      %dma_wait3A_306 = arith.constant 0 : i32
      %dma_wait3A_307 = arith.constant 0 : i32
      %dma_wait3A_308 = arith.constant 0 : i32
      %dma_wait3A_309 = tpu.memref_slice %arg4[%dma_wait3A, %dma_wait3A_305, %dma_wait3A_306, %dma_wait3A_307, %dma_wait3A_308] : memref<2x14x3x8x128xf32, #tpu.memory_space<vmem>> -> memref<1x14x3x8x128xf32, #tpu.memory_space<vmem>>
      %dma_wait3A_310 = tpu.memref_squeeze %dma_wait3A_309 : memref<1x14x3x8x128xf32, #tpu.memory_space<vmem>> -> memref<14x3x8x128xf32, #tpu.memory_space<vmem>>
      %dma_wait3A_311 = arith.constant 0 : i32
      %dma_wait3A_312 = arith.constant 0 : i32
      %dma_wait3A_313 = arith.constant 0 : i32
      %dma_wait3A_314 = arith.constant 0 : i32
      %dma_wait3A_315 = tpu.memref_slice %arg2[%select_n3A, %add3A_22, %dma_wait3A_311, %dma_wait3A_312, %dma_wait3A_313, %dma_wait3A_314] : memref<8x224x28x3x8x128xf32, #tpu.memory_space<hbm>> -> memref<1x1x14x3x8x128xf32, #tpu.memory_space<hbm>>
      %dma_wait3A_316 = tpu.memref_squeeze %dma_wait3A_315 : memref<1x1x14x3x8x128xf32, #tpu.memory_space<hbm>> -> memref<14x3x8x128xf32, #tpu.memory_space<hbm>>
      tpu.wait_dma2 semaphore(%arg6 : memref<!tpu.dma_semaphore, #tpu.memory_space<semaphore_mem>>) src(%dma_wait3A_316 : memref<14x3x8x128xf32, #tpu.memory_space<hbm>>) dst(%dma_wait3A_310 : memref<14x3x8x128xf32, #tpu.memory_space<vmem>>)
      %scan3A_317 = arith.constant 0 : i32
      %scan3A_318 = arith.constant 14 : i32
      %scan3A_319 = arith.addi %scan3A_317, %scan3A_318 : i32
      %scan3A_320 = arith.constant 1 : i32
      %scan3A_321:24 = scf.for %scan3A_365 = %scan3A_317 to %scan3A_319 step %scan3A_320 iter_args(%scan3A_366 = %scan3A_268, %scan3A_367 = %scan3A_269, %scan3A_368 = %scan3A_270, %scan3A_369 = %scan3A_271, %scan3A_370 = %scan3A_272, %scan3A_371 = %scan3A_273, %scan3A_372 = %scan3A_274, %scan3A_373 = %scan3A_275, %scan3A_374 = %scan3A_276, %scan3A_375 = %scan3A_277, %scan3A_376 = %scan3A_278, %scan3A_377 = %scan3A_279, %scan3A_378 = %scan3A_280, %scan3A_379 = %scan3A_281, %scan3A_380 = %scan3A_282, %scan3A_381 = %scan3A_283, %scan3A_382 = %scan3A_284, %scan3A_383 = %scan3A_285, %scan3A_384 = %scan3A_286, %scan3A_385 = %scan3A_287, %scan3A_386 = %scan3A_288, %scan3A_387 = %scan3A_289, %scan3A_388 = %scan3A_290, %scan3A_389 = %scan3A_291) -> (vector<16xf32>, vector<16xf32>, vector<16xf32>, vector<16xf32>, vector<16xf32>, vector<16xf32>, vector<16xf32>, vector<16xf32>, vector<16xf32>, vector<16xf32>, vector<16xf32>, vector<16xf32>, vector<16xf32>, vector<16xf32>, vector<16xf32>, vector<16xf32>, vector<16xf32>, vector<16xf32>, vector<16xf32>, vector<16xf32>, vector<16xf32>, vector<16xf32>, vector<16xf32>, vector<16xf32>)  : i32 {
        %get3A = arith.constant 0 : i32
        %get3A_390 = arith.constant 0 : i32
        %get3A_391 = arith.constant 0 : i32
        %get3A_392 = arith.index_cast %get3A : i32 to index
        %get3A_393 = arith.index_cast %scan3A_365 : i32 to index
        %get3A_394 = arith.index_cast %get3A_390 : i32 to index
        %get3A_395 = arith.index_cast %get3A_391 : i32 to index
        %get3A_396 = arith.constant 0 : index
        %get3A_397 = tpu.vector_load %arg4[%get3A_392, %get3A_393, %get3A_394, %get3A_395, %get3A_396] {strides = array<i32>} : memref<2x14x3x8x128xf32, #tpu.memory_space<vmem>>, vector<1x1x1x1x16xf32>,
        %get3A_398 = vector.shape_cast %get3A_397 : vector<1x1x1x1x16xf32> to vector<16xf32>
        %add3A_399 = arith.addf %scan3A_366, %get3A_398 : vector<16xf32>
        %get3A_400 = arith.constant 0 : i32
        %get3A_401 = arith.constant 0 : i32
        %get3A_402 = arith.constant 0 : i32
        %get3A_403 = arith.index_cast %get3A_400 : i32 to index
        %get3A_404 = arith.index_cast %scan3A_365 : i32 to index
        %get3A_405 = arith.index_cast %get3A_401 : i32 to index
        %get3A_406 = arith.index_cast %get3A_402 : i32 to index
        %get3A_407 = arith.constant 16 : index
        %get3A_408 = tpu.vector_load %arg4[%get3A_403, %get3A_404, %get3A_405, %get3A_406, %get3A_407] {strides = array<i32>} : memref<2x14x3x8x128xf32, #tpu.memory_space<vmem>>, vector<1x1x1x1x16xf32>,
        %get3A_409 = vector.shape_cast %get3A_408 : vector<1x1x1x1x16xf32> to vector<16xf32>
        %add3A_410 = arith.addf %scan3A_367, %get3A_409 : vector<16xf32>
        %get3A_411 = arith.constant 0 : i32
        %get3A_412 = arith.constant 0 : i32
        %get3A_413 = arith.constant 0 : i32
        %get3A_414 = arith.index_cast %get3A_411 : i32 to index
        %get3A_415 = arith.index_cast %scan3A_365 : i32 to index
        %get3A_416 = arith.index_cast %get3A_412 : i32 to index
        %get3A_417 = arith.index_cast %get3A_413 : i32 to index
        %get3A_418 = arith.constant 32 : index
        %get3A_419 = tpu.vector_load %arg4[%get3A_414, %get3A_415, %get3A_416, %get3A_417, %get3A_418] {strides = array<i32>} : memref<2x14x3x8x128xf32, #tpu.memory_space<vmem>>, vector<1x1x1x1x16xf32>,
        %get3A_420 = vector.shape_cast %get3A_419 : vector<1x1x1x1x16xf32> to vector<16xf32>
        %add3A_421 = arith.addf %scan3A_368, %get3A_420 : vector<16xf32>
        %get3A_422 = arith.constant 0 : i32
        %get3A_423 = arith.constant 0 : i32
        %get3A_424 = arith.constant 0 : i32
        %get3A_425 = arith.index_cast %get3A_422 : i32 to index
        %get3A_426 = arith.index_cast %scan3A_365 : i32 to index
        %get3A_427 = arith.index_cast %get3A_423 : i32 to index
        %get3A_428 = arith.index_cast %get3A_424 : i32 to index
        %get3A_429 = arith.constant 48 : index
        %get3A_430 = tpu.vector_load %arg4[%get3A_425, %get3A_426, %get3A_427, %get3A_428, %get3A_429] {strides = array<i32>} : memref<2x14x3x8x128xf32, #tpu.memory_space<vmem>>, vector<1x1x1x1x16xf32>,
        %get3A_431 = vector.shape_cast %get3A_430 : vector<1x1x1x1x16xf32> to vector<16xf32>
        %add3A_432 = arith.addf %scan3A_369, %get3A_431 : vector<16xf32>
        %get3A_433 = arith.constant 0 : i32
        %get3A_434 = arith.constant 0 : i32
        %get3A_435 = arith.constant 0 : i32
        %get3A_436 = arith.index_cast %get3A_433 : i32 to index
        %get3A_437 = arith.index_cast %scan3A_365 : i32 to index
        %get3A_438 = arith.index_cast %get3A_434 : i32 to index
        %get3A_439 = arith.index_cast %get3A_435 : i32 to index
        %get3A_440 = arith.constant 64 : index
        %get3A_441 = tpu.vector_load %arg4[%get3A_436, %get3A_437, %get3A_438, %get3A_439, %get3A_440] {strides = array<i32>} : memref<2x14x3x8x128xf32, #tpu.memory_space<vmem>>, vector<1x1x1x1x16xf32>,
        %get3A_442 = vector.shape_cast %get3A_441 : vector<1x1x1x1x16xf32> to vector<16xf32>
        %add3A_443 = arith.addf %scan3A_370, %get3A_442 : vector<16xf32>
        %get3A_444 = arith.constant 0 : i32
        %get3A_445 = arith.constant 0 : i32
        %get3A_446 = arith.constant 0 : i32
        %get3A_447 = arith.index_cast %get3A_444 : i32 to index
        %get3A_448 = arith.index_cast %scan3A_365 : i32 to index
        %get3A_449 = arith.index_cast %get3A_445 : i32 to index
        %get3A_450 = arith.index_cast %get3A_446 : i32 to index
        %get3A_451 = arith.constant 80 : index
        %get3A_452 = tpu.vector_load %arg4[%get3A_447, %get3A_448, %get3A_449, %get3A_450, %get3A_451] {strides = array<i32>} : memref<2x14x3x8x128xf32, #tpu.memory_space<vmem>>, vector<1x1x1x1x16xf32>,
        %get3A_453 = vector.shape_cast %get3A_452 : vector<1x1x1x1x16xf32> to vector<16xf32>
        %add3A_454 = arith.addf %scan3A_371, %get3A_453 : vector<16xf32>
        %get3A_455 = arith.constant 0 : i32
        %get3A_456 = arith.constant 0 : i32
        %get3A_457 = arith.constant 0 : i32
        %get3A_458 = arith.index_cast %get3A_455 : i32 to index
        %get3A_459 = arith.index_cast %scan3A_365 : i32 to index
        %get3A_460 = arith.index_cast %get3A_456 : i32 to index
        %get3A_461 = arith.index_cast %get3A_457 : i32 to index
        %get3A_462 = arith.constant 96 : index
        %get3A_463 = tpu.vector_load %arg4[%get3A_458, %get3A_459, %get3A_460, %get3A_461, %get3A_462] {strides = array<i32>} : memref<2x14x3x8x128xf32, #tpu.memory_space<vmem>>, vector<1x1x1x1x16xf32>,
        %get3A_464 = vector.shape_cast %get3A_463 : vector<1x1x1x1x16xf32> to vector<16xf32>
        %add3A_465 = arith.addf %scan3A_372, %get3A_464 : vector<16xf32>
        %get3A_466 = arith.constant 0 : i32
        %get3A_467 = arith.constant 0 : i32
        %get3A_468 = arith.constant 0 : i32
        %get3A_469 = arith.index_cast %get3A_466 : i32 to index
        %get3A_470 = arith.index_cast %scan3A_365 : i32 to index
        %get3A_471 = arith.index_cast %get3A_467 : i32 to index
        %get3A_472 = arith.index_cast %get3A_468 : i32 to index
        %get3A_473 = arith.constant 112 : index
        %get3A_474 = tpu.vector_load %arg4[%get3A_469, %get3A_470, %get3A_471, %get3A_472, %get3A_473] {strides = array<i32>} : memref<2x14x3x8x128xf32, #tpu.memory_space<vmem>>, vector<1x1x1x1x16xf32>,
        %get3A_475 = vector.shape_cast %get3A_474 : vector<1x1x1x1x16xf32> to vector<16xf32>
        %add3A_476 = arith.addf %scan3A_373, %get3A_475 : vector<16xf32>
        %get3A_477 = arith.constant 0 : i32
        %get3A_478 = arith.constant 0 : i32
        %get3A_479 = arith.constant 1 : i32
        %get3A_480 = arith.index_cast %get3A_477 : i32 to index
        %get3A_481 = arith.index_cast %scan3A_365 : i32 to index
        %get3A_482 = arith.index_cast %get3A_478 : i32 to index
        %get3A_483 = arith.index_cast %get3A_479 : i32 to index
        %get3A_484 = arith.constant 0 : index
        %get3A_485 = tpu.vector_load %arg4[%get3A_480, %get3A_481, %get3A_482, %get3A_483, %get3A_484] {strides = array<i32>} : memref<2x14x3x8x128xf32, #tpu.memory_space<vmem>>, vector<1x1x1x1x16xf32>,
        %get3A_486 = vector.shape_cast %get3A_485 : vector<1x1x1x1x16xf32> to vector<16xf32>
        %add3A_487 = arith.addf %add3A_399, %get3A_486 : vector<16xf32>
        %get3A_488 = arith.constant 0 : i32
        %get3A_489 = arith.constant 0 : i32
        %get3A_490 = arith.constant 1 : i32
        %get3A_491 = arith.index_cast %get3A_488 : i32 to index
        %get3A_492 = arith.index_cast %scan3A_365 : i32 to index
        %get3A_493 = arith.index_cast %get3A_489 : i32 to index
        %get3A_494 = arith.index_cast %get3A_490 : i32 to index
        %get3A_495 = arith.constant 16 : index
        %get3A_496 = tpu.vector_load %arg4[%get3A_491, %get3A_492, %get3A_493, %get3A_494, %get3A_495] {strides = array<i32>} : memref<2x14x3x8x128xf32, #tpu.memory_space<vmem>>, vector<1x1x1x1x16xf32>,
        %get3A_497 = vector.shape_cast %get3A_496 : vector<1x1x1x1x16xf32> to vector<16xf32>
        %add3A_498 = arith.addf %add3A_410, %get3A_497 : vector<16xf32>
        %get3A_499 = arith.constant 0 : i32
        %get3A_500 = arith.constant 0 : i32
        %get3A_501 = arith.constant 1 : i32
        %get3A_502 = arith.index_cast %get3A_499 : i32 to index
        %get3A_503 = arith.index_cast %scan3A_365 : i32 to index
        %get3A_504 = arith.index_cast %get3A_500 : i32 to index
        %get3A_505 = arith.index_cast %get3A_501 : i32 to index
        %get3A_506 = arith.constant 32 : index
        %get3A_507 = tpu.vector_load %arg4[%get3A_502, %get3A_503, %get3A_504, %get3A_505, %get3A_506] {strides = array<i32>} : memref<2x14x3x8x128xf32, #tpu.memory_space<vmem>>, vector<1x1x1x1x16xf32>,
        %get3A_508 = vector.shape_cast %get3A_507 : vector<1x1x1x1x16xf32> to vector<16xf32>
        %add3A_509 = arith.addf %add3A_421, %get3A_508 : vector<16xf32>
        %get3A_510 = arith.constant 0 : i32
        %get3A_511 = arith.constant 0 : i32
        %get3A_512 = arith.constant 1 : i32
        %get3A_513 = arith.index_cast %get3A_510 : i32 to index
        %get3A_514 = arith.index_cast %scan3A_365 : i32 to index
        %get3A_515 = arith.index_cast %get3A_511 : i32 to index
        %get3A_516 = arith.index_cast %get3A_512 : i32 to index
        %get3A_517 = arith.constant 48 : index
        %get3A_518 = tpu.vector_load %arg4[%get3A_513, %get3A_514, %get3A_515, %get3A_516, %get3A_517] {strides = array<i32>} : memref<2x14x3x8x128xf32, #tpu.memory_space<vmem>>, vector<1x1x1x1x16xf32>,
        %get3A_519 = vector.shape_cast %get3A_518 : vector<1x1x1x1x16xf32> to vector<16xf32>
        %add3A_520 = arith.addf %add3A_432, %get3A_519 : vector<16xf32>
        %get3A_521 = arith.constant 0 : i32
        %get3A_522 = arith.constant 0 : i32
        %get3A_523 = arith.constant 1 : i32
        %get3A_524 = arith.index_cast %get3A_521 : i32 to index
        %get3A_525 = arith.index_cast %scan3A_365 : i32 to index
        %get3A_526 = arith.index_cast %get3A_522 : i32 to index
        %get3A_527 = arith.index_cast %get3A_523 : i32 to index
        %get3A_528 = arith.constant 64 : index
        %get3A_529 = tpu.vector_load %arg4[%get3A_524, %get3A_525, %get3A_526, %get3A_527, %get3A_528] {strides = array<i32>} : memref<2x14x3x8x128xf32, #tpu.memory_space<vmem>>, vector<1x1x1x1x16xf32>,
        %get3A_530 = vector.shape_cast %get3A_529 : vector<1x1x1x1x16xf32> to vector<16xf32>
        %add3A_531 = arith.addf %add3A_443, %get3A_530 : vector<16xf32>
        %get3A_532 = arith.constant 0 : i32
        %get3A_533 = arith.constant 0 : i32
        %get3A_534 = arith.constant 1 : i32
        %get3A_535 = arith.index_cast %get3A_532 : i32 to index
        %get3A_536 = arith.index_cast %scan3A_365 : i32 to index
        %get3A_537 = arith.index_cast %get3A_533 : i32 to index
        %get3A_538 = arith.index_cast %get3A_534 : i32 to index
        %get3A_539 = arith.constant 80 : index
        %get3A_540 = tpu.vector_load %arg4[%get3A_535, %get3A_536, %get3A_537, %get3A_538, %get3A_539] {strides = array<i32>} : memref<2x14x3x8x128xf32, #tpu.memory_space<vmem>>, vector<1x1x1x1x16xf32>,
        %get3A_541 = vector.shape_cast %get3A_540 : vector<1x1x1x1x16xf32> to vector<16xf32>
        %add3A_542 = arith.addf %add3A_454, %get3A_541 : vector<16xf32>
        %get3A_543 = arith.constant 0 : i32
        %get3A_544 = arith.constant 0 : i32
        %get3A_545 = arith.constant 1 : i32
        %get3A_546 = arith.index_cast %get3A_543 : i32 to index
        %get3A_547 = arith.index_cast %scan3A_365 : i32 to index
        %get3A_548 = arith.index_cast %get3A_544 : i32 to index
        %get3A_549 = arith.index_cast %get3A_545 : i32 to index
        %get3A_550 = arith.constant 96 : index
        %get3A_551 = tpu.vector_load %arg4[%get3A_546, %get3A_547, %get3A_548, %get3A_549, %get3A_550] {strides = array<i32>} : memref<2x14x3x8x128xf32, #tpu.memory_space<vmem>>, vector<1x1x1x1x16xf32>,
        %get3A_552 = vector.shape_cast %get3A_551 : vector<1x1x1x1x16xf32> to vector<16xf32>
        %add3A_553 = arith.addf %add3A_465, %get3A_552 : vector<16xf32>
        %get3A_554 = arith.constant 0 : i32
        %get3A_555 = arith.constant 0 : i32
        %get3A_556 = arith.constant 1 : i32
        %get3A_557 = arith.index_cast %get3A_554 : i32 to index
        %get3A_558 = arith.index_cast %scan3A_365 : i32 to index
        %get3A_559 = arith.index_cast %get3A_555 : i32 to index
        %get3A_560 = arith.index_cast %get3A_556 : i32 to index
        %get3A_561 = arith.constant 112 : index
        %get3A_562 = tpu.vector_load %arg4[%get3A_557, %get3A_558, %get3A_559, %get3A_560, %get3A_561] {strides = array<i32>} : memref<2x14x3x8x128xf32, #tpu.memory_space<vmem>>, vector<1x1x1x1x16xf32>,
        %get3A_563 = vector.shape_cast %get3A_562 : vector<1x1x1x1x16xf32> to vector<16xf32>
        %add3A_564 = arith.addf %add3A_476, %get3A_563 : vector<16xf32>
        %get3A_565 = arith.constant 0 : i32
        %get3A_566 = arith.constant 0 : i32
        %get3A_567 = arith.constant 2 : i32
        %get3A_568 = arith.index_cast %get3A_565 : i32 to index
        %get3A_569 = arith.index_cast %scan3A_365 : i32 to index
        %get3A_570 = arith.index_cast %get3A_566 : i32 to index
        %get3A_571 = arith.index_cast %get3A_567 : i32 to index
        %get3A_572 = arith.constant 0 : index
        %get3A_573 = tpu.vector_load %arg4[%get3A_568, %get3A_569, %get3A_570, %get3A_571, %get3A_572] {strides = array<i32>} : memref<2x14x3x8x128xf32, #tpu.memory_space<vmem>>, vector<1x1x1x1x16xf32>,
        %get3A_574 = vector.shape_cast %get3A_573 : vector<1x1x1x1x16xf32> to vector<16xf32>
        %add3A_575 = arith.addf %add3A_487, %get3A_574 : vector<16xf32>
        %get3A_576 = arith.constant 0 : i32
        %get3A_577 = arith.constant 0 : i32
        %get3A_578 = arith.constant 2 : i32
        %get3A_579 = arith.index_cast %get3A_576 : i32 to index
        %get3A_580 = arith.index_cast %scan3A_365 : i32 to index
        %get3A_581 = arith.index_cast %get3A_577 : i32 to index
        %get3A_582 = arith.index_cast %get3A_578 : i32 to index
        %get3A_583 = arith.constant 16 : index
        %get3A_584 = tpu.vector_load %arg4[%get3A_579, %get3A_580, %get3A_581, %get3A_582, %get3A_583] {strides = array<i32>} : memref<2x14x3x8x128xf32, #tpu.memory_space<vmem>>, vector<1x1x1x1x16xf32>,
        %get3A_585 = vector.shape_cast %get3A_584 : vector<1x1x1x1x16xf32> to vector<16xf32>
        %add3A_586 = arith.addf %add3A_498, %get3A_585 : vector<16xf32>
        %get3A_587 = arith.constant 0 : i32
        %get3A_588 = arith.constant 0 : i32
        %get3A_589 = arith.constant 2 : i32
        %get3A_590 = arith.index_cast %get3A_587 : i32 to index
        %get3A_591 = arith.index_cast %scan3A_365 : i32 to index
        %get3A_592 = arith.index_cast %get3A_588 : i32 to index
        %get3A_593 = arith.index_cast %get3A_589 : i32 to index
        %get3A_594 = arith.constant 32 : index
        %get3A_595 = tpu.vector_load %arg4[%get3A_590, %get3A_591, %get3A_592, %get3A_593, %get3A_594] {strides = array<i32>} : memref<2x14x3x8x128xf32, #tpu.memory_space<vmem>>, vector<1x1x1x1x16xf32>,
        %get3A_596 = vector.shape_cast %get3A_595 : vector<1x1x1x1x16xf32> to vector<16xf32>
        %add3A_597 = arith.addf %add3A_509, %get3A_596 : vector<16xf32>
        %get3A_598 = arith.constant 0 : i32
        %get3A_599 = arith.constant 0 : i32
        %get3A_600 = arith.constant 2 : i32
        %get3A_601 = arith.index_cast %get3A_598 : i32 to index
        %get3A_602 = arith.index_cast %scan3A_365 : i32 to index
        %get3A_603 = arith.index_cast %get3A_599 : i32 to index
        %get3A_604 = arith.index_cast %get3A_600 : i32 to index
        %get3A_605 = arith.constant 48 : index
        %get3A_606 = tpu.vector_load %arg4[%get3A_601, %get3A_602, %get3A_603, %get3A_604, %get3A_605] {strides = array<i32>} : memref<2x14x3x8x128xf32, #tpu.memory_space<vmem>>, vector<1x1x1x1x16xf32>,
        %get3A_607 = vector.shape_cast %get3A_606 : vector<1x1x1x1x16xf32> to vector<16xf32>
        %add3A_608 = arith.addf %add3A_520, %get3A_607 : vector<16xf32>
        %get3A_609 = arith.constant 0 : i32
        %get3A_610 = arith.constant 0 : i32
        %get3A_611 = arith.constant 2 : i32
        %get3A_612 = arith.index_cast %get3A_609 : i32 to index
        %get3A_613 = arith.index_cast %scan3A_365 : i32 to index
        %get3A_614 = arith.index_cast %get3A_610 : i32 to index
        %get3A_615 = arith.index_cast %get3A_611 : i32 to index
        %get3A_616 = arith.constant 64 : index
        %get3A_617 = tpu.vector_load %arg4[%get3A_612, %get3A_613, %get3A_614, %get3A_615, %get3A_616] {strides = array<i32>} : memref<2x14x3x8x128xf32, #tpu.memory_space<vmem>>, vector<1x1x1x1x16xf32>,
        %get3A_618 = vector.shape_cast %get3A_617 : vector<1x1x1x1x16xf32> to vector<16xf32>
        %add3A_619 = arith.addf %add3A_531, %get3A_618 : vector<16xf32>
        %get3A_620 = arith.constant 0 : i32
        %get3A_621 = arith.constant 0 : i32
        %get3A_622 = arith.constant 2 : i32
        %get3A_623 = arith.index_cast %get3A_620 : i32 to index
        %get3A_624 = arith.index_cast %scan3A_365 : i32 to index
        %get3A_625 = arith.index_cast %get3A_621 : i32 to index
        %get3A_626 = arith.index_cast %get3A_622 : i32 to index
        %get3A_627 = arith.constant 80 : index
        %get3A_628 = tpu.vector_load %arg4[%get3A_623, %get3A_624, %get3A_625, %get3A_626, %get3A_627] {strides = array<i32>} : memref<2x14x3x8x128xf32, #tpu.memory_space<vmem>>, vector<1x1x1x1x16xf32>,
        %get3A_629 = vector.shape_cast %get3A_628 : vector<1x1x1x1x16xf32> to vector<16xf32>
        %add3A_630 = arith.addf %add3A_542, %get3A_629 : vector<16xf32>
        %get3A_631 = arith.constant 0 : i32
        %get3A_632 = arith.constant 0 : i32
        %get3A_633 = arith.constant 2 : i32
        %get3A_634 = arith.index_cast %get3A_631 : i32 to index
        %get3A_635 = arith.index_cast %scan3A_365 : i32 to index
        %get3A_636 = arith.index_cast %get3A_632 : i32 to index
        %get3A_637 = arith.index_cast %get3A_633 : i32 to index
        %get3A_638 = arith.constant 96 : index
        %get3A_639 = tpu.vector_load %arg4[%get3A_634, %get3A_635, %get3A_636, %get3A_637, %get3A_638] {strides = array<i32>} : memref<2x14x3x8x128xf32, #tpu.memory_space<vmem>>, vector<1x1x1x1x16xf32>,
        %get3A_640 = vector.shape_cast %get3A_639 : vector<1x1x1x1x16xf32> to vector<16xf32>
        %add3A_641 = arith.addf %add3A_553, %get3A_640 : vector<16xf32>
        %get3A_642 = arith.constant 0 : i32
        %get3A_643 = arith.constant 0 : i32
        %get3A_644 = arith.constant 2 : i32
        %get3A_645 = arith.index_cast %get3A_642 : i32 to index
        %get3A_646 = arith.index_cast %scan3A_365 : i32 to index
        %get3A_647 = arith.index_cast %get3A_643 : i32 to index
        %get3A_648 = arith.index_cast %get3A_644 : i32 to index
        %get3A_649 = arith.constant 112 : index
        %get3A_650 = tpu.vector_load %arg4[%get3A_645, %get3A_646, %get3A_647, %get3A_648, %get3A_649] {strides = array<i32>} : memref<2x14x3x8x128xf32, #tpu.memory_space<vmem>>, vector<1x1x1x1x16xf32>,
        %get3A_651 = vector.shape_cast %get3A_650 : vector<1x1x1x1x16xf32> to vector<16xf32>
        %add3A_652 = arith.addf %add3A_564, %get3A_651 : vector<16xf32>
        %get3A_653 = arith.constant 0 : i32
        %get3A_654 = arith.constant 0 : i32
        %get3A_655 = arith.constant 3 : i32
        %get3A_656 = arith.index_cast %get3A_653 : i32 to index
        %get3A_657 = arith.index_cast %scan3A_365 : i32 to index
        %get3A_658 = arith.index_cast %get3A_654 : i32 to index
        %get3A_659 = arith.index_cast %get3A_655 : i32 to index
        %get3A_660 = arith.constant 0 : index
        %get3A_661 = tpu.vector_load %arg4[%get3A_656, %get3A_657, %get3A_658, %get3A_659, %get3A_660] {strides = array<i32>} : memref<2x14x3x8x128xf32, #tpu.memory_space<vmem>>, vector<1x1x1x1x16xf32>,
        %get3A_662 = vector.shape_cast %get3A_661 : vector<1x1x1x1x16xf32> to vector<16xf32>
        %add3A_663 = arith.addf %add3A_575, %get3A_662 : vector<16xf32>
        %get3A_664 = arith.constant 0 : i32
        %get3A_665 = arith.constant 0 : i32
        %get3A_666 = arith.constant 3 : i32
        %get3A_667 = arith.index_cast %get3A_664 : i32 to index
        %get3A_668 = arith.index_cast %scan3A_365 : i32 to index
        %get3A_669 = arith.index_cast %get3A_665 : i32 to index
        %get3A_670 = arith.index_cast %get3A_666 : i32 to index
        %get3A_671 = arith.constant 16 : index
        %get3A_672 = tpu.vector_load %arg4[%get3A_667, %get3A_668, %get3A_669, %get3A_670, %get3A_671] {strides = array<i32>} : memref<2x14x3x8x128xf32, #tpu.memory_space<vmem>>, vector<1x1x1x1x16xf32>,
        %get3A_673 = vector.shape_cast %get3A_672 : vector<1x1x1x1x16xf32> to vector<16xf32>
        %add3A_674 = arith.addf %add3A_586, %get3A_673 : vector<16xf32>
        %get3A_675 = arith.constant 0 : i32
        %get3A_676 = arith.constant 0 : i32
        %get3A_677 = arith.constant 3 : i32
        %get3A_678 = arith.index_cast %get3A_675 : i32 to index
        %get3A_679 = arith.index_cast %scan3A_365 : i32 to index
        %get3A_680 = arith.index_cast %get3A_676 : i32 to index
        %get3A_681 = arith.index_cast %get3A_677 : i32 to index
        %get3A_682 = arith.constant 32 : index
        %get3A_683 = tpu.vector_load %arg4[%get3A_678, %get3A_679, %get3A_680, %get3A_681, %get3A_682] {strides = array<i32>} : memref<2x14x3x8x128xf32, #tpu.memory_space<vmem>>, vector<1x1x1x1x16xf32>,
        %get3A_684 = vector.shape_cast %get3A_683 : vector<1x1x1x1x16xf32> to vector<16xf32>
        %add3A_685 = arith.addf %add3A_597, %get3A_684 : vector<16xf32>
        %get3A_686 = arith.constant 0 : i32
        %get3A_687 = arith.constant 0 : i32
        %get3A_688 = arith.constant 3 : i32
        %get3A_689 = arith.index_cast %get3A_686 : i32 to index
        %get3A_690 = arith.index_cast %scan3A_365 : i32 to index
        %get3A_691 = arith.index_cast %get3A_687 : i32 to index
        %get3A_692 = arith.index_cast %get3A_688 : i32 to index
        %get3A_693 = arith.constant 48 : index
        %get3A_694 = tpu.vector_load %arg4[%get3A_689, %get3A_690, %get3A_691, %get3A_692, %get3A_693] {strides = array<i32>} : memref<2x14x3x8x128xf32, #tpu.memory_space<vmem>>, vector<1x1x1x1x16xf32>,
        %get3A_695 = vector.shape_cast %get3A_694 : vector<1x1x1x1x16xf32> to vector<16xf32>
        %add3A_696 = arith.addf %add3A_608, %get3A_695 : vector<16xf32>
        %get3A_697 = arith.constant 0 : i32
        %get3A_698 = arith.constant 0 : i32
        %get3A_699 = arith.constant 3 : i32
        %get3A_700 = arith.index_cast %get3A_697 : i32 to index
        %get3A_701 = arith.index_cast %scan3A_365 : i32 to index
        %get3A_702 = arith.index_cast %get3A_698 : i32 to index
        %get3A_703 = arith.index_cast %get3A_699 : i32 to index
        %get3A_704 = arith.constant 64 : index
        %get3A_705 = tpu.vector_load %arg4[%get3A_700, %get3A_701, %get3A_702, %get3A_703, %get3A_704] {strides = array<i32>} : memref<2x14x3x8x128xf32, #tpu.memory_space<vmem>>, vector<1x1x1x1x16xf32>,
        %get3A_706 = vector.shape_cast %get3A_705 : vector<1x1x1x1x16xf32> to vector<16xf32>
        %add3A_707 = arith.addf %add3A_619, %get3A_706 : vector<16xf32>
        %get3A_708 = arith.constant 0 : i32
        %get3A_709 = arith.constant 0 : i32
        %get3A_710 = arith.constant 3 : i32
        %get3A_711 = arith.index_cast %get3A_708 : i32 to index
        %get3A_712 = arith.index_cast %scan3A_365 : i32 to index
        %get3A_713 = arith.index_cast %get3A_709 : i32 to index
        %get3A_714 = arith.index_cast %get3A_710 : i32 to index
        %get3A_715 = arith.constant 80 : index
        %get3A_716 = tpu.vector_load %arg4[%get3A_711, %get3A_712, %get3A_713, %get3A_714, %get3A_715] {strides = array<i32>} : memref<2x14x3x8x128xf32, #tpu.memory_space<vmem>>, vector<1x1x1x1x16xf32>,
        %get3A_717 = vector.shape_cast %get3A_716 : vector<1x1x1x1x16xf32> to vector<16xf32>
        %add3A_718 = arith.addf %add3A_630, %get3A_717 : vector<16xf32>
        %get3A_719 = arith.constant 0 : i32
        %get3A_720 = arith.constant 0 : i32
        %get3A_721 = arith.constant 3 : i32
        %get3A_722 = arith.index_cast %get3A_719 : i32 to index
        %get3A_723 = arith.index_cast %scan3A_365 : i32 to index
        %get3A_724 = arith.index_cast %get3A_720 : i32 to index
        %get3A_725 = arith.index_cast %get3A_721 : i32 to index
        %get3A_726 = arith.constant 96 : index
        %get3A_727 = tpu.vector_load %arg4[%get3A_722, %get3A_723, %get3A_724, %get3A_725, %get3A_726] {strides = array<i32>} : memref<2x14x3x8x128xf32, #tpu.memory_space<vmem>>, vector<1x1x1x1x16xf32>,
        %get3A_728 = vector.shape_cast %get3A_727 : vector<1x1x1x1x16xf32> to vector<16xf32>
        %add3A_729 = arith.addf %add3A_641, %get3A_728 : vector<16xf32>
        %get3A_730 = arith.constant 0 : i32
        %get3A_731 = arith.constant 0 : i32
        %get3A_732 = arith.constant 3 : i32
        %get3A_733 = arith.index_cast %get3A_730 : i32 to index
        %get3A_734 = arith.index_cast %scan3A_365 : i32 to index
        %get3A_735 = arith.index_cast %get3A_731 : i32 to index
        %get3A_736 = arith.index_cast %get3A_732 : i32 to index
        %get3A_737 = arith.constant 112 : index
        %get3A_738 = tpu.vector_load %arg4[%get3A_733, %get3A_734, %get3A_735, %get3A_736, %get3A_737] {strides = array<i32>} : memref<2x14x3x8x128xf32, #tpu.memory_space<vmem>>, vector<1x1x1x1x16xf32>,
        %get3A_739 = vector.shape_cast %get3A_738 : vector<1x1x1x1x16xf32> to vector<16xf32>
        %add3A_740 = arith.addf %add3A_652, %get3A_739 : vector<16xf32>
        %get3A_741 = arith.constant 0 : i32
        %get3A_742 = arith.constant 0 : i32
        %get3A_743 = arith.constant 4 : i32
        %get3A_744 = arith.index_cast %get3A_741 : i32 to index
        %get3A_745 = arith.index_cast %scan3A_365 : i32 to index
        %get3A_746 = arith.index_cast %get3A_742 : i32 to index
        %get3A_747 = arith.index_cast %get3A_743 : i32 to index
        %get3A_748 = arith.constant 0 : index
        %get3A_749 = tpu.vector_load %arg4[%get3A_744, %get3A_745, %get3A_746, %get3A_747, %get3A_748] {strides = array<i32>} : memref<2x14x3x8x128xf32, #tpu.memory_space<vmem>>, vector<1x1x1x1x16xf32>,
        %get3A_750 = vector.shape_cast %get3A_749 : vector<1x1x1x1x16xf32> to vector<16xf32>
        %add3A_751 = arith.addf %add3A_663, %get3A_750 : vector<16xf32>
        %get3A_752 = arith.constant 0 : i32
        %get3A_753 = arith.constant 0 : i32
        %get3A_754 = arith.constant 4 : i32
        %get3A_755 = arith.index_cast %get3A_752 : i32 to index
        %get3A_756 = arith.index_cast %scan3A_365 : i32 to index
        %get3A_757 = arith.index_cast %get3A_753 : i32 to index
        %get3A_758 = arith.index_cast %get3A_754 : i32 to index
        %get3A_759 = arith.constant 16 : index
        %get3A_760 = tpu.vector_load %arg4[%get3A_755, %get3A_756, %get3A_757, %get3A_758, %get3A_759] {strides = array<i32>} : memref<2x14x3x8x128xf32, #tpu.memory_space<vmem>>, vector<1x1x1x1x16xf32>,
        %get3A_761 = vector.shape_cast %get3A_760 : vector<1x1x1x1x16xf32> to vector<16xf32>
        %add3A_762 = arith.addf %add3A_674, %get3A_761 : vector<16xf32>
        %get3A_763 = arith.constant 0 : i32
        %get3A_764 = arith.constant 0 : i32
        %get3A_765 = arith.constant 4 : i32
        %get3A_766 = arith.index_cast %get3A_763 : i32 to index
        %get3A_767 = arith.index_cast %scan3A_365 : i32 to index
        %get3A_768 = arith.index_cast %get3A_764 : i32 to index
        %get3A_769 = arith.index_cast %get3A_765 : i32 to index
        %get3A_770 = arith.constant 32 : index
        %get3A_771 = tpu.vector_load %arg4[%get3A_766, %get3A_767, %get3A_768, %get3A_769, %get3A_770] {strides = array<i32>} : memref<2x14x3x8x128xf32, #tpu.memory_space<vmem>>, vector<1x1x1x1x16xf32>,
        %get3A_772 = vector.shape_cast %get3A_771 : vector<1x1x1x1x16xf32> to vector<16xf32>
        %add3A_773 = arith.addf %add3A_685, %get3A_772 : vector<16xf32>
        %get3A_774 = arith.constant 0 : i32
        %get3A_775 = arith.constant 0 : i32
        %get3A_776 = arith.constant 4 : i32
        %get3A_777 = arith.index_cast %get3A_774 : i32 to index
        %get3A_778 = arith.index_cast %scan3A_365 : i32 to index
        %get3A_779 = arith.index_cast %get3A_775 : i32 to index
        %get3A_780 = arith.index_cast %get3A_776 : i32 to index
        %get3A_781 = arith.constant 48 : index
        %get3A_782 = tpu.vector_load %arg4[%get3A_777, %get3A_778, %get3A_779, %get3A_780, %get3A_781] {strides = array<i32>} : memref<2x14x3x8x128xf32, #tpu.memory_space<vmem>>, vector<1x1x1x1x16xf32>,
        %get3A_783 = vector.shape_cast %get3A_782 : vector<1x1x1x1x16xf32> to vector<16xf32>
        %add3A_784 = arith.addf %add3A_696, %get3A_783 : vector<16xf32>
        %get3A_785 = arith.constant 0 : i32
        %get3A_786 = arith.constant 0 : i32
        %get3A_787 = arith.constant 4 : i32
        %get3A_788 = arith.index_cast %get3A_785 : i32 to index
        %get3A_789 = arith.index_cast %scan3A_365 : i32 to index
        %get3A_790 = arith.index_cast %get3A_786 : i32 to index
        %get3A_791 = arith.index_cast %get3A_787 : i32 to index
        %get3A_792 = arith.constant 64 : index
        %get3A_793 = tpu.vector_load %arg4[%get3A_788, %get3A_789, %get3A_790, %get3A_791, %get3A_792] {strides = array<i32>} : memref<2x14x3x8x128xf32, #tpu.memory_space<vmem>>, vector<1x1x1x1x16xf32>,
        %get3A_794 = vector.shape_cast %get3A_793 : vector<1x1x1x1x16xf32> to vector<16xf32>
        %add3A_795 = arith.addf %add3A_707, %get3A_794 : vector<16xf32>
        %get3A_796 = arith.constant 0 : i32
        %get3A_797 = arith.constant 0 : i32
        %get3A_798 = arith.constant 4 : i32
        %get3A_799 = arith.index_cast %get3A_796 : i32 to index
        %get3A_800 = arith.index_cast %scan3A_365 : i32 to index
        %get3A_801 = arith.index_cast %get3A_797 : i32 to index
        %get3A_802 = arith.index_cast %get3A_798 : i32 to index
        %get3A_803 = arith.constant 80 : index
        %get3A_804 = tpu.vector_load %arg4[%get3A_799, %get3A_800, %get3A_801, %get3A_802, %get3A_803] {strides = array<i32>} : memref<2x14x3x8x128xf32, #tpu.memory_space<vmem>>, vector<1x1x1x1x16xf32>,
        %get3A_805 = vector.shape_cast %get3A_804 : vector<1x1x1x1x16xf32> to vector<16xf32>
        %add3A_806 = arith.addf %add3A_718, %get3A_805 : vector<16xf32>
        %get3A_807 = arith.constant 0 : i32
        %get3A_808 = arith.constant 0 : i32
        %get3A_809 = arith.constant 4 : i32
        %get3A_810 = arith.index_cast %get3A_807 : i32 to index
        %get3A_811 = arith.index_cast %scan3A_365 : i32 to index
        %get3A_812 = arith.index_cast %get3A_808 : i32 to index
        %get3A_813 = arith.index_cast %get3A_809 : i32 to index
        %get3A_814 = arith.constant 96 : index
        %get3A_815 = tpu.vector_load %arg4[%get3A_810, %get3A_811, %get3A_812, %get3A_813, %get3A_814] {strides = array<i32>} : memref<2x14x3x8x128xf32, #tpu.memory_space<vmem>>, vector<1x1x1x1x16xf32>,
        %get3A_816 = vector.shape_cast %get3A_815 : vector<1x1x1x1x16xf32> to vector<16xf32>
        %add3A_817 = arith.addf %add3A_729, %get3A_816 : vector<16xf32>
        %get3A_818 = arith.constant 0 : i32
        %get3A_819 = arith.constant 0 : i32
        %get3A_820 = arith.constant 4 : i32
        %get3A_821 = arith.index_cast %get3A_818 : i32 to index
        %get3A_822 = arith.index_cast %scan3A_365 : i32 to index
        %get3A_823 = arith.index_cast %get3A_819 : i32 to index
        %get3A_824 = arith.index_cast %get3A_820 : i32 to index
        %get3A_825 = arith.constant 112 : index
        %get3A_826 = tpu.vector_load %arg4[%get3A_821, %get3A_822, %get3A_823, %get3A_824, %get3A_825] {strides = array<i32>} : memref<2x14x3x8x128xf32, #tpu.memory_space<vmem>>, vector<1x1x1x1x16xf32>,
        %get3A_827 = vector.shape_cast %get3A_826 : vector<1x1x1x1x16xf32> to vector<16xf32>
        %add3A_828 = arith.addf %add3A_740, %get3A_827 : vector<16xf32>
        %get3A_829 = arith.constant 0 : i32
        %get3A_830 = arith.constant 0 : i32
        %get3A_831 = arith.constant 5 : i32
        %get3A_832 = arith.index_cast %get3A_829 : i32 to index
        %get3A_833 = arith.index_cast %scan3A_365 : i32 to index
        %get3A_834 = arith.index_cast %get3A_830 : i32 to index
        %get3A_835 = arith.index_cast %get3A_831 : i32 to index
        %get3A_836 = arith.constant 0 : index
        %get3A_837 = tpu.vector_load %arg4[%get3A_832, %get3A_833, %get3A_834, %get3A_835, %get3A_836] {strides = array<i32>} : memref<2x14x3x8x128xf32, #tpu.memory_space<vmem>>, vector<1x1x1x1x16xf32>,
        %get3A_838 = vector.shape_cast %get3A_837 : vector<1x1x1x1x16xf32> to vector<16xf32>
        %add3A_839 = arith.addf %add3A_751, %get3A_838 : vector<16xf32>
        %get3A_840 = arith.constant 0 : i32
        %get3A_841 = arith.constant 0 : i32
        %get3A_842 = arith.constant 5 : i32
        %get3A_843 = arith.index_cast %get3A_840 : i32 to index
        %get3A_844 = arith.index_cast %scan3A_365 : i32 to index
        %get3A_845 = arith.index_cast %get3A_841 : i32 to index
        %get3A_846 = arith.index_cast %get3A_842 : i32 to index
        %get3A_847 = arith.constant 16 : index
        %get3A_848 = tpu.vector_load %arg4[%get3A_843, %get3A_844, %get3A_845, %get3A_846, %get3A_847] {strides = array<i32>} : memref<2x14x3x8x128xf32, #tpu.memory_space<vmem>>, vector<1x1x1x1x16xf32>,
        %get3A_849 = vector.shape_cast %get3A_848 : vector<1x1x1x1x16xf32> to vector<16xf32>
        %add3A_850 = arith.addf %add3A_762, %get3A_849 : vector<16xf32>
        %get3A_851 = arith.constant 0 : i32
        %get3A_852 = arith.constant 0 : i32
        %get3A_853 = arith.constant 5 : i32
        %get3A_854 = arith.index_cast %get3A_851 : i32 to index
        %get3A_855 = arith.index_cast %scan3A_365 : i32 to index
        %get3A_856 = arith.index_cast %get3A_852 : i32 to index
        %get3A_857 = arith.index_cast %get3A_853 : i32 to index
        %get3A_858 = arith.constant 32 : index
        %get3A_859 = tpu.vector_load %arg4[%get3A_854, %get3A_855, %get3A_856, %get3A_857, %get3A_858] {strides = array<i32>} : memref<2x14x3x8x128xf32, #tpu.memory_space<vmem>>, vector<1x1x1x1x16xf32>,
        %get3A_860 = vector.shape_cast %get3A_859 : vector<1x1x1x1x16xf32> to vector<16xf32>
        %add3A_861 = arith.addf %add3A_773, %get3A_860 : vector<16xf32>
        %get3A_862 = arith.constant 0 : i32
        %get3A_863 = arith.constant 0 : i32
        %get3A_864 = arith.constant 5 : i32
        %get3A_865 = arith.index_cast %get3A_862 : i32 to index
        %get3A_866 = arith.index_cast %scan3A_365 : i32 to index
        %get3A_867 = arith.index_cast %get3A_863 : i32 to index
        %get3A_868 = arith.index_cast %get3A_864 : i32 to index
        %get3A_869 = arith.constant 48 : index
        %get3A_870 = tpu.vector_load %arg4[%get3A_865, %get3A_866, %get3A_867, %get3A_868, %get3A_869] {strides = array<i32>} : memref<2x14x3x8x128xf32, #tpu.memory_space<vmem>>, vector<1x1x1x1x16xf32>,
        %get3A_871 = vector.shape_cast %get3A_870 : vector<1x1x1x1x16xf32> to vector<16xf32>
        %add3A_872 = arith.addf %add3A_784, %get3A_871 : vector<16xf32>
        %get3A_873 = arith.constant 0 : i32
        %get3A_874 = arith.constant 0 : i32
        %get3A_875 = arith.constant 5 : i32
        %get3A_876 = arith.index_cast %get3A_873 : i32 to index
        %get3A_877 = arith.index_cast %scan3A_365 : i32 to index
        %get3A_878 = arith.index_cast %get3A_874 : i32 to index
        %get3A_879 = arith.index_cast %get3A_875 : i32 to index
        %get3A_880 = arith.constant 64 : index
        %get3A_881 = tpu.vector_load %arg4[%get3A_876, %get3A_877, %get3A_878, %get3A_879, %get3A_880] {strides = array<i32>} : memref<2x14x3x8x128xf32, #tpu.memory_space<vmem>>, vector<1x1x1x1x16xf32>,
        %get3A_882 = vector.shape_cast %get3A_881 : vector<1x1x1x1x16xf32> to vector<16xf32>
        %add3A_883 = arith.addf %add3A_795, %get3A_882 : vector<16xf32>
        %get3A_884 = arith.constant 0 : i32
        %get3A_885 = arith.constant 0 : i32
        %get3A_886 = arith.constant 5 : i32
        %get3A_887 = arith.index_cast %get3A_884 : i32 to index
        %get3A_888 = arith.index_cast %scan3A_365 : i32 to index
        %get3A_889 = arith.index_cast %get3A_885 : i32 to index
        %get3A_890 = arith.index_cast %get3A_886 : i32 to index
        %get3A_891 = arith.constant 80 : index
        %get3A_892 = tpu.vector_load %arg4[%get3A_887, %get3A_888, %get3A_889, %get3A_890, %get3A_891] {strides = array<i32>} : memref<2x14x3x8x128xf32, #tpu.memory_space<vmem>>, vector<1x1x1x1x16xf32>,
        %get3A_893 = vector.shape_cast %get3A_892 : vector<1x1x1x1x16xf32> to vector<16xf32>
        %add3A_894 = arith.addf %add3A_806, %get3A_893 : vector<16xf32>
        %get3A_895 = arith.constant 0 : i32
        %get3A_896 = arith.constant 0 : i32
        %get3A_897 = arith.constant 5 : i32
        %get3A_898 = arith.index_cast %get3A_895 : i32 to index
        %get3A_899 = arith.index_cast %scan3A_365 : i32 to index
        %get3A_900 = arith.index_cast %get3A_896 : i32 to index
        %get3A_901 = arith.index_cast %get3A_897 : i32 to index
        %get3A_902 = arith.constant 96 : index
        %get3A_903 = tpu.vector_load %arg4[%get3A_898, %get3A_899, %get3A_900, %get3A_901, %get3A_902] {strides = array<i32>} : memref<2x14x3x8x128xf32, #tpu.memory_space<vmem>>, vector<1x1x1x1x16xf32>,
        %get3A_904 = vector.shape_cast %get3A_903 : vector<1x1x1x1x16xf32> to vector<16xf32>
        %add3A_905 = arith.addf %add3A_817, %get3A_904 : vector<16xf32>
        %get3A_906 = arith.constant 0 : i32
        %get3A_907 = arith.constant 0 : i32
        %get3A_908 = arith.constant 5 : i32
        %get3A_909 = arith.index_cast %get3A_906 : i32 to index
        %get3A_910 = arith.index_cast %scan3A_365 : i32 to index
        %get3A_911 = arith.index_cast %get3A_907 : i32 to index
        %get3A_912 = arith.index_cast %get3A_908 : i32 to index
        %get3A_913 = arith.constant 112 : index
        %get3A_914 = tpu.vector_load %arg4[%get3A_909, %get3A_910, %get3A_911, %get3A_912, %get3A_913] {strides = array<i32>} : memref<2x14x3x8x128xf32, #tpu.memory_space<vmem>>, vector<1x1x1x1x16xf32>,
        %get3A_915 = vector.shape_cast %get3A_914 : vector<1x1x1x1x16xf32> to vector<16xf32>
        %add3A_916 = arith.addf %add3A_828, %get3A_915 : vector<16xf32>
        %get3A_917 = arith.constant 0 : i32
        %get3A_918 = arith.constant 0 : i32
        %get3A_919 = arith.constant 6 : i32
        %get3A_920 = arith.index_cast %get3A_917 : i32 to index
        %get3A_921 = arith.index_cast %scan3A_365 : i32 to index
        %get3A_922 = arith.index_cast %get3A_918 : i32 to index
        %get3A_923 = arith.index_cast %get3A_919 : i32 to index
        %get3A_924 = arith.constant 0 : index
        %get3A_925 = tpu.vector_load %arg4[%get3A_920, %get3A_921, %get3A_922, %get3A_923, %get3A_924] {strides = array<i32>} : memref<2x14x3x8x128xf32, #tpu.memory_space<vmem>>, vector<1x1x1x1x16xf32>,
        %get3A_926 = vector.shape_cast %get3A_925 : vector<1x1x1x1x16xf32> to vector<16xf32>
        %add3A_927 = arith.addf %add3A_839, %get3A_926 : vector<16xf32>
        %get3A_928 = arith.constant 0 : i32
        %get3A_929 = arith.constant 0 : i32
        %get3A_930 = arith.constant 6 : i32
        %get3A_931 = arith.index_cast %get3A_928 : i32 to index
        %get3A_932 = arith.index_cast %scan3A_365 : i32 to index
        %get3A_933 = arith.index_cast %get3A_929 : i32 to index
        %get3A_934 = arith.index_cast %get3A_930 : i32 to index
        %get3A_935 = arith.constant 16 : index
        %get3A_936 = tpu.vector_load %arg4[%get3A_931, %get3A_932, %get3A_933, %get3A_934, %get3A_935] {strides = array<i32>} : memref<2x14x3x8x128xf32, #tpu.memory_space<vmem>>, vector<1x1x1x1x16xf32>,
        %get3A_937 = vector.shape_cast %get3A_936 : vector<1x1x1x1x16xf32> to vector<16xf32>
        %add3A_938 = arith.addf %add3A_850, %get3A_937 : vector<16xf32>
        %get3A_939 = arith.constant 0 : i32
        %get3A_940 = arith.constant 0 : i32
        %get3A_941 = arith.constant 6 : i32
        %get3A_942 = arith.index_cast %get3A_939 : i32 to index
        %get3A_943 = arith.index_cast %scan3A_365 : i32 to index
        %get3A_944 = arith.index_cast %get3A_940 : i32 to index
        %get3A_945 = arith.index_cast %get3A_941 : i32 to index
        %get3A_946 = arith.constant 32 : index
        %get3A_947 = tpu.vector_load %arg4[%get3A_942, %get3A_943, %get3A_944, %get3A_945, %get3A_946] {strides = array<i32>} : memref<2x14x3x8x128xf32, #tpu.memory_space<vmem>>, vector<1x1x1x1x16xf32>,
        %get3A_948 = vector.shape_cast %get3A_947 : vector<1x1x1x1x16xf32> to vector<16xf32>
        %add3A_949 = arith.addf %add3A_861, %get3A_948 : vector<16xf32>
        %get3A_950 = arith.constant 0 : i32
        %get3A_951 = arith.constant 0 : i32
        %get3A_952 = arith.constant 6 : i32
        %get3A_953 = arith.index_cast %get3A_950 : i32 to index
        %get3A_954 = arith.index_cast %scan3A_365 : i32 to index
        %get3A_955 = arith.index_cast %get3A_951 : i32 to index
        %get3A_956 = arith.index_cast %get3A_952 : i32 to index
        %get3A_957 = arith.constant 48 : index
        %get3A_958 = tpu.vector_load %arg4[%get3A_953, %get3A_954, %get3A_955, %get3A_956, %get3A_957] {strides = array<i32>} : memref<2x14x3x8x128xf32, #tpu.memory_space<vmem>>, vector<1x1x1x1x16xf32>,
        %get3A_959 = vector.shape_cast %get3A_958 : vector<1x1x1x1x16xf32> to vector<16xf32>
        %add3A_960 = arith.addf %add3A_872, %get3A_959 : vector<16xf32>
        %get3A_961 = arith.constant 0 : i32
        %get3A_962 = arith.constant 0 : i32
        %get3A_963 = arith.constant 6 : i32
        %get3A_964 = arith.index_cast %get3A_961 : i32 to index
        %get3A_965 = arith.index_cast %scan3A_365 : i32 to index
        %get3A_966 = arith.index_cast %get3A_962 : i32 to index
        %get3A_967 = arith.index_cast %get3A_963 : i32 to index
        %get3A_968 = arith.constant 64 : index
        %get3A_969 = tpu.vector_load %arg4[%get3A_964, %get3A_965, %get3A_966, %get3A_967, %get3A_968] {strides = array<i32>} : memref<2x14x3x8x128xf32, #tpu.memory_space<vmem>>, vector<1x1x1x1x16xf32>,
        %get3A_970 = vector.shape_cast %get3A_969 : vector<1x1x1x1x16xf32> to vector<16xf32>
        %add3A_971 = arith.addf %add3A_883, %get3A_970 : vector<16xf32>
        %get3A_972 = arith.constant 0 : i32
        %get3A_973 = arith.constant 0 : i32
        %get3A_974 = arith.constant 6 : i32
        %get3A_975 = arith.index_cast %get3A_972 : i32 to index
        %get3A_976 = arith.index_cast %scan3A_365 : i32 to index
        %get3A_977 = arith.index_cast %get3A_973 : i32 to index
        %get3A_978 = arith.index_cast %get3A_974 : i32 to index
        %get3A_979 = arith.constant 80 : index
        %get3A_980 = tpu.vector_load %arg4[%get3A_975, %get3A_976, %get3A_977, %get3A_978, %get3A_979] {strides = array<i32>} : memref<2x14x3x8x128xf32, #tpu.memory_space<vmem>>, vector<1x1x1x1x16xf32>,
        %get3A_981 = vector.shape_cast %get3A_980 : vector<1x1x1x1x16xf32> to vector<16xf32>
        %add3A_982 = arith.addf %add3A_894, %get3A_981 : vector<16xf32>
        %get3A_983 = arith.constant 0 : i32
        %get3A_984 = arith.constant 0 : i32
        %get3A_985 = arith.constant 6 : i32
        %get3A_986 = arith.index_cast %get3A_983 : i32 to index
        %get3A_987 = arith.index_cast %scan3A_365 : i32 to index
        %get3A_988 = arith.index_cast %get3A_984 : i32 to index
        %get3A_989 = arith.index_cast %get3A_985 : i32 to index
        %get3A_990 = arith.constant 96 : index
        %get3A_991 = tpu.vector_load %arg4[%get3A_986, %get3A_987, %get3A_988, %get3A_989, %get3A_990] {strides = array<i32>} : memref<2x14x3x8x128xf32, #tpu.memory_space<vmem>>, vector<1x1x1x1x16xf32>,
        %get3A_992 = vector.shape_cast %get3A_991 : vector<1x1x1x1x16xf32> to vector<16xf32>
        %add3A_993 = arith.addf %add3A_905, %get3A_992 : vector<16xf32>
        %get3A_994 = arith.constant 0 : i32
        %get3A_995 = arith.constant 0 : i32
        %get3A_996 = arith.constant 6 : i32
        %get3A_997 = arith.index_cast %get3A_994 : i32 to index
        %get3A_998 = arith.index_cast %scan3A_365 : i32 to index
        %get3A_999 = arith.index_cast %get3A_995 : i32 to index
        %get3A_1000 = arith.index_cast %get3A_996 : i32 to index
        %get3A_1001 = arith.constant 112 : index
        %get3A_1002 = tpu.vector_load %arg4[%get3A_997, %get3A_998, %get3A_999, %get3A_1000, %get3A_1001] {strides = array<i32>} : memref<2x14x3x8x128xf32, #tpu.memory_space<vmem>>, vector<1x1x1x1x16xf32>,
        %get3A_1003 = vector.shape_cast %get3A_1002 : vector<1x1x1x1x16xf32> to vector<16xf32>
        %add3A_1004 = arith.addf %add3A_916, %get3A_1003 : vector<16xf32>
        %get3A_1005 = arith.constant 0 : i32
        %get3A_1006 = arith.constant 0 : i32
        %get3A_1007 = arith.constant 7 : i32
        %get3A_1008 = arith.index_cast %get3A_1005 : i32 to index
        %get3A_1009 = arith.index_cast %scan3A_365 : i32 to index
        %get3A_1010 = arith.index_cast %get3A_1006 : i32 to index
        %get3A_1011 = arith.index_cast %get3A_1007 : i32 to index
        %get3A_1012 = arith.constant 0 : index
        %get3A_1013 = tpu.vector_load %arg4[%get3A_1008, %get3A_1009, %get3A_1010, %get3A_1011, %get3A_1012] {strides = array<i32>} : memref<2x14x3x8x128xf32, #tpu.memory_space<vmem>>, vector<1x1x1x1x16xf32>,
        %get3A_1014 = vector.shape_cast %get3A_1013 : vector<1x1x1x1x16xf32> to vector<16xf32>
        %add3A_1015 = arith.addf %add3A_927, %get3A_1014 : vector<16xf32>
        %get3A_1016 = arith.constant 0 : i32
        %get3A_1017 = arith.constant 0 : i32
        %get3A_1018 = arith.constant 7 : i32
        %get3A_1019 = arith.index_cast %get3A_1016 : i32 to index
        %get3A_1020 = arith.index_cast %scan3A_365 : i32 to index
        %get3A_1021 = arith.index_cast %get3A_1017 : i32 to index
        %get3A_1022 = arith.index_cast %get3A_1018 : i32 to index
        %get3A_1023 = arith.constant 16 : index
        %get3A_1024 = tpu.vector_load %arg4[%get3A_1019, %get3A_1020, %get3A_1021, %get3A_1022, %get3A_1023] {strides = array<i32>} : memref<2x14x3x8x128xf32, #tpu.memory_space<vmem>>, vector<1x1x1x1x16xf32>,
        %get3A_1025 = vector.shape_cast %get3A_1024 : vector<1x1x1x1x16xf32> to vector<16xf32>
        %add3A_1026 = arith.addf %add3A_938, %get3A_1025 : vector<16xf32>
        %get3A_1027 = arith.constant 0 : i32
        %get3A_1028 = arith.constant 0 : i32
        %get3A_1029 = arith.constant 7 : i32
        %get3A_1030 = arith.index_cast %get3A_1027 : i32 to index
        %get3A_1031 = arith.index_cast %scan3A_365 : i32 to index
        %get3A_1032 = arith.index_cast %get3A_1028 : i32 to index
        %get3A_1033 = arith.index_cast %get3A_1029 : i32 to index
        %get3A_1034 = arith.constant 32 : index
        %get3A_1035 = tpu.vector_load %arg4[%get3A_1030, %get3A_1031, %get3A_1032, %get3A_1033, %get3A_1034] {strides = array<i32>} : memref<2x14x3x8x128xf32, #tpu.memory_space<vmem>>, vector<1x1x1x1x16xf32>,
        %get3A_1036 = vector.shape_cast %get3A_1035 : vector<1x1x1x1x16xf32> to vector<16xf32>
        %add3A_1037 = arith.addf %add3A_949, %get3A_1036 : vector<16xf32>
        %get3A_1038 = arith.constant 0 : i32
        %get3A_1039 = arith.constant 0 : i32
        %get3A_1040 = arith.constant 7 : i32
        %get3A_1041 = arith.index_cast %get3A_1038 : i32 to index
        %get3A_1042 = arith.index_cast %scan3A_365 : i32 to index
        %get3A_1043 = arith.index_cast %get3A_1039 : i32 to index
        %get3A_1044 = arith.index_cast %get3A_1040 : i32 to index
        %get3A_1045 = arith.constant 48 : index
        %get3A_1046 = tpu.vector_load %arg4[%get3A_1041, %get3A_1042, %get3A_1043, %get3A_1044, %get3A_1045] {strides = array<i32>} : memref<2x14x3x8x128xf32, #tpu.memory_space<vmem>>, vector<1x1x1x1x16xf32>,
        %get3A_1047 = vector.shape_cast %get3A_1046 : vector<1x1x1x1x16xf32> to vector<16xf32>
        %add3A_1048 = arith.addf %add3A_960, %get3A_1047 : vector<16xf32>
        %get3A_1049 = arith.constant 0 : i32
        %get3A_1050 = arith.constant 0 : i32
        %get3A_1051 = arith.constant 7 : i32
        %get3A_1052 = arith.index_cast %get3A_1049 : i32 to index
        %get3A_1053 = arith.index_cast %scan3A_365 : i32 to index
        %get3A_1054 = arith.index_cast %get3A_1050 : i32 to index
        %get3A_1055 = arith.index_cast %get3A_1051 : i32 to index
        %get3A_1056 = arith.constant 64 : index
        %get3A_1057 = tpu.vector_load %arg4[%get3A_1052, %get3A_1053, %get3A_1054, %get3A_1055, %get3A_1056] {strides = array<i32>} : memref<2x14x3x8x128xf32, #tpu.memory_space<vmem>>, vector<1x1x1x1x16xf32>,
        %get3A_1058 = vector.shape_cast %get3A_1057 : vector<1x1x1x1x16xf32> to vector<16xf32>
        %add3A_1059 = arith.addf %add3A_971, %get3A_1058 : vector<16xf32>
        %get3A_1060 = arith.constant 0 : i32
        %get3A_1061 = arith.constant 0 : i32
        %get3A_1062 = arith.constant 7 : i32
        %get3A_1063 = arith.index_cast %get3A_1060 : i32 to index
        %get3A_1064 = arith.index_cast %scan3A_365 : i32 to index
        %get3A_1065 = arith.index_cast %get3A_1061 : i32 to index
        %get3A_1066 = arith.index_cast %get3A_1062 : i32 to index
        %get3A_1067 = arith.constant 80 : index
        %get3A_1068 = tpu.vector_load %arg4[%get3A_1063, %get3A_1064, %get3A_1065, %get3A_1066, %get3A_1067] {strides = array<i32>} : memref<2x14x3x8x128xf32, #tpu.memory_space<vmem>>, vector<1x1x1x1x16xf32>,
        %get3A_1069 = vector.shape_cast %get3A_1068 : vector<1x1x1x1x16xf32> to vector<16xf32>
        %add3A_1070 = arith.addf %add3A_982, %get3A_1069 : vector<16xf32>
        %get3A_1071 = arith.constant 0 : i32
        %get3A_1072 = arith.constant 0 : i32
        %get3A_1073 = arith.constant 7 : i32
        %get3A_1074 = arith.index_cast %get3A_1071 : i32 to index
        %get3A_1075 = arith.index_cast %scan3A_365 : i32 to index
        %get3A_1076 = arith.index_cast %get3A_1072 : i32 to index
        %get3A_1077 = arith.index_cast %get3A_1073 : i32 to index
        %get3A_1078 = arith.constant 96 : index
        %get3A_1079 = tpu.vector_load %arg4[%get3A_1074, %get3A_1075, %get3A_1076, %get3A_1077, %get3A_1078] {strides = array<i32>} : memref<2x14x3x8x128xf32, #tpu.memory_space<vmem>>, vector<1x1x1x1x16xf32>,
        %get3A_1080 = vector.shape_cast %get3A_1079 : vector<1x1x1x1x16xf32> to vector<16xf32>
        %add3A_1081 = arith.addf %add3A_993, %get3A_1080 : vector<16xf32>
        %get3A_1082 = arith.constant 0 : i32
        %get3A_1083 = arith.constant 0 : i32
        %get3A_1084 = arith.constant 7 : i32
        %get3A_1085 = arith.index_cast %get3A_1082 : i32 to index
        %get3A_1086 = arith.index_cast %scan3A_365 : i32 to index
        %get3A_1087 = arith.index_cast %get3A_1083 : i32 to index
        %get3A_1088 = arith.index_cast %get3A_1084 : i32 to index
        %get3A_1089 = arith.constant 112 : index
        %get3A_1090 = tpu.vector_load %arg4[%get3A_1085, %get3A_1086, %get3A_1087, %get3A_1088, %get3A_1089] {strides = array<i32>} : memref<2x14x3x8x128xf32, #tpu.memory_space<vmem>>, vector<1x1x1x1x16xf32>,
        %get3A_1091 = vector.shape_cast %get3A_1090 : vector<1x1x1x1x16xf32> to vector<16xf32>
        %add3A_1092 = arith.addf %add3A_1004, %get3A_1091 : vector<16xf32>
        %get3A_1093 = arith.constant 0 : i32
        %get3A_1094 = arith.constant 1 : i32
        %get3A_1095 = arith.constant 0 : i32
        %get3A_1096 = arith.index_cast %get3A_1093 : i32 to index
        %get3A_1097 = arith.index_cast %scan3A_365 : i32 to index
        %get3A_1098 = arith.index_cast %get3A_1094 : i32 to index
        %get3A_1099 = arith.index_cast %get3A_1095 : i32 to index
        %get3A_1100 = arith.constant 0 : index
        %get3A_1101 = tpu.vector_load %arg4[%get3A_1096, %get3A_1097, %get3A_1098, %get3A_1099, %get3A_1100] {strides = array<i32>} : memref<2x14x3x8x128xf32, #tpu.memory_space<vmem>>, vector<1x1x1x1x16xf32>,
        %get3A_1102 = vector.shape_cast %get3A_1101 : vector<1x1x1x1x16xf32> to vector<16xf32>
        %add3A_1103 = arith.addf %scan3A_374, %get3A_1102 : vector<16xf32>
        %get3A_1104 = arith.constant 0 : i32
        %get3A_1105 = arith.constant 1 : i32
        %get3A_1106 = arith.constant 0 : i32
        %get3A_1107 = arith.index_cast %get3A_1104 : i32 to index
        %get3A_1108 = arith.index_cast %scan3A_365 : i32 to index
        %get3A_1109 = arith.index_cast %get3A_1105 : i32 to index
        %get3A_1110 = arith.index_cast %get3A_1106 : i32 to index
        %get3A_1111 = arith.constant 16 : index
        %get3A_1112 = tpu.vector_load %arg4[%get3A_1107, %get3A_1108, %get3A_1109, %get3A_1110, %get3A_1111] {strides = array<i32>} : memref<2x14x3x8x128xf32, #tpu.memory_space<vmem>>, vector<1x1x1x1x16xf32>,
        %get3A_1113 = vector.shape_cast %get3A_1112 : vector<1x1x1x1x16xf32> to vector<16xf32>
        %add3A_1114 = arith.addf %scan3A_375, %get3A_1113 : vector<16xf32>
        %get3A_1115 = arith.constant 0 : i32
        %get3A_1116 = arith.constant 1 : i32
        %get3A_1117 = arith.constant 0 : i32
        %get3A_1118 = arith.index_cast %get3A_1115 : i32 to index
        %get3A_1119 = arith.index_cast %scan3A_365 : i32 to index
        %get3A_1120 = arith.index_cast %get3A_1116 : i32 to index
        %get3A_1121 = arith.index_cast %get3A_1117 : i32 to index
        %get3A_1122 = arith.constant 32 : index
        %get3A_1123 = tpu.vector_load %arg4[%get3A_1118, %get3A_1119, %get3A_1120, %get3A_1121, %get3A_1122] {strides = array<i32>} : memref<2x14x3x8x128xf32, #tpu.memory_space<vmem>>, vector<1x1x1x1x16xf32>,
        %get3A_1124 = vector.shape_cast %get3A_1123 : vector<1x1x1x1x16xf32> to vector<16xf32>
        %add3A_1125 = arith.addf %scan3A_376, %get3A_1124 : vector<16xf32>
        %get3A_1126 = arith.constant 0 : i32
        %get3A_1127 = arith.constant 1 : i32
        %get3A_1128 = arith.constant 0 : i32
        %get3A_1129 = arith.index_cast %get3A_1126 : i32 to index
        %get3A_1130 = arith.index_cast %scan3A_365 : i32 to index
        %get3A_1131 = arith.index_cast %get3A_1127 : i32 to index
        %get3A_1132 = arith.index_cast %get3A_1128 : i32 to index
        %get3A_1133 = arith.constant 48 : index
        %get3A_1134 = tpu.vector_load %arg4[%get3A_1129, %get3A_1130, %get3A_1131, %get3A_1132, %get3A_1133] {strides = array<i32>} : memref<2x14x3x8x128xf32, #tpu.memory_space<vmem>>, vector<1x1x1x1x16xf32>,
        %get3A_1135 = vector.shape_cast %get3A_1134 : vector<1x1x1x1x16xf32> to vector<16xf32>
        %add3A_1136 = arith.addf %scan3A_377, %get3A_1135 : vector<16xf32>
        %get3A_1137 = arith.constant 0 : i32
        %get3A_1138 = arith.constant 1 : i32
        %get3A_1139 = arith.constant 0 : i32
        %get3A_1140 = arith.index_cast %get3A_1137 : i32 to index
        %get3A_1141 = arith.index_cast %scan3A_365 : i32 to index
        %get3A_1142 = arith.index_cast %get3A_1138 : i32 to index
        %get3A_1143 = arith.index_cast %get3A_1139 : i32 to index
        %get3A_1144 = arith.constant 64 : index
        %get3A_1145 = tpu.vector_load %arg4[%get3A_1140, %get3A_1141, %get3A_1142, %get3A_1143, %get3A_1144] {strides = array<i32>} : memref<2x14x3x8x128xf32, #tpu.memory_space<vmem>>, vector<1x1x1x1x16xf32>,
        %get3A_1146 = vector.shape_cast %get3A_1145 : vector<1x1x1x1x16xf32> to vector<16xf32>
        %add3A_1147 = arith.addf %scan3A_378, %get3A_1146 : vector<16xf32>
        %get3A_1148 = arith.constant 0 : i32
        %get3A_1149 = arith.constant 1 : i32
        %get3A_1150 = arith.constant 0 : i32
        %get3A_1151 = arith.index_cast %get3A_1148 : i32 to index
        %get3A_1152 = arith.index_cast %scan3A_365 : i32 to index
        %get3A_1153 = arith.index_cast %get3A_1149 : i32 to index
        %get3A_1154 = arith.index_cast %get3A_1150 : i32 to index
        %get3A_1155 = arith.constant 80 : index
        %get3A_1156 = tpu.vector_load %arg4[%get3A_1151, %get3A_1152, %get3A_1153, %get3A_1154, %get3A_1155] {strides = array<i32>} : memref<2x14x3x8x128xf32, #tpu.memory_space<vmem>>, vector<1x1x1x1x16xf32>,
        %get3A_1157 = vector.shape_cast %get3A_1156 : vector<1x1x1x1x16xf32> to vector<16xf32>
        %add3A_1158 = arith.addf %scan3A_379, %get3A_1157 : vector<16xf32>
        %get3A_1159 = arith.constant 0 : i32
        %get3A_1160 = arith.constant 1 : i32
        %get3A_1161 = arith.constant 0 : i32
        %get3A_1162 = arith.index_cast %get3A_1159 : i32 to index
        %get3A_1163 = arith.index_cast %scan3A_365 : i32 to index
        %get3A_1164 = arith.index_cast %get3A_1160 : i32 to index
        %get3A_1165 = arith.index_cast %get3A_1161 : i32 to index
        %get3A_1166 = arith.constant 96 : index
        %get3A_1167 = tpu.vector_load %arg4[%get3A_1162, %get3A_1163, %get3A_1164, %get3A_1165, %get3A_1166] {strides = array<i32>} : memref<2x14x3x8x128xf32, #tpu.memory_space<vmem>>, vector<1x1x1x1x16xf32>,
        %get3A_1168 = vector.shape_cast %get3A_1167 : vector<1x1x1x1x16xf32> to vector<16xf32>
        %add3A_1169 = arith.addf %scan3A_380, %get3A_1168 : vector<16xf32>
        %get3A_1170 = arith.constant 0 : i32
        %get3A_1171 = arith.constant 1 : i32
        %get3A_1172 = arith.constant 0 : i32
        %get3A_1173 = arith.index_cast %get3A_1170 : i32 to index
        %get3A_1174 = arith.index_cast %scan3A_365 : i32 to index
        %get3A_1175 = arith.index_cast %get3A_1171 : i32 to index
        %get3A_1176 = arith.index_cast %get3A_1172 : i32 to index
        %get3A_1177 = arith.constant 112 : index
        %get3A_1178 = tpu.vector_load %arg4[%get3A_1173, %get3A_1174, %get3A_1175, %get3A_1176, %get3A_1177] {strides = array<i32>} : memref<2x14x3x8x128xf32, #tpu.memory_space<vmem>>, vector<1x1x1x1x16xf32>,
        %get3A_1179 = vector.shape_cast %get3A_1178 : vector<1x1x1x1x16xf32> to vector<16xf32>
        %add3A_1180 = arith.addf %scan3A_381, %get3A_1179 : vector<16xf32>
        %get3A_1181 = arith.constant 0 : i32
        %get3A_1182 = arith.constant 1 : i32
        %get3A_1183 = arith.constant 1 : i32
        %get3A_1184 = arith.index_cast %get3A_1181 : i32 to index
        %get3A_1185 = arith.index_cast %scan3A_365 : i32 to index
        %get3A_1186 = arith.index_cast %get3A_1182 : i32 to index
        %get3A_1187 = arith.index_cast %get3A_1183 : i32 to index
        %get3A_1188 = arith.constant 0 : index
        %get3A_1189 = tpu.vector_load %arg4[%get3A_1184, %get3A_1185, %get3A_1186, %get3A_1187, %get3A_1188] {strides = array<i32>} : memref<2x14x3x8x128xf32, #tpu.memory_space<vmem>>, vector<1x1x1x1x16xf32>,
        %get3A_1190 = vector.shape_cast %get3A_1189 : vector<1x1x1x1x16xf32> to vector<16xf32>
        %add3A_1191 = arith.addf %add3A_1103, %get3A_1190 : vector<16xf32>
        %get3A_1192 = arith.constant 0 : i32
        %get3A_1193 = arith.constant 1 : i32
        %get3A_1194 = arith.constant 1 : i32
        %get3A_1195 = arith.index_cast %get3A_1192 : i32 to index
        %get3A_1196 = arith.index_cast %scan3A_365 : i32 to index
        %get3A_1197 = arith.index_cast %get3A_1193 : i32 to index
        %get3A_1198 = arith.index_cast %get3A_1194 : i32 to index
        %get3A_1199 = arith.constant 16 : index
        %get3A_1200 = tpu.vector_load %arg4[%get3A_1195, %get3A_1196, %get3A_1197, %get3A_1198, %get3A_1199] {strides = array<i32>} : memref<2x14x3x8x128xf32, #tpu.memory_space<vmem>>, vector<1x1x1x1x16xf32>,
        %get3A_1201 = vector.shape_cast %get3A_1200 : vector<1x1x1x1x16xf32> to vector<16xf32>
        %add3A_1202 = arith.addf %add3A_1114, %get3A_1201 : vector<16xf32>
        %get3A_1203 = arith.constant 0 : i32
        %get3A_1204 = arith.constant 1 : i32
        %get3A_1205 = arith.constant 1 : i32
        %get3A_1206 = arith.index_cast %get3A_1203 : i32 to index
        %get3A_1207 = arith.index_cast %scan3A_365 : i32 to index
        %get3A_1208 = arith.index_cast %get3A_1204 : i32 to index
        %get3A_1209 = arith.index_cast %get3A_1205 : i32 to index
        %get3A_1210 = arith.constant 32 : index
        %get3A_1211 = tpu.vector_load %arg4[%get3A_1206, %get3A_1207, %get3A_1208, %get3A_1209, %get3A_1210] {strides = array<i32>} : memref<2x14x3x8x128xf32, #tpu.memory_space<vmem>>, vector<1x1x1x1x16xf32>,
        %get3A_1212 = vector.shape_cast %get3A_1211 : vector<1x1x1x1x16xf32> to vector<16xf32>
        %add3A_1213 = arith.addf %add3A_1125, %get3A_1212 : vector<16xf32>
        %get3A_1214 = arith.constant 0 : i32
        %get3A_1215 = arith.constant 1 : i32
        %get3A_1216 = arith.constant 1 : i32
        %get3A_1217 = arith.index_cast %get3A_1214 : i32 to index
        %get3A_1218 = arith.index_cast %scan3A_365 : i32 to index
        %get3A_1219 = arith.index_cast %get3A_1215 : i32 to index
        %get3A_1220 = arith.index_cast %get3A_1216 : i32 to index
        %get3A_1221 = arith.constant 48 : index
        %get3A_1222 = tpu.vector_load %arg4[%get3A_1217, %get3A_1218, %get3A_1219, %get3A_1220, %get3A_1221] {strides = array<i32>} : memref<2x14x3x8x128xf32, #tpu.memory_space<vmem>>, vector<1x1x1x1x16xf32>,
        %get3A_1223 = vector.shape_cast %get3A_1222 : vector<1x1x1x1x16xf32> to vector<16xf32>
        %add3A_1224 = arith.addf %add3A_1136, %get3A_1223 : vector<16xf32>
        %get3A_1225 = arith.constant 0 : i32
        %get3A_1226 = arith.constant 1 : i32
        %get3A_1227 = arith.constant 1 : i32
        %get3A_1228 = arith.index_cast %get3A_1225 : i32 to index
        %get3A_1229 = arith.index_cast %scan3A_365 : i32 to index
        %get3A_1230 = arith.index_cast %get3A_1226 : i32 to index
        %get3A_1231 = arith.index_cast %get3A_1227 : i32 to index
        %get3A_1232 = arith.constant 64 : index
        %get3A_1233 = tpu.vector_load %arg4[%get3A_1228, %get3A_1229, %get3A_1230, %get3A_1231, %get3A_1232] {strides = array<i32>} : memref<2x14x3x8x128xf32, #tpu.memory_space<vmem>>, vector<1x1x1x1x16xf32>,
        %get3A_1234 = vector.shape_cast %get3A_1233 : vector<1x1x1x1x16xf32> to vector<16xf32>
        %add3A_1235 = arith.addf %add3A_1147, %get3A_1234 : vector<16xf32>
        %get3A_1236 = arith.constant 0 : i32
        %get3A_1237 = arith.constant 1 : i32
        %get3A_1238 = arith.constant 1 : i32
        %get3A_1239 = arith.index_cast %get3A_1236 : i32 to index
        %get3A_1240 = arith.index_cast %scan3A_365 : i32 to index
        %get3A_1241 = arith.index_cast %get3A_1237 : i32 to index
        %get3A_1242 = arith.index_cast %get3A_1238 : i32 to index
        %get3A_1243 = arith.constant 80 : index
        %get3A_1244 = tpu.vector_load %arg4[%get3A_1239, %get3A_1240, %get3A_1241, %get3A_1242, %get3A_1243] {strides = array<i32>} : memref<2x14x3x8x128xf32, #tpu.memory_space<vmem>>, vector<1x1x1x1x16xf32>,
        %get3A_1245 = vector.shape_cast %get3A_1244 : vector<1x1x1x1x16xf32> to vector<16xf32>
        %add3A_1246 = arith.addf %add3A_1158, %get3A_1245 : vector<16xf32>
        %get3A_1247 = arith.constant 0 : i32
        %get3A_1248 = arith.constant 1 : i32
        %get3A_1249 = arith.constant 1 : i32
        %get3A_1250 = arith.index_cast %get3A_1247 : i32 to index
        %get3A_1251 = arith.index_cast %scan3A_365 : i32 to index
        %get3A_1252 = arith.index_cast %get3A_1248 : i32 to index
        %get3A_1253 = arith.index_cast %get3A_1249 : i32 to index
        %get3A_1254 = arith.constant 96 : index
        %get3A_1255 = tpu.vector_load %arg4[%get3A_1250, %get3A_1251, %get3A_1252, %get3A_1253, %get3A_1254] {strides = array<i32>} : memref<2x14x3x8x128xf32, #tpu.memory_space<vmem>>, vector<1x1x1x1x16xf32>,
        %get3A_1256 = vector.shape_cast %get3A_1255 : vector<1x1x1x1x16xf32> to vector<16xf32>
        %add3A_1257 = arith.addf %add3A_1169, %get3A_1256 : vector<16xf32>
        %get3A_1258 = arith.constant 0 : i32
        %get3A_1259 = arith.constant 1 : i32
        %get3A_1260 = arith.constant 1 : i32
        %get3A_1261 = arith.index_cast %get3A_1258 : i32 to index
        %get3A_1262 = arith.index_cast %scan3A_365 : i32 to index
        %get3A_1263 = arith.index_cast %get3A_1259 : i32 to index
        %get3A_1264 = arith.index_cast %get3A_1260 : i32 to index
        %get3A_1265 = arith.constant 112 : index
        %get3A_1266 = tpu.vector_load %arg4[%get3A_1261, %get3A_1262, %get3A_1263, %get3A_1264, %get3A_1265] {strides = array<i32>} : memref<2x14x3x8x128xf32, #tpu.memory_space<vmem>>, vector<1x1x1x1x16xf32>,
        %get3A_1267 = vector.shape_cast %get3A_1266 : vector<1x1x1x1x16xf32> to vector<16xf32>
        %add3A_1268 = arith.addf %add3A_1180, %get3A_1267 : vector<16xf32>
        %get3A_1269 = arith.constant 0 : i32
        %get3A_1270 = arith.constant 1 : i32
        %get3A_1271 = arith.constant 2 : i32
        %get3A_1272 = arith.index_cast %get3A_1269 : i32 to index
        %get3A_1273 = arith.index_cast %scan3A_365 : i32 to index
        %get3A_1274 = arith.index_cast %get3A_1270 : i32 to index
        %get3A_1275 = arith.index_cast %get3A_1271 : i32 to index
        %get3A_1276 = arith.constant 0 : index
        %get3A_1277 = tpu.vector_load %arg4[%get3A_1272, %get3A_1273, %get3A_1274, %get3A_1275, %get3A_1276] {strides = array<i32>} : memref<2x14x3x8x128xf32, #tpu.memory_space<vmem>>, vector<1x1x1x1x16xf32>,
        %get3A_1278 = vector.shape_cast %get3A_1277 : vector<1x1x1x1x16xf32> to vector<16xf32>
        %add3A_1279 = arith.addf %add3A_1191, %get3A_1278 : vector<16xf32>
        %get3A_1280 = arith.constant 0 : i32
        %get3A_1281 = arith.constant 1 : i32
        %get3A_1282 = arith.constant 2 : i32
        %get3A_1283 = arith.index_cast %get3A_1280 : i32 to index
        %get3A_1284 = arith.index_cast %scan3A_365 : i32 to index
        %get3A_1285 = arith.index_cast %get3A_1281 : i32 to index
        %get3A_1286 = arith.index_cast %get3A_1282 : i32 to index
        %get3A_1287 = arith.constant 16 : index
        %get3A_1288 = tpu.vector_load %arg4[%get3A_1283, %get3A_1284, %get3A_1285, %get3A_1286, %get3A_1287] {strides = array<i32>} : memref<2x14x3x8x128xf32, #tpu.memory_space<vmem>>, vector<1x1x1x1x16xf32>,
        %get3A_1289 = vector.shape_cast %get3A_1288 : vector<1x1x1x1x16xf32> to vector<16xf32>
        %add3A_1290 = arith.addf %add3A_1202, %get3A_1289 : vector<16xf32>
        %get3A_1291 = arith.constant 0 : i32
        %get3A_1292 = arith.constant 1 : i32
        %get3A_1293 = arith.constant 2 : i32
        %get3A_1294 = arith.index_cast %get3A_1291 : i32 to index
        %get3A_1295 = arith.index_cast %scan3A_365 : i32 to index
        %get3A_1296 = arith.index_cast %get3A_1292 : i32 to index
        %get3A_1297 = arith.index_cast %get3A_1293 : i32 to index
        %get3A_1298 = arith.constant 32 : index
        %get3A_1299 = tpu.vector_load %arg4[%get3A_1294, %get3A_1295, %get3A_1296, %get3A_1297, %get3A_1298] {strides = array<i32>} : memref<2x14x3x8x128xf32, #tpu.memory_space<vmem>>, vector<1x1x1x1x16xf32>,
        %get3A_1300 = vector.shape_cast %get3A_1299 : vector<1x1x1x1x16xf32> to vector<16xf32>
        %add3A_1301 = arith.addf %add3A_1213, %get3A_1300 : vector<16xf32>
        %get3A_1302 = arith.constant 0 : i32
        %get3A_1303 = arith.constant 1 : i32
        %get3A_1304 = arith.constant 2 : i32
        %get3A_1305 = arith.index_cast %get3A_1302 : i32 to index
        %get3A_1306 = arith.index_cast %scan3A_365 : i32 to index
        %get3A_1307 = arith.index_cast %get3A_1303 : i32 to index
        %get3A_1308 = arith.index_cast %get3A_1304 : i32 to index
        %get3A_1309 = arith.constant 48 : index
        %get3A_1310 = tpu.vector_load %arg4[%get3A_1305, %get3A_1306, %get3A_1307, %get3A_1308, %get3A_1309] {strides = array<i32>} : memref<2x14x3x8x128xf32, #tpu.memory_space<vmem>>, vector<1x1x1x1x16xf32>,
        %get3A_1311 = vector.shape_cast %get3A_1310 : vector<1x1x1x1x16xf32> to vector<16xf32>
        %add3A_1312 = arith.addf %add3A_1224, %get3A_1311 : vector<16xf32>
        %get3A_1313 = arith.constant 0 : i32
        %get3A_1314 = arith.constant 1 : i32
        %get3A_1315 = arith.constant 2 : i32
        %get3A_1316 = arith.index_cast %get3A_1313 : i32 to index
        %get3A_1317 = arith.index_cast %scan3A_365 : i32 to index
        %get3A_1318 = arith.index_cast %get3A_1314 : i32 to index
        %get3A_1319 = arith.index_cast %get3A_1315 : i32 to index
        %get3A_1320 = arith.constant 64 : index
        %get3A_1321 = tpu.vector_load %arg4[%get3A_1316, %get3A_1317, %get3A_1318, %get3A_1319, %get3A_1320] {strides = array<i32>} : memref<2x14x3x8x128xf32, #tpu.memory_space<vmem>>, vector<1x1x1x1x16xf32>,
        %get3A_1322 = vector.shape_cast %get3A_1321 : vector<1x1x1x1x16xf32> to vector<16xf32>
        %add3A_1323 = arith.addf %add3A_1235, %get3A_1322 : vector<16xf32>
        %get3A_1324 = arith.constant 0 : i32
        %get3A_1325 = arith.constant 1 : i32
        %get3A_1326 = arith.constant 2 : i32
        %get3A_1327 = arith.index_cast %get3A_1324 : i32 to index
        %get3A_1328 = arith.index_cast %scan3A_365 : i32 to index
        %get3A_1329 = arith.index_cast %get3A_1325 : i32 to index
        %get3A_1330 = arith.index_cast %get3A_1326 : i32 to index
        %get3A_1331 = arith.constant 80 : index
        %get3A_1332 = tpu.vector_load %arg4[%get3A_1327, %get3A_1328, %get3A_1329, %get3A_1330, %get3A_1331] {strides = array<i32>} : memref<2x14x3x8x128xf32, #tpu.memory_space<vmem>>, vector<1x1x1x1x16xf32>,
        %get3A_1333 = vector.shape_cast %get3A_1332 : vector<1x1x1x1x16xf32> to vector<16xf32>
        %add3A_1334 = arith.addf %add3A_1246, %get3A_1333 : vector<16xf32>
        %get3A_1335 = arith.constant 0 : i32
        %get3A_1336 = arith.constant 1 : i32
        %get3A_1337 = arith.constant 2 : i32
        %get3A_1338 = arith.index_cast %get3A_1335 : i32 to index
        %get3A_1339 = arith.index_cast %scan3A_365 : i32 to index
        %get3A_1340 = arith.index_cast %get3A_1336 : i32 to index
        %get3A_1341 = arith.index_cast %get3A_1337 : i32 to index
        %get3A_1342 = arith.constant 96 : index
        %get3A_1343 = tpu.vector_load %arg4[%get3A_1338, %get3A_1339, %get3A_1340, %get3A_1341, %get3A_1342] {strides = array<i32>} : memref<2x14x3x8x128xf32, #tpu.memory_space<vmem>>, vector<1x1x1x1x16xf32>,
        %get3A_1344 = vector.shape_cast %get3A_1343 : vector<1x1x1x1x16xf32> to vector<16xf32>
        %add3A_1345 = arith.addf %add3A_1257, %get3A_1344 : vector<16xf32>
        %get3A_1346 = arith.constant 0 : i32
        %get3A_1347 = arith.constant 1 : i32
        %get3A_1348 = arith.constant 2 : i32
        %get3A_1349 = arith.index_cast %get3A_1346 : i32 to index
        %get3A_1350 = arith.index_cast %scan3A_365 : i32 to index
        %get3A_1351 = arith.index_cast %get3A_1347 : i32 to index
        %get3A_1352 = arith.index_cast %get3A_1348 : i32 to index
        %get3A_1353 = arith.constant 112 : index
        %get3A_1354 = tpu.vector_load %arg4[%get3A_1349, %get3A_1350, %get3A_1351, %get3A_1352, %get3A_1353] {strides = array<i32>} : memref<2x14x3x8x128xf32, #tpu.memory_space<vmem>>, vector<1x1x1x1x16xf32>,
        %get3A_1355 = vector.shape_cast %get3A_1354 : vector<1x1x1x1x16xf32> to vector<16xf32>
        %add3A_1356 = arith.addf %add3A_1268, %get3A_1355 : vector<16xf32>
        %get3A_1357 = arith.constant 0 : i32
        %get3A_1358 = arith.constant 1 : i32
        %get3A_1359 = arith.constant 3 : i32
        %get3A_1360 = arith.index_cast %get3A_1357 : i32 to index
        %get3A_1361 = arith.index_cast %scan3A_365 : i32 to index
        %get3A_1362 = arith.index_cast %get3A_1358 : i32 to index
        %get3A_1363 = arith.index_cast %get3A_1359 : i32 to index
        %get3A_1364 = arith.constant 0 : index
        %get3A_1365 = tpu.vector_load %arg4[%get3A_1360, %get3A_1361, %get3A_1362, %get3A_1363, %get3A_1364] {strides = array<i32>} : memref<2x14x3x8x128xf32, #tpu.memory_space<vmem>>, vector<1x1x1x1x16xf32>,
        %get3A_1366 = vector.shape_cast %get3A_1365 : vector<1x1x1x1x16xf32> to vector<16xf32>
        %add3A_1367 = arith.addf %add3A_1279, %get3A_1366 : vector<16xf32>
        %get3A_1368 = arith.constant 0 : i32
        %get3A_1369 = arith.constant 1 : i32
        %get3A_1370 = arith.constant 3 : i32
        %get3A_1371 = arith.index_cast %get3A_1368 : i32 to index
        %get3A_1372 = arith.index_cast %scan3A_365 : i32 to index
        %get3A_1373 = arith.index_cast %get3A_1369 : i32 to index
        %get3A_1374 = arith.index_cast %get3A_1370 : i32 to index
        %get3A_1375 = arith.constant 16 : index
        %get3A_1376 = tpu.vector_load %arg4[%get3A_1371, %get3A_1372, %get3A_1373, %get3A_1374, %get3A_1375] {strides = array<i32>} : memref<2x14x3x8x128xf32, #tpu.memory_space<vmem>>, vector<1x1x1x1x16xf32>,
        %get3A_1377 = vector.shape_cast %get3A_1376 : vector<1x1x1x1x16xf32> to vector<16xf32>
        %add3A_1378 = arith.addf %add3A_1290, %get3A_1377 : vector<16xf32>
        %get3A_1379 = arith.constant 0 : i32
        %get3A_1380 = arith.constant 1 : i32
        %get3A_1381 = arith.constant 3 : i32
        %get3A_1382 = arith.index_cast %get3A_1379 : i32 to index
        %get3A_1383 = arith.index_cast %scan3A_365 : i32 to index
        %get3A_1384 = arith.index_cast %get3A_1380 : i32 to index
        %get3A_1385 = arith.index_cast %get3A_1381 : i32 to index
        %get3A_1386 = arith.constant 32 : index
        %get3A_1387 = tpu.vector_load %arg4[%get3A_1382, %get3A_1383, %get3A_1384, %get3A_1385, %get3A_1386] {strides = array<i32>} : memref<2x14x3x8x128xf32, #tpu.memory_space<vmem>>, vector<1x1x1x1x16xf32>,
        %get3A_1388 = vector.shape_cast %get3A_1387 : vector<1x1x1x1x16xf32> to vector<16xf32>
        %add3A_1389 = arith.addf %add3A_1301, %get3A_1388 : vector<16xf32>
        %get3A_1390 = arith.constant 0 : i32
        %get3A_1391 = arith.constant 1 : i32
        %get3A_1392 = arith.constant 3 : i32
        %get3A_1393 = arith.index_cast %get3A_1390 : i32 to index
        %get3A_1394 = arith.index_cast %scan3A_365 : i32 to index
        %get3A_1395 = arith.index_cast %get3A_1391 : i32 to index
        %get3A_1396 = arith.index_cast %get3A_1392 : i32 to index
        %get3A_1397 = arith.constant 48 : index
        %get3A_1398 = tpu.vector_load %arg4[%get3A_1393, %get3A_1394, %get3A_1395, %get3A_1396, %get3A_1397] {strides = array<i32>} : memref<2x14x3x8x128xf32, #tpu.memory_space<vmem>>, vector<1x1x1x1x16xf32>,
        %get3A_1399 = vector.shape_cast %get3A_1398 : vector<1x1x1x1x16xf32> to vector<16xf32>
        %add3A_1400 = arith.addf %add3A_1312, %get3A_1399 : vector<16xf32>
        %get3A_1401 = arith.constant 0 : i32
        %get3A_1402 = arith.constant 1 : i32
        %get3A_1403 = arith.constant 3 : i32
        %get3A_1404 = arith.index_cast %get3A_1401 : i32 to index
        %get3A_1405 = arith.index_cast %scan3A_365 : i32 to index
        %get3A_1406 = arith.index_cast %get3A_1402 : i32 to index
        %get3A_1407 = arith.index_cast %get3A_1403 : i32 to index
        %get3A_1408 = arith.constant 64 : index
        %get3A_1409 = tpu.vector_load %arg4[%get3A_1404, %get3A_1405, %get3A_1406, %get3A_1407, %get3A_1408] {strides = array<i32>} : memref<2x14x3x8x128xf32, #tpu.memory_space<vmem>>, vector<1x1x1x1x16xf32>,
        %get3A_1410 = vector.shape_cast %get3A_1409 : vector<1x1x1x1x16xf32> to vector<16xf32>
        %add3A_1411 = arith.addf %add3A_1323, %get3A_1410 : vector<16xf32>
        %get3A_1412 = arith.constant 0 : i32
        %get3A_1413 = arith.constant 1 : i32
        %get3A_1414 = arith.constant 3 : i32
        %get3A_1415 = arith.index_cast %get3A_1412 : i32 to index
        %get3A_1416 = arith.index_cast %scan3A_365 : i32 to index
        %get3A_1417 = arith.index_cast %get3A_1413 : i32 to index
        %get3A_1418 = arith.index_cast %get3A_1414 : i32 to index
        %get3A_1419 = arith.constant 80 : index
        %get3A_1420 = tpu.vector_load %arg4[%get3A_1415, %get3A_1416, %get3A_1417, %get3A_1418, %get3A_1419] {strides = array<i32>} : memref<2x14x3x8x128xf32, #tpu.memory_space<vmem>>, vector<1x1x1x1x16xf32>,
        %get3A_1421 = vector.shape_cast %get3A_1420 : vector<1x1x1x1x16xf32> to vector<16xf32>
        %add3A_1422 = arith.addf %add3A_1334, %get3A_1421 : vector<16xf32>
        %get3A_1423 = arith.constant 0 : i32
        %get3A_1424 = arith.constant 1 : i32
        %get3A_1425 = arith.constant 3 : i32
        %get3A_1426 = arith.index_cast %get3A_1423 : i32 to index
        %get3A_1427 = arith.index_cast %scan3A_365 : i32 to index
        %get3A_1428 = arith.index_cast %get3A_1424 : i32 to index
        %get3A_1429 = arith.index_cast %get3A_1425 : i32 to index
        %get3A_1430 = arith.constant 96 : index
        %get3A_1431 = tpu.vector_load %arg4[%get3A_1426, %get3A_1427, %get3A_1428, %get3A_1429, %get3A_1430] {strides = array<i32>} : memref<2x14x3x8x128xf32, #tpu.memory_space<vmem>>, vector<1x1x1x1x16xf32>,
        %get3A_1432 = vector.shape_cast %get3A_1431 : vector<1x1x1x1x16xf32> to vector<16xf32>
        %add3A_1433 = arith.addf %add3A_1345, %get3A_1432 : vector<16xf32>
        %get3A_1434 = arith.constant 0 : i32
        %get3A_1435 = arith.constant 1 : i32
        %get3A_1436 = arith.constant 3 : i32
        %get3A_1437 = arith.index_cast %get3A_1434 : i32 to index
        %get3A_1438 = arith.index_cast %scan3A_365 : i32 to index
        %get3A_1439 = arith.index_cast %get3A_1435 : i32 to index
        %get3A_1440 = arith.index_cast %get3A_1436 : i32 to index
        %get3A_1441 = arith.constant 112 : index
        %get3A_1442 = tpu.vector_load %arg4[%get3A_1437, %get3A_1438, %get3A_1439, %get3A_1440, %get3A_1441] {strides = array<i32>} : memref<2x14x3x8x128xf32, #tpu.memory_space<vmem>>, vector<1x1x1x1x16xf32>,
        %get3A_1443 = vector.shape_cast %get3A_1442 : vector<1x1x1x1x16xf32> to vector<16xf32>
        %add3A_1444 = arith.addf %add3A_1356, %get3A_1443 : vector<16xf32>
        %get3A_1445 = arith.constant 0 : i32
        %get3A_1446 = arith.constant 1 : i32
        %get3A_1447 = arith.constant 4 : i32
        %get3A_1448 = arith.index_cast %get3A_1445 : i32 to index
        %get3A_1449 = arith.index_cast %scan3A_365 : i32 to index
        %get3A_1450 = arith.index_cast %get3A_1446 : i32 to index
        %get3A_1451 = arith.index_cast %get3A_1447 : i32 to index
        %get3A_1452 = arith.constant 0 : index
        %get3A_1453 = tpu.vector_load %arg4[%get3A_1448, %get3A_1449, %get3A_1450, %get3A_1451, %get3A_1452] {strides = array<i32>} : memref<2x14x3x8x128xf32, #tpu.memory_space<vmem>>, vector<1x1x1x1x16xf32>,
        %get3A_1454 = vector.shape_cast %get3A_1453 : vector<1x1x1x1x16xf32> to vector<16xf32>
        %add3A_1455 = arith.addf %add3A_1367, %get3A_1454 : vector<16xf32>
        %get3A_1456 = arith.constant 0 : i32
        %get3A_1457 = arith.constant 1 : i32
        %get3A_1458 = arith.constant 4 : i32
        %get3A_1459 = arith.index_cast %get3A_1456 : i32 to index
        %get3A_1460 = arith.index_cast %scan3A_365 : i32 to index
        %get3A_1461 = arith.index_cast %get3A_1457 : i32 to index
        %get3A_1462 = arith.index_cast %get3A_1458 : i32 to index
        %get3A_1463 = arith.constant 16 : index
        %get3A_1464 = tpu.vector_load %arg4[%get3A_1459, %get3A_1460, %get3A_1461, %get3A_1462, %get3A_1463] {strides = array<i32>} : memref<2x14x3x8x128xf32, #tpu.memory_space<vmem>>, vector<1x1x1x1x16xf32>,
        %get3A_1465 = vector.shape_cast %get3A_1464 : vector<1x1x1x1x16xf32> to vector<16xf32>
        %add3A_1466 = arith.addf %add3A_1378, %get3A_1465 : vector<16xf32>
        %get3A_1467 = arith.constant 0 : i32
        %get3A_1468 = arith.constant 1 : i32
        %get3A_1469 = arith.constant 4 : i32
        %get3A_1470 = arith.index_cast %get3A_1467 : i32 to index
        %get3A_1471 = arith.index_cast %scan3A_365 : i32 to index
        %get3A_1472 = arith.index_cast %get3A_1468 : i32 to index
        %get3A_1473 = arith.index_cast %get3A_1469 : i32 to index
        %get3A_1474 = arith.constant 32 : index
        %get3A_1475 = tpu.vector_load %arg4[%get3A_1470, %get3A_1471, %get3A_1472, %get3A_1473, %get3A_1474] {strides = array<i32>} : memref<2x14x3x8x128xf32, #tpu.memory_space<vmem>>, vector<1x1x1x1x16xf32>,
        %get3A_1476 = vector.shape_cast %get3A_1475 : vector<1x1x1x1x16xf32> to vector<16xf32>
        %add3A_1477 = arith.addf %add3A_1389, %get3A_1476 : vector<16xf32>
        %get3A_1478 = arith.constant 0 : i32
        %get3A_1479 = arith.constant 1 : i32
        %get3A_1480 = arith.constant 4 : i32
        %get3A_1481 = arith.index_cast %get3A_1478 : i32 to index
        %get3A_1482 = arith.index_cast %scan3A_365 : i32 to index
        %get3A_1483 = arith.index_cast %get3A_1479 : i32 to index
        %get3A_1484 = arith.index_cast %get3A_1480 : i32 to index
        %get3A_1485 = arith.constant 48 : index
        %get3A_1486 = tpu.vector_load %arg4[%get3A_1481, %get3A_1482, %get3A_1483, %get3A_1484, %get3A_1485] {strides = array<i32>} : memref<2x14x3x8x128xf32, #tpu.memory_space<vmem>>, vector<1x1x1x1x16xf32>,
        %get3A_1487 = vector.shape_cast %get3A_1486 : vector<1x1x1x1x16xf32> to vector<16xf32>
        %add3A_1488 = arith.addf %add3A_1400, %get3A_1487 : vector<16xf32>
        %get3A_1489 = arith.constant 0 : i32
        %get3A_1490 = arith.constant 1 : i32
        %get3A_1491 = arith.constant 4 : i32
        %get3A_1492 = arith.index_cast %get3A_1489 : i32 to index
        %get3A_1493 = arith.index_cast %scan3A_365 : i32 to index
        %get3A_1494 = arith.index_cast %get3A_1490 : i32 to index
        %get3A_1495 = arith.index_cast %get3A_1491 : i32 to index
        %get3A_1496 = arith.constant 64 : index
        %get3A_1497 = tpu.vector_load %arg4[%get3A_1492, %get3A_1493, %get3A_1494, %get3A_1495, %get3A_1496] {strides = array<i32>} : memref<2x14x3x8x128xf32, #tpu.memory_space<vmem>>, vector<1x1x1x1x16xf32>,
        %get3A_1498 = vector.shape_cast %get3A_1497 : vector<1x1x1x1x16xf32> to vector<16xf32>
        %add3A_1499 = arith.addf %add3A_1411, %get3A_1498 : vector<16xf32>
        %get3A_1500 = arith.constant 0 : i32
        %get3A_1501 = arith.constant 1 : i32
        %get3A_1502 = arith.constant 4 : i32
        %get3A_1503 = arith.index_cast %get3A_1500 : i32 to index
        %get3A_1504 = arith.index_cast %scan3A_365 : i32 to index
        %get3A_1505 = arith.index_cast %get3A_1501 : i32 to index
        %get3A_1506 = arith.index_cast %get3A_1502 : i32 to index
        %get3A_1507 = arith.constant 80 : index
        %get3A_1508 = tpu.vector_load %arg4[%get3A_1503, %get3A_1504, %get3A_1505, %get3A_1506, %get3A_1507] {strides = array<i32>} : memref<2x14x3x8x128xf32, #tpu.memory_space<vmem>>, vector<1x1x1x1x16xf32>,
        %get3A_1509 = vector.shape_cast %get3A_1508 : vector<1x1x1x1x16xf32> to vector<16xf32>
        %add3A_1510 = arith.addf %add3A_1422, %get3A_1509 : vector<16xf32>
        %get3A_1511 = arith.constant 0 : i32
        %get3A_1512 = arith.constant 1 : i32
        %get3A_1513 = arith.constant 4 : i32
        %get3A_1514 = arith.index_cast %get3A_1511 : i32 to index
        %get3A_1515 = arith.index_cast %scan3A_365 : i32 to index
        %get3A_1516 = arith.index_cast %get3A_1512 : i32 to index
        %get3A_1517 = arith.index_cast %get3A_1513 : i32 to index
        %get3A_1518 = arith.constant 96 : index
        %get3A_1519 = tpu.vector_load %arg4[%get3A_1514, %get3A_1515, %get3A_1516, %get3A_1517, %get3A_1518] {strides = array<i32>} : memref<2x14x3x8x128xf32, #tpu.memory_space<vmem>>, vector<1x1x1x1x16xf32>,
        %get3A_1520 = vector.shape_cast %get3A_1519 : vector<1x1x1x1x16xf32> to vector<16xf32>
        %add3A_1521 = arith.addf %add3A_1433, %get3A_1520 : vector<16xf32>
        %get3A_1522 = arith.constant 0 : i32
        %get3A_1523 = arith.constant 1 : i32
        %get3A_1524 = arith.constant 4 : i32
        %get3A_1525 = arith.index_cast %get3A_1522 : i32 to index
        %get3A_1526 = arith.index_cast %scan3A_365 : i32 to index
        %get3A_1527 = arith.index_cast %get3A_1523 : i32 to index
        %get3A_1528 = arith.index_cast %get3A_1524 : i32 to index
        %get3A_1529 = arith.constant 112 : index
        %get3A_1530 = tpu.vector_load %arg4[%get3A_1525, %get3A_1526, %get3A_1527, %get3A_1528, %get3A_1529] {strides = array<i32>} : memref<2x14x3x8x128xf32, #tpu.memory_space<vmem>>, vector<1x1x1x1x16xf32>,
        %get3A_1531 = vector.shape_cast %get3A_1530 : vector<1x1x1x1x16xf32> to vector<16xf32>
        %add3A_1532 = arith.addf %add3A_1444, %get3A_1531 : vector<16xf32>
        %get3A_1533 = arith.constant 0 : i32
        %get3A_1534 = arith.constant 1 : i32
        %get3A_1535 = arith.constant 5 : i32
        %get3A_1536 = arith.index_cast %get3A_1533 : i32 to index
        %get3A_1537 = arith.index_cast %scan3A_365 : i32 to index
        %get3A_1538 = arith.index_cast %get3A_1534 : i32 to index
        %get3A_1539 = arith.index_cast %get3A_1535 : i32 to index
        %get3A_1540 = arith.constant 0 : index
        %get3A_1541 = tpu.vector_load %arg4[%get3A_1536, %get3A_1537, %get3A_1538, %get3A_1539, %get3A_1540] {strides = array<i32>} : memref<2x14x3x8x128xf32, #tpu.memory_space<vmem>>, vector<1x1x1x1x16xf32>,
        %get3A_1542 = vector.shape_cast %get3A_1541 : vector<1x1x1x1x16xf32> to vector<16xf32>
        %add3A_1543 = arith.addf %add3A_1455, %get3A_1542 : vector<16xf32>
        %get3A_1544 = arith.constant 0 : i32
        %get3A_1545 = arith.constant 1 : i32
        %get3A_1546 = arith.constant 5 : i32
        %get3A_1547 = arith.index_cast %get3A_1544 : i32 to index
        %get3A_1548 = arith.index_cast %scan3A_365 : i32 to index
        %get3A_1549 = arith.index_cast %get3A_1545 : i32 to index
        %get3A_1550 = arith.index_cast %get3A_1546 : i32 to index
        %get3A_1551 = arith.constant 16 : index
        %get3A_1552 = tpu.vector_load %arg4[%get3A_1547, %get3A_1548, %get3A_1549, %get3A_1550, %get3A_1551] {strides = array<i32>} : memref<2x14x3x8x128xf32, #tpu.memory_space<vmem>>, vector<1x1x1x1x16xf32>,
        %get3A_1553 = vector.shape_cast %get3A_1552 : vector<1x1x1x1x16xf32> to vector<16xf32>
        %add3A_1554 = arith.addf %add3A_1466, %get3A_1553 : vector<16xf32>
        %get3A_1555 = arith.constant 0 : i32
        %get3A_1556 = arith.constant 1 : i32
        %get3A_1557 = arith.constant 5 : i32
        %get3A_1558 = arith.index_cast %get3A_1555 : i32 to index
        %get3A_1559 = arith.index_cast %scan3A_365 : i32 to index
        %get3A_1560 = arith.index_cast %get3A_1556 : i32 to index
        %get3A_1561 = arith.index_cast %get3A_1557 : i32 to index
        %get3A_1562 = arith.constant 32 : index
        %get3A_1563 = tpu.vector_load %arg4[%get3A_1558, %get3A_1559, %get3A_1560, %get3A_1561, %get3A_1562] {strides = array<i32>} : memref<2x14x3x8x128xf32, #tpu.memory_space<vmem>>, vector<1x1x1x1x16xf32>,
        %get3A_1564 = vector.shape_cast %get3A_1563 : vector<1x1x1x1x16xf32> to vector<16xf32>
        %add3A_1565 = arith.addf %add3A_1477, %get3A_1564 : vector<16xf32>
        %get3A_1566 = arith.constant 0 : i32
        %get3A_1567 = arith.constant 1 : i32
        %get3A_1568 = arith.constant 5 : i32
        %get3A_1569 = arith.index_cast %get3A_1566 : i32 to index
        %get3A_1570 = arith.index_cast %scan3A_365 : i32 to index
        %get3A_1571 = arith.index_cast %get3A_1567 : i32 to index
        %get3A_1572 = arith.index_cast %get3A_1568 : i32 to index
        %get3A_1573 = arith.constant 48 : index
        %get3A_1574 = tpu.vector_load %arg4[%get3A_1569, %get3A_1570, %get3A_1571, %get3A_1572, %get3A_1573] {strides = array<i32>} : memref<2x14x3x8x128xf32, #tpu.memory_space<vmem>>, vector<1x1x1x1x16xf32>,
        %get3A_1575 = vector.shape_cast %get3A_1574 : vector<1x1x1x1x16xf32> to vector<16xf32>
        %add3A_1576 = arith.addf %add3A_1488, %get3A_1575 : vector<16xf32>
        %get3A_1577 = arith.constant 0 : i32
        %get3A_1578 = arith.constant 1 : i32
        %get3A_1579 = arith.constant 5 : i32
        %get3A_1580 = arith.index_cast %get3A_1577 : i32 to index
        %get3A_1581 = arith.index_cast %scan3A_365 : i32 to index
        %get3A_1582 = arith.index_cast %get3A_1578 : i32 to index
        %get3A_1583 = arith.index_cast %get3A_1579 : i32 to index
        %get3A_1584 = arith.constant 64 : index
        %get3A_1585 = tpu.vector_load %arg4[%get3A_1580, %get3A_1581, %get3A_1582, %get3A_1583, %get3A_1584] {strides = array<i32>} : memref<2x14x3x8x128xf32, #tpu.memory_space<vmem>>, vector<1x1x1x1x16xf32>,
        %get3A_1586 = vector.shape_cast %get3A_1585 : vector<1x1x1x1x16xf32> to vector<16xf32>
        %add3A_1587 = arith.addf %add3A_1499, %get3A_1586 : vector<16xf32>
        %get3A_1588 = arith.constant 0 : i32
        %get3A_1589 = arith.constant 1 : i32
        %get3A_1590 = arith.constant 5 : i32
        %get3A_1591 = arith.index_cast %get3A_1588 : i32 to index
        %get3A_1592 = arith.index_cast %scan3A_365 : i32 to index
        %get3A_1593 = arith.index_cast %get3A_1589 : i32 to index
        %get3A_1594 = arith.index_cast %get3A_1590 : i32 to index
        %get3A_1595 = arith.constant 80 : index
        %get3A_1596 = tpu.vector_load %arg4[%get3A_1591, %get3A_1592, %get3A_1593, %get3A_1594, %get3A_1595] {strides = array<i32>} : memref<2x14x3x8x128xf32, #tpu.memory_space<vmem>>, vector<1x1x1x1x16xf32>,
        %get3A_1597 = vector.shape_cast %get3A_1596 : vector<1x1x1x1x16xf32> to vector<16xf32>
        %add3A_1598 = arith.addf %add3A_1510, %get3A_1597 : vector<16xf32>
        %get3A_1599 = arith.constant 0 : i32
        %get3A_1600 = arith.constant 1 : i32
        %get3A_1601 = arith.constant 5 : i32
        %get3A_1602 = arith.index_cast %get3A_1599 : i32 to index
        %get3A_1603 = arith.index_cast %scan3A_365 : i32 to index
        %get3A_1604 = arith.index_cast %get3A_1600 : i32 to index
        %get3A_1605 = arith.index_cast %get3A_1601 : i32 to index
        %get3A_1606 = arith.constant 96 : index
        %get3A_1607 = tpu.vector_load %arg4[%get3A_1602, %get3A_1603, %get3A_1604, %get3A_1605, %get3A_1606] {strides = array<i32>} : memref<2x14x3x8x128xf32, #tpu.memory_space<vmem>>, vector<1x1x1x1x16xf32>,
        %get3A_1608 = vector.shape_cast %get3A_1607 : vector<1x1x1x1x16xf32> to vector<16xf32>
        %add3A_1609 = arith.addf %add3A_1521, %get3A_1608 : vector<16xf32>
        %get3A_1610 = arith.constant 0 : i32
        %get3A_1611 = arith.constant 1 : i32
        %get3A_1612 = arith.constant 5 : i32
        %get3A_1613 = arith.index_cast %get3A_1610 : i32 to index
        %get3A_1614 = arith.index_cast %scan3A_365 : i32 to index
        %get3A_1615 = arith.index_cast %get3A_1611 : i32 to index
        %get3A_1616 = arith.index_cast %get3A_1612 : i32 to index
        %get3A_1617 = arith.constant 112 : index
        %get3A_1618 = tpu.vector_load %arg4[%get3A_1613, %get3A_1614, %get3A_1615, %get3A_1616, %get3A_1617] {strides = array<i32>} : memref<2x14x3x8x128xf32, #tpu.memory_space<vmem>>, vector<1x1x1x1x16xf32>,
        %get3A_1619 = vector.shape_cast %get3A_1618 : vector<1x1x1x1x16xf32> to vector<16xf32>
        %add3A_1620 = arith.addf %add3A_1532, %get3A_1619 : vector<16xf32>
        %get3A_1621 = arith.constant 0 : i32
        %get3A_1622 = arith.constant 1 : i32
        %get3A_1623 = arith.constant 6 : i32
        %get3A_1624 = arith.index_cast %get3A_1621 : i32 to index
        %get3A_1625 = arith.index_cast %scan3A_365 : i32 to index
        %get3A_1626 = arith.index_cast %get3A_1622 : i32 to index
        %get3A_1627 = arith.index_cast %get3A_1623 : i32 to index
        %get3A_1628 = arith.constant 0 : index
        %get3A_1629 = tpu.vector_load %arg4[%get3A_1624, %get3A_1625, %get3A_1626, %get3A_1627, %get3A_1628] {strides = array<i32>} : memref<2x14x3x8x128xf32, #tpu.memory_space<vmem>>, vector<1x1x1x1x16xf32>,
        %get3A_1630 = vector.shape_cast %get3A_1629 : vector<1x1x1x1x16xf32> to vector<16xf32>
        %add3A_1631 = arith.addf %add3A_1543, %get3A_1630 : vector<16xf32>
        %get3A_1632 = arith.constant 0 : i32
        %get3A_1633 = arith.constant 1 : i32
        %get3A_1634 = arith.constant 6 : i32
        %get3A_1635 = arith.index_cast %get3A_1632 : i32 to index
        %get3A_1636 = arith.index_cast %scan3A_365 : i32 to index
        %get3A_1637 = arith.index_cast %get3A_1633 : i32 to index
        %get3A_1638 = arith.index_cast %get3A_1634 : i32 to index
        %get3A_1639 = arith.constant 16 : index
        %get3A_1640 = tpu.vector_load %arg4[%get3A_1635, %get3A_1636, %get3A_1637, %get3A_1638, %get3A_1639] {strides = array<i32>} : memref<2x14x3x8x128xf32, #tpu.memory_space<vmem>>, vector<1x1x1x1x16xf32>,
        %get3A_1641 = vector.shape_cast %get3A_1640 : vector<1x1x1x1x16xf32> to vector<16xf32>
        %add3A_1642 = arith.addf %add3A_1554, %get3A_1641 : vector<16xf32>
        %get3A_1643 = arith.constant 0 : i32
        %get3A_1644 = arith.constant 1 : i32
        %get3A_1645 = arith.constant 6 : i32
        %get3A_1646 = arith.index_cast %get3A_1643 : i32 to index
        %get3A_1647 = arith.index_cast %scan3A_365 : i32 to index
        %get3A_1648 = arith.index_cast %get3A_1644 : i32 to index
        %get3A_1649 = arith.index_cast %get3A_1645 : i32 to index
        %get3A_1650 = arith.constant 32 : index
        %get3A_1651 = tpu.vector_load %arg4[%get3A_1646, %get3A_1647, %get3A_1648, %get3A_1649, %get3A_1650] {strides = array<i32>} : memref<2x14x3x8x128xf32, #tpu.memory_space<vmem>>, vector<1x1x1x1x16xf32>,
        %get3A_1652 = vector.shape_cast %get3A_1651 : vector<1x1x1x1x16xf32> to vector<16xf32>
        %add3A_1653 = arith.addf %add3A_1565, %get3A_1652 : vector<16xf32>
        %get3A_1654 = arith.constant 0 : i32
        %get3A_1655 = arith.constant 1 : i32
        %get3A_1656 = arith.constant 6 : i32
        %get3A_1657 = arith.index_cast %get3A_1654 : i32 to index
        %get3A_1658 = arith.index_cast %scan3A_365 : i32 to index
        %get3A_1659 = arith.index_cast %get3A_1655 : i32 to index
        %get3A_1660 = arith.index_cast %get3A_1656 : i32 to index
        %get3A_1661 = arith.constant 48 : index
        %get3A_1662 = tpu.vector_load %arg4[%get3A_1657, %get3A_1658, %get3A_1659, %get3A_1660, %get3A_1661] {strides = array<i32>} : memref<2x14x3x8x128xf32, #tpu.memory_space<vmem>>, vector<1x1x1x1x16xf32>,
        %get3A_1663 = vector.shape_cast %get3A_1662 : vector<1x1x1x1x16xf32> to vector<16xf32>
        %add3A_1664 = arith.addf %add3A_1576, %get3A_1663 : vector<16xf32>
        %get3A_1665 = arith.constant 0 : i32
        %get3A_1666 = arith.constant 1 : i32
        %get3A_1667 = arith.constant 6 : i32
        %get3A_1668 = arith.index_cast %get3A_1665 : i32 to index
        %get3A_1669 = arith.index_cast %scan3A_365 : i32 to index
        %get3A_1670 = arith.index_cast %get3A_1666 : i32 to index
        %get3A_1671 = arith.index_cast %get3A_1667 : i32 to index
        %get3A_1672 = arith.constant 64 : index
        %get3A_1673 = tpu.vector_load %arg4[%get3A_1668, %get3A_1669, %get3A_1670, %get3A_1671, %get3A_1672] {strides = array<i32>} : memref<2x14x3x8x128xf32, #tpu.memory_space<vmem>>, vector<1x1x1x1x16xf32>,
        %get3A_1674 = vector.shape_cast %get3A_1673 : vector<1x1x1x1x16xf32> to vector<16xf32>
        %add3A_1675 = arith.addf %add3A_1587, %get3A_1674 : vector<16xf32>
        %get3A_1676 = arith.constant 0 : i32
        %get3A_1677 = arith.constant 1 : i32
        %get3A_1678 = arith.constant 6 : i32
        %get3A_1679 = arith.index_cast %get3A_1676 : i32 to index
        %get3A_1680 = arith.index_cast %scan3A_365 : i32 to index
        %get3A_1681 = arith.index_cast %get3A_1677 : i32 to index
        %get3A_1682 = arith.index_cast %get3A_1678 : i32 to index
        %get3A_1683 = arith.constant 80 : index
        %get3A_1684 = tpu.vector_load %arg4[%get3A_1679, %get3A_1680, %get3A_1681, %get3A_1682, %get3A_1683] {strides = array<i32>} : memref<2x14x3x8x128xf32, #tpu.memory_space<vmem>>, vector<1x1x1x1x16xf32>,
        %get3A_1685 = vector.shape_cast %get3A_1684 : vector<1x1x1x1x16xf32> to vector<16xf32>
        %add3A_1686 = arith.addf %add3A_1598, %get3A_1685 : vector<16xf32>
        %get3A_1687 = arith.constant 0 : i32
        %get3A_1688 = arith.constant 1 : i32
        %get3A_1689 = arith.constant 6 : i32
        %get3A_1690 = arith.index_cast %get3A_1687 : i32 to index
        %get3A_1691 = arith.index_cast %scan3A_365 : i32 to index
        %get3A_1692 = arith.index_cast %get3A_1688 : i32 to index
        %get3A_1693 = arith.index_cast %get3A_1689 : i32 to index
        %get3A_1694 = arith.constant 96 : index
        %get3A_1695 = tpu.vector_load %arg4[%get3A_1690, %get3A_1691, %get3A_1692, %get3A_1693, %get3A_1694] {strides = array<i32>} : memref<2x14x3x8x128xf32, #tpu.memory_space<vmem>>, vector<1x1x1x1x16xf32>,
        %get3A_1696 = vector.shape_cast %get3A_1695 : vector<1x1x1x1x16xf32> to vector<16xf32>
        %add3A_1697 = arith.addf %add3A_1609, %get3A_1696 : vector<16xf32>
        %get3A_1698 = arith.constant 0 : i32
        %get3A_1699 = arith.constant 1 : i32
        %get3A_1700 = arith.constant 6 : i32
        %get3A_1701 = arith.index_cast %get3A_1698 : i32 to index
        %get3A_1702 = arith.index_cast %scan3A_365 : i32 to index
        %get3A_1703 = arith.index_cast %get3A_1699 : i32 to index
        %get3A_1704 = arith.index_cast %get3A_1700 : i32 to index
        %get3A_1705 = arith.constant 112 : index
        %get3A_1706 = tpu.vector_load %arg4[%get3A_1701, %get3A_1702, %get3A_1703, %get3A_1704, %get3A_1705] {strides = array<i32>} : memref<2x14x3x8x128xf32, #tpu.memory_space<vmem>>, vector<1x1x1x1x16xf32>,
        %get3A_1707 = vector.shape_cast %get3A_1706 : vector<1x1x1x1x16xf32> to vector<16xf32>
        %add3A_1708 = arith.addf %add3A_1620, %get3A_1707 : vector<16xf32>
        %get3A_1709 = arith.constant 0 : i32
        %get3A_1710 = arith.constant 1 : i32
        %get3A_1711 = arith.constant 7 : i32
        %get3A_1712 = arith.index_cast %get3A_1709 : i32 to index
        %get3A_1713 = arith.index_cast %scan3A_365 : i32 to index
        %get3A_1714 = arith.index_cast %get3A_1710 : i32 to index
        %get3A_1715 = arith.index_cast %get3A_1711 : i32 to index
        %get3A_1716 = arith.constant 0 : index
        %get3A_1717 = tpu.vector_load %arg4[%get3A_1712, %get3A_1713, %get3A_1714, %get3A_1715, %get3A_1716] {strides = array<i32>} : memref<2x14x3x8x128xf32, #tpu.memory_space<vmem>>, vector<1x1x1x1x16xf32>,
        %get3A_1718 = vector.shape_cast %get3A_1717 : vector<1x1x1x1x16xf32> to vector<16xf32>
        %add3A_1719 = arith.addf %add3A_1631, %get3A_1718 : vector<16xf32>
        %get3A_1720 = arith.constant 0 : i32
        %get3A_1721 = arith.constant 1 : i32
        %get3A_1722 = arith.constant 7 : i32
        %get3A_1723 = arith.index_cast %get3A_1720 : i32 to index
        %get3A_1724 = arith.index_cast %scan3A_365 : i32 to index
        %get3A_1725 = arith.index_cast %get3A_1721 : i32 to index
        %get3A_1726 = arith.index_cast %get3A_1722 : i32 to index
        %get3A_1727 = arith.constant 16 : index
        %get3A_1728 = tpu.vector_load %arg4[%get3A_1723, %get3A_1724, %get3A_1725, %get3A_1726, %get3A_1727] {strides = array<i32>} : memref<2x14x3x8x128xf32, #tpu.memory_space<vmem>>, vector<1x1x1x1x16xf32>,
        %get3A_1729 = vector.shape_cast %get3A_1728 : vector<1x1x1x1x16xf32> to vector<16xf32>
        %add3A_1730 = arith.addf %add3A_1642, %get3A_1729 : vector<16xf32>
        %get3A_1731 = arith.constant 0 : i32
        %get3A_1732 = arith.constant 1 : i32
        %get3A_1733 = arith.constant 7 : i32
        %get3A_1734 = arith.index_cast %get3A_1731 : i32 to index
        %get3A_1735 = arith.index_cast %scan3A_365 : i32 to index
        %get3A_1736 = arith.index_cast %get3A_1732 : i32 to index
        %get3A_1737 = arith.index_cast %get3A_1733 : i32 to index
        %get3A_1738 = arith.constant 32 : index
        %get3A_1739 = tpu.vector_load %arg4[%get3A_1734, %get3A_1735, %get3A_1736, %get3A_1737, %get3A_1738] {strides = array<i32>} : memref<2x14x3x8x128xf32, #tpu.memory_space<vmem>>, vector<1x1x1x1x16xf32>,
        %get3A_1740 = vector.shape_cast %get3A_1739 : vector<1x1x1x1x16xf32> to vector<16xf32>
        %add3A_1741 = arith.addf %add3A_1653, %get3A_1740 : vector<16xf32>
        %get3A_1742 = arith.constant 0 : i32
        %get3A_1743 = arith.constant 1 : i32
        %get3A_1744 = arith.constant 7 : i32
        %get3A_1745 = arith.index_cast %get3A_1742 : i32 to index
        %get3A_1746 = arith.index_cast %scan3A_365 : i32 to index
        %get3A_1747 = arith.index_cast %get3A_1743 : i32 to index
        %get3A_1748 = arith.index_cast %get3A_1744 : i32 to index
        %get3A_1749 = arith.constant 48 : index
        %get3A_1750 = tpu.vector_load %arg4[%get3A_1745, %get3A_1746, %get3A_1747, %get3A_1748, %get3A_1749] {strides = array<i32>} : memref<2x14x3x8x128xf32, #tpu.memory_space<vmem>>, vector<1x1x1x1x16xf32>,
        %get3A_1751 = vector.shape_cast %get3A_1750 : vector<1x1x1x1x16xf32> to vector<16xf32>
        %add3A_1752 = arith.addf %add3A_1664, %get3A_1751 : vector<16xf32>
        %get3A_1753 = arith.constant 0 : i32
        %get3A_1754 = arith.constant 1 : i32
        %get3A_1755 = arith.constant 7 : i32
        %get3A_1756 = arith.index_cast %get3A_1753 : i32 to index
        %get3A_1757 = arith.index_cast %scan3A_365 : i32 to index
        %get3A_1758 = arith.index_cast %get3A_1754 : i32 to index
        %get3A_1759 = arith.index_cast %get3A_1755 : i32 to index
        %get3A_1760 = arith.constant 64 : index
        %get3A_1761 = tpu.vector_load %arg4[%get3A_1756, %get3A_1757, %get3A_1758, %get3A_1759, %get3A_1760] {strides = array<i32>} : memref<2x14x3x8x128xf32, #tpu.memory_space<vmem>>, vector<1x1x1x1x16xf32>,
        %get3A_1762 = vector.shape_cast %get3A_1761 : vector<1x1x1x1x16xf32> to vector<16xf32>
        %add3A_1763 = arith.addf %add3A_1675, %get3A_1762 : vector<16xf32>
        %get3A_1764 = arith.constant 0 : i32
        %get3A_1765 = arith.constant 1 : i32
        %get3A_1766 = arith.constant 7 : i32
        %get3A_1767 = arith.index_cast %get3A_1764 : i32 to index
        %get3A_1768 = arith.index_cast %scan3A_365 : i32 to index
        %get3A_1769 = arith.index_cast %get3A_1765 : i32 to index
        %get3A_1770 = arith.index_cast %get3A_1766 : i32 to index
        %get3A_1771 = arith.constant 80 : index
        %get3A_1772 = tpu.vector_load %arg4[%get3A_1767, %get3A_1768, %get3A_1769, %get3A_1770, %get3A_1771] {strides = array<i32>} : memref<2x14x3x8x128xf32, #tpu.memory_space<vmem>>, vector<1x1x1x1x16xf32>,
        %get3A_1773 = vector.shape_cast %get3A_1772 : vector<1x1x1x1x16xf32> to vector<16xf32>
        %add3A_1774 = arith.addf %add3A_1686, %get3A_1773 : vector<16xf32>
        %get3A_1775 = arith.constant 0 : i32
        %get3A_1776 = arith.constant 1 : i32
        %get3A_1777 = arith.constant 7 : i32
        %get3A_1778 = arith.index_cast %get3A_1775 : i32 to index
        %get3A_1779 = arith.index_cast %scan3A_365 : i32 to index
        %get3A_1780 = arith.index_cast %get3A_1776 : i32 to index
        %get3A_1781 = arith.index_cast %get3A_1777 : i32 to index
        %get3A_1782 = arith.constant 96 : index
        %get3A_1783 = tpu.vector_load %arg4[%get3A_1778, %get3A_1779, %get3A_1780, %get3A_1781, %get3A_1782] {strides = array<i32>} : memref<2x14x3x8x128xf32, #tpu.memory_space<vmem>>, vector<1x1x1x1x16xf32>,
        %get3A_1784 = vector.shape_cast %get3A_1783 : vector<1x1x1x1x16xf32> to vector<16xf32>
        %add3A_1785 = arith.addf %add3A_1697, %get3A_1784 : vector<16xf32>
        %get3A_1786 = arith.constant 0 : i32
        %get3A_1787 = arith.constant 1 : i32
        %get3A_1788 = arith.constant 7 : i32
        %get3A_1789 = arith.index_cast %get3A_1786 : i32 to index
        %get3A_1790 = arith.index_cast %scan3A_365 : i32 to index
        %get3A_1791 = arith.index_cast %get3A_1787 : i32 to index
        %get3A_1792 = arith.index_cast %get3A_1788 : i32 to index
        %get3A_1793 = arith.constant 112 : index
        %get3A_1794 = tpu.vector_load %arg4[%get3A_1789, %get3A_1790, %get3A_1791, %get3A_1792, %get3A_1793] {strides = array<i32>} : memref<2x14x3x8x128xf32, #tpu.memory_space<vmem>>, vector<1x1x1x1x16xf32>,
        %get3A_1795 = vector.shape_cast %get3A_1794 : vector<1x1x1x1x16xf32> to vector<16xf32>
        %add3A_1796 = arith.addf %add3A_1708, %get3A_1795 : vector<16xf32>
        %get3A_1797 = arith.constant 0 : i32
        %get3A_1798 = arith.constant 2 : i32
        %get3A_1799 = arith.constant 0 : i32
        %get3A_1800 = arith.index_cast %get3A_1797 : i32 to index
        %get3A_1801 = arith.index_cast %scan3A_365 : i32 to index
        %get3A_1802 = arith.index_cast %get3A_1798 : i32 to index
        %get3A_1803 = arith.index_cast %get3A_1799 : i32 to index
        %get3A_1804 = arith.constant 0 : index
        %get3A_1805 = tpu.vector_load %arg4[%get3A_1800, %get3A_1801, %get3A_1802, %get3A_1803, %get3A_1804] {strides = array<i32>} : memref<2x14x3x8x128xf32, #tpu.memory_space<vmem>>, vector<1x1x1x1x16xf32>,
        %get3A_1806 = vector.shape_cast %get3A_1805 : vector<1x1x1x1x16xf32> to vector<16xf32>
        %add3A_1807 = arith.addf %scan3A_382, %get3A_1806 : vector<16xf32>
        %get3A_1808 = arith.constant 0 : i32
        %get3A_1809 = arith.constant 2 : i32
        %get3A_1810 = arith.constant 0 : i32
        %get3A_1811 = arith.index_cast %get3A_1808 : i32 to index
        %get3A_1812 = arith.index_cast %scan3A_365 : i32 to index
        %get3A_1813 = arith.index_cast %get3A_1809 : i32 to index
        %get3A_1814 = arith.index_cast %get3A_1810 : i32 to index
        %get3A_1815 = arith.constant 16 : index
        %get3A_1816 = tpu.vector_load %arg4[%get3A_1811, %get3A_1812, %get3A_1813, %get3A_1814, %get3A_1815] {strides = array<i32>} : memref<2x14x3x8x128xf32, #tpu.memory_space<vmem>>, vector<1x1x1x1x16xf32>,
        %get3A_1817 = vector.shape_cast %get3A_1816 : vector<1x1x1x1x16xf32> to vector<16xf32>
        %add3A_1818 = arith.addf %scan3A_383, %get3A_1817 : vector<16xf32>
        %get3A_1819 = arith.constant 0 : i32
        %get3A_1820 = arith.constant 2 : i32
        %get3A_1821 = arith.constant 0 : i32
        %get3A_1822 = arith.index_cast %get3A_1819 : i32 to index
        %get3A_1823 = arith.index_cast %scan3A_365 : i32 to index
        %get3A_1824 = arith.index_cast %get3A_1820 : i32 to index
        %get3A_1825 = arith.index_cast %get3A_1821 : i32 to index
        %get3A_1826 = arith.constant 32 : index
        %get3A_1827 = tpu.vector_load %arg4[%get3A_1822, %get3A_1823, %get3A_1824, %get3A_1825, %get3A_1826] {strides = array<i32>} : memref<2x14x3x8x128xf32, #tpu.memory_space<vmem>>, vector<1x1x1x1x16xf32>,
        %get3A_1828 = vector.shape_cast %get3A_1827 : vector<1x1x1x1x16xf32> to vector<16xf32>
        %add3A_1829 = arith.addf %scan3A_384, %get3A_1828 : vector<16xf32>
        %get3A_1830 = arith.constant 0 : i32
        %get3A_1831 = arith.constant 2 : i32
        %get3A_1832 = arith.constant 0 : i32
        %get3A_1833 = arith.index_cast %get3A_1830 : i32 to index
        %get3A_1834 = arith.index_cast %scan3A_365 : i32 to index
        %get3A_1835 = arith.index_cast %get3A_1831 : i32 to index
        %get3A_1836 = arith.index_cast %get3A_1832 : i32 to index
        %get3A_1837 = arith.constant 48 : index
        %get3A_1838 = tpu.vector_load %arg4[%get3A_1833, %get3A_1834, %get3A_1835, %get3A_1836, %get3A_1837] {strides = array<i32>} : memref<2x14x3x8x128xf32, #tpu.memory_space<vmem>>, vector<1x1x1x1x16xf32>,
        %get3A_1839 = vector.shape_cast %get3A_1838 : vector<1x1x1x1x16xf32> to vector<16xf32>
        %add3A_1840 = arith.addf %scan3A_385, %get3A_1839 : vector<16xf32>
        %get3A_1841 = arith.constant 0 : i32
        %get3A_1842 = arith.constant 2 : i32
        %get3A_1843 = arith.constant 0 : i32
        %get3A_1844 = arith.index_cast %get3A_1841 : i32 to index
        %get3A_1845 = arith.index_cast %scan3A_365 : i32 to index
        %get3A_1846 = arith.index_cast %get3A_1842 : i32 to index
        %get3A_1847 = arith.index_cast %get3A_1843 : i32 to index
        %get3A_1848 = arith.constant 64 : index
        %get3A_1849 = tpu.vector_load %arg4[%get3A_1844, %get3A_1845, %get3A_1846, %get3A_1847, %get3A_1848] {strides = array<i32>} : memref<2x14x3x8x128xf32, #tpu.memory_space<vmem>>, vector<1x1x1x1x16xf32>,
        %get3A_1850 = vector.shape_cast %get3A_1849 : vector<1x1x1x1x16xf32> to vector<16xf32>
        %add3A_1851 = arith.addf %scan3A_386, %get3A_1850 : vector<16xf32>
        %get3A_1852 = arith.constant 0 : i32
        %get3A_1853 = arith.constant 2 : i32
        %get3A_1854 = arith.constant 0 : i32
        %get3A_1855 = arith.index_cast %get3A_1852 : i32 to index
        %get3A_1856 = arith.index_cast %scan3A_365 : i32 to index
        %get3A_1857 = arith.index_cast %get3A_1853 : i32 to index
        %get3A_1858 = arith.index_cast %get3A_1854 : i32 to index
        %get3A_1859 = arith.constant 80 : index
        %get3A_1860 = tpu.vector_load %arg4[%get3A_1855, %get3A_1856, %get3A_1857, %get3A_1858, %get3A_1859] {strides = array<i32>} : memref<2x14x3x8x128xf32, #tpu.memory_space<vmem>>, vector<1x1x1x1x16xf32>,
        %get3A_1861 = vector.shape_cast %get3A_1860 : vector<1x1x1x1x16xf32> to vector<16xf32>
        %add3A_1862 = arith.addf %scan3A_387, %get3A_1861 : vector<16xf32>
        %get3A_1863 = arith.constant 0 : i32
        %get3A_1864 = arith.constant 2 : i32
        %get3A_1865 = arith.constant 0 : i32
        %get3A_1866 = arith.index_cast %get3A_1863 : i32 to index
        %get3A_1867 = arith.index_cast %scan3A_365 : i32 to index
        %get3A_1868 = arith.index_cast %get3A_1864 : i32 to index
        %get3A_1869 = arith.index_cast %get3A_1865 : i32 to index
        %get3A_1870 = arith.constant 96 : index
        %get3A_1871 = tpu.vector_load %arg4[%get3A_1866, %get3A_1867, %get3A_1868, %get3A_1869, %get3A_1870] {strides = array<i32>} : memref<2x14x3x8x128xf32, #tpu.memory_space<vmem>>, vector<1x1x1x1x16xf32>,
        %get3A_1872 = vector.shape_cast %get3A_1871 : vector<1x1x1x1x16xf32> to vector<16xf32>
        %add3A_1873 = arith.addf %scan3A_388, %get3A_1872 : vector<16xf32>
        %get3A_1874 = arith.constant 0 : i32
        %get3A_1875 = arith.constant 2 : i32
        %get3A_1876 = arith.constant 0 : i32
        %get3A_1877 = arith.index_cast %get3A_1874 : i32 to index
        %get3A_1878 = arith.index_cast %scan3A_365 : i32 to index
        %get3A_1879 = arith.index_cast %get3A_1875 : i32 to index
        %get3A_1880 = arith.index_cast %get3A_1876 : i32 to index
        %get3A_1881 = arith.constant 112 : index
        %get3A_1882 = tpu.vector_load %arg4[%get3A_1877, %get3A_1878, %get3A_1879, %get3A_1880, %get3A_1881] {strides = array<i32>} : memref<2x14x3x8x128xf32, #tpu.memory_space<vmem>>, vector<1x1x1x1x16xf32>,
        %get3A_1883 = vector.shape_cast %get3A_1882 : vector<1x1x1x1x16xf32> to vector<16xf32>
        %add3A_1884 = arith.addf %scan3A_389, %get3A_1883 : vector<16xf32>
        %get3A_1885 = arith.constant 0 : i32
        %get3A_1886 = arith.constant 2 : i32
        %get3A_1887 = arith.constant 1 : i32
        %get3A_1888 = arith.index_cast %get3A_1885 : i32 to index
        %get3A_1889 = arith.index_cast %scan3A_365 : i32 to index
        %get3A_1890 = arith.index_cast %get3A_1886 : i32 to index
        %get3A_1891 = arith.index_cast %get3A_1887 : i32 to index
        %get3A_1892 = arith.constant 0 : index
        %get3A_1893 = tpu.vector_load %arg4[%get3A_1888, %get3A_1889, %get3A_1890, %get3A_1891, %get3A_1892] {strides = array<i32>} : memref<2x14x3x8x128xf32, #tpu.memory_space<vmem>>, vector<1x1x1x1x16xf32>,
        %get3A_1894 = vector.shape_cast %get3A_1893 : vector<1x1x1x1x16xf32> to vector<16xf32>
        %add3A_1895 = arith.addf %add3A_1807, %get3A_1894 : vector<16xf32>
        %get3A_1896 = arith.constant 0 : i32
        %get3A_1897 = arith.constant 2 : i32
        %get3A_1898 = arith.constant 1 : i32
        %get3A_1899 = arith.index_cast %get3A_1896 : i32 to index
        %get3A_1900 = arith.index_cast %scan3A_365 : i32 to index
        %get3A_1901 = arith.index_cast %get3A_1897 : i32 to index
        %get3A_1902 = arith.index_cast %get3A_1898 : i32 to index
        %get3A_1903 = arith.constant 16 : index
        %get3A_1904 = tpu.vector_load %arg4[%get3A_1899, %get3A_1900, %get3A_1901, %get3A_1902, %get3A_1903] {strides = array<i32>} : memref<2x14x3x8x128xf32, #tpu.memory_space<vmem>>, vector<1x1x1x1x16xf32>,
        %get3A_1905 = vector.shape_cast %get3A_1904 : vector<1x1x1x1x16xf32> to vector<16xf32>
        %add3A_1906 = arith.addf %add3A_1818, %get3A_1905 : vector<16xf32>
        %get3A_1907 = arith.constant 0 : i32
        %get3A_1908 = arith.constant 2 : i32
        %get3A_1909 = arith.constant 1 : i32
        %get3A_1910 = arith.index_cast %get3A_1907 : i32 to index
        %get3A_1911 = arith.index_cast %scan3A_365 : i32 to index
        %get3A_1912 = arith.index_cast %get3A_1908 : i32 to index
        %get3A_1913 = arith.index_cast %get3A_1909 : i32 to index
        %get3A_1914 = arith.constant 32 : index
        %get3A_1915 = tpu.vector_load %arg4[%get3A_1910, %get3A_1911, %get3A_1912, %get3A_1913, %get3A_1914] {strides = array<i32>} : memref<2x14x3x8x128xf32, #tpu.memory_space<vmem>>, vector<1x1x1x1x16xf32>,
        %get3A_1916 = vector.shape_cast %get3A_1915 : vector<1x1x1x1x16xf32> to vector<16xf32>
        %add3A_1917 = arith.addf %add3A_1829, %get3A_1916 : vector<16xf32>
        %get3A_1918 = arith.constant 0 : i32
        %get3A_1919 = arith.constant 2 : i32
        %get3A_1920 = arith.constant 1 : i32
        %get3A_1921 = arith.index_cast %get3A_1918 : i32 to index
        %get3A_1922 = arith.index_cast %scan3A_365 : i32 to index
        %get3A_1923 = arith.index_cast %get3A_1919 : i32 to index
        %get3A_1924 = arith.index_cast %get3A_1920 : i32 to index
        %get3A_1925 = arith.constant 48 : index
        %get3A_1926 = tpu.vector_load %arg4[%get3A_1921, %get3A_1922, %get3A_1923, %get3A_1924, %get3A_1925] {strides = array<i32>} : memref<2x14x3x8x128xf32, #tpu.memory_space<vmem>>, vector<1x1x1x1x16xf32>,
        %get3A_1927 = vector.shape_cast %get3A_1926 : vector<1x1x1x1x16xf32> to vector<16xf32>
        %add3A_1928 = arith.addf %add3A_1840, %get3A_1927 : vector<16xf32>
        %get3A_1929 = arith.constant 0 : i32
        %get3A_1930 = arith.constant 2 : i32
        %get3A_1931 = arith.constant 1 : i32
        %get3A_1932 = arith.index_cast %get3A_1929 : i32 to index
        %get3A_1933 = arith.index_cast %scan3A_365 : i32 to index
        %get3A_1934 = arith.index_cast %get3A_1930 : i32 to index
        %get3A_1935 = arith.index_cast %get3A_1931 : i32 to index
        %get3A_1936 = arith.constant 64 : index
        %get3A_1937 = tpu.vector_load %arg4[%get3A_1932, %get3A_1933, %get3A_1934, %get3A_1935, %get3A_1936] {strides = array<i32>} : memref<2x14x3x8x128xf32, #tpu.memory_space<vmem>>, vector<1x1x1x1x16xf32>,
        %get3A_1938 = vector.shape_cast %get3A_1937 : vector<1x1x1x1x16xf32> to vector<16xf32>
        %add3A_1939 = arith.addf %add3A_1851, %get3A_1938 : vector<16xf32>
        %get3A_1940 = arith.constant 0 : i32
        %get3A_1941 = arith.constant 2 : i32
        %get3A_1942 = arith.constant 1 : i32
        %get3A_1943 = arith.index_cast %get3A_1940 : i32 to index
        %get3A_1944 = arith.index_cast %scan3A_365 : i32 to index
        %get3A_1945 = arith.index_cast %get3A_1941 : i32 to index
        %get3A_1946 = arith.index_cast %get3A_1942 : i32 to index
        %get3A_1947 = arith.constant 80 : index
        %get3A_1948 = tpu.vector_load %arg4[%get3A_1943, %get3A_1944, %get3A_1945, %get3A_1946, %get3A_1947] {strides = array<i32>} : memref<2x14x3x8x128xf32, #tpu.memory_space<vmem>>, vector<1x1x1x1x16xf32>,
        %get3A_1949 = vector.shape_cast %get3A_1948 : vector<1x1x1x1x16xf32> to vector<16xf32>
        %add3A_1950 = arith.addf %add3A_1862, %get3A_1949 : vector<16xf32>
        %get3A_1951 = arith.constant 0 : i32
        %get3A_1952 = arith.constant 2 : i32
        %get3A_1953 = arith.constant 1 : i32
        %get3A_1954 = arith.index_cast %get3A_1951 : i32 to index
        %get3A_1955 = arith.index_cast %scan3A_365 : i32 to index
        %get3A_1956 = arith.index_cast %get3A_1952 : i32 to index
        %get3A_1957 = arith.index_cast %get3A_1953 : i32 to index
        %get3A_1958 = arith.constant 96 : index
        %get3A_1959 = tpu.vector_load %arg4[%get3A_1954, %get3A_1955, %get3A_1956, %get3A_1957, %get3A_1958] {strides = array<i32>} : memref<2x14x3x8x128xf32, #tpu.memory_space<vmem>>, vector<1x1x1x1x16xf32>,
        %get3A_1960 = vector.shape_cast %get3A_1959 : vector<1x1x1x1x16xf32> to vector<16xf32>
        %add3A_1961 = arith.addf %add3A_1873, %get3A_1960 : vector<16xf32>
        %get3A_1962 = arith.constant 0 : i32
        %get3A_1963 = arith.constant 2 : i32
        %get3A_1964 = arith.constant 1 : i32
        %get3A_1965 = arith.index_cast %get3A_1962 : i32 to index
        %get3A_1966 = arith.index_cast %scan3A_365 : i32 to index
        %get3A_1967 = arith.index_cast %get3A_1963 : i32 to index
        %get3A_1968 = arith.index_cast %get3A_1964 : i32 to index
        %get3A_1969 = arith.constant 112 : index
        %get3A_1970 = tpu.vector_load %arg4[%get3A_1965, %get3A_1966, %get3A_1967, %get3A_1968, %get3A_1969] {strides = array<i32>} : memref<2x14x3x8x128xf32, #tpu.memory_space<vmem>>, vector<1x1x1x1x16xf32>,
        %get3A_1971 = vector.shape_cast %get3A_1970 : vector<1x1x1x1x16xf32> to vector<16xf32>
        %add3A_1972 = arith.addf %add3A_1884, %get3A_1971 : vector<16xf32>
        %get3A_1973 = arith.constant 0 : i32
        %get3A_1974 = arith.constant 2 : i32
        %get3A_1975 = arith.constant 2 : i32
        %get3A_1976 = arith.index_cast %get3A_1973 : i32 to index
        %get3A_1977 = arith.index_cast %scan3A_365 : i32 to index
        %get3A_1978 = arith.index_cast %get3A_1974 : i32 to index
        %get3A_1979 = arith.index_cast %get3A_1975 : i32 to index
        %get3A_1980 = arith.constant 0 : index
        %get3A_1981 = tpu.vector_load %arg4[%get3A_1976, %get3A_1977, %get3A_1978, %get3A_1979, %get3A_1980] {strides = array<i32>} : memref<2x14x3x8x128xf32, #tpu.memory_space<vmem>>, vector<1x1x1x1x16xf32>,
        %get3A_1982 = vector.shape_cast %get3A_1981 : vector<1x1x1x1x16xf32> to vector<16xf32>
        %add3A_1983 = arith.addf %add3A_1895, %get3A_1982 : vector<16xf32>
        %get3A_1984 = arith.constant 0 : i32
        %get3A_1985 = arith.constant 2 : i32
        %get3A_1986 = arith.constant 2 : i32
        %get3A_1987 = arith.index_cast %get3A_1984 : i32 to index
        %get3A_1988 = arith.index_cast %scan3A_365 : i32 to index
        %get3A_1989 = arith.index_cast %get3A_1985 : i32 to index
        %get3A_1990 = arith.index_cast %get3A_1986 : i32 to index
        %get3A_1991 = arith.constant 16 : index
        %get3A_1992 = tpu.vector_load %arg4[%get3A_1987, %get3A_1988, %get3A_1989, %get3A_1990, %get3A_1991] {strides = array<i32>} : memref<2x14x3x8x128xf32, #tpu.memory_space<vmem>>, vector<1x1x1x1x16xf32>,
        %get3A_1993 = vector.shape_cast %get3A_1992 : vector<1x1x1x1x16xf32> to vector<16xf32>
        %add3A_1994 = arith.addf %add3A_1906, %get3A_1993 : vector<16xf32>
        %get3A_1995 = arith.constant 0 : i32
        %get3A_1996 = arith.constant 2 : i32
        %get3A_1997 = arith.constant 2 : i32
        %get3A_1998 = arith.index_cast %get3A_1995 : i32 to index
        %get3A_1999 = arith.index_cast %scan3A_365 : i32 to index
        %get3A_2000 = arith.index_cast %get3A_1996 : i32 to index
        %get3A_2001 = arith.index_cast %get3A_1997 : i32 to index
        %get3A_2002 = arith.constant 32 : index
        %get3A_2003 = tpu.vector_load %arg4[%get3A_1998, %get3A_1999, %get3A_2000, %get3A_2001, %get3A_2002] {strides = array<i32>} : memref<2x14x3x8x128xf32, #tpu.memory_space<vmem>>, vector<1x1x1x1x16xf32>,
        %get3A_2004 = vector.shape_cast %get3A_2003 : vector<1x1x1x1x16xf32> to vector<16xf32>
        %add3A_2005 = arith.addf %add3A_1917, %get3A_2004 : vector<16xf32>
        %get3A_2006 = arith.constant 0 : i32
        %get3A_2007 = arith.constant 2 : i32
        %get3A_2008 = arith.constant 2 : i32
        %get3A_2009 = arith.index_cast %get3A_2006 : i32 to index
        %get3A_2010 = arith.index_cast %scan3A_365 : i32 to index
        %get3A_2011 = arith.index_cast %get3A_2007 : i32 to index
        %get3A_2012 = arith.index_cast %get3A_2008 : i32 to index
        %get3A_2013 = arith.constant 48 : index
        %get3A_2014 = tpu.vector_load %arg4[%get3A_2009, %get3A_2010, %get3A_2011, %get3A_2012, %get3A_2013] {strides = array<i32>} : memref<2x14x3x8x128xf32, #tpu.memory_space<vmem>>, vector<1x1x1x1x16xf32>,
        %get3A_2015 = vector.shape_cast %get3A_2014 : vector<1x1x1x1x16xf32> to vector<16xf32>
        %add3A_2016 = arith.addf %add3A_1928, %get3A_2015 : vector<16xf32>
        %get3A_2017 = arith.constant 0 : i32
        %get3A_2018 = arith.constant 2 : i32
        %get3A_2019 = arith.constant 2 : i32
        %get3A_2020 = arith.index_cast %get3A_2017 : i32 to index
        %get3A_2021 = arith.index_cast %scan3A_365 : i32 to index
        %get3A_2022 = arith.index_cast %get3A_2018 : i32 to index
        %get3A_2023 = arith.index_cast %get3A_2019 : i32 to index
        %get3A_2024 = arith.constant 64 : index
        %get3A_2025 = tpu.vector_load %arg4[%get3A_2020, %get3A_2021, %get3A_2022, %get3A_2023, %get3A_2024] {strides = array<i32>} : memref<2x14x3x8x128xf32, #tpu.memory_space<vmem>>, vector<1x1x1x1x16xf32>,
        %get3A_2026 = vector.shape_cast %get3A_2025 : vector<1x1x1x1x16xf32> to vector<16xf32>
        %add3A_2027 = arith.addf %add3A_1939, %get3A_2026 : vector<16xf32>
        %get3A_2028 = arith.constant 0 : i32
        %get3A_2029 = arith.constant 2 : i32
        %get3A_2030 = arith.constant 2 : i32
        %get3A_2031 = arith.index_cast %get3A_2028 : i32 to index
        %get3A_2032 = arith.index_cast %scan3A_365 : i32 to index
        %get3A_2033 = arith.index_cast %get3A_2029 : i32 to index
        %get3A_2034 = arith.index_cast %get3A_2030 : i32 to index
        %get3A_2035 = arith.constant 80 : index
        %get3A_2036 = tpu.vector_load %arg4[%get3A_2031, %get3A_2032, %get3A_2033, %get3A_2034, %get3A_2035] {strides = array<i32>} : memref<2x14x3x8x128xf32, #tpu.memory_space<vmem>>, vector<1x1x1x1x16xf32>,
        %get3A_2037 = vector.shape_cast %get3A_2036 : vector<1x1x1x1x16xf32> to vector<16xf32>
        %add3A_2038 = arith.addf %add3A_1950, %get3A_2037 : vector<16xf32>
        %get3A_2039 = arith.constant 0 : i32
        %get3A_2040 = arith.constant 2 : i32
        %get3A_2041 = arith.constant 2 : i32
        %get3A_2042 = arith.index_cast %get3A_2039 : i32 to index
        %get3A_2043 = arith.index_cast %scan3A_365 : i32 to index
        %get3A_2044 = arith.index_cast %get3A_2040 : i32 to index
        %get3A_2045 = arith.index_cast %get3A_2041 : i32 to index
        %get3A_2046 = arith.constant 96 : index
        %get3A_2047 = tpu.vector_load %arg4[%get3A_2042, %get3A_2043, %get3A_2044, %get3A_2045, %get3A_2046] {strides = array<i32>} : memref<2x14x3x8x128xf32, #tpu.memory_space<vmem>>, vector<1x1x1x1x16xf32>,
        %get3A_2048 = vector.shape_cast %get3A_2047 : vector<1x1x1x1x16xf32> to vector<16xf32>
        %add3A_2049 = arith.addf %add3A_1961, %get3A_2048 : vector<16xf32>
        %get3A_2050 = arith.constant 0 : i32
        %get3A_2051 = arith.constant 2 : i32
        %get3A_2052 = arith.constant 2 : i32
        %get3A_2053 = arith.index_cast %get3A_2050 : i32 to index
        %get3A_2054 = arith.index_cast %scan3A_365 : i32 to index
        %get3A_2055 = arith.index_cast %get3A_2051 : i32 to index
        %get3A_2056 = arith.index_cast %get3A_2052 : i32 to index
        %get3A_2057 = arith.constant 112 : index
        %get3A_2058 = tpu.vector_load %arg4[%get3A_2053, %get3A_2054, %get3A_2055, %get3A_2056, %get3A_2057] {strides = array<i32>} : memref<2x14x3x8x128xf32, #tpu.memory_space<vmem>>, vector<1x1x1x1x16xf32>,
        %get3A_2059 = vector.shape_cast %get3A_2058 : vector<1x1x1x1x16xf32> to vector<16xf32>
        %add3A_2060 = arith.addf %add3A_1972, %get3A_2059 : vector<16xf32>
        %get3A_2061 = arith.constant 0 : i32
        %get3A_2062 = arith.constant 2 : i32
        %get3A_2063 = arith.constant 3 : i32
        %get3A_2064 = arith.index_cast %get3A_2061 : i32 to index
        %get3A_2065 = arith.index_cast %scan3A_365 : i32 to index
        %get3A_2066 = arith.index_cast %get3A_2062 : i32 to index
        %get3A_2067 = arith.index_cast %get3A_2063 : i32 to index
        %get3A_2068 = arith.constant 0 : index
        %get3A_2069 = tpu.vector_load %arg4[%get3A_2064, %get3A_2065, %get3A_2066, %get3A_2067, %get3A_2068] {strides = array<i32>} : memref<2x14x3x8x128xf32, #tpu.memory_space<vmem>>, vector<1x1x1x1x16xf32>,
        %get3A_2070 = vector.shape_cast %get3A_2069 : vector<1x1x1x1x16xf32> to vector<16xf32>
        %add3A_2071 = arith.addf %add3A_1983, %get3A_2070 : vector<16xf32>
        %get3A_2072 = arith.constant 0 : i32
        %get3A_2073 = arith.constant 2 : i32
        %get3A_2074 = arith.constant 3 : i32
        %get3A_2075 = arith.index_cast %get3A_2072 : i32 to index
        %get3A_2076 = arith.index_cast %scan3A_365 : i32 to index
        %get3A_2077 = arith.index_cast %get3A_2073 : i32 to index
        %get3A_2078 = arith.index_cast %get3A_2074 : i32 to index
        %get3A_2079 = arith.constant 16 : index
        %get3A_2080 = tpu.vector_load %arg4[%get3A_2075, %get3A_2076, %get3A_2077, %get3A_2078, %get3A_2079] {strides = array<i32>} : memref<2x14x3x8x128xf32, #tpu.memory_space<vmem>>, vector<1x1x1x1x16xf32>,
        %get3A_2081 = vector.shape_cast %get3A_2080 : vector<1x1x1x1x16xf32> to vector<16xf32>
        %add3A_2082 = arith.addf %add3A_1994, %get3A_2081 : vector<16xf32>
        %get3A_2083 = arith.constant 0 : i32
        %get3A_2084 = arith.constant 2 : i32
        %get3A_2085 = arith.constant 3 : i32
        %get3A_2086 = arith.index_cast %get3A_2083 : i32 to index
        %get3A_2087 = arith.index_cast %scan3A_365 : i32 to index
        %get3A_2088 = arith.index_cast %get3A_2084 : i32 to index
        %get3A_2089 = arith.index_cast %get3A_2085 : i32 to index
        %get3A_2090 = arith.constant 32 : index
        %get3A_2091 = tpu.vector_load %arg4[%get3A_2086, %get3A_2087, %get3A_2088, %get3A_2089, %get3A_2090] {strides = array<i32>} : memref<2x14x3x8x128xf32, #tpu.memory_space<vmem>>, vector<1x1x1x1x16xf32>,
        %get3A_2092 = vector.shape_cast %get3A_2091 : vector<1x1x1x1x16xf32> to vector<16xf32>
        %add3A_2093 = arith.addf %add3A_2005, %get3A_2092 : vector<16xf32>
        %get3A_2094 = arith.constant 0 : i32
        %get3A_2095 = arith.constant 2 : i32
        %get3A_2096 = arith.constant 3 : i32
        %get3A_2097 = arith.index_cast %get3A_2094 : i32 to index
        %get3A_2098 = arith.index_cast %scan3A_365 : i32 to index
        %get3A_2099 = arith.index_cast %get3A_2095 : i32 to index
        %get3A_2100 = arith.index_cast %get3A_2096 : i32 to index
        %get3A_2101 = arith.constant 48 : index
        %get3A_2102 = tpu.vector_load %arg4[%get3A_2097, %get3A_2098, %get3A_2099, %get3A_2100, %get3A_2101] {strides = array<i32>} : memref<2x14x3x8x128xf32, #tpu.memory_space<vmem>>, vector<1x1x1x1x16xf32>,
        %get3A_2103 = vector.shape_cast %get3A_2102 : vector<1x1x1x1x16xf32> to vector<16xf32>
        %add3A_2104 = arith.addf %add3A_2016, %get3A_2103 : vector<16xf32>
        %get3A_2105 = arith.constant 0 : i32
        %get3A_2106 = arith.constant 2 : i32
        %get3A_2107 = arith.constant 3 : i32
        %get3A_2108 = arith.index_cast %get3A_2105 : i32 to index
        %get3A_2109 = arith.index_cast %scan3A_365 : i32 to index
        %get3A_2110 = arith.index_cast %get3A_2106 : i32 to index
        %get3A_2111 = arith.index_cast %get3A_2107 : i32 to index
        %get3A_2112 = arith.constant 64 : index
        %get3A_2113 = tpu.vector_load %arg4[%get3A_2108, %get3A_2109, %get3A_2110, %get3A_2111, %get3A_2112] {strides = array<i32>} : memref<2x14x3x8x128xf32, #tpu.memory_space<vmem>>, vector<1x1x1x1x16xf32>,
        %get3A_2114 = vector.shape_cast %get3A_2113 : vector<1x1x1x1x16xf32> to vector<16xf32>
        %add3A_2115 = arith.addf %add3A_2027, %get3A_2114 : vector<16xf32>
        %get3A_2116 = arith.constant 0 : i32
        %get3A_2117 = arith.constant 2 : i32
        %get3A_2118 = arith.constant 3 : i32
        %get3A_2119 = arith.index_cast %get3A_2116 : i32 to index
        %get3A_2120 = arith.index_cast %scan3A_365 : i32 to index
        %get3A_2121 = arith.index_cast %get3A_2117 : i32 to index
        %get3A_2122 = arith.index_cast %get3A_2118 : i32 to index
        %get3A_2123 = arith.constant 80 : index
        %get3A_2124 = tpu.vector_load %arg4[%get3A_2119, %get3A_2120, %get3A_2121, %get3A_2122, %get3A_2123] {strides = array<i32>} : memref<2x14x3x8x128xf32, #tpu.memory_space<vmem>>, vector<1x1x1x1x16xf32>,
        %get3A_2125 = vector.shape_cast %get3A_2124 : vector<1x1x1x1x16xf32> to vector<16xf32>
        %add3A_2126 = arith.addf %add3A_2038, %get3A_2125 : vector<16xf32>
        %get3A_2127 = arith.constant 0 : i32
        %get3A_2128 = arith.constant 2 : i32
        %get3A_2129 = arith.constant 3 : i32
        %get3A_2130 = arith.index_cast %get3A_2127 : i32 to index
        %get3A_2131 = arith.index_cast %scan3A_365 : i32 to index
        %get3A_2132 = arith.index_cast %get3A_2128 : i32 to index
        %get3A_2133 = arith.index_cast %get3A_2129 : i32 to index
        %get3A_2134 = arith.constant 96 : index
        %get3A_2135 = tpu.vector_load %arg4[%get3A_2130, %get3A_2131, %get3A_2132, %get3A_2133, %get3A_2134] {strides = array<i32>} : memref<2x14x3x8x128xf32, #tpu.memory_space<vmem>>, vector<1x1x1x1x16xf32>,
        %get3A_2136 = vector.shape_cast %get3A_2135 : vector<1x1x1x1x16xf32> to vector<16xf32>
        %add3A_2137 = arith.addf %add3A_2049, %get3A_2136 : vector<16xf32>
        %get3A_2138 = arith.constant 0 : i32
        %get3A_2139 = arith.constant 2 : i32
        %get3A_2140 = arith.constant 3 : i32
        %get3A_2141 = arith.index_cast %get3A_2138 : i32 to index
        %get3A_2142 = arith.index_cast %scan3A_365 : i32 to index
        %get3A_2143 = arith.index_cast %get3A_2139 : i32 to index
        %get3A_2144 = arith.index_cast %get3A_2140 : i32 to index
        %get3A_2145 = arith.constant 112 : index
        %get3A_2146 = tpu.vector_load %arg4[%get3A_2141, %get3A_2142, %get3A_2143, %get3A_2144, %get3A_2145] {strides = array<i32>} : memref<2x14x3x8x128xf32, #tpu.memory_space<vmem>>, vector<1x1x1x1x16xf32>,
        %get3A_2147 = vector.shape_cast %get3A_2146 : vector<1x1x1x1x16xf32> to vector<16xf32>
        %add3A_2148 = arith.addf %add3A_2060, %get3A_2147 : vector<16xf32>
        %get3A_2149 = arith.constant 0 : i32
        %get3A_2150 = arith.constant 2 : i32
        %get3A_2151 = arith.constant 4 : i32
        %get3A_2152 = arith.index_cast %get3A_2149 : i32 to index
        %get3A_2153 = arith.index_cast %scan3A_365 : i32 to index
        %get3A_2154 = arith.index_cast %get3A_2150 : i32 to index
        %get3A_2155 = arith.index_cast %get3A_2151 : i32 to index
        %get3A_2156 = arith.constant 0 : index
        %get3A_2157 = tpu.vector_load %arg4[%get3A_2152, %get3A_2153, %get3A_2154, %get3A_2155, %get3A_2156] {strides = array<i32>} : memref<2x14x3x8x128xf32, #tpu.memory_space<vmem>>, vector<1x1x1x1x16xf32>,
        %get3A_2158 = vector.shape_cast %get3A_2157 : vector<1x1x1x1x16xf32> to vector<16xf32>
        %add3A_2159 = arith.addf %add3A_2071, %get3A_2158 : vector<16xf32>
        %get3A_2160 = arith.constant 0 : i32
        %get3A_2161 = arith.constant 2 : i32
        %get3A_2162 = arith.constant 4 : i32
        %get3A_2163 = arith.index_cast %get3A_2160 : i32 to index
        %get3A_2164 = arith.index_cast %scan3A_365 : i32 to index
        %get3A_2165 = arith.index_cast %get3A_2161 : i32 to index
        %get3A_2166 = arith.index_cast %get3A_2162 : i32 to index
        %get3A_2167 = arith.constant 16 : index
        %get3A_2168 = tpu.vector_load %arg4[%get3A_2163, %get3A_2164, %get3A_2165, %get3A_2166, %get3A_2167] {strides = array<i32>} : memref<2x14x3x8x128xf32, #tpu.memory_space<vmem>>, vector<1x1x1x1x16xf32>,
        %get3A_2169 = vector.shape_cast %get3A_2168 : vector<1x1x1x1x16xf32> to vector<16xf32>
        %add3A_2170 = arith.addf %add3A_2082, %get3A_2169 : vector<16xf32>
        %get3A_2171 = arith.constant 0 : i32
        %get3A_2172 = arith.constant 2 : i32
        %get3A_2173 = arith.constant 4 : i32
        %get3A_2174 = arith.index_cast %get3A_2171 : i32 to index
        %get3A_2175 = arith.index_cast %scan3A_365 : i32 to index
        %get3A_2176 = arith.index_cast %get3A_2172 : i32 to index
        %get3A_2177 = arith.index_cast %get3A_2173 : i32 to index
        %get3A_2178 = arith.constant 32 : index
        %get3A_2179 = tpu.vector_load %arg4[%get3A_2174, %get3A_2175, %get3A_2176, %get3A_2177, %get3A_2178] {strides = array<i32>} : memref<2x14x3x8x128xf32, #tpu.memory_space<vmem>>, vector<1x1x1x1x16xf32>,
        %get3A_2180 = vector.shape_cast %get3A_2179 : vector<1x1x1x1x16xf32> to vector<16xf32>
        %add3A_2181 = arith.addf %add3A_2093, %get3A_2180 : vector<16xf32>
        %get3A_2182 = arith.constant 0 : i32
        %get3A_2183 = arith.constant 2 : i32
        %get3A_2184 = arith.constant 4 : i32
        %get3A_2185 = arith.index_cast %get3A_2182 : i32 to index
        %get3A_2186 = arith.index_cast %scan3A_365 : i32 to index
        %get3A_2187 = arith.index_cast %get3A_2183 : i32 to index
        %get3A_2188 = arith.index_cast %get3A_2184 : i32 to index
        %get3A_2189 = arith.constant 48 : index
        %get3A_2190 = tpu.vector_load %arg4[%get3A_2185, %get3A_2186, %get3A_2187, %get3A_2188, %get3A_2189] {strides = array<i32>} : memref<2x14x3x8x128xf32, #tpu.memory_space<vmem>>, vector<1x1x1x1x16xf32>,
        %get3A_2191 = vector.shape_cast %get3A_2190 : vector<1x1x1x1x16xf32> to vector<16xf32>
        %add3A_2192 = arith.addf %add3A_2104, %get3A_2191 : vector<16xf32>
        %get3A_2193 = arith.constant 0 : i32
        %get3A_2194 = arith.constant 2 : i32
        %get3A_2195 = arith.constant 4 : i32
        %get3A_2196 = arith.index_cast %get3A_2193 : i32 to index
        %get3A_2197 = arith.index_cast %scan3A_365 : i32 to index
        %get3A_2198 = arith.index_cast %get3A_2194 : i32 to index
        %get3A_2199 = arith.index_cast %get3A_2195 : i32 to index
        %get3A_2200 = arith.constant 64 : index
        %get3A_2201 = tpu.vector_load %arg4[%get3A_2196, %get3A_2197, %get3A_2198, %get3A_2199, %get3A_2200] {strides = array<i32>} : memref<2x14x3x8x128xf32, #tpu.memory_space<vmem>>, vector<1x1x1x1x16xf32>,
        %get3A_2202 = vector.shape_cast %get3A_2201 : vector<1x1x1x1x16xf32> to vector<16xf32>
        %add3A_2203 = arith.addf %add3A_2115, %get3A_2202 : vector<16xf32>
        %get3A_2204 = arith.constant 0 : i32
        %get3A_2205 = arith.constant 2 : i32
        %get3A_2206 = arith.constant 4 : i32
        %get3A_2207 = arith.index_cast %get3A_2204 : i32 to index
        %get3A_2208 = arith.index_cast %scan3A_365 : i32 to index
        %get3A_2209 = arith.index_cast %get3A_2205 : i32 to index
        %get3A_2210 = arith.index_cast %get3A_2206 : i32 to index
        %get3A_2211 = arith.constant 80 : index
        %get3A_2212 = tpu.vector_load %arg4[%get3A_2207, %get3A_2208, %get3A_2209, %get3A_2210, %get3A_2211] {strides = array<i32>} : memref<2x14x3x8x128xf32, #tpu.memory_space<vmem>>, vector<1x1x1x1x16xf32>,
        %get3A_2213 = vector.shape_cast %get3A_2212 : vector<1x1x1x1x16xf32> to vector<16xf32>
        %add3A_2214 = arith.addf %add3A_2126, %get3A_2213 : vector<16xf32>
        %get3A_2215 = arith.constant 0 : i32
        %get3A_2216 = arith.constant 2 : i32
        %get3A_2217 = arith.constant 4 : i32
        %get3A_2218 = arith.index_cast %get3A_2215 : i32 to index
        %get3A_2219 = arith.index_cast %scan3A_365 : i32 to index
        %get3A_2220 = arith.index_cast %get3A_2216 : i32 to index
        %get3A_2221 = arith.index_cast %get3A_2217 : i32 to index
        %get3A_2222 = arith.constant 96 : index
        %get3A_2223 = tpu.vector_load %arg4[%get3A_2218, %get3A_2219, %get3A_2220, %get3A_2221, %get3A_2222] {strides = array<i32>} : memref<2x14x3x8x128xf32, #tpu.memory_space<vmem>>, vector<1x1x1x1x16xf32>,
        %get3A_2224 = vector.shape_cast %get3A_2223 : vector<1x1x1x1x16xf32> to vector<16xf32>
        %add3A_2225 = arith.addf %add3A_2137, %get3A_2224 : vector<16xf32>
        %get3A_2226 = arith.constant 0 : i32
        %get3A_2227 = arith.constant 2 : i32
        %get3A_2228 = arith.constant 4 : i32
        %get3A_2229 = arith.index_cast %get3A_2226 : i32 to index
        %get3A_2230 = arith.index_cast %scan3A_365 : i32 to index
        %get3A_2231 = arith.index_cast %get3A_2227 : i32 to index
        %get3A_2232 = arith.index_cast %get3A_2228 : i32 to index
        %get3A_2233 = arith.constant 112 : index
        %get3A_2234 = tpu.vector_load %arg4[%get3A_2229, %get3A_2230, %get3A_2231, %get3A_2232, %get3A_2233] {strides = array<i32>} : memref<2x14x3x8x128xf32, #tpu.memory_space<vmem>>, vector<1x1x1x1x16xf32>,
        %get3A_2235 = vector.shape_cast %get3A_2234 : vector<1x1x1x1x16xf32> to vector<16xf32>
        %add3A_2236 = arith.addf %add3A_2148, %get3A_2235 : vector<16xf32>
        %get3A_2237 = arith.constant 0 : i32
        %get3A_2238 = arith.constant 2 : i32
        %get3A_2239 = arith.constant 5 : i32
        %get3A_2240 = arith.index_cast %get3A_2237 : i32 to index
        %get3A_2241 = arith.index_cast %scan3A_365 : i32 to index
        %get3A_2242 = arith.index_cast %get3A_2238 : i32 to index
        %get3A_2243 = arith.index_cast %get3A_2239 : i32 to index
        %get3A_2244 = arith.constant 0 : index
        %get3A_2245 = tpu.vector_load %arg4[%get3A_2240, %get3A_2241, %get3A_2242, %get3A_2243, %get3A_2244] {strides = array<i32>} : memref<2x14x3x8x128xf32, #tpu.memory_space<vmem>>, vector<1x1x1x1x16xf32>,
        %get3A_2246 = vector.shape_cast %get3A_2245 : vector<1x1x1x1x16xf32> to vector<16xf32>
        %add3A_2247 = arith.addf %add3A_2159, %get3A_2246 : vector<16xf32>
        %get3A_2248 = arith.constant 0 : i32
        %get3A_2249 = arith.constant 2 : i32
        %get3A_2250 = arith.constant 5 : i32
        %get3A_2251 = arith.index_cast %get3A_2248 : i32 to index
        %get3A_2252 = arith.index_cast %scan3A_365 : i32 to index
        %get3A_2253 = arith.index_cast %get3A_2249 : i32 to index
        %get3A_2254 = arith.index_cast %get3A_2250 : i32 to index
        %get3A_2255 = arith.constant 16 : index
        %get3A_2256 = tpu.vector_load %arg4[%get3A_2251, %get3A_2252, %get3A_2253, %get3A_2254, %get3A_2255] {strides = array<i32>} : memref<2x14x3x8x128xf32, #tpu.memory_space<vmem>>, vector<1x1x1x1x16xf32>,
        %get3A_2257 = vector.shape_cast %get3A_2256 : vector<1x1x1x1x16xf32> to vector<16xf32>
        %add3A_2258 = arith.addf %add3A_2170, %get3A_2257 : vector<16xf32>
        %get3A_2259 = arith.constant 0 : i32
        %get3A_2260 = arith.constant 2 : i32
        %get3A_2261 = arith.constant 5 : i32
        %get3A_2262 = arith.index_cast %get3A_2259 : i32 to index
        %get3A_2263 = arith.index_cast %scan3A_365 : i32 to index
        %get3A_2264 = arith.index_cast %get3A_2260 : i32 to index
        %get3A_2265 = arith.index_cast %get3A_2261 : i32 to index
        %get3A_2266 = arith.constant 32 : index
        %get3A_2267 = tpu.vector_load %arg4[%get3A_2262, %get3A_2263, %get3A_2264, %get3A_2265, %get3A_2266] {strides = array<i32>} : memref<2x14x3x8x128xf32, #tpu.memory_space<vmem>>, vector<1x1x1x1x16xf32>,
        %get3A_2268 = vector.shape_cast %get3A_2267 : vector<1x1x1x1x16xf32> to vector<16xf32>
        %add3A_2269 = arith.addf %add3A_2181, %get3A_2268 : vector<16xf32>
        %get3A_2270 = arith.constant 0 : i32
        %get3A_2271 = arith.constant 2 : i32
        %get3A_2272 = arith.constant 5 : i32
        %get3A_2273 = arith.index_cast %get3A_2270 : i32 to index
        %get3A_2274 = arith.index_cast %scan3A_365 : i32 to index
        %get3A_2275 = arith.index_cast %get3A_2271 : i32 to index
        %get3A_2276 = arith.index_cast %get3A_2272 : i32 to index
        %get3A_2277 = arith.constant 48 : index
        %get3A_2278 = tpu.vector_load %arg4[%get3A_2273, %get3A_2274, %get3A_2275, %get3A_2276, %get3A_2277] {strides = array<i32>} : memref<2x14x3x8x128xf32, #tpu.memory_space<vmem>>, vector<1x1x1x1x16xf32>,
        %get3A_2279 = vector.shape_cast %get3A_2278 : vector<1x1x1x1x16xf32> to vector<16xf32>
        %add3A_2280 = arith.addf %add3A_2192, %get3A_2279 : vector<16xf32>
        %get3A_2281 = arith.constant 0 : i32
        %get3A_2282 = arith.constant 2 : i32
        %get3A_2283 = arith.constant 5 : i32
        %get3A_2284 = arith.index_cast %get3A_2281 : i32 to index
        %get3A_2285 = arith.index_cast %scan3A_365 : i32 to index
        %get3A_2286 = arith.index_cast %get3A_2282 : i32 to index
        %get3A_2287 = arith.index_cast %get3A_2283 : i32 to index
        %get3A_2288 = arith.constant 64 : index
        %get3A_2289 = tpu.vector_load %arg4[%get3A_2284, %get3A_2285, %get3A_2286, %get3A_2287, %get3A_2288] {strides = array<i32>} : memref<2x14x3x8x128xf32, #tpu.memory_space<vmem>>, vector<1x1x1x1x16xf32>,
        %get3A_2290 = vector.shape_cast %get3A_2289 : vector<1x1x1x1x16xf32> to vector<16xf32>
        %add3A_2291 = arith.addf %add3A_2203, %get3A_2290 : vector<16xf32>
        %get3A_2292 = arith.constant 0 : i32
        %get3A_2293 = arith.constant 2 : i32
        %get3A_2294 = arith.constant 5 : i32
        %get3A_2295 = arith.index_cast %get3A_2292 : i32 to index
        %get3A_2296 = arith.index_cast %scan3A_365 : i32 to index
        %get3A_2297 = arith.index_cast %get3A_2293 : i32 to index
        %get3A_2298 = arith.index_cast %get3A_2294 : i32 to index
        %get3A_2299 = arith.constant 80 : index
        %get3A_2300 = tpu.vector_load %arg4[%get3A_2295, %get3A_2296, %get3A_2297, %get3A_2298, %get3A_2299] {strides = array<i32>} : memref<2x14x3x8x128xf32, #tpu.memory_space<vmem>>, vector<1x1x1x1x16xf32>,
        %get3A_2301 = vector.shape_cast %get3A_2300 : vector<1x1x1x1x16xf32> to vector<16xf32>
        %add3A_2302 = arith.addf %add3A_2214, %get3A_2301 : vector<16xf32>
        %get3A_2303 = arith.constant 0 : i32
        %get3A_2304 = arith.constant 2 : i32
        %get3A_2305 = arith.constant 5 : i32
        %get3A_2306 = arith.index_cast %get3A_2303 : i32 to index
        %get3A_2307 = arith.index_cast %scan3A_365 : i32 to index
        %get3A_2308 = arith.index_cast %get3A_2304 : i32 to index
        %get3A_2309 = arith.index_cast %get3A_2305 : i32 to index
        %get3A_2310 = arith.constant 96 : index
        %get3A_2311 = tpu.vector_load %arg4[%get3A_2306, %get3A_2307, %get3A_2308, %get3A_2309, %get3A_2310] {strides = array<i32>} : memref<2x14x3x8x128xf32, #tpu.memory_space<vmem>>, vector<1x1x1x1x16xf32>,
        %get3A_2312 = vector.shape_cast %get3A_2311 : vector<1x1x1x1x16xf32> to vector<16xf32>
        %add3A_2313 = arith.addf %add3A_2225, %get3A_2312 : vector<16xf32>
        %get3A_2314 = arith.constant 0 : i32
        %get3A_2315 = arith.constant 2 : i32
        %get3A_2316 = arith.constant 5 : i32
        %get3A_2317 = arith.index_cast %get3A_2314 : i32 to index
        %get3A_2318 = arith.index_cast %scan3A_365 : i32 to index
        %get3A_2319 = arith.index_cast %get3A_2315 : i32 to index
        %get3A_2320 = arith.index_cast %get3A_2316 : i32 to index
        %get3A_2321 = arith.constant 112 : index
        %get3A_2322 = tpu.vector_load %arg4[%get3A_2317, %get3A_2318, %get3A_2319, %get3A_2320, %get3A_2321] {strides = array<i32>} : memref<2x14x3x8x128xf32, #tpu.memory_space<vmem>>, vector<1x1x1x1x16xf32>,
        %get3A_2323 = vector.shape_cast %get3A_2322 : vector<1x1x1x1x16xf32> to vector<16xf32>
        %add3A_2324 = arith.addf %add3A_2236, %get3A_2323 : vector<16xf32>
        %get3A_2325 = arith.constant 0 : i32
        %get3A_2326 = arith.constant 2 : i32
        %get3A_2327 = arith.constant 6 : i32
        %get3A_2328 = arith.index_cast %get3A_2325 : i32 to index
        %get3A_2329 = arith.index_cast %scan3A_365 : i32 to index
        %get3A_2330 = arith.index_cast %get3A_2326 : i32 to index
        %get3A_2331 = arith.index_cast %get3A_2327 : i32 to index
        %get3A_2332 = arith.constant 0 : index
        %get3A_2333 = tpu.vector_load %arg4[%get3A_2328, %get3A_2329, %get3A_2330, %get3A_2331, %get3A_2332] {strides = array<i32>} : memref<2x14x3x8x128xf32, #tpu.memory_space<vmem>>, vector<1x1x1x1x16xf32>,
        %get3A_2334 = vector.shape_cast %get3A_2333 : vector<1x1x1x1x16xf32> to vector<16xf32>
        %add3A_2335 = arith.addf %add3A_2247, %get3A_2334 : vector<16xf32>
        %get3A_2336 = arith.constant 0 : i32
        %get3A_2337 = arith.constant 2 : i32
        %get3A_2338 = arith.constant 6 : i32
        %get3A_2339 = arith.index_cast %get3A_2336 : i32 to index
        %get3A_2340 = arith.index_cast %scan3A_365 : i32 to index
        %get3A_2341 = arith.index_cast %get3A_2337 : i32 to index
        %get3A_2342 = arith.index_cast %get3A_2338 : i32 to index
        %get3A_2343 = arith.constant 16 : index
        %get3A_2344 = tpu.vector_load %arg4[%get3A_2339, %get3A_2340, %get3A_2341, %get3A_2342, %get3A_2343] {strides = array<i32>} : memref<2x14x3x8x128xf32, #tpu.memory_space<vmem>>, vector<1x1x1x1x16xf32>,
        %get3A_2345 = vector.shape_cast %get3A_2344 : vector<1x1x1x1x16xf32> to vector<16xf32>
        %add3A_2346 = arith.addf %add3A_2258, %get3A_2345 : vector<16xf32>
        %get3A_2347 = arith.constant 0 : i32
        %get3A_2348 = arith.constant 2 : i32
        %get3A_2349 = arith.constant 6 : i32
        %get3A_2350 = arith.index_cast %get3A_2347 : i32 to index
        %get3A_2351 = arith.index_cast %scan3A_365 : i32 to index
        %get3A_2352 = arith.index_cast %get3A_2348 : i32 to index
        %get3A_2353 = arith.index_cast %get3A_2349 : i32 to index
        %get3A_2354 = arith.constant 32 : index
        %get3A_2355 = tpu.vector_load %arg4[%get3A_2350, %get3A_2351, %get3A_2352, %get3A_2353, %get3A_2354] {strides = array<i32>} : memref<2x14x3x8x128xf32, #tpu.memory_space<vmem>>, vector<1x1x1x1x16xf32>,
        %get3A_2356 = vector.shape_cast %get3A_2355 : vector<1x1x1x1x16xf32> to vector<16xf32>
        %add3A_2357 = arith.addf %add3A_2269, %get3A_2356 : vector<16xf32>
        %get3A_2358 = arith.constant 0 : i32
        %get3A_2359 = arith.constant 2 : i32
        %get3A_2360 = arith.constant 6 : i32
        %get3A_2361 = arith.index_cast %get3A_2358 : i32 to index
        %get3A_2362 = arith.index_cast %scan3A_365 : i32 to index
        %get3A_2363 = arith.index_cast %get3A_2359 : i32 to index
        %get3A_2364 = arith.index_cast %get3A_2360 : i32 to index
        %get3A_2365 = arith.constant 48 : index
        %get3A_2366 = tpu.vector_load %arg4[%get3A_2361, %get3A_2362, %get3A_2363, %get3A_2364, %get3A_2365] {strides = array<i32>} : memref<2x14x3x8x128xf32, #tpu.memory_space<vmem>>, vector<1x1x1x1x16xf32>,
        %get3A_2367 = vector.shape_cast %get3A_2366 : vector<1x1x1x1x16xf32> to vector<16xf32>
        %add3A_2368 = arith.addf %add3A_2280, %get3A_2367 : vector<16xf32>
        %get3A_2369 = arith.constant 0 : i32
        %get3A_2370 = arith.constant 2 : i32
        %get3A_2371 = arith.constant 6 : i32
        %get3A_2372 = arith.index_cast %get3A_2369 : i32 to index
        %get3A_2373 = arith.index_cast %scan3A_365 : i32 to index
        %get3A_2374 = arith.index_cast %get3A_2370 : i32 to index
        %get3A_2375 = arith.index_cast %get3A_2371 : i32 to index
        %get3A_2376 = arith.constant 64 : index
        %get3A_2377 = tpu.vector_load %arg4[%get3A_2372, %get3A_2373, %get3A_2374, %get3A_2375, %get3A_2376] {strides = array<i32>} : memref<2x14x3x8x128xf32, #tpu.memory_space<vmem>>, vector<1x1x1x1x16xf32>,
        %get3A_2378 = vector.shape_cast %get3A_2377 : vector<1x1x1x1x16xf32> to vector<16xf32>
        %add3A_2379 = arith.addf %add3A_2291, %get3A_2378 : vector<16xf32>
        %get3A_2380 = arith.constant 0 : i32
        %get3A_2381 = arith.constant 2 : i32
        %get3A_2382 = arith.constant 6 : i32
        %get3A_2383 = arith.index_cast %get3A_2380 : i32 to index
        %get3A_2384 = arith.index_cast %scan3A_365 : i32 to index
        %get3A_2385 = arith.index_cast %get3A_2381 : i32 to index
        %get3A_2386 = arith.index_cast %get3A_2382 : i32 to index
        %get3A_2387 = arith.constant 80 : index
        %get3A_2388 = tpu.vector_load %arg4[%get3A_2383, %get3A_2384, %get3A_2385, %get3A_2386, %get3A_2387] {strides = array<i32>} : memref<2x14x3x8x128xf32, #tpu.memory_space<vmem>>, vector<1x1x1x1x16xf32>,
        %get3A_2389 = vector.shape_cast %get3A_2388 : vector<1x1x1x1x16xf32> to vector<16xf32>
        %add3A_2390 = arith.addf %add3A_2302, %get3A_2389 : vector<16xf32>
        %get3A_2391 = arith.constant 0 : i32
        %get3A_2392 = arith.constant 2 : i32
        %get3A_2393 = arith.constant 6 : i32
        %get3A_2394 = arith.index_cast %get3A_2391 : i32 to index
        %get3A_2395 = arith.index_cast %scan3A_365 : i32 to index
        %get3A_2396 = arith.index_cast %get3A_2392 : i32 to index
        %get3A_2397 = arith.index_cast %get3A_2393 : i32 to index
        %get3A_2398 = arith.constant 96 : index
        %get3A_2399 = tpu.vector_load %arg4[%get3A_2394, %get3A_2395, %get3A_2396, %get3A_2397, %get3A_2398] {strides = array<i32>} : memref<2x14x3x8x128xf32, #tpu.memory_space<vmem>>, vector<1x1x1x1x16xf32>,
        %get3A_2400 = vector.shape_cast %get3A_2399 : vector<1x1x1x1x16xf32> to vector<16xf32>
        %add3A_2401 = arith.addf %add3A_2313, %get3A_2400 : vector<16xf32>
        %get3A_2402 = arith.constant 0 : i32
        %get3A_2403 = arith.constant 2 : i32
        %get3A_2404 = arith.constant 6 : i32
        %get3A_2405 = arith.index_cast %get3A_2402 : i32 to index
        %get3A_2406 = arith.index_cast %scan3A_365 : i32 to index
        %get3A_2407 = arith.index_cast %get3A_2403 : i32 to index
        %get3A_2408 = arith.index_cast %get3A_2404 : i32 to index
        %get3A_2409 = arith.constant 112 : index
        %get3A_2410 = tpu.vector_load %arg4[%get3A_2405, %get3A_2406, %get3A_2407, %get3A_2408, %get3A_2409] {strides = array<i32>} : memref<2x14x3x8x128xf32, #tpu.memory_space<vmem>>, vector<1x1x1x1x16xf32>,
        %get3A_2411 = vector.shape_cast %get3A_2410 : vector<1x1x1x1x16xf32> to vector<16xf32>
        %add3A_2412 = arith.addf %add3A_2324, %get3A_2411 : vector<16xf32>
        %get3A_2413 = arith.constant 0 : i32
        %get3A_2414 = arith.constant 2 : i32
        %get3A_2415 = arith.constant 7 : i32
        %get3A_2416 = arith.index_cast %get3A_2413 : i32 to index
        %get3A_2417 = arith.index_cast %scan3A_365 : i32 to index
        %get3A_2418 = arith.index_cast %get3A_2414 : i32 to index
        %get3A_2419 = arith.index_cast %get3A_2415 : i32 to index
        %get3A_2420 = arith.constant 0 : index
        %get3A_2421 = tpu.vector_load %arg4[%get3A_2416, %get3A_2417, %get3A_2418, %get3A_2419, %get3A_2420] {strides = array<i32>} : memref<2x14x3x8x128xf32, #tpu.memory_space<vmem>>, vector<1x1x1x1x16xf32>,
        %get3A_2422 = vector.shape_cast %get3A_2421 : vector<1x1x1x1x16xf32> to vector<16xf32>
        %add3A_2423 = arith.addf %add3A_2335, %get3A_2422 : vector<16xf32>
        %get3A_2424 = arith.constant 0 : i32
        %get3A_2425 = arith.constant 2 : i32
        %get3A_2426 = arith.constant 7 : i32
        %get3A_2427 = arith.index_cast %get3A_2424 : i32 to index
        %get3A_2428 = arith.index_cast %scan3A_365 : i32 to index
        %get3A_2429 = arith.index_cast %get3A_2425 : i32 to index
        %get3A_2430 = arith.index_cast %get3A_2426 : i32 to index
        %get3A_2431 = arith.constant 16 : index
        %get3A_2432 = tpu.vector_load %arg4[%get3A_2427, %get3A_2428, %get3A_2429, %get3A_2430, %get3A_2431] {strides = array<i32>} : memref<2x14x3x8x128xf32, #tpu.memory_space<vmem>>, vector<1x1x1x1x16xf32>,
        %get3A_2433 = vector.shape_cast %get3A_2432 : vector<1x1x1x1x16xf32> to vector<16xf32>
        %add3A_2434 = arith.addf %add3A_2346, %get3A_2433 : vector<16xf32>
        %get3A_2435 = arith.constant 0 : i32
        %get3A_2436 = arith.constant 2 : i32
        %get3A_2437 = arith.constant 7 : i32
        %get3A_2438 = arith.index_cast %get3A_2435 : i32 to index
        %get3A_2439 = arith.index_cast %scan3A_365 : i32 to index
        %get3A_2440 = arith.index_cast %get3A_2436 : i32 to index
        %get3A_2441 = arith.index_cast %get3A_2437 : i32 to index
        %get3A_2442 = arith.constant 32 : index
        %get3A_2443 = tpu.vector_load %arg4[%get3A_2438, %get3A_2439, %get3A_2440, %get3A_2441, %get3A_2442] {strides = array<i32>} : memref<2x14x3x8x128xf32, #tpu.memory_space<vmem>>, vector<1x1x1x1x16xf32>,
        %get3A_2444 = vector.shape_cast %get3A_2443 : vector<1x1x1x1x16xf32> to vector<16xf32>
        %add3A_2445 = arith.addf %add3A_2357, %get3A_2444 : vector<16xf32>
        %get3A_2446 = arith.constant 0 : i32
        %get3A_2447 = arith.constant 2 : i32
        %get3A_2448 = arith.constant 7 : i32
        %get3A_2449 = arith.index_cast %get3A_2446 : i32 to index
        %get3A_2450 = arith.index_cast %scan3A_365 : i32 to index
        %get3A_2451 = arith.index_cast %get3A_2447 : i32 to index
        %get3A_2452 = arith.index_cast %get3A_2448 : i32 to index
        %get3A_2453 = arith.constant 48 : index
        %get3A_2454 = tpu.vector_load %arg4[%get3A_2449, %get3A_2450, %get3A_2451, %get3A_2452, %get3A_2453] {strides = array<i32>} : memref<2x14x3x8x128xf32, #tpu.memory_space<vmem>>, vector<1x1x1x1x16xf32>,
        %get3A_2455 = vector.shape_cast %get3A_2454 : vector<1x1x1x1x16xf32> to vector<16xf32>
        %add3A_2456 = arith.addf %add3A_2368, %get3A_2455 : vector<16xf32>
        %get3A_2457 = arith.constant 0 : i32
        %get3A_2458 = arith.constant 2 : i32
        %get3A_2459 = arith.constant 7 : i32
        %get3A_2460 = arith.index_cast %get3A_2457 : i32 to index
        %get3A_2461 = arith.index_cast %scan3A_365 : i32 to index
        %get3A_2462 = arith.index_cast %get3A_2458 : i32 to index
        %get3A_2463 = arith.index_cast %get3A_2459 : i32 to index
        %get3A_2464 = arith.constant 64 : index
        %get3A_2465 = tpu.vector_load %arg4[%get3A_2460, %get3A_2461, %get3A_2462, %get3A_2463, %get3A_2464] {strides = array<i32>} : memref<2x14x3x8x128xf32, #tpu.memory_space<vmem>>, vector<1x1x1x1x16xf32>,
        %get3A_2466 = vector.shape_cast %get3A_2465 : vector<1x1x1x1x16xf32> to vector<16xf32>
        %add3A_2467 = arith.addf %add3A_2379, %get3A_2466 : vector<16xf32>
        %get3A_2468 = arith.constant 0 : i32
        %get3A_2469 = arith.constant 2 : i32
        %get3A_2470 = arith.constant 7 : i32
        %get3A_2471 = arith.index_cast %get3A_2468 : i32 to index
        %get3A_2472 = arith.index_cast %scan3A_365 : i32 to index
        %get3A_2473 = arith.index_cast %get3A_2469 : i32 to index
        %get3A_2474 = arith.index_cast %get3A_2470 : i32 to index
        %get3A_2475 = arith.constant 80 : index
        %get3A_2476 = tpu.vector_load %arg4[%get3A_2471, %get3A_2472, %get3A_2473, %get3A_2474, %get3A_2475] {strides = array<i32>} : memref<2x14x3x8x128xf32, #tpu.memory_space<vmem>>, vector<1x1x1x1x16xf32>,
        %get3A_2477 = vector.shape_cast %get3A_2476 : vector<1x1x1x1x16xf32> to vector<16xf32>
        %add3A_2478 = arith.addf %add3A_2390, %get3A_2477 : vector<16xf32>
        %get3A_2479 = arith.constant 0 : i32
        %get3A_2480 = arith.constant 2 : i32
        %get3A_2481 = arith.constant 7 : i32
        %get3A_2482 = arith.index_cast %get3A_2479 : i32 to index
        %get3A_2483 = arith.index_cast %scan3A_365 : i32 to index
        %get3A_2484 = arith.index_cast %get3A_2480 : i32 to index
        %get3A_2485 = arith.index_cast %get3A_2481 : i32 to index
        %get3A_2486 = arith.constant 96 : index
        %get3A_2487 = tpu.vector_load %arg4[%get3A_2482, %get3A_2483, %get3A_2484, %get3A_2485, %get3A_2486] {strides = array<i32>} : memref<2x14x3x8x128xf32, #tpu.memory_space<vmem>>, vector<1x1x1x1x16xf32>,
        %get3A_2488 = vector.shape_cast %get3A_2487 : vector<1x1x1x1x16xf32> to vector<16xf32>
        %add3A_2489 = arith.addf %add3A_2401, %get3A_2488 : vector<16xf32>
        %get3A_2490 = arith.constant 0 : i32
        %get3A_2491 = arith.constant 2 : i32
        %get3A_2492 = arith.constant 7 : i32
        %get3A_2493 = arith.index_cast %get3A_2490 : i32 to index
        %get3A_2494 = arith.index_cast %scan3A_365 : i32 to index
        %get3A_2495 = arith.index_cast %get3A_2491 : i32 to index
        %get3A_2496 = arith.index_cast %get3A_2492 : i32 to index
        %get3A_2497 = arith.constant 112 : index
        %get3A_2498 = tpu.vector_load %arg4[%get3A_2493, %get3A_2494, %get3A_2495, %get3A_2496, %get3A_2497] {strides = array<i32>} : memref<2x14x3x8x128xf32, #tpu.memory_space<vmem>>, vector<1x1x1x1x16xf32>,
        %get3A_2499 = vector.shape_cast %get3A_2498 : vector<1x1x1x1x16xf32> to vector<16xf32>
        %add3A_2500 = arith.addf %add3A_2412, %get3A_2499 : vector<16xf32>
        scf.yield %add3A_1015, %add3A_1026, %add3A_1037, %add3A_1048, %add3A_1059, %add3A_1070, %add3A_1081, %add3A_1092, %add3A_1719, %add3A_1730, %add3A_1741, %add3A_1752, %add3A_1763, %add3A_1774, %add3A_1785, %add3A_1796, %add3A_2423, %add3A_2434, %add3A_2445, %add3A_2456, %add3A_2467, %add3A_2478, %add3A_2489, %add3A_2500 : vector<16xf32>, vector<16xf32>, vector<16xf32>, vector<16xf32>, vector<16xf32>, vector<16xf32>, vector<16xf32>, vector<16xf32>, vector<16xf32>, vector<16xf32>, vector<16xf32>, vector<16xf32>, vector<16xf32>, vector<16xf32>, vector<16xf32>, vector<16xf32>, vector<16xf32>, vector<16xf32>, vector<16xf32>, vector<16xf32>, vector<16xf32>, vector<16xf32>, vector<16xf32>, vector<16xf32>
      }
      %scan3A_322 = arith.constant 14 : i32
      %add3A_323 = arith.constant 1 : i32
      %add3A_324 = arith.addi %scan3A_267, %add3A_323 : i32
      %lt3A = arith.constant 14 : i32
      %lt3A_325 = arith.cmpi slt, %add3A_324, %lt3A : i32
      %convert_element_type3A = arith.extui %lt3A_325 : i1 to i32
      %cond3A = arith.constant 0 : i32
      %cond3A_326 = arith.cmpi ne, %convert_element_type3A, %cond3A : i32
      scf.if %cond3A_326 {
        %add3A_365 = arith.constant 1 : i32
        %add3A_366 = arith.addi %add3A_292, %add3A_365 : i32
        %dma_start3A_367 = arith.constant 0 : i32
        %dma_start3A_368 = arith.constant 0 : i32
        %dma_start3A_369 = arith.constant 0 : i32
        %dma_start3A_370 = arith.constant 0 : i32
        %dma_start3A_371 = arith.constant 0 : i32
        %dma_start3A_372 = tpu.memref_slice %arg4[%dma_start3A_367, %dma_start3A_368, %dma_start3A_369, %dma_start3A_370, %dma_start3A_371] : memref<2x14x3x8x128xf32, #tpu.memory_space<vmem>> -> memref<1x14x3x8x128xf32, #tpu.memory_space<vmem>>
        %dma_start3A_373 = tpu.memref_squeeze %dma_start3A_372 : memref<1x14x3x8x128xf32, #tpu.memory_space<vmem>> -> memref<14x3x8x128xf32, #tpu.memory_space<vmem>>
        %dma_start3A_374 = arith.constant 0 : i32
        %dma_start3A_375 = arith.constant 0 : i32
        %dma_start3A_376 = arith.constant 0 : i32
        %dma_start3A_377 = arith.constant 0 : i32
        %dma_start3A_378 = tpu.memref_slice %arg2[%select_n3A, %add3A_366, %dma_start3A_374, %dma_start3A_375, %dma_start3A_376, %dma_start3A_377] : memref<8x224x28x3x8x128xf32, #tpu.memory_space<hbm>> -> memref<1x1x14x3x8x128xf32, #tpu.memory_space<hbm>>
        %dma_start3A_379 = tpu.memref_squeeze %dma_start3A_378 : memref<1x1x14x3x8x128xf32, #tpu.memory_space<hbm>> -> memref<14x3x8x128xf32, #tpu.memory_space<hbm>>
        %dma_start3A_380 = arith.constant 0 : i32
        %dma_start3A_381 = arith.constant 0 : i32
        %dma_start3A_382 = arith.constant 0 : i32
        %dma_start3A_383 = arith.constant 0 : i32
        %dma_start3A_384 = tpu.memref_slice %arg4[%dma_start3A_367, %dma_start3A_380, %dma_start3A_381, %dma_start3A_382, %dma_start3A_383] : memref<2x14x3x8x128xf32, #tpu.memory_space<vmem>> -> memref<1x14x3x8x128xf32, #tpu.memory_space<vmem>>
        %dma_start3A_385 = tpu.memref_squeeze %dma_start3A_384 : memref<1x14x3x8x128xf32, #tpu.memory_space<vmem>> -> memref<14x3x8x128xf32, #tpu.memory_space<vmem>>
        %dma_start3A_386 = arith.constant 0 : i32
        %dma_start3A_387 = arith.constant 0 : i32
        %dma_start3A_388 = arith.constant 0 : i32
        %dma_start3A_389 = arith.constant 0 : i32
        %dma_start3A_390 = tpu.memref_slice %arg2[%select_n3A, %add3A_366, %dma_start3A_386, %dma_start3A_387, %dma_start3A_388, %dma_start3A_389] : memref<8x224x28x3x8x128xf32, #tpu.memory_space<hbm>> -> memref<1x1x14x3x8x128xf32, #tpu.memory_space<hbm>>
        %dma_start3A_391 = tpu.memref_squeeze %dma_start3A_390 : memref<1x1x14x3x8x128xf32, #tpu.memory_space<hbm>> -> memref<14x3x8x128xf32, #tpu.memory_space<hbm>>
        tpu.enqueue_dma source(%dma_start3A_391 : memref<14x3x8x128xf32, #tpu.memory_space<hbm>>) target(%dma_start3A_385 : memref<14x3x8x128xf32, #tpu.memory_space<vmem>>) target_semaphore(%arg6 : memref<!tpu.dma_semaphore, #tpu.memory_space<semaphore_mem>>)
      } else {
      }
      %dma_wait3A_327 = arith.constant 1 : i32
      %dma_wait3A_328 = arith.constant 0 : i32
      %dma_wait3A_329 = arith.constant 0 : i32
      %dma_wait3A_330 = arith.constant 0 : i32
      %dma_wait3A_331 = arith.constant 0 : i32
      %dma_wait3A_332 = tpu.memref_slice %arg4[%dma_wait3A_327, %dma_wait3A_328, %dma_wait3A_329, %dma_wait3A_330, %dma_wait3A_331] : memref<2x14x3x8x128xf32, #tpu.memory_space<vmem>> -> memref<1x14x3x8x128xf32, #tpu.memory_space<vmem>>
      %dma_wait3A_333 = tpu.memref_squeeze %dma_wait3A_332 : memref<1x14x3x8x128xf32, #tpu.memory_space<vmem>> -> memref<14x3x8x128xf32, #tpu.memory_space<vmem>>
      %dma_wait3A_334 = arith.constant 14 : i32
      %dma_wait3A_335 = arith.constant 0 : i32
      %dma_wait3A_336 = arith.constant 0 : i32
      %dma_wait3A_337 = arith.constant 0 : i32
      %dma_wait3A_338 = tpu.memref_slice %arg2[%select_n3A, %add3A_22, %dma_wait3A_334, %dma_wait3A_335, %dma_wait3A_336, %dma_wait3A_337] : memref<8x224x28x3x8x128xf32, #tpu.memory_space<hbm>> -> memref<1x1x14x3x8x128xf32, #tpu.memory_space<hbm>>
      %dma_wait3A_339 = tpu.memref_squeeze %dma_wait3A_338 : memref<1x1x14x3x8x128xf32, #tpu.memory_space<hbm>> -> memref<14x3x8x128xf32, #tpu.memory_space<hbm>>
      %dma_wait3A_340 = arith.constant 0 : i32
      %dma_wait3A_341 = arith.constant 0 : i32
      %dma_wait3A_342 = arith.constant 0 : i32
      %dma_wait3A_343 = arith.constant 0 : i32
      %dma_wait3A_344 = tpu.memref_slice %arg4[%dma_wait3A_327, %dma_wait3A_340, %dma_wait3A_341, %dma_wait3A_342, %dma_wait3A_343] : memref<2x14x3x8x128xf32, #tpu.memory_space<vmem>> -> memref<1x14x3x8x128xf32, #tpu.memory_space<vmem>>
      %dma_wait3A_345 = tpu.memref_squeeze %dma_wait3A_344 : memref<1x14x3x8x128xf32, #tpu.memory_space<vmem>> -> memref<14x3x8x128xf32, #tpu.memory_space<vmem>>
      %dma_wait3A_346 = arith.constant 14 : i32
      %dma_wait3A_347 = arith.constant 0 : i32
      %dma_wait3A_348 = arith.constant 0 : i32
      %dma_wait3A_349 = arith.constant 0 : i32
      %dma_wait3A_350 = tpu.memref_slice %arg2[%select_n3A, %add3A_22, %dma_wait3A_346, %dma_wait3A_347, %dma_wait3A_348, %dma_wait3A_349] : memref<8x224x28x3x8x128xf32, #tpu.memory_space<hbm>> -> memref<1x1x14x3x8x128xf32, #tpu.memory_space<hbm>>
      %dma_wait3A_351 = tpu.memref_squeeze %dma_wait3A_350 : memref<1x1x14x3x8x128xf32, #tpu.memory_space<hbm>> -> memref<14x3x8x128xf32, #tpu.memory_space<hbm>>
      tpu.wait_dma2 semaphore(%arg7 : memref<!tpu.dma_semaphore, #tpu.memory_space<semaphore_mem>>) src(%dma_wait3A_351 : memref<14x3x8x128xf32, #tpu.memory_space<hbm>>) dst(%dma_wait3A_345 : memref<14x3x8x128xf32, #tpu.memory_space<vmem>>)
      %scan3A_352 = arith.constant 0 : i32
      %scan3A_353 = arith.constant 14 : i32
      %scan3A_354 = arith.addi %scan3A_352, %scan3A_353 : i32
      %scan3A_355 = arith.constant 1 : i32
      %scan3A_356:24 = scf.for %scan3A_365 = %scan3A_352 to %scan3A_354 step %scan3A_355 iter_args(%scan3A_366 = %scan3A_321#0, %scan3A_367 = %scan3A_321#1, %scan3A_368 = %scan3A_321#2, %scan3A_369 = %scan3A_321#3, %scan3A_370 = %scan3A_321#4, %scan3A_371 = %scan3A_321#5, %scan3A_372 = %scan3A_321#6, %scan3A_373 = %scan3A_321#7, %scan3A_374 = %scan3A_321#8, %scan3A_375 = %scan3A_321#9, %scan3A_376 = %scan3A_321#10, %scan3A_377 = %scan3A_321#11, %scan3A_378 = %scan3A_321#12, %scan3A_379 = %scan3A_321#13, %scan3A_380 = %scan3A_321#14, %scan3A_381 = %scan3A_321#15, %scan3A_382 = %scan3A_321#16, %scan3A_383 = %scan3A_321#17, %scan3A_384 = %scan3A_321#18, %scan3A_385 = %scan3A_321#19, %scan3A_386 = %scan3A_321#20, %scan3A_387 = %scan3A_321#21, %scan3A_388 = %scan3A_321#22, %scan3A_389 = %scan3A_321#23) -> (vector<16xf32>, vector<16xf32>, vector<16xf32>, vector<16xf32>, vector<16xf32>, vector<16xf32>, vector<16xf32>, vector<16xf32>, vector<16xf32>, vector<16xf32>, vector<16xf32>, vector<16xf32>, vector<16xf32>, vector<16xf32>, vector<16xf32>, vector<16xf32>, vector<16xf32>, vector<16xf32>, vector<16xf32>, vector<16xf32>, vector<16xf32>, vector<16xf32>, vector<16xf32>, vector<16xf32>)  : i32 {
        %get3A = arith.constant 1 : i32
        %get3A_390 = arith.constant 0 : i32
        %get3A_391 = arith.constant 0 : i32
        %get3A_392 = arith.index_cast %get3A : i32 to index
        %get3A_393 = arith.index_cast %scan3A_365 : i32 to index
        %get3A_394 = arith.index_cast %get3A_390 : i32 to index
        %get3A_395 = arith.index_cast %get3A_391 : i32 to index
        %get3A_396 = arith.constant 0 : index
        %get3A_397 = tpu.vector_load %arg4[%get3A_392, %get3A_393, %get3A_394, %get3A_395, %get3A_396] {strides = array<i32>} : memref<2x14x3x8x128xf32, #tpu.memory_space<vmem>>, vector<1x1x1x1x16xf32>,
        %get3A_398 = vector.shape_cast %get3A_397 : vector<1x1x1x1x16xf32> to vector<16xf32>
        %add3A_399 = arith.addf %scan3A_366, %get3A_398 : vector<16xf32>
        %get3A_400 = arith.constant 1 : i32
        %get3A_401 = arith.constant 0 : i32
        %get3A_402 = arith.constant 0 : i32
        %get3A_403 = arith.index_cast %get3A_400 : i32 to index
        %get3A_404 = arith.index_cast %scan3A_365 : i32 to index
        %get3A_405 = arith.index_cast %get3A_401 : i32 to index
        %get3A_406 = arith.index_cast %get3A_402 : i32 to index
        %get3A_407 = arith.constant 16 : index
        %get3A_408 = tpu.vector_load %arg4[%get3A_403, %get3A_404, %get3A_405, %get3A_406, %get3A_407] {strides = array<i32>} : memref<2x14x3x8x128xf32, #tpu.memory_space<vmem>>, vector<1x1x1x1x16xf32>,
        %get3A_409 = vector.shape_cast %get3A_408 : vector<1x1x1x1x16xf32> to vector<16xf32>
        %add3A_410 = arith.addf %scan3A_367, %get3A_409 : vector<16xf32>
        %get3A_411 = arith.constant 1 : i32
        %get3A_412 = arith.constant 0 : i32
        %get3A_413 = arith.constant 0 : i32
        %get3A_414 = arith.index_cast %get3A_411 : i32 to index
        %get3A_415 = arith.index_cast %scan3A_365 : i32 to index
        %get3A_416 = arith.index_cast %get3A_412 : i32 to index
        %get3A_417 = arith.index_cast %get3A_413 : i32 to index
        %get3A_418 = arith.constant 32 : index
        %get3A_419 = tpu.vector_load %arg4[%get3A_414, %get3A_415, %get3A_416, %get3A_417, %get3A_418] {strides = array<i32>} : memref<2x14x3x8x128xf32, #tpu.memory_space<vmem>>, vector<1x1x1x1x16xf32>,
        %get3A_420 = vector.shape_cast %get3A_419 : vector<1x1x1x1x16xf32> to vector<16xf32>
        %add3A_421 = arith.addf %scan3A_368, %get3A_420 : vector<16xf32>
        %get3A_422 = arith.constant 1 : i32
        %get3A_423 = arith.constant 0 : i32
        %get3A_424 = arith.constant 0 : i32
        %get3A_425 = arith.index_cast %get3A_422 : i32 to index
        %get3A_426 = arith.index_cast %scan3A_365 : i32 to index
        %get3A_427 = arith.index_cast %get3A_423 : i32 to index
        %get3A_428 = arith.index_cast %get3A_424 : i32 to index
        %get3A_429 = arith.constant 48 : index
        %get3A_430 = tpu.vector_load %arg4[%get3A_425, %get3A_426, %get3A_427, %get3A_428, %get3A_429] {strides = array<i32>} : memref<2x14x3x8x128xf32, #tpu.memory_space<vmem>>, vector<1x1x1x1x16xf32>,
        %get3A_431 = vector.shape_cast %get3A_430 : vector<1x1x1x1x16xf32> to vector<16xf32>
        %add3A_432 = arith.addf %scan3A_369, %get3A_431 : vector<16xf32>
        %get3A_433 = arith.constant 1 : i32
        %get3A_434 = arith.constant 0 : i32
        %get3A_435 = arith.constant 0 : i32
        %get3A_436 = arith.index_cast %get3A_433 : i32 to index
        %get3A_437 = arith.index_cast %scan3A_365 : i32 to index
        %get3A_438 = arith.index_cast %get3A_434 : i32 to index
        %get3A_439 = arith.index_cast %get3A_435 : i32 to index
        %get3A_440 = arith.constant 64 : index
        %get3A_441 = tpu.vector_load %arg4[%get3A_436, %get3A_437, %get3A_438, %get3A_439, %get3A_440] {strides = array<i32>} : memref<2x14x3x8x128xf32, #tpu.memory_space<vmem>>, vector<1x1x1x1x16xf32>,
        %get3A_442 = vector.shape_cast %get3A_441 : vector<1x1x1x1x16xf32> to vector<16xf32>
        %add3A_443 = arith.addf %scan3A_370, %get3A_442 : vector<16xf32>
        %get3A_444 = arith.constant 1 : i32
        %get3A_445 = arith.constant 0 : i32
        %get3A_446 = arith.constant 0 : i32
        %get3A_447 = arith.index_cast %get3A_444 : i32 to index
        %get3A_448 = arith.index_cast %scan3A_365 : i32 to index
        %get3A_449 = arith.index_cast %get3A_445 : i32 to index
        %get3A_450 = arith.index_cast %get3A_446 : i32 to index
        %get3A_451 = arith.constant 80 : index
        %get3A_452 = tpu.vector_load %arg4[%get3A_447, %get3A_448, %get3A_449, %get3A_450, %get3A_451] {strides = array<i32>} : memref<2x14x3x8x128xf32, #tpu.memory_space<vmem>>, vector<1x1x1x1x16xf32>,
        %get3A_453 = vector.shape_cast %get3A_452 : vector<1x1x1x1x16xf32> to vector<16xf32>
        %add3A_454 = arith.addf %scan3A_371, %get3A_453 : vector<16xf32>
        %get3A_455 = arith.constant 1 : i32
        %get3A_456 = arith.constant 0 : i32
        %get3A_457 = arith.constant 0 : i32
        %get3A_458 = arith.index_cast %get3A_455 : i32 to index
        %get3A_459 = arith.index_cast %scan3A_365 : i32 to index
        %get3A_460 = arith.index_cast %get3A_456 : i32 to index
        %get3A_461 = arith.index_cast %get3A_457 : i32 to index
        %get3A_462 = arith.constant 96 : index
        %get3A_463 = tpu.vector_load %arg4[%get3A_458, %get3A_459, %get3A_460, %get3A_461, %get3A_462] {strides = array<i32>} : memref<2x14x3x8x128xf32, #tpu.memory_space<vmem>>, vector<1x1x1x1x16xf32>,
        %get3A_464 = vector.shape_cast %get3A_463 : vector<1x1x1x1x16xf32> to vector<16xf32>
        %add3A_465 = arith.addf %scan3A_372, %get3A_464 : vector<16xf32>
        %get3A_466 = arith.constant 1 : i32
        %get3A_467 = arith.constant 0 : i32
        %get3A_468 = arith.constant 0 : i32
        %get3A_469 = arith.index_cast %get3A_466 : i32 to index
        %get3A_470 = arith.index_cast %scan3A_365 : i32 to index
        %get3A_471 = arith.index_cast %get3A_467 : i32 to index
        %get3A_472 = arith.index_cast %get3A_468 : i32 to index
        %get3A_473 = arith.constant 112 : index
        %get3A_474 = tpu.vector_load %arg4[%get3A_469, %get3A_470, %get3A_471, %get3A_472, %get3A_473] {strides = array<i32>} : memref<2x14x3x8x128xf32, #tpu.memory_space<vmem>>, vector<1x1x1x1x16xf32>,
        %get3A_475 = vector.shape_cast %get3A_474 : vector<1x1x1x1x16xf32> to vector<16xf32>
        %add3A_476 = arith.addf %scan3A_373, %get3A_475 : vector<16xf32>
        %get3A_477 = arith.constant 1 : i32
        %get3A_478 = arith.constant 0 : i32
        %get3A_479 = arith.constant 1 : i32
        %get3A_480 = arith.index_cast %get3A_477 : i32 to index
        %get3A_481 = arith.index_cast %scan3A_365 : i32 to index
        %get3A_482 = arith.index_cast %get3A_478 : i32 to index
        %get3A_483 = arith.index_cast %get3A_479 : i32 to index
        %get3A_484 = arith.constant 0 : index
        %get3A_485 = tpu.vector_load %arg4[%get3A_480, %get3A_481, %get3A_482, %get3A_483, %get3A_484] {strides = array<i32>} : memref<2x14x3x8x128xf32, #tpu.memory_space<vmem>>, vector<1x1x1x1x16xf32>,
        %get3A_486 = vector.shape_cast %get3A_485 : vector<1x1x1x1x16xf32> to vector<16xf32>
        %add3A_487 = arith.addf %add3A_399, %get3A_486 : vector<16xf32>
        %get3A_488 = arith.constant 1 : i32
        %get3A_489 = arith.constant 0 : i32
        %get3A_490 = arith.constant 1 : i32
        %get3A_491 = arith.index_cast %get3A_488 : i32 to index
        %get3A_492 = arith.index_cast %scan3A_365 : i32 to index
        %get3A_493 = arith.index_cast %get3A_489 : i32 to index
        %get3A_494 = arith.index_cast %get3A_490 : i32 to index
        %get3A_495 = arith.constant 16 : index
        %get3A_496 = tpu.vector_load %arg4[%get3A_491, %get3A_492, %get3A_493, %get3A_494, %get3A_495] {strides = array<i32>} : memref<2x14x3x8x128xf32, #tpu.memory_space<vmem>>, vector<1x1x1x1x16xf32>,
        %get3A_497 = vector.shape_cast %get3A_496 : vector<1x1x1x1x16xf32> to vector<16xf32>
        %add3A_498 = arith.addf %add3A_410, %get3A_497 : vector<16xf32>
        %get3A_499 = arith.constant 1 : i32
        %get3A_500 = arith.constant 0 : i32
        %get3A_501 = arith.constant 1 : i32
        %get3A_502 = arith.index_cast %get3A_499 : i32 to index
        %get3A_503 = arith.index_cast %scan3A_365 : i32 to index
        %get3A_504 = arith.index_cast %get3A_500 : i32 to index
        %get3A_505 = arith.index_cast %get3A_501 : i32 to index
        %get3A_506 = arith.constant 32 : index
        %get3A_507 = tpu.vector_load %arg4[%get3A_502, %get3A_503, %get3A_504, %get3A_505, %get3A_506] {strides = array<i32>} : memref<2x14x3x8x128xf32, #tpu.memory_space<vmem>>, vector<1x1x1x1x16xf32>,
        %get3A_508 = vector.shape_cast %get3A_507 : vector<1x1x1x1x16xf32> to vector<16xf32>
        %add3A_509 = arith.addf %add3A_421, %get3A_508 : vector<16xf32>
        %get3A_510 = arith.constant 1 : i32
        %get3A_511 = arith.constant 0 : i32
        %get3A_512 = arith.constant 1 : i32
        %get3A_513 = arith.index_cast %get3A_510 : i32 to index
        %get3A_514 = arith.index_cast %scan3A_365 : i32 to index
        %get3A_515 = arith.index_cast %get3A_511 : i32 to index
        %get3A_516 = arith.index_cast %get3A_512 : i32 to index
        %get3A_517 = arith.constant 48 : index
        %get3A_518 = tpu.vector_load %arg4[%get3A_513, %get3A_514, %get3A_515, %get3A_516, %get3A_517] {strides = array<i32>} : memref<2x14x3x8x128xf32, #tpu.memory_space<vmem>>, vector<1x1x1x1x16xf32>,
        %get3A_519 = vector.shape_cast %get3A_518 : vector<1x1x1x1x16xf32> to vector<16xf32>
        %add3A_520 = arith.addf %add3A_432, %get3A_519 : vector<16xf32>
        %get3A_521 = arith.constant 1 : i32
        %get3A_522 = arith.constant 0 : i32
        %get3A_523 = arith.constant 1 : i32
        %get3A_524 = arith.index_cast %get3A_521 : i32 to index
        %get3A_525 = arith.index_cast %scan3A_365 : i32 to index
        %get3A_526 = arith.index_cast %get3A_522 : i32 to index
        %get3A_527 = arith.index_cast %get3A_523 : i32 to index
        %get3A_528 = arith.constant 64 : index
        %get3A_529 = tpu.vector_load %arg4[%get3A_524, %get3A_525, %get3A_526, %get3A_527, %get3A_528] {strides = array<i32>} : memref<2x14x3x8x128xf32, #tpu.memory_space<vmem>>, vector<1x1x1x1x16xf32>,
        %get3A_530 = vector.shape_cast %get3A_529 : vector<1x1x1x1x16xf32> to vector<16xf32>
        %add3A_531 = arith.addf %add3A_443, %get3A_530 : vector<16xf32>
        %get3A_532 = arith.constant 1 : i32
        %get3A_533 = arith.constant 0 : i32
        %get3A_534 = arith.constant 1 : i32
        %get3A_535 = arith.index_cast %get3A_532 : i32 to index
        %get3A_536 = arith.index_cast %scan3A_365 : i32 to index
        %get3A_537 = arith.index_cast %get3A_533 : i32 to index
        %get3A_538 = arith.index_cast %get3A_534 : i32 to index
        %get3A_539 = arith.constant 80 : index
        %get3A_540 = tpu.vector_load %arg4[%get3A_535, %get3A_536, %get3A_537, %get3A_538, %get3A_539] {strides = array<i32>} : memref<2x14x3x8x128xf32, #tpu.memory_space<vmem>>, vector<1x1x1x1x16xf32>,
        %get3A_541 = vector.shape_cast %get3A_540 : vector<1x1x1x1x16xf32> to vector<16xf32>
        %add3A_542 = arith.addf %add3A_454, %get3A_541 : vector<16xf32>
        %get3A_543 = arith.constant 1 : i32
        %get3A_544 = arith.constant 0 : i32
        %get3A_545 = arith.constant 1 : i32
        %get3A_546 = arith.index_cast %get3A_543 : i32 to index
        %get3A_547 = arith.index_cast %scan3A_365 : i32 to index
        %get3A_548 = arith.index_cast %get3A_544 : i32 to index
        %get3A_549 = arith.index_cast %get3A_545 : i32 to index
        %get3A_550 = arith.constant 96 : index
        %get3A_551 = tpu.vector_load %arg4[%get3A_546, %get3A_547, %get3A_548, %get3A_549, %get3A_550] {strides = array<i32>} : memref<2x14x3x8x128xf32, #tpu.memory_space<vmem>>, vector<1x1x1x1x16xf32>,
        %get3A_552 = vector.shape_cast %get3A_551 : vector<1x1x1x1x16xf32> to vector<16xf32>
        %add3A_553 = arith.addf %add3A_465, %get3A_552 : vector<16xf32>
        %get3A_554 = arith.constant 1 : i32
        %get3A_555 = arith.constant 0 : i32
        %get3A_556 = arith.constant 1 : i32
        %get3A_557 = arith.index_cast %get3A_554 : i32 to index
        %get3A_558 = arith.index_cast %scan3A_365 : i32 to index
        %get3A_559 = arith.index_cast %get3A_555 : i32 to index
        %get3A_560 = arith.index_cast %get3A_556 : i32 to index
        %get3A_561 = arith.constant 112 : index
        %get3A_562 = tpu.vector_load %arg4[%get3A_557, %get3A_558, %get3A_559, %get3A_560, %get3A_561] {strides = array<i32>} : memref<2x14x3x8x128xf32, #tpu.memory_space<vmem>>, vector<1x1x1x1x16xf32>,
        %get3A_563 = vector.shape_cast %get3A_562 : vector<1x1x1x1x16xf32> to vector<16xf32>
        %add3A_564 = arith.addf %add3A_476, %get3A_563 : vector<16xf32>
        %get3A_565 = arith.constant 1 : i32
        %get3A_566 = arith.constant 0 : i32
        %get3A_567 = arith.constant 2 : i32
        %get3A_568 = arith.index_cast %get3A_565 : i32 to index
        %get3A_569 = arith.index_cast %scan3A_365 : i32 to index
        %get3A_570 = arith.index_cast %get3A_566 : i32 to index
        %get3A_571 = arith.index_cast %get3A_567 : i32 to index
        %get3A_572 = arith.constant 0 : index
        %get3A_573 = tpu.vector_load %arg4[%get3A_568, %get3A_569, %get3A_570, %get3A_571, %get3A_572] {strides = array<i32>} : memref<2x14x3x8x128xf32, #tpu.memory_space<vmem>>, vector<1x1x1x1x16xf32>,
        %get3A_574 = vector.shape_cast %get3A_573 : vector<1x1x1x1x16xf32> to vector<16xf32>
        %add3A_575 = arith.addf %add3A_487, %get3A_574 : vector<16xf32>
        %get3A_576 = arith.constant 1 : i32
        %get3A_577 = arith.constant 0 : i32
        %get3A_578 = arith.constant 2 : i32
        %get3A_579 = arith.index_cast %get3A_576 : i32 to index
        %get3A_580 = arith.index_cast %scan3A_365 : i32 to index
        %get3A_581 = arith.index_cast %get3A_577 : i32 to index
        %get3A_582 = arith.index_cast %get3A_578 : i32 to index
        %get3A_583 = arith.constant 16 : index
        %get3A_584 = tpu.vector_load %arg4[%get3A_579, %get3A_580, %get3A_581, %get3A_582, %get3A_583] {strides = array<i32>} : memref<2x14x3x8x128xf32, #tpu.memory_space<vmem>>, vector<1x1x1x1x16xf32>,
        %get3A_585 = vector.shape_cast %get3A_584 : vector<1x1x1x1x16xf32> to vector<16xf32>
        %add3A_586 = arith.addf %add3A_498, %get3A_585 : vector<16xf32>
        %get3A_587 = arith.constant 1 : i32
        %get3A_588 = arith.constant 0 : i32
        %get3A_589 = arith.constant 2 : i32
        %get3A_590 = arith.index_cast %get3A_587 : i32 to index
        %get3A_591 = arith.index_cast %scan3A_365 : i32 to index
        %get3A_592 = arith.index_cast %get3A_588 : i32 to index
        %get3A_593 = arith.index_cast %get3A_589 : i32 to index
        %get3A_594 = arith.constant 32 : index
        %get3A_595 = tpu.vector_load %arg4[%get3A_590, %get3A_591, %get3A_592, %get3A_593, %get3A_594] {strides = array<i32>} : memref<2x14x3x8x128xf32, #tpu.memory_space<vmem>>, vector<1x1x1x1x16xf32>,
        %get3A_596 = vector.shape_cast %get3A_595 : vector<1x1x1x1x16xf32> to vector<16xf32>
        %add3A_597 = arith.addf %add3A_509, %get3A_596 : vector<16xf32>
        %get3A_598 = arith.constant 1 : i32
        %get3A_599 = arith.constant 0 : i32
        %get3A_600 = arith.constant 2 : i32
        %get3A_601 = arith.index_cast %get3A_598 : i32 to index
        %get3A_602 = arith.index_cast %scan3A_365 : i32 to index
        %get3A_603 = arith.index_cast %get3A_599 : i32 to index
        %get3A_604 = arith.index_cast %get3A_600 : i32 to index
        %get3A_605 = arith.constant 48 : index
        %get3A_606 = tpu.vector_load %arg4[%get3A_601, %get3A_602, %get3A_603, %get3A_604, %get3A_605] {strides = array<i32>} : memref<2x14x3x8x128xf32, #tpu.memory_space<vmem>>, vector<1x1x1x1x16xf32>,
        %get3A_607 = vector.shape_cast %get3A_606 : vector<1x1x1x1x16xf32> to vector<16xf32>
        %add3A_608 = arith.addf %add3A_520, %get3A_607 : vector<16xf32>
        %get3A_609 = arith.constant 1 : i32
        %get3A_610 = arith.constant 0 : i32
        %get3A_611 = arith.constant 2 : i32
        %get3A_612 = arith.index_cast %get3A_609 : i32 to index
        %get3A_613 = arith.index_cast %scan3A_365 : i32 to index
        %get3A_614 = arith.index_cast %get3A_610 : i32 to index
        %get3A_615 = arith.index_cast %get3A_611 : i32 to index
        %get3A_616 = arith.constant 64 : index
        %get3A_617 = tpu.vector_load %arg4[%get3A_612, %get3A_613, %get3A_614, %get3A_615, %get3A_616] {strides = array<i32>} : memref<2x14x3x8x128xf32, #tpu.memory_space<vmem>>, vector<1x1x1x1x16xf32>,
        %get3A_618 = vector.shape_cast %get3A_617 : vector<1x1x1x1x16xf32> to vector<16xf32>
        %add3A_619 = arith.addf %add3A_531, %get3A_618 : vector<16xf32>
        %get3A_620 = arith.constant 1 : i32
        %get3A_621 = arith.constant 0 : i32
        %get3A_622 = arith.constant 2 : i32
        %get3A_623 = arith.index_cast %get3A_620 : i32 to index
        %get3A_624 = arith.index_cast %scan3A_365 : i32 to index
        %get3A_625 = arith.index_cast %get3A_621 : i32 to index
        %get3A_626 = arith.index_cast %get3A_622 : i32 to index
        %get3A_627 = arith.constant 80 : index
        %get3A_628 = tpu.vector_load %arg4[%get3A_623, %get3A_624, %get3A_625, %get3A_626, %get3A_627] {strides = array<i32>} : memref<2x14x3x8x128xf32, #tpu.memory_space<vmem>>, vector<1x1x1x1x16xf32>,
        %get3A_629 = vector.shape_cast %get3A_628 : vector<1x1x1x1x16xf32> to vector<16xf32>
        %add3A_630 = arith.addf %add3A_542, %get3A_629 : vector<16xf32>
        %get3A_631 = arith.constant 1 : i32
        %get3A_632 = arith.constant 0 : i32
        %get3A_633 = arith.constant 2 : i32
        %get3A_634 = arith.index_cast %get3A_631 : i32 to index
        %get3A_635 = arith.index_cast %scan3A_365 : i32 to index
        %get3A_636 = arith.index_cast %get3A_632 : i32 to index
        %get3A_637 = arith.index_cast %get3A_633 : i32 to index
        %get3A_638 = arith.constant 96 : index
        %get3A_639 = tpu.vector_load %arg4[%get3A_634, %get3A_635, %get3A_636, %get3A_637, %get3A_638] {strides = array<i32>} : memref<2x14x3x8x128xf32, #tpu.memory_space<vmem>>, vector<1x1x1x1x16xf32>,
        %get3A_640 = vector.shape_cast %get3A_639 : vector<1x1x1x1x16xf32> to vector<16xf32>
        %add3A_641 = arith.addf %add3A_553, %get3A_640 : vector<16xf32>
        %get3A_642 = arith.constant 1 : i32
        %get3A_643 = arith.constant 0 : i32
        %get3A_644 = arith.constant 2 : i32
        %get3A_645 = arith.index_cast %get3A_642 : i32 to index
        %get3A_646 = arith.index_cast %scan3A_365 : i32 to index
        %get3A_647 = arith.index_cast %get3A_643 : i32 to index
        %get3A_648 = arith.index_cast %get3A_644 : i32 to index
        %get3A_649 = arith.constant 112 : index
        %get3A_650 = tpu.vector_load %arg4[%get3A_645, %get3A_646, %get3A_647, %get3A_648, %get3A_649] {strides = array<i32>} : memref<2x14x3x8x128xf32, #tpu.memory_space<vmem>>, vector<1x1x1x1x16xf32>,
        %get3A_651 = vector.shape_cast %get3A_650 : vector<1x1x1x1x16xf32> to vector<16xf32>
        %add3A_652 = arith.addf %add3A_564, %get3A_651 : vector<16xf32>
        %get3A_653 = arith.constant 1 : i32
        %get3A_654 = arith.constant 0 : i32
        %get3A_655 = arith.constant 3 : i32
        %get3A_656 = arith.index_cast %get3A_653 : i32 to index
        %get3A_657 = arith.index_cast %scan3A_365 : i32 to index
        %get3A_658 = arith.index_cast %get3A_654 : i32 to index
        %get3A_659 = arith.index_cast %get3A_655 : i32 to index
        %get3A_660 = arith.constant 0 : index
        %get3A_661 = tpu.vector_load %arg4[%get3A_656, %get3A_657, %get3A_658, %get3A_659, %get3A_660] {strides = array<i32>} : memref<2x14x3x8x128xf32, #tpu.memory_space<vmem>>, vector<1x1x1x1x16xf32>,
        %get3A_662 = vector.shape_cast %get3A_661 : vector<1x1x1x1x16xf32> to vector<16xf32>
        %add3A_663 = arith.addf %add3A_575, %get3A_662 : vector<16xf32>
        %get3A_664 = arith.constant 1 : i32
        %get3A_665 = arith.constant 0 : i32
        %get3A_666 = arith.constant 3 : i32
        %get3A_667 = arith.index_cast %get3A_664 : i32 to index
        %get3A_668 = arith.index_cast %scan3A_365 : i32 to index
        %get3A_669 = arith.index_cast %get3A_665 : i32 to index
        %get3A_670 = arith.index_cast %get3A_666 : i32 to index
        %get3A_671 = arith.constant 16 : index
        %get3A_672 = tpu.vector_load %arg4[%get3A_667, %get3A_668, %get3A_669, %get3A_670, %get3A_671] {strides = array<i32>} : memref<2x14x3x8x128xf32, #tpu.memory_space<vmem>>, vector<1x1x1x1x16xf32>,
        %get3A_673 = vector.shape_cast %get3A_672 : vector<1x1x1x1x16xf32> to vector<16xf32>
        %add3A_674 = arith.addf %add3A_586, %get3A_673 : vector<16xf32>
        %get3A_675 = arith.constant 1 : i32
        %get3A_676 = arith.constant 0 : i32
        %get3A_677 = arith.constant 3 : i32
        %get3A_678 = arith.index_cast %get3A_675 : i32 to index
        %get3A_679 = arith.index_cast %scan3A_365 : i32 to index
        %get3A_680 = arith.index_cast %get3A_676 : i32 to index
        %get3A_681 = arith.index_cast %get3A_677 : i32 to index
        %get3A_682 = arith.constant 32 : index
        %get3A_683 = tpu.vector_load %arg4[%get3A_678, %get3A_679, %get3A_680, %get3A_681, %get3A_682] {strides = array<i32>} : memref<2x14x3x8x128xf32, #tpu.memory_space<vmem>>, vector<1x1x1x1x16xf32>,
        %get3A_684 = vector.shape_cast %get3A_683 : vector<1x1x1x1x16xf32> to vector<16xf32>
        %add3A_685 = arith.addf %add3A_597, %get3A_684 : vector<16xf32>
        %get3A_686 = arith.constant 1 : i32
        %get3A_687 = arith.constant 0 : i32
        %get3A_688 = arith.constant 3 : i32
        %get3A_689 = arith.index_cast %get3A_686 : i32 to index
        %get3A_690 = arith.index_cast %scan3A_365 : i32 to index
        %get3A_691 = arith.index_cast %get3A_687 : i32 to index
        %get3A_692 = arith.index_cast %get3A_688 : i32 to index
        %get3A_693 = arith.constant 48 : index
        %get3A_694 = tpu.vector_load %arg4[%get3A_689, %get3A_690, %get3A_691, %get3A_692, %get3A_693] {strides = array<i32>} : memref<2x14x3x8x128xf32, #tpu.memory_space<vmem>>, vector<1x1x1x1x16xf32>,
        %get3A_695 = vector.shape_cast %get3A_694 : vector<1x1x1x1x16xf32> to vector<16xf32>
        %add3A_696 = arith.addf %add3A_608, %get3A_695 : vector<16xf32>
        %get3A_697 = arith.constant 1 : i32
        %get3A_698 = arith.constant 0 : i32
        %get3A_699 = arith.constant 3 : i32
        %get3A_700 = arith.index_cast %get3A_697 : i32 to index
        %get3A_701 = arith.index_cast %scan3A_365 : i32 to index
        %get3A_702 = arith.index_cast %get3A_698 : i32 to index
        %get3A_703 = arith.index_cast %get3A_699 : i32 to index
        %get3A_704 = arith.constant 64 : index
        %get3A_705 = tpu.vector_load %arg4[%get3A_700, %get3A_701, %get3A_702, %get3A_703, %get3A_704] {strides = array<i32>} : memref<2x14x3x8x128xf32, #tpu.memory_space<vmem>>, vector<1x1x1x1x16xf32>,
        %get3A_706 = vector.shape_cast %get3A_705 : vector<1x1x1x1x16xf32> to vector<16xf32>
        %add3A_707 = arith.addf %add3A_619, %get3A_706 : vector<16xf32>
        %get3A_708 = arith.constant 1 : i32
        %get3A_709 = arith.constant 0 : i32
        %get3A_710 = arith.constant 3 : i32
        %get3A_711 = arith.index_cast %get3A_708 : i32 to index
        %get3A_712 = arith.index_cast %scan3A_365 : i32 to index
        %get3A_713 = arith.index_cast %get3A_709 : i32 to index
        %get3A_714 = arith.index_cast %get3A_710 : i32 to index
        %get3A_715 = arith.constant 80 : index
        %get3A_716 = tpu.vector_load %arg4[%get3A_711, %get3A_712, %get3A_713, %get3A_714, %get3A_715] {strides = array<i32>} : memref<2x14x3x8x128xf32, #tpu.memory_space<vmem>>, vector<1x1x1x1x16xf32>,
        %get3A_717 = vector.shape_cast %get3A_716 : vector<1x1x1x1x16xf32> to vector<16xf32>
        %add3A_718 = arith.addf %add3A_630, %get3A_717 : vector<16xf32>
        %get3A_719 = arith.constant 1 : i32
        %get3A_720 = arith.constant 0 : i32
        %get3A_721 = arith.constant 3 : i32
        %get3A_722 = arith.index_cast %get3A_719 : i32 to index
        %get3A_723 = arith.index_cast %scan3A_365 : i32 to index
        %get3A_724 = arith.index_cast %get3A_720 : i32 to index
        %get3A_725 = arith.index_cast %get3A_721 : i32 to index
        %get3A_726 = arith.constant 96 : index
        %get3A_727 = tpu.vector_load %arg4[%get3A_722, %get3A_723, %get3A_724, %get3A_725, %get3A_726] {strides = array<i32>} : memref<2x14x3x8x128xf32, #tpu.memory_space<vmem>>, vector<1x1x1x1x16xf32>,
        %get3A_728 = vector.shape_cast %get3A_727 : vector<1x1x1x1x16xf32> to vector<16xf32>
        %add3A_729 = arith.addf %add3A_641, %get3A_728 : vector<16xf32>
        %get3A_730 = arith.constant 1 : i32
        %get3A_731 = arith.constant 0 : i32
        %get3A_732 = arith.constant 3 : i32
        %get3A_733 = arith.index_cast %get3A_730 : i32 to index
        %get3A_734 = arith.index_cast %scan3A_365 : i32 to index
        %get3A_735 = arith.index_cast %get3A_731 : i32 to index
        %get3A_736 = arith.index_cast %get3A_732 : i32 to index
        %get3A_737 = arith.constant 112 : index
        %get3A_738 = tpu.vector_load %arg4[%get3A_733, %get3A_734, %get3A_735, %get3A_736, %get3A_737] {strides = array<i32>} : memref<2x14x3x8x128xf32, #tpu.memory_space<vmem>>, vector<1x1x1x1x16xf32>,
        %get3A_739 = vector.shape_cast %get3A_738 : vector<1x1x1x1x16xf32> to vector<16xf32>
        %add3A_740 = arith.addf %add3A_652, %get3A_739 : vector<16xf32>
        %get3A_741 = arith.constant 1 : i32
        %get3A_742 = arith.constant 0 : i32
        %get3A_743 = arith.constant 4 : i32
        %get3A_744 = arith.index_cast %get3A_741 : i32 to index
        %get3A_745 = arith.index_cast %scan3A_365 : i32 to index
        %get3A_746 = arith.index_cast %get3A_742 : i32 to index
        %get3A_747 = arith.index_cast %get3A_743 : i32 to index
        %get3A_748 = arith.constant 0 : index
        %get3A_749 = tpu.vector_load %arg4[%get3A_744, %get3A_745, %get3A_746, %get3A_747, %get3A_748] {strides = array<i32>} : memref<2x14x3x8x128xf32, #tpu.memory_space<vmem>>, vector<1x1x1x1x16xf32>,
        %get3A_750 = vector.shape_cast %get3A_749 : vector<1x1x1x1x16xf32> to vector<16xf32>
        %add3A_751 = arith.addf %add3A_663, %get3A_750 : vector<16xf32>
        %get3A_752 = arith.constant 1 : i32
        %get3A_753 = arith.constant 0 : i32
        %get3A_754 = arith.constant 4 : i32
        %get3A_755 = arith.index_cast %get3A_752 : i32 to index
        %get3A_756 = arith.index_cast %scan3A_365 : i32 to index
        %get3A_757 = arith.index_cast %get3A_753 : i32 to index
        %get3A_758 = arith.index_cast %get3A_754 : i32 to index
        %get3A_759 = arith.constant 16 : index
        %get3A_760 = tpu.vector_load %arg4[%get3A_755, %get3A_756, %get3A_757, %get3A_758, %get3A_759] {strides = array<i32>} : memref<2x14x3x8x128xf32, #tpu.memory_space<vmem>>, vector<1x1x1x1x16xf32>,
        %get3A_761 = vector.shape_cast %get3A_760 : vector<1x1x1x1x16xf32> to vector<16xf32>
        %add3A_762 = arith.addf %add3A_674, %get3A_761 : vector<16xf32>
        %get3A_763 = arith.constant 1 : i32
        %get3A_764 = arith.constant 0 : i32
        %get3A_765 = arith.constant 4 : i32
        %get3A_766 = arith.index_cast %get3A_763 : i32 to index
        %get3A_767 = arith.index_cast %scan3A_365 : i32 to index
        %get3A_768 = arith.index_cast %get3A_764 : i32 to index
        %get3A_769 = arith.index_cast %get3A_765 : i32 to index
        %get3A_770 = arith.constant 32 : index
        %get3A_771 = tpu.vector_load %arg4[%get3A_766, %get3A_767, %get3A_768, %get3A_769, %get3A_770] {strides = array<i32>} : memref<2x14x3x8x128xf32, #tpu.memory_space<vmem>>, vector<1x1x1x1x16xf32>,
        %get3A_772 = vector.shape_cast %get3A_771 : vector<1x1x1x1x16xf32> to vector<16xf32>
        %add3A_773 = arith.addf %add3A_685, %get3A_772 : vector<16xf32>
        %get3A_774 = arith.constant 1 : i32
        %get3A_775 = arith.constant 0 : i32
        %get3A_776 = arith.constant 4 : i32
        %get3A_777 = arith.index_cast %get3A_774 : i32 to index
        %get3A_778 = arith.index_cast %scan3A_365 : i32 to index
        %get3A_779 = arith.index_cast %get3A_775 : i32 to index
        %get3A_780 = arith.index_cast %get3A_776 : i32 to index
        %get3A_781 = arith.constant 48 : index
        %get3A_782 = tpu.vector_load %arg4[%get3A_777, %get3A_778, %get3A_779, %get3A_780, %get3A_781] {strides = array<i32>} : memref<2x14x3x8x128xf32, #tpu.memory_space<vmem>>, vector<1x1x1x1x16xf32>,
        %get3A_783 = vector.shape_cast %get3A_782 : vector<1x1x1x1x16xf32> to vector<16xf32>
        %add3A_784 = arith.addf %add3A_696, %get3A_783 : vector<16xf32>
        %get3A_785 = arith.constant 1 : i32
        %get3A_786 = arith.constant 0 : i32
        %get3A_787 = arith.constant 4 : i32
        %get3A_788 = arith.index_cast %get3A_785 : i32 to index
        %get3A_789 = arith.index_cast %scan3A_365 : i32 to index
        %get3A_790 = arith.index_cast %get3A_786 : i32 to index
        %get3A_791 = arith.index_cast %get3A_787 : i32 to index
        %get3A_792 = arith.constant 64 : index
        %get3A_793 = tpu.vector_load %arg4[%get3A_788, %get3A_789, %get3A_790, %get3A_791, %get3A_792] {strides = array<i32>} : memref<2x14x3x8x128xf32, #tpu.memory_space<vmem>>, vector<1x1x1x1x16xf32>,
        %get3A_794 = vector.shape_cast %get3A_793 : vector<1x1x1x1x16xf32> to vector<16xf32>
        %add3A_795 = arith.addf %add3A_707, %get3A_794 : vector<16xf32>
        %get3A_796 = arith.constant 1 : i32
        %get3A_797 = arith.constant 0 : i32
        %get3A_798 = arith.constant 4 : i32
        %get3A_799 = arith.index_cast %get3A_796 : i32 to index
        %get3A_800 = arith.index_cast %scan3A_365 : i32 to index
        %get3A_801 = arith.index_cast %get3A_797 : i32 to index
        %get3A_802 = arith.index_cast %get3A_798 : i32 to index
        %get3A_803 = arith.constant 80 : index
        %get3A_804 = tpu.vector_load %arg4[%get3A_799, %get3A_800, %get3A_801, %get3A_802, %get3A_803] {strides = array<i32>} : memref<2x14x3x8x128xf32, #tpu.memory_space<vmem>>, vector<1x1x1x1x16xf32>,
        %get3A_805 = vector.shape_cast %get3A_804 : vector<1x1x1x1x16xf32> to vector<16xf32>
        %add3A_806 = arith.addf %add3A_718, %get3A_805 : vector<16xf32>
        %get3A_807 = arith.constant 1 : i32
        %get3A_808 = arith.constant 0 : i32
        %get3A_809 = arith.constant 4 : i32
        %get3A_810 = arith.index_cast %get3A_807 : i32 to index
        %get3A_811 = arith.index_cast %scan3A_365 : i32 to index
        %get3A_812 = arith.index_cast %get3A_808 : i32 to index
        %get3A_813 = arith.index_cast %get3A_809 : i32 to index
        %get3A_814 = arith.constant 96 : index
        %get3A_815 = tpu.vector_load %arg4[%get3A_810, %get3A_811, %get3A_812, %get3A_813, %get3A_814] {strides = array<i32>} : memref<2x14x3x8x128xf32, #tpu.memory_space<vmem>>, vector<1x1x1x1x16xf32>,
        %get3A_816 = vector.shape_cast %get3A_815 : vector<1x1x1x1x16xf32> to vector<16xf32>
        %add3A_817 = arith.addf %add3A_729, %get3A_816 : vector<16xf32>
        %get3A_818 = arith.constant 1 : i32
        %get3A_819 = arith.constant 0 : i32
        %get3A_820 = arith.constant 4 : i32
        %get3A_821 = arith.index_cast %get3A_818 : i32 to index
        %get3A_822 = arith.index_cast %scan3A_365 : i32 to index
        %get3A_823 = arith.index_cast %get3A_819 : i32 to index
        %get3A_824 = arith.index_cast %get3A_820 : i32 to index
        %get3A_825 = arith.constant 112 : index
        %get3A_826 = tpu.vector_load %arg4[%get3A_821, %get3A_822, %get3A_823, %get3A_824, %get3A_825] {strides = array<i32>} : memref<2x14x3x8x128xf32, #tpu.memory_space<vmem>>, vector<1x1x1x1x16xf32>,
        %get3A_827 = vector.shape_cast %get3A_826 : vector<1x1x1x1x16xf32> to vector<16xf32>
        %add3A_828 = arith.addf %add3A_740, %get3A_827 : vector<16xf32>
        %get3A_829 = arith.constant 1 : i32
        %get3A_830 = arith.constant 0 : i32
        %get3A_831 = arith.constant 5 : i32
        %get3A_832 = arith.index_cast %get3A_829 : i32 to index
        %get3A_833 = arith.index_cast %scan3A_365 : i32 to index
        %get3A_834 = arith.index_cast %get3A_830 : i32 to index
        %get3A_835 = arith.index_cast %get3A_831 : i32 to index
        %get3A_836 = arith.constant 0 : index
        %get3A_837 = tpu.vector_load %arg4[%get3A_832, %get3A_833, %get3A_834, %get3A_835, %get3A_836] {strides = array<i32>} : memref<2x14x3x8x128xf32, #tpu.memory_space<vmem>>, vector<1x1x1x1x16xf32>,
        %get3A_838 = vector.shape_cast %get3A_837 : vector<1x1x1x1x16xf32> to vector<16xf32>
        %add3A_839 = arith.addf %add3A_751, %get3A_838 : vector<16xf32>
        %get3A_840 = arith.constant 1 : i32
        %get3A_841 = arith.constant 0 : i32
        %get3A_842 = arith.constant 5 : i32
        %get3A_843 = arith.index_cast %get3A_840 : i32 to index
        %get3A_844 = arith.index_cast %scan3A_365 : i32 to index
        %get3A_845 = arith.index_cast %get3A_841 : i32 to index
        %get3A_846 = arith.index_cast %get3A_842 : i32 to index
        %get3A_847 = arith.constant 16 : index
        %get3A_848 = tpu.vector_load %arg4[%get3A_843, %get3A_844, %get3A_845, %get3A_846, %get3A_847] {strides = array<i32>} : memref<2x14x3x8x128xf32, #tpu.memory_space<vmem>>, vector<1x1x1x1x16xf32>,
        %get3A_849 = vector.shape_cast %get3A_848 : vector<1x1x1x1x16xf32> to vector<16xf32>
        %add3A_850 = arith.addf %add3A_762, %get3A_849 : vector<16xf32>
        %get3A_851 = arith.constant 1 : i32
        %get3A_852 = arith.constant 0 : i32
        %get3A_853 = arith.constant 5 : i32
        %get3A_854 = arith.index_cast %get3A_851 : i32 to index
        %get3A_855 = arith.index_cast %scan3A_365 : i32 to index
        %get3A_856 = arith.index_cast %get3A_852 : i32 to index
        %get3A_857 = arith.index_cast %get3A_853 : i32 to index
        %get3A_858 = arith.constant 32 : index
        %get3A_859 = tpu.vector_load %arg4[%get3A_854, %get3A_855, %get3A_856, %get3A_857, %get3A_858] {strides = array<i32>} : memref<2x14x3x8x128xf32, #tpu.memory_space<vmem>>, vector<1x1x1x1x16xf32>,
        %get3A_860 = vector.shape_cast %get3A_859 : vector<1x1x1x1x16xf32> to vector<16xf32>
        %add3A_861 = arith.addf %add3A_773, %get3A_860 : vector<16xf32>
        %get3A_862 = arith.constant 1 : i32
        %get3A_863 = arith.constant 0 : i32
        %get3A_864 = arith.constant 5 : i32
        %get3A_865 = arith.index_cast %get3A_862 : i32 to index
        %get3A_866 = arith.index_cast %scan3A_365 : i32 to index
        %get3A_867 = arith.index_cast %get3A_863 : i32 to index
        %get3A_868 = arith.index_cast %get3A_864 : i32 to index
        %get3A_869 = arith.constant 48 : index
        %get3A_870 = tpu.vector_load %arg4[%get3A_865, %get3A_866, %get3A_867, %get3A_868, %get3A_869] {strides = array<i32>} : memref<2x14x3x8x128xf32, #tpu.memory_space<vmem>>, vector<1x1x1x1x16xf32>,
        %get3A_871 = vector.shape_cast %get3A_870 : vector<1x1x1x1x16xf32> to vector<16xf32>
        %add3A_872 = arith.addf %add3A_784, %get3A_871 : vector<16xf32>
        %get3A_873 = arith.constant 1 : i32
        %get3A_874 = arith.constant 0 : i32
        %get3A_875 = arith.constant 5 : i32
        %get3A_876 = arith.index_cast %get3A_873 : i32 to index
        %get3A_877 = arith.index_cast %scan3A_365 : i32 to index
        %get3A_878 = arith.index_cast %get3A_874 : i32 to index
        %get3A_879 = arith.index_cast %get3A_875 : i32 to index
        %get3A_880 = arith.constant 64 : index
        %get3A_881 = tpu.vector_load %arg4[%get3A_876, %get3A_877, %get3A_878, %get3A_879, %get3A_880] {strides = array<i32>} : memref<2x14x3x8x128xf32, #tpu.memory_space<vmem>>, vector<1x1x1x1x16xf32>,
        %get3A_882 = vector.shape_cast %get3A_881 : vector<1x1x1x1x16xf32> to vector<16xf32>
        %add3A_883 = arith.addf %add3A_795, %get3A_882 : vector<16xf32>
        %get3A_884 = arith.constant 1 : i32
        %get3A_885 = arith.constant 0 : i32
        %get3A_886 = arith.constant 5 : i32
        %get3A_887 = arith.index_cast %get3A_884 : i32 to index
        %get3A_888 = arith.index_cast %scan3A_365 : i32 to index
        %get3A_889 = arith.index_cast %get3A_885 : i32 to index
        %get3A_890 = arith.index_cast %get3A_886 : i32 to index
        %get3A_891 = arith.constant 80 : index
        %get3A_892 = tpu.vector_load %arg4[%get3A_887, %get3A_888, %get3A_889, %get3A_890, %get3A_891] {strides = array<i32>} : memref<2x14x3x8x128xf32, #tpu.memory_space<vmem>>, vector<1x1x1x1x16xf32>,
        %get3A_893 = vector.shape_cast %get3A_892 : vector<1x1x1x1x16xf32> to vector<16xf32>
        %add3A_894 = arith.addf %add3A_806, %get3A_893 : vector<16xf32>
        %get3A_895 = arith.constant 1 : i32
        %get3A_896 = arith.constant 0 : i32
        %get3A_897 = arith.constant 5 : i32
        %get3A_898 = arith.index_cast %get3A_895 : i32 to index
        %get3A_899 = arith.index_cast %scan3A_365 : i32 to index
        %get3A_900 = arith.index_cast %get3A_896 : i32 to index
        %get3A_901 = arith.index_cast %get3A_897 : i32 to index
        %get3A_902 = arith.constant 96 : index
        %get3A_903 = tpu.vector_load %arg4[%get3A_898, %get3A_899, %get3A_900, %get3A_901, %get3A_902] {strides = array<i32>} : memref<2x14x3x8x128xf32, #tpu.memory_space<vmem>>, vector<1x1x1x1x16xf32>,
        %get3A_904 = vector.shape_cast %get3A_903 : vector<1x1x1x1x16xf32> to vector<16xf32>
        %add3A_905 = arith.addf %add3A_817, %get3A_904 : vector<16xf32>
        %get3A_906 = arith.constant 1 : i32
        %get3A_907 = arith.constant 0 : i32
        %get3A_908 = arith.constant 5 : i32
        %get3A_909 = arith.index_cast %get3A_906 : i32 to index
        %get3A_910 = arith.index_cast %scan3A_365 : i32 to index
        %get3A_911 = arith.index_cast %get3A_907 : i32 to index
        %get3A_912 = arith.index_cast %get3A_908 : i32 to index
        %get3A_913 = arith.constant 112 : index
        %get3A_914 = tpu.vector_load %arg4[%get3A_909, %get3A_910, %get3A_911, %get3A_912, %get3A_913] {strides = array<i32>} : memref<2x14x3x8x128xf32, #tpu.memory_space<vmem>>, vector<1x1x1x1x16xf32>,
        %get3A_915 = vector.shape_cast %get3A_914 : vector<1x1x1x1x16xf32> to vector<16xf32>
        %add3A_916 = arith.addf %add3A_828, %get3A_915 : vector<16xf32>
        %get3A_917 = arith.constant 1 : i32
        %get3A_918 = arith.constant 0 : i32
        %get3A_919 = arith.constant 6 : i32
        %get3A_920 = arith.index_cast %get3A_917 : i32 to index
        %get3A_921 = arith.index_cast %scan3A_365 : i32 to index
        %get3A_922 = arith.index_cast %get3A_918 : i32 to index
        %get3A_923 = arith.index_cast %get3A_919 : i32 to index
        %get3A_924 = arith.constant 0 : index
        %get3A_925 = tpu.vector_load %arg4[%get3A_920, %get3A_921, %get3A_922, %get3A_923, %get3A_924] {strides = array<i32>} : memref<2x14x3x8x128xf32, #tpu.memory_space<vmem>>, vector<1x1x1x1x16xf32>,
        %get3A_926 = vector.shape_cast %get3A_925 : vector<1x1x1x1x16xf32> to vector<16xf32>
        %add3A_927 = arith.addf %add3A_839, %get3A_926 : vector<16xf32>
        %get3A_928 = arith.constant 1 : i32
        %get3A_929 = arith.constant 0 : i32
        %get3A_930 = arith.constant 6 : i32
        %get3A_931 = arith.index_cast %get3A_928 : i32 to index
        %get3A_932 = arith.index_cast %scan3A_365 : i32 to index
        %get3A_933 = arith.index_cast %get3A_929 : i32 to index
        %get3A_934 = arith.index_cast %get3A_930 : i32 to index
        %get3A_935 = arith.constant 16 : index
        %get3A_936 = tpu.vector_load %arg4[%get3A_931, %get3A_932, %get3A_933, %get3A_934, %get3A_935] {strides = array<i32>} : memref<2x14x3x8x128xf32, #tpu.memory_space<vmem>>, vector<1x1x1x1x16xf32>,
        %get3A_937 = vector.shape_cast %get3A_936 : vector<1x1x1x1x16xf32> to vector<16xf32>
        %add3A_938 = arith.addf %add3A_850, %get3A_937 : vector<16xf32>
        %get3A_939 = arith.constant 1 : i32
        %get3A_940 = arith.constant 0 : i32
        %get3A_941 = arith.constant 6 : i32
        %get3A_942 = arith.index_cast %get3A_939 : i32 to index
        %get3A_943 = arith.index_cast %scan3A_365 : i32 to index
        %get3A_944 = arith.index_cast %get3A_940 : i32 to index
        %get3A_945 = arith.index_cast %get3A_941 : i32 to index
        %get3A_946 = arith.constant 32 : index
        %get3A_947 = tpu.vector_load %arg4[%get3A_942, %get3A_943, %get3A_944, %get3A_945, %get3A_946] {strides = array<i32>} : memref<2x14x3x8x128xf32, #tpu.memory_space<vmem>>, vector<1x1x1x1x16xf32>,
        %get3A_948 = vector.shape_cast %get3A_947 : vector<1x1x1x1x16xf32> to vector<16xf32>
        %add3A_949 = arith.addf %add3A_861, %get3A_948 : vector<16xf32>
        %get3A_950 = arith.constant 1 : i32
        %get3A_951 = arith.constant 0 : i32
        %get3A_952 = arith.constant 6 : i32
        %get3A_953 = arith.index_cast %get3A_950 : i32 to index
        %get3A_954 = arith.index_cast %scan3A_365 : i32 to index
        %get3A_955 = arith.index_cast %get3A_951 : i32 to index
        %get3A_956 = arith.index_cast %get3A_952 : i32 to index
        %get3A_957 = arith.constant 48 : index
        %get3A_958 = tpu.vector_load %arg4[%get3A_953, %get3A_954, %get3A_955, %get3A_956, %get3A_957] {strides = array<i32>} : memref<2x14x3x8x128xf32, #tpu.memory_space<vmem>>, vector<1x1x1x1x16xf32>,
        %get3A_959 = vector.shape_cast %get3A_958 : vector<1x1x1x1x16xf32> to vector<16xf32>
        %add3A_960 = arith.addf %add3A_872, %get3A_959 : vector<16xf32>
        %get3A_961 = arith.constant 1 : i32
        %get3A_962 = arith.constant 0 : i32
        %get3A_963 = arith.constant 6 : i32
        %get3A_964 = arith.index_cast %get3A_961 : i32 to index
        %get3A_965 = arith.index_cast %scan3A_365 : i32 to index
        %get3A_966 = arith.index_cast %get3A_962 : i32 to index
        %get3A_967 = arith.index_cast %get3A_963 : i32 to index
        %get3A_968 = arith.constant 64 : index
        %get3A_969 = tpu.vector_load %arg4[%get3A_964, %get3A_965, %get3A_966, %get3A_967, %get3A_968] {strides = array<i32>} : memref<2x14x3x8x128xf32, #tpu.memory_space<vmem>>, vector<1x1x1x1x16xf32>,
        %get3A_970 = vector.shape_cast %get3A_969 : vector<1x1x1x1x16xf32> to vector<16xf32>
        %add3A_971 = arith.addf %add3A_883, %get3A_970 : vector<16xf32>
        %get3A_972 = arith.constant 1 : i32
        %get3A_973 = arith.constant 0 : i32
        %get3A_974 = arith.constant 6 : i32
        %get3A_975 = arith.index_cast %get3A_972 : i32 to index
        %get3A_976 = arith.index_cast %scan3A_365 : i32 to index
        %get3A_977 = arith.index_cast %get3A_973 : i32 to index
        %get3A_978 = arith.index_cast %get3A_974 : i32 to index
        %get3A_979 = arith.constant 80 : index
        %get3A_980 = tpu.vector_load %arg4[%get3A_975, %get3A_976, %get3A_977, %get3A_978, %get3A_979] {strides = array<i32>} : memref<2x14x3x8x128xf32, #tpu.memory_space<vmem>>, vector<1x1x1x1x16xf32>,
        %get3A_981 = vector.shape_cast %get3A_980 : vector<1x1x1x1x16xf32> to vector<16xf32>
        %add3A_982 = arith.addf %add3A_894, %get3A_981 : vector<16xf32>
        %get3A_983 = arith.constant 1 : i32
        %get3A_984 = arith.constant 0 : i32
        %get3A_985 = arith.constant 6 : i32
        %get3A_986 = arith.index_cast %get3A_983 : i32 to index
        %get3A_987 = arith.index_cast %scan3A_365 : i32 to index
        %get3A_988 = arith.index_cast %get3A_984 : i32 to index
        %get3A_989 = arith.index_cast %get3A_985 : i32 to index
        %get3A_990 = arith.constant 96 : index
        %get3A_991 = tpu.vector_load %arg4[%get3A_986, %get3A_987, %get3A_988, %get3A_989, %get3A_990] {strides = array<i32>} : memref<2x14x3x8x128xf32, #tpu.memory_space<vmem>>, vector<1x1x1x1x16xf32>,
        %get3A_992 = vector.shape_cast %get3A_991 : vector<1x1x1x1x16xf32> to vector<16xf32>
        %add3A_993 = arith.addf %add3A_905, %get3A_992 : vector<16xf32>
        %get3A_994 = arith.constant 1 : i32
        %get3A_995 = arith.constant 0 : i32
        %get3A_996 = arith.constant 6 : i32
        %get3A_997 = arith.index_cast %get3A_994 : i32 to index
        %get3A_998 = arith.index_cast %scan3A_365 : i32 to index
        %get3A_999 = arith.index_cast %get3A_995 : i32 to index
        %get3A_1000 = arith.index_cast %get3A_996 : i32 to index
        %get3A_1001 = arith.constant 112 : index
        %get3A_1002 = tpu.vector_load %arg4[%get3A_997, %get3A_998, %get3A_999, %get3A_1000, %get3A_1001] {strides = array<i32>} : memref<2x14x3x8x128xf32, #tpu.memory_space<vmem>>, vector<1x1x1x1x16xf32>,
        %get3A_1003 = vector.shape_cast %get3A_1002 : vector<1x1x1x1x16xf32> to vector<16xf32>
        %add3A_1004 = arith.addf %add3A_916, %get3A_1003 : vector<16xf32>
        %get3A_1005 = arith.constant 1 : i32
        %get3A_1006 = arith.constant 0 : i32
        %get3A_1007 = arith.constant 7 : i32
        %get3A_1008 = arith.index_cast %get3A_1005 : i32 to index
        %get3A_1009 = arith.index_cast %scan3A_365 : i32 to index
        %get3A_1010 = arith.index_cast %get3A_1006 : i32 to index
        %get3A_1011 = arith.index_cast %get3A_1007 : i32 to index
        %get3A_1012 = arith.constant 0 : index
        %get3A_1013 = tpu.vector_load %arg4[%get3A_1008, %get3A_1009, %get3A_1010, %get3A_1011, %get3A_1012] {strides = array<i32>} : memref<2x14x3x8x128xf32, #tpu.memory_space<vmem>>, vector<1x1x1x1x16xf32>,
        %get3A_1014 = vector.shape_cast %get3A_1013 : vector<1x1x1x1x16xf32> to vector<16xf32>
        %add3A_1015 = arith.addf %add3A_927, %get3A_1014 : vector<16xf32>
        %get3A_1016 = arith.constant 1 : i32
        %get3A_1017 = arith.constant 0 : i32
        %get3A_1018 = arith.constant 7 : i32
        %get3A_1019 = arith.index_cast %get3A_1016 : i32 to index
        %get3A_1020 = arith.index_cast %scan3A_365 : i32 to index
        %get3A_1021 = arith.index_cast %get3A_1017 : i32 to index
        %get3A_1022 = arith.index_cast %get3A_1018 : i32 to index
        %get3A_1023 = arith.constant 16 : index
        %get3A_1024 = tpu.vector_load %arg4[%get3A_1019, %get3A_1020, %get3A_1021, %get3A_1022, %get3A_1023] {strides = array<i32>} : memref<2x14x3x8x128xf32, #tpu.memory_space<vmem>>, vector<1x1x1x1x16xf32>,
        %get3A_1025 = vector.shape_cast %get3A_1024 : vector<1x1x1x1x16xf32> to vector<16xf32>
        %add3A_1026 = arith.addf %add3A_938, %get3A_1025 : vector<16xf32>
        %get3A_1027 = arith.constant 1 : i32
        %get3A_1028 = arith.constant 0 : i32
        %get3A_1029 = arith.constant 7 : i32
        %get3A_1030 = arith.index_cast %get3A_1027 : i32 to index
        %get3A_1031 = arith.index_cast %scan3A_365 : i32 to index
        %get3A_1032 = arith.index_cast %get3A_1028 : i32 to index
        %get3A_1033 = arith.index_cast %get3A_1029 : i32 to index
        %get3A_1034 = arith.constant 32 : index
        %get3A_1035 = tpu.vector_load %arg4[%get3A_1030, %get3A_1031, %get3A_1032, %get3A_1033, %get3A_1034] {strides = array<i32>} : memref<2x14x3x8x128xf32, #tpu.memory_space<vmem>>, vector<1x1x1x1x16xf32>,
        %get3A_1036 = vector.shape_cast %get3A_1035 : vector<1x1x1x1x16xf32> to vector<16xf32>
        %add3A_1037 = arith.addf %add3A_949, %get3A_1036 : vector<16xf32>
        %get3A_1038 = arith.constant 1 : i32
        %get3A_1039 = arith.constant 0 : i32
        %get3A_1040 = arith.constant 7 : i32
        %get3A_1041 = arith.index_cast %get3A_1038 : i32 to index
        %get3A_1042 = arith.index_cast %scan3A_365 : i32 to index
        %get3A_1043 = arith.index_cast %get3A_1039 : i32 to index
        %get3A_1044 = arith.index_cast %get3A_1040 : i32 to index
        %get3A_1045 = arith.constant 48 : index
        %get3A_1046 = tpu.vector_load %arg4[%get3A_1041, %get3A_1042, %get3A_1043, %get3A_1044, %get3A_1045] {strides = array<i32>} : memref<2x14x3x8x128xf32, #tpu.memory_space<vmem>>, vector<1x1x1x1x16xf32>,
        %get3A_1047 = vector.shape_cast %get3A_1046 : vector<1x1x1x1x16xf32> to vector<16xf32>
        %add3A_1048 = arith.addf %add3A_960, %get3A_1047 : vector<16xf32>
        %get3A_1049 = arith.constant 1 : i32
        %get3A_1050 = arith.constant 0 : i32
        %get3A_1051 = arith.constant 7 : i32
        %get3A_1052 = arith.index_cast %get3A_1049 : i32 to index
        %get3A_1053 = arith.index_cast %scan3A_365 : i32 to index
        %get3A_1054 = arith.index_cast %get3A_1050 : i32 to index
        %get3A_1055 = arith.index_cast %get3A_1051 : i32 to index
        %get3A_1056 = arith.constant 64 : index
        %get3A_1057 = tpu.vector_load %arg4[%get3A_1052, %get3A_1053, %get3A_1054, %get3A_1055, %get3A_1056] {strides = array<i32>} : memref<2x14x3x8x128xf32, #tpu.memory_space<vmem>>, vector<1x1x1x1x16xf32>,
        %get3A_1058 = vector.shape_cast %get3A_1057 : vector<1x1x1x1x16xf32> to vector<16xf32>
        %add3A_1059 = arith.addf %add3A_971, %get3A_1058 : vector<16xf32>
        %get3A_1060 = arith.constant 1 : i32
        %get3A_1061 = arith.constant 0 : i32
        %get3A_1062 = arith.constant 7 : i32
        %get3A_1063 = arith.index_cast %get3A_1060 : i32 to index
        %get3A_1064 = arith.index_cast %scan3A_365 : i32 to index
        %get3A_1065 = arith.index_cast %get3A_1061 : i32 to index
        %get3A_1066 = arith.index_cast %get3A_1062 : i32 to index
        %get3A_1067 = arith.constant 80 : index
        %get3A_1068 = tpu.vector_load %arg4[%get3A_1063, %get3A_1064, %get3A_1065, %get3A_1066, %get3A_1067] {strides = array<i32>} : memref<2x14x3x8x128xf32, #tpu.memory_space<vmem>>, vector<1x1x1x1x16xf32>,
        %get3A_1069 = vector.shape_cast %get3A_1068 : vector<1x1x1x1x16xf32> to vector<16xf32>
        %add3A_1070 = arith.addf %add3A_982, %get3A_1069 : vector<16xf32>
        %get3A_1071 = arith.constant 1 : i32
        %get3A_1072 = arith.constant 0 : i32
        %get3A_1073 = arith.constant 7 : i32
        %get3A_1074 = arith.index_cast %get3A_1071 : i32 to index
        %get3A_1075 = arith.index_cast %scan3A_365 : i32 to index
        %get3A_1076 = arith.index_cast %get3A_1072 : i32 to index
        %get3A_1077 = arith.index_cast %get3A_1073 : i32 to index
        %get3A_1078 = arith.constant 96 : index
        %get3A_1079 = tpu.vector_load %arg4[%get3A_1074, %get3A_1075, %get3A_1076, %get3A_1077, %get3A_1078] {strides = array<i32>} : memref<2x14x3x8x128xf32, #tpu.memory_space<vmem>>, vector<1x1x1x1x16xf32>,
        %get3A_1080 = vector.shape_cast %get3A_1079 : vector<1x1x1x1x16xf32> to vector<16xf32>
        %add3A_1081 = arith.addf %add3A_993, %get3A_1080 : vector<16xf32>
        %get3A_1082 = arith.constant 1 : i32
        %get3A_1083 = arith.constant 0 : i32
        %get3A_1084 = arith.constant 7 : i32
        %get3A_1085 = arith.index_cast %get3A_1082 : i32 to index
        %get3A_1086 = arith.index_cast %scan3A_365 : i32 to index
        %get3A_1087 = arith.index_cast %get3A_1083 : i32 to index
        %get3A_1088 = arith.index_cast %get3A_1084 : i32 to index
        %get3A_1089 = arith.constant 112 : index
        %get3A_1090 = tpu.vector_load %arg4[%get3A_1085, %get3A_1086, %get3A_1087, %get3A_1088, %get3A_1089] {strides = array<i32>} : memref<2x14x3x8x128xf32, #tpu.memory_space<vmem>>, vector<1x1x1x1x16xf32>,
        %get3A_1091 = vector.shape_cast %get3A_1090 : vector<1x1x1x1x16xf32> to vector<16xf32>
        %add3A_1092 = arith.addf %add3A_1004, %get3A_1091 : vector<16xf32>
        %get3A_1093 = arith.constant 1 : i32
        %get3A_1094 = arith.constant 1 : i32
        %get3A_1095 = arith.constant 0 : i32
        %get3A_1096 = arith.index_cast %get3A_1093 : i32 to index
        %get3A_1097 = arith.index_cast %scan3A_365 : i32 to index
        %get3A_1098 = arith.index_cast %get3A_1094 : i32 to index
        %get3A_1099 = arith.index_cast %get3A_1095 : i32 to index
        %get3A_1100 = arith.constant 0 : index
        %get3A_1101 = tpu.vector_load %arg4[%get3A_1096, %get3A_1097, %get3A_1098, %get3A_1099, %get3A_1100] {strides = array<i32>} : memref<2x14x3x8x128xf32, #tpu.memory_space<vmem>>, vector<1x1x1x1x16xf32>,
        %get3A_1102 = vector.shape_cast %get3A_1101 : vector<1x1x1x1x16xf32> to vector<16xf32>
        %add3A_1103 = arith.addf %scan3A_374, %get3A_1102 : vector<16xf32>
        %get3A_1104 = arith.constant 1 : i32
        %get3A_1105 = arith.constant 1 : i32
        %get3A_1106 = arith.constant 0 : i32
        %get3A_1107 = arith.index_cast %get3A_1104 : i32 to index
        %get3A_1108 = arith.index_cast %scan3A_365 : i32 to index
        %get3A_1109 = arith.index_cast %get3A_1105 : i32 to index
        %get3A_1110 = arith.index_cast %get3A_1106 : i32 to index
        %get3A_1111 = arith.constant 16 : index
        %get3A_1112 = tpu.vector_load %arg4[%get3A_1107, %get3A_1108, %get3A_1109, %get3A_1110, %get3A_1111] {strides = array<i32>} : memref<2x14x3x8x128xf32, #tpu.memory_space<vmem>>, vector<1x1x1x1x16xf32>,
        %get3A_1113 = vector.shape_cast %get3A_1112 : vector<1x1x1x1x16xf32> to vector<16xf32>
        %add3A_1114 = arith.addf %scan3A_375, %get3A_1113 : vector<16xf32>
        %get3A_1115 = arith.constant 1 : i32
        %get3A_1116 = arith.constant 1 : i32
        %get3A_1117 = arith.constant 0 : i32
        %get3A_1118 = arith.index_cast %get3A_1115 : i32 to index
        %get3A_1119 = arith.index_cast %scan3A_365 : i32 to index
        %get3A_1120 = arith.index_cast %get3A_1116 : i32 to index
        %get3A_1121 = arith.index_cast %get3A_1117 : i32 to index
        %get3A_1122 = arith.constant 32 : index
        %get3A_1123 = tpu.vector_load %arg4[%get3A_1118, %get3A_1119, %get3A_1120, %get3A_1121, %get3A_1122] {strides = array<i32>} : memref<2x14x3x8x128xf32, #tpu.memory_space<vmem>>, vector<1x1x1x1x16xf32>,
        %get3A_1124 = vector.shape_cast %get3A_1123 : vector<1x1x1x1x16xf32> to vector<16xf32>
        %add3A_1125 = arith.addf %scan3A_376, %get3A_1124 : vector<16xf32>
        %get3A_1126 = arith.constant 1 : i32
        %get3A_1127 = arith.constant 1 : i32
        %get3A_1128 = arith.constant 0 : i32
        %get3A_1129 = arith.index_cast %get3A_1126 : i32 to index
        %get3A_1130 = arith.index_cast %scan3A_365 : i32 to index
        %get3A_1131 = arith.index_cast %get3A_1127 : i32 to index
        %get3A_1132 = arith.index_cast %get3A_1128 : i32 to index
        %get3A_1133 = arith.constant 48 : index
        %get3A_1134 = tpu.vector_load %arg4[%get3A_1129, %get3A_1130, %get3A_1131, %get3A_1132, %get3A_1133] {strides = array<i32>} : memref<2x14x3x8x128xf32, #tpu.memory_space<vmem>>, vector<1x1x1x1x16xf32>,
        %get3A_1135 = vector.shape_cast %get3A_1134 : vector<1x1x1x1x16xf32> to vector<16xf32>
        %add3A_1136 = arith.addf %scan3A_377, %get3A_1135 : vector<16xf32>
        %get3A_1137 = arith.constant 1 : i32
        %get3A_1138 = arith.constant 1 : i32
        %get3A_1139 = arith.constant 0 : i32
        %get3A_1140 = arith.index_cast %get3A_1137 : i32 to index
        %get3A_1141 = arith.index_cast %scan3A_365 : i32 to index
        %get3A_1142 = arith.index_cast %get3A_1138 : i32 to index
        %get3A_1143 = arith.index_cast %get3A_1139 : i32 to index
        %get3A_1144 = arith.constant 64 : index
        %get3A_1145 = tpu.vector_load %arg4[%get3A_1140, %get3A_1141, %get3A_1142, %get3A_1143, %get3A_1144] {strides = array<i32>} : memref<2x14x3x8x128xf32, #tpu.memory_space<vmem>>, vector<1x1x1x1x16xf32>,
        %get3A_1146 = vector.shape_cast %get3A_1145 : vector<1x1x1x1x16xf32> to vector<16xf32>
        %add3A_1147 = arith.addf %scan3A_378, %get3A_1146 : vector<16xf32>
        %get3A_1148 = arith.constant 1 : i32
        %get3A_1149 = arith.constant 1 : i32
        %get3A_1150 = arith.constant 0 : i32
        %get3A_1151 = arith.index_cast %get3A_1148 : i32 to index
        %get3A_1152 = arith.index_cast %scan3A_365 : i32 to index
        %get3A_1153 = arith.index_cast %get3A_1149 : i32 to index
        %get3A_1154 = arith.index_cast %get3A_1150 : i32 to index
        %get3A_1155 = arith.constant 80 : index
        %get3A_1156 = tpu.vector_load %arg4[%get3A_1151, %get3A_1152, %get3A_1153, %get3A_1154, %get3A_1155] {strides = array<i32>} : memref<2x14x3x8x128xf32, #tpu.memory_space<vmem>>, vector<1x1x1x1x16xf32>,
        %get3A_1157 = vector.shape_cast %get3A_1156 : vector<1x1x1x1x16xf32> to vector<16xf32>
        %add3A_1158 = arith.addf %scan3A_379, %get3A_1157 : vector<16xf32>
        %get3A_1159 = arith.constant 1 : i32
        %get3A_1160 = arith.constant 1 : i32
        %get3A_1161 = arith.constant 0 : i32
        %get3A_1162 = arith.index_cast %get3A_1159 : i32 to index
        %get3A_1163 = arith.index_cast %scan3A_365 : i32 to index
        %get3A_1164 = arith.index_cast %get3A_1160 : i32 to index
        %get3A_1165 = arith.index_cast %get3A_1161 : i32 to index
        %get3A_1166 = arith.constant 96 : index
        %get3A_1167 = tpu.vector_load %arg4[%get3A_1162, %get3A_1163, %get3A_1164, %get3A_1165, %get3A_1166] {strides = array<i32>} : memref<2x14x3x8x128xf32, #tpu.memory_space<vmem>>, vector<1x1x1x1x16xf32>,
        %get3A_1168 = vector.shape_cast %get3A_1167 : vector<1x1x1x1x16xf32> to vector<16xf32>
        %add3A_1169 = arith.addf %scan3A_380, %get3A_1168 : vector<16xf32>
        %get3A_1170 = arith.constant 1 : i32
        %get3A_1171 = arith.constant 1 : i32
        %get3A_1172 = arith.constant 0 : i32
        %get3A_1173 = arith.index_cast %get3A_1170 : i32 to index
        %get3A_1174 = arith.index_cast %scan3A_365 : i32 to index
        %get3A_1175 = arith.index_cast %get3A_1171 : i32 to index
        %get3A_1176 = arith.index_cast %get3A_1172 : i32 to index
        %get3A_1177 = arith.constant 112 : index
        %get3A_1178 = tpu.vector_load %arg4[%get3A_1173, %get3A_1174, %get3A_1175, %get3A_1176, %get3A_1177] {strides = array<i32>} : memref<2x14x3x8x128xf32, #tpu.memory_space<vmem>>, vector<1x1x1x1x16xf32>,
        %get3A_1179 = vector.shape_cast %get3A_1178 : vector<1x1x1x1x16xf32> to vector<16xf32>
        %add3A_1180 = arith.addf %scan3A_381, %get3A_1179 : vector<16xf32>
        %get3A_1181 = arith.constant 1 : i32
        %get3A_1182 = arith.constant 1 : i32
        %get3A_1183 = arith.constant 1 : i32
        %get3A_1184 = arith.index_cast %get3A_1181 : i32 to index
        %get3A_1185 = arith.index_cast %scan3A_365 : i32 to index
        %get3A_1186 = arith.index_cast %get3A_1182 : i32 to index
        %get3A_1187 = arith.index_cast %get3A_1183 : i32 to index
        %get3A_1188 = arith.constant 0 : index
        %get3A_1189 = tpu.vector_load %arg4[%get3A_1184, %get3A_1185, %get3A_1186, %get3A_1187, %get3A_1188] {strides = array<i32>} : memref<2x14x3x8x128xf32, #tpu.memory_space<vmem>>, vector<1x1x1x1x16xf32>,
        %get3A_1190 = vector.shape_cast %get3A_1189 : vector<1x1x1x1x16xf32> to vector<16xf32>
        %add3A_1191 = arith.addf %add3A_1103, %get3A_1190 : vector<16xf32>
        %get3A_1192 = arith.constant 1 : i32
        %get3A_1193 = arith.constant 1 : i32
        %get3A_1194 = arith.constant 1 : i32
        %get3A_1195 = arith.index_cast %get3A_1192 : i32 to index
        %get3A_1196 = arith.index_cast %scan3A_365 : i32 to index
        %get3A_1197 = arith.index_cast %get3A_1193 : i32 to index
        %get3A_1198 = arith.index_cast %get3A_1194 : i32 to index
        %get3A_1199 = arith.constant 16 : index
        %get3A_1200 = tpu.vector_load %arg4[%get3A_1195, %get3A_1196, %get3A_1197, %get3A_1198, %get3A_1199] {strides = array<i32>} : memref<2x14x3x8x128xf32, #tpu.memory_space<vmem>>, vector<1x1x1x1x16xf32>,
        %get3A_1201 = vector.shape_cast %get3A_1200 : vector<1x1x1x1x16xf32> to vector<16xf32>
        %add3A_1202 = arith.addf %add3A_1114, %get3A_1201 : vector<16xf32>
        %get3A_1203 = arith.constant 1 : i32
        %get3A_1204 = arith.constant 1 : i32
        %get3A_1205 = arith.constant 1 : i32
        %get3A_1206 = arith.index_cast %get3A_1203 : i32 to index
        %get3A_1207 = arith.index_cast %scan3A_365 : i32 to index
        %get3A_1208 = arith.index_cast %get3A_1204 : i32 to index
        %get3A_1209 = arith.index_cast %get3A_1205 : i32 to index
        %get3A_1210 = arith.constant 32 : index
        %get3A_1211 = tpu.vector_load %arg4[%get3A_1206, %get3A_1207, %get3A_1208, %get3A_1209, %get3A_1210] {strides = array<i32>} : memref<2x14x3x8x128xf32, #tpu.memory_space<vmem>>, vector<1x1x1x1x16xf32>,
        %get3A_1212 = vector.shape_cast %get3A_1211 : vector<1x1x1x1x16xf32> to vector<16xf32>
        %add3A_1213 = arith.addf %add3A_1125, %get3A_1212 : vector<16xf32>
        %get3A_1214 = arith.constant 1 : i32
        %get3A_1215 = arith.constant 1 : i32
        %get3A_1216 = arith.constant 1 : i32
        %get3A_1217 = arith.index_cast %get3A_1214 : i32 to index
        %get3A_1218 = arith.index_cast %scan3A_365 : i32 to index
        %get3A_1219 = arith.index_cast %get3A_1215 : i32 to index
        %get3A_1220 = arith.index_cast %get3A_1216 : i32 to index
        %get3A_1221 = arith.constant 48 : index
        %get3A_1222 = tpu.vector_load %arg4[%get3A_1217, %get3A_1218, %get3A_1219, %get3A_1220, %get3A_1221] {strides = array<i32>} : memref<2x14x3x8x128xf32, #tpu.memory_space<vmem>>, vector<1x1x1x1x16xf32>,
        %get3A_1223 = vector.shape_cast %get3A_1222 : vector<1x1x1x1x16xf32> to vector<16xf32>
        %add3A_1224 = arith.addf %add3A_1136, %get3A_1223 : vector<16xf32>
        %get3A_1225 = arith.constant 1 : i32
        %get3A_1226 = arith.constant 1 : i32
        %get3A_1227 = arith.constant 1 : i32
        %get3A_1228 = arith.index_cast %get3A_1225 : i32 to index
        %get3A_1229 = arith.index_cast %scan3A_365 : i32 to index
        %get3A_1230 = arith.index_cast %get3A_1226 : i32 to index
        %get3A_1231 = arith.index_cast %get3A_1227 : i32 to index
        %get3A_1232 = arith.constant 64 : index
        %get3A_1233 = tpu.vector_load %arg4[%get3A_1228, %get3A_1229, %get3A_1230, %get3A_1231, %get3A_1232] {strides = array<i32>} : memref<2x14x3x8x128xf32, #tpu.memory_space<vmem>>, vector<1x1x1x1x16xf32>,
        %get3A_1234 = vector.shape_cast %get3A_1233 : vector<1x1x1x1x16xf32> to vector<16xf32>
        %add3A_1235 = arith.addf %add3A_1147, %get3A_1234 : vector<16xf32>
        %get3A_1236 = arith.constant 1 : i32
        %get3A_1237 = arith.constant 1 : i32
        %get3A_1238 = arith.constant 1 : i32
        %get3A_1239 = arith.index_cast %get3A_1236 : i32 to index
        %get3A_1240 = arith.index_cast %scan3A_365 : i32 to index
        %get3A_1241 = arith.index_cast %get3A_1237 : i32 to index
        %get3A_1242 = arith.index_cast %get3A_1238 : i32 to index
        %get3A_1243 = arith.constant 80 : index
        %get3A_1244 = tpu.vector_load %arg4[%get3A_1239, %get3A_1240, %get3A_1241, %get3A_1242, %get3A_1243] {strides = array<i32>} : memref<2x14x3x8x128xf32, #tpu.memory_space<vmem>>, vector<1x1x1x1x16xf32>,
        %get3A_1245 = vector.shape_cast %get3A_1244 : vector<1x1x1x1x16xf32> to vector<16xf32>
        %add3A_1246 = arith.addf %add3A_1158, %get3A_1245 : vector<16xf32>
        %get3A_1247 = arith.constant 1 : i32
        %get3A_1248 = arith.constant 1 : i32
        %get3A_1249 = arith.constant 1 : i32
        %get3A_1250 = arith.index_cast %get3A_1247 : i32 to index
        %get3A_1251 = arith.index_cast %scan3A_365 : i32 to index
        %get3A_1252 = arith.index_cast %get3A_1248 : i32 to index
        %get3A_1253 = arith.index_cast %get3A_1249 : i32 to index
        %get3A_1254 = arith.constant 96 : index
        %get3A_1255 = tpu.vector_load %arg4[%get3A_1250, %get3A_1251, %get3A_1252, %get3A_1253, %get3A_1254] {strides = array<i32>} : memref<2x14x3x8x128xf32, #tpu.memory_space<vmem>>, vector<1x1x1x1x16xf32>,
        %get3A_1256 = vector.shape_cast %get3A_1255 : vector<1x1x1x1x16xf32> to vector<16xf32>
        %add3A_1257 = arith.addf %add3A_1169, %get3A_1256 : vector<16xf32>
        %get3A_1258 = arith.constant 1 : i32
        %get3A_1259 = arith.constant 1 : i32
        %get3A_1260 = arith.constant 1 : i32
        %get3A_1261 = arith.index_cast %get3A_1258 : i32 to index
        %get3A_1262 = arith.index_cast %scan3A_365 : i32 to index
        %get3A_1263 = arith.index_cast %get3A_1259 : i32 to index
        %get3A_1264 = arith.index_cast %get3A_1260 : i32 to index
        %get3A_1265 = arith.constant 112 : index
        %get3A_1266 = tpu.vector_load %arg4[%get3A_1261, %get3A_1262, %get3A_1263, %get3A_1264, %get3A_1265] {strides = array<i32>} : memref<2x14x3x8x128xf32, #tpu.memory_space<vmem>>, vector<1x1x1x1x16xf32>,
        %get3A_1267 = vector.shape_cast %get3A_1266 : vector<1x1x1x1x16xf32> to vector<16xf32>
        %add3A_1268 = arith.addf %add3A_1180, %get3A_1267 : vector<16xf32>
        %get3A_1269 = arith.constant 1 : i32
        %get3A_1270 = arith.constant 1 : i32
        %get3A_1271 = arith.constant 2 : i32
        %get3A_1272 = arith.index_cast %get3A_1269 : i32 to index
        %get3A_1273 = arith.index_cast %scan3A_365 : i32 to index
        %get3A_1274 = arith.index_cast %get3A_1270 : i32 to index
        %get3A_1275 = arith.index_cast %get3A_1271 : i32 to index
        %get3A_1276 = arith.constant 0 : index
        %get3A_1277 = tpu.vector_load %arg4[%get3A_1272, %get3A_1273, %get3A_1274, %get3A_1275, %get3A_1276] {strides = array<i32>} : memref<2x14x3x8x128xf32, #tpu.memory_space<vmem>>, vector<1x1x1x1x16xf32>,
        %get3A_1278 = vector.shape_cast %get3A_1277 : vector<1x1x1x1x16xf32> to vector<16xf32>
        %add3A_1279 = arith.addf %add3A_1191, %get3A_1278 : vector<16xf32>
        %get3A_1280 = arith.constant 1 : i32
        %get3A_1281 = arith.constant 1 : i32
        %get3A_1282 = arith.constant 2 : i32
        %get3A_1283 = arith.index_cast %get3A_1280 : i32 to index
        %get3A_1284 = arith.index_cast %scan3A_365 : i32 to index
        %get3A_1285 = arith.index_cast %get3A_1281 : i32 to index
        %get3A_1286 = arith.index_cast %get3A_1282 : i32 to index
        %get3A_1287 = arith.constant 16 : index
        %get3A_1288 = tpu.vector_load %arg4[%get3A_1283, %get3A_1284, %get3A_1285, %get3A_1286, %get3A_1287] {strides = array<i32>} : memref<2x14x3x8x128xf32, #tpu.memory_space<vmem>>, vector<1x1x1x1x16xf32>,
        %get3A_1289 = vector.shape_cast %get3A_1288 : vector<1x1x1x1x16xf32> to vector<16xf32>
        %add3A_1290 = arith.addf %add3A_1202, %get3A_1289 : vector<16xf32>
        %get3A_1291 = arith.constant 1 : i32
        %get3A_1292 = arith.constant 1 : i32
        %get3A_1293 = arith.constant 2 : i32
        %get3A_1294 = arith.index_cast %get3A_1291 : i32 to index
        %get3A_1295 = arith.index_cast %scan3A_365 : i32 to index
        %get3A_1296 = arith.index_cast %get3A_1292 : i32 to index
        %get3A_1297 = arith.index_cast %get3A_1293 : i32 to index
        %get3A_1298 = arith.constant 32 : index
        %get3A_1299 = tpu.vector_load %arg4[%get3A_1294, %get3A_1295, %get3A_1296, %get3A_1297, %get3A_1298] {strides = array<i32>} : memref<2x14x3x8x128xf32, #tpu.memory_space<vmem>>, vector<1x1x1x1x16xf32>,
        %get3A_1300 = vector.shape_cast %get3A_1299 : vector<1x1x1x1x16xf32> to vector<16xf32>
        %add3A_1301 = arith.addf %add3A_1213, %get3A_1300 : vector<16xf32>
        %get3A_1302 = arith.constant 1 : i32
        %get3A_1303 = arith.constant 1 : i32
        %get3A_1304 = arith.constant 2 : i32
        %get3A_1305 = arith.index_cast %get3A_1302 : i32 to index
        %get3A_1306 = arith.index_cast %scan3A_365 : i32 to index
        %get3A_1307 = arith.index_cast %get3A_1303 : i32 to index
        %get3A_1308 = arith.index_cast %get3A_1304 : i32 to index
        %get3A_1309 = arith.constant 48 : index
        %get3A_1310 = tpu.vector_load %arg4[%get3A_1305, %get3A_1306, %get3A_1307, %get3A_1308, %get3A_1309] {strides = array<i32>} : memref<2x14x3x8x128xf32, #tpu.memory_space<vmem>>, vector<1x1x1x1x16xf32>,
        %get3A_1311 = vector.shape_cast %get3A_1310 : vector<1x1x1x1x16xf32> to vector<16xf32>
        %add3A_1312 = arith.addf %add3A_1224, %get3A_1311 : vector<16xf32>
        %get3A_1313 = arith.constant 1 : i32
        %get3A_1314 = arith.constant 1 : i32
        %get3A_1315 = arith.constant 2 : i32
        %get3A_1316 = arith.index_cast %get3A_1313 : i32 to index
        %get3A_1317 = arith.index_cast %scan3A_365 : i32 to index
        %get3A_1318 = arith.index_cast %get3A_1314 : i32 to index
        %get3A_1319 = arith.index_cast %get3A_1315 : i32 to index
        %get3A_1320 = arith.constant 64 : index
        %get3A_1321 = tpu.vector_load %arg4[%get3A_1316, %get3A_1317, %get3A_1318, %get3A_1319, %get3A_1320] {strides = array<i32>} : memref<2x14x3x8x128xf32, #tpu.memory_space<vmem>>, vector<1x1x1x1x16xf32>,
        %get3A_1322 = vector.shape_cast %get3A_1321 : vector<1x1x1x1x16xf32> to vector<16xf32>
        %add3A_1323 = arith.addf %add3A_1235, %get3A_1322 : vector<16xf32>
        %get3A_1324 = arith.constant 1 : i32
        %get3A_1325 = arith.constant 1 : i32
        %get3A_1326 = arith.constant 2 : i32
        %get3A_1327 = arith.index_cast %get3A_1324 : i32 to index
        %get3A_1328 = arith.index_cast %scan3A_365 : i32 to index
        %get3A_1329 = arith.index_cast %get3A_1325 : i32 to index
        %get3A_1330 = arith.index_cast %get3A_1326 : i32 to index
        %get3A_1331 = arith.constant 80 : index
        %get3A_1332 = tpu.vector_load %arg4[%get3A_1327, %get3A_1328, %get3A_1329, %get3A_1330, %get3A_1331] {strides = array<i32>} : memref<2x14x3x8x128xf32, #tpu.memory_space<vmem>>, vector<1x1x1x1x16xf32>,
        %get3A_1333 = vector.shape_cast %get3A_1332 : vector<1x1x1x1x16xf32> to vector<16xf32>
        %add3A_1334 = arith.addf %add3A_1246, %get3A_1333 : vector<16xf32>
        %get3A_1335 = arith.constant 1 : i32
        %get3A_1336 = arith.constant 1 : i32
        %get3A_1337 = arith.constant 2 : i32
        %get3A_1338 = arith.index_cast %get3A_1335 : i32 to index
        %get3A_1339 = arith.index_cast %scan3A_365 : i32 to index
        %get3A_1340 = arith.index_cast %get3A_1336 : i32 to index
        %get3A_1341 = arith.index_cast %get3A_1337 : i32 to index
        %get3A_1342 = arith.constant 96 : index
        %get3A_1343 = tpu.vector_load %arg4[%get3A_1338, %get3A_1339, %get3A_1340, %get3A_1341, %get3A_1342] {strides = array<i32>} : memref<2x14x3x8x128xf32, #tpu.memory_space<vmem>>, vector<1x1x1x1x16xf32>,
        %get3A_1344 = vector.shape_cast %get3A_1343 : vector<1x1x1x1x16xf32> to vector<16xf32>
        %add3A_1345 = arith.addf %add3A_1257, %get3A_1344 : vector<16xf32>
        %get3A_1346 = arith.constant 1 : i32
        %get3A_1347 = arith.constant 1 : i32
        %get3A_1348 = arith.constant 2 : i32
        %get3A_1349 = arith.index_cast %get3A_1346 : i32 to index
        %get3A_1350 = arith.index_cast %scan3A_365 : i32 to index
        %get3A_1351 = arith.index_cast %get3A_1347 : i32 to index
        %get3A_1352 = arith.index_cast %get3A_1348 : i32 to index
        %get3A_1353 = arith.constant 112 : index
        %get3A_1354 = tpu.vector_load %arg4[%get3A_1349, %get3A_1350, %get3A_1351, %get3A_1352, %get3A_1353] {strides = array<i32>} : memref<2x14x3x8x128xf32, #tpu.memory_space<vmem>>, vector<1x1x1x1x16xf32>,
        %get3A_1355 = vector.shape_cast %get3A_1354 : vector<1x1x1x1x16xf32> to vector<16xf32>
        %add3A_1356 = arith.addf %add3A_1268, %get3A_1355 : vector<16xf32>
        %get3A_1357 = arith.constant 1 : i32
        %get3A_1358 = arith.constant 1 : i32
        %get3A_1359 = arith.constant 3 : i32
        %get3A_1360 = arith.index_cast %get3A_1357 : i32 to index
        %get3A_1361 = arith.index_cast %scan3A_365 : i32 to index
        %get3A_1362 = arith.index_cast %get3A_1358 : i32 to index
        %get3A_1363 = arith.index_cast %get3A_1359 : i32 to index
        %get3A_1364 = arith.constant 0 : index
        %get3A_1365 = tpu.vector_load %arg4[%get3A_1360, %get3A_1361, %get3A_1362, %get3A_1363, %get3A_1364] {strides = array<i32>} : memref<2x14x3x8x128xf32, #tpu.memory_space<vmem>>, vector<1x1x1x1x16xf32>,
        %get3A_1366 = vector.shape_cast %get3A_1365 : vector<1x1x1x1x16xf32> to vector<16xf32>
        %add3A_1367 = arith.addf %add3A_1279, %get3A_1366 : vector<16xf32>
        %get3A_1368 = arith.constant 1 : i32
        %get3A_1369 = arith.constant 1 : i32
        %get3A_1370 = arith.constant 3 : i32
        %get3A_1371 = arith.index_cast %get3A_1368 : i32 to index
        %get3A_1372 = arith.index_cast %scan3A_365 : i32 to index
        %get3A_1373 = arith.index_cast %get3A_1369 : i32 to index
        %get3A_1374 = arith.index_cast %get3A_1370 : i32 to index
        %get3A_1375 = arith.constant 16 : index
        %get3A_1376 = tpu.vector_load %arg4[%get3A_1371, %get3A_1372, %get3A_1373, %get3A_1374, %get3A_1375] {strides = array<i32>} : memref<2x14x3x8x128xf32, #tpu.memory_space<vmem>>, vector<1x1x1x1x16xf32>,
        %get3A_1377 = vector.shape_cast %get3A_1376 : vector<1x1x1x1x16xf32> to vector<16xf32>
        %add3A_1378 = arith.addf %add3A_1290, %get3A_1377 : vector<16xf32>
        %get3A_1379 = arith.constant 1 : i32
        %get3A_1380 = arith.constant 1 : i32
        %get3A_1381 = arith.constant 3 : i32
        %get3A_1382 = arith.index_cast %get3A_1379 : i32 to index
        %get3A_1383 = arith.index_cast %scan3A_365 : i32 to index
        %get3A_1384 = arith.index_cast %get3A_1380 : i32 to index
        %get3A_1385 = arith.index_cast %get3A_1381 : i32 to index
        %get3A_1386 = arith.constant 32 : index
        %get3A_1387 = tpu.vector_load %arg4[%get3A_1382, %get3A_1383, %get3A_1384, %get3A_1385, %get3A_1386] {strides = array<i32>} : memref<2x14x3x8x128xf32, #tpu.memory_space<vmem>>, vector<1x1x1x1x16xf32>,
        %get3A_1388 = vector.shape_cast %get3A_1387 : vector<1x1x1x1x16xf32> to vector<16xf32>
        %add3A_1389 = arith.addf %add3A_1301, %get3A_1388 : vector<16xf32>
        %get3A_1390 = arith.constant 1 : i32
        %get3A_1391 = arith.constant 1 : i32
        %get3A_1392 = arith.constant 3 : i32
        %get3A_1393 = arith.index_cast %get3A_1390 : i32 to index
        %get3A_1394 = arith.index_cast %scan3A_365 : i32 to index
        %get3A_1395 = arith.index_cast %get3A_1391 : i32 to index
        %get3A_1396 = arith.index_cast %get3A_1392 : i32 to index
        %get3A_1397 = arith.constant 48 : index
        %get3A_1398 = tpu.vector_load %arg4[%get3A_1393, %get3A_1394, %get3A_1395, %get3A_1396, %get3A_1397] {strides = array<i32>} : memref<2x14x3x8x128xf32, #tpu.memory_space<vmem>>, vector<1x1x1x1x16xf32>,
        %get3A_1399 = vector.shape_cast %get3A_1398 : vector<1x1x1x1x16xf32> to vector<16xf32>
        %add3A_1400 = arith.addf %add3A_1312, %get3A_1399 : vector<16xf32>
        %get3A_1401 = arith.constant 1 : i32
        %get3A_1402 = arith.constant 1 : i32
        %get3A_1403 = arith.constant 3 : i32
        %get3A_1404 = arith.index_cast %get3A_1401 : i32 to index
        %get3A_1405 = arith.index_cast %scan3A_365 : i32 to index
        %get3A_1406 = arith.index_cast %get3A_1402 : i32 to index
        %get3A_1407 = arith.index_cast %get3A_1403 : i32 to index
        %get3A_1408 = arith.constant 64 : index
        %get3A_1409 = tpu.vector_load %arg4[%get3A_1404, %get3A_1405, %get3A_1406, %get3A_1407, %get3A_1408] {strides = array<i32>} : memref<2x14x3x8x128xf32, #tpu.memory_space<vmem>>, vector<1x1x1x1x16xf32>,
        %get3A_1410 = vector.shape_cast %get3A_1409 : vector<1x1x1x1x16xf32> to vector<16xf32>
        %add3A_1411 = arith.addf %add3A_1323, %get3A_1410 : vector<16xf32>
        %get3A_1412 = arith.constant 1 : i32
        %get3A_1413 = arith.constant 1 : i32
        %get3A_1414 = arith.constant 3 : i32
        %get3A_1415 = arith.index_cast %get3A_1412 : i32 to index
        %get3A_1416 = arith.index_cast %scan3A_365 : i32 to index
        %get3A_1417 = arith.index_cast %get3A_1413 : i32 to index
        %get3A_1418 = arith.index_cast %get3A_1414 : i32 to index
        %get3A_1419 = arith.constant 80 : index
        %get3A_1420 = tpu.vector_load %arg4[%get3A_1415, %get3A_1416, %get3A_1417, %get3A_1418, %get3A_1419] {strides = array<i32>} : memref<2x14x3x8x128xf32, #tpu.memory_space<vmem>>, vector<1x1x1x1x16xf32>,
        %get3A_1421 = vector.shape_cast %get3A_1420 : vector<1x1x1x1x16xf32> to vector<16xf32>
        %add3A_1422 = arith.addf %add3A_1334, %get3A_1421 : vector<16xf32>
        %get3A_1423 = arith.constant 1 : i32
        %get3A_1424 = arith.constant 1 : i32
        %get3A_1425 = arith.constant 3 : i32
        %get3A_1426 = arith.index_cast %get3A_1423 : i32 to index
        %get3A_1427 = arith.index_cast %scan3A_365 : i32 to index
        %get3A_1428 = arith.index_cast %get3A_1424 : i32 to index
        %get3A_1429 = arith.index_cast %get3A_1425 : i32 to index
        %get3A_1430 = arith.constant 96 : index
        %get3A_1431 = tpu.vector_load %arg4[%get3A_1426, %get3A_1427, %get3A_1428, %get3A_1429, %get3A_1430] {strides = array<i32>} : memref<2x14x3x8x128xf32, #tpu.memory_space<vmem>>, vector<1x1x1x1x16xf32>,
        %get3A_1432 = vector.shape_cast %get3A_1431 : vector<1x1x1x1x16xf32> to vector<16xf32>
        %add3A_1433 = arith.addf %add3A_1345, %get3A_1432 : vector<16xf32>
        %get3A_1434 = arith.constant 1 : i32
        %get3A_1435 = arith.constant 1 : i32
        %get3A_1436 = arith.constant 3 : i32
        %get3A_1437 = arith.index_cast %get3A_1434 : i32 to index
        %get3A_1438 = arith.index_cast %scan3A_365 : i32 to index
        %get3A_1439 = arith.index_cast %get3A_1435 : i32 to index
        %get3A_1440 = arith.index_cast %get3A_1436 : i32 to index
        %get3A_1441 = arith.constant 112 : index
        %get3A_1442 = tpu.vector_load %arg4[%get3A_1437, %get3A_1438, %get3A_1439, %get3A_1440, %get3A_1441] {strides = array<i32>} : memref<2x14x3x8x128xf32, #tpu.memory_space<vmem>>, vector<1x1x1x1x16xf32>,
        %get3A_1443 = vector.shape_cast %get3A_1442 : vector<1x1x1x1x16xf32> to vector<16xf32>
        %add3A_1444 = arith.addf %add3A_1356, %get3A_1443 : vector<16xf32>
        %get3A_1445 = arith.constant 1 : i32
        %get3A_1446 = arith.constant 1 : i32
        %get3A_1447 = arith.constant 4 : i32
        %get3A_1448 = arith.index_cast %get3A_1445 : i32 to index
        %get3A_1449 = arith.index_cast %scan3A_365 : i32 to index
        %get3A_1450 = arith.index_cast %get3A_1446 : i32 to index
        %get3A_1451 = arith.index_cast %get3A_1447 : i32 to index
        %get3A_1452 = arith.constant 0 : index
        %get3A_1453 = tpu.vector_load %arg4[%get3A_1448, %get3A_1449, %get3A_1450, %get3A_1451, %get3A_1452] {strides = array<i32>} : memref<2x14x3x8x128xf32, #tpu.memory_space<vmem>>, vector<1x1x1x1x16xf32>,
        %get3A_1454 = vector.shape_cast %get3A_1453 : vector<1x1x1x1x16xf32> to vector<16xf32>
        %add3A_1455 = arith.addf %add3A_1367, %get3A_1454 : vector<16xf32>
        %get3A_1456 = arith.constant 1 : i32
        %get3A_1457 = arith.constant 1 : i32
        %get3A_1458 = arith.constant 4 : i32
        %get3A_1459 = arith.index_cast %get3A_1456 : i32 to index
        %get3A_1460 = arith.index_cast %scan3A_365 : i32 to index
        %get3A_1461 = arith.index_cast %get3A_1457 : i32 to index
        %get3A_1462 = arith.index_cast %get3A_1458 : i32 to index
        %get3A_1463 = arith.constant 16 : index
        %get3A_1464 = tpu.vector_load %arg4[%get3A_1459, %get3A_1460, %get3A_1461, %get3A_1462, %get3A_1463] {strides = array<i32>} : memref<2x14x3x8x128xf32, #tpu.memory_space<vmem>>, vector<1x1x1x1x16xf32>,
        %get3A_1465 = vector.shape_cast %get3A_1464 : vector<1x1x1x1x16xf32> to vector<16xf32>
        %add3A_1466 = arith.addf %add3A_1378, %get3A_1465 : vector<16xf32>
        %get3A_1467 = arith.constant 1 : i32
        %get3A_1468 = arith.constant 1 : i32
        %get3A_1469 = arith.constant 4 : i32
        %get3A_1470 = arith.index_cast %get3A_1467 : i32 to index
        %get3A_1471 = arith.index_cast %scan3A_365 : i32 to index
        %get3A_1472 = arith.index_cast %get3A_1468 : i32 to index
        %get3A_1473 = arith.index_cast %get3A_1469 : i32 to index
        %get3A_1474 = arith.constant 32 : index
        %get3A_1475 = tpu.vector_load %arg4[%get3A_1470, %get3A_1471, %get3A_1472, %get3A_1473, %get3A_1474] {strides = array<i32>} : memref<2x14x3x8x128xf32, #tpu.memory_space<vmem>>, vector<1x1x1x1x16xf32>,
        %get3A_1476 = vector.shape_cast %get3A_1475 : vector<1x1x1x1x16xf32> to vector<16xf32>
        %add3A_1477 = arith.addf %add3A_1389, %get3A_1476 : vector<16xf32>
        %get3A_1478 = arith.constant 1 : i32
        %get3A_1479 = arith.constant 1 : i32
        %get3A_1480 = arith.constant 4 : i32
        %get3A_1481 = arith.index_cast %get3A_1478 : i32 to index
        %get3A_1482 = arith.index_cast %scan3A_365 : i32 to index
        %get3A_1483 = arith.index_cast %get3A_1479 : i32 to index
        %get3A_1484 = arith.index_cast %get3A_1480 : i32 to index
        %get3A_1485 = arith.constant 48 : index
        %get3A_1486 = tpu.vector_load %arg4[%get3A_1481, %get3A_1482, %get3A_1483, %get3A_1484, %get3A_1485] {strides = array<i32>} : memref<2x14x3x8x128xf32, #tpu.memory_space<vmem>>, vector<1x1x1x1x16xf32>,
        %get3A_1487 = vector.shape_cast %get3A_1486 : vector<1x1x1x1x16xf32> to vector<16xf32>
        %add3A_1488 = arith.addf %add3A_1400, %get3A_1487 : vector<16xf32>
        %get3A_1489 = arith.constant 1 : i32
        %get3A_1490 = arith.constant 1 : i32
        %get3A_1491 = arith.constant 4 : i32
        %get3A_1492 = arith.index_cast %get3A_1489 : i32 to index
        %get3A_1493 = arith.index_cast %scan3A_365 : i32 to index
        %get3A_1494 = arith.index_cast %get3A_1490 : i32 to index
        %get3A_1495 = arith.index_cast %get3A_1491 : i32 to index
        %get3A_1496 = arith.constant 64 : index
        %get3A_1497 = tpu.vector_load %arg4[%get3A_1492, %get3A_1493, %get3A_1494, %get3A_1495, %get3A_1496] {strides = array<i32>} : memref<2x14x3x8x128xf32, #tpu.memory_space<vmem>>, vector<1x1x1x1x16xf32>,
        %get3A_1498 = vector.shape_cast %get3A_1497 : vector<1x1x1x1x16xf32> to vector<16xf32>
        %add3A_1499 = arith.addf %add3A_1411, %get3A_1498 : vector<16xf32>
        %get3A_1500 = arith.constant 1 : i32
        %get3A_1501 = arith.constant 1 : i32
        %get3A_1502 = arith.constant 4 : i32
        %get3A_1503 = arith.index_cast %get3A_1500 : i32 to index
        %get3A_1504 = arith.index_cast %scan3A_365 : i32 to index
        %get3A_1505 = arith.index_cast %get3A_1501 : i32 to index
        %get3A_1506 = arith.index_cast %get3A_1502 : i32 to index
        %get3A_1507 = arith.constant 80 : index
        %get3A_1508 = tpu.vector_load %arg4[%get3A_1503, %get3A_1504, %get3A_1505, %get3A_1506, %get3A_1507] {strides = array<i32>} : memref<2x14x3x8x128xf32, #tpu.memory_space<vmem>>, vector<1x1x1x1x16xf32>,
        %get3A_1509 = vector.shape_cast %get3A_1508 : vector<1x1x1x1x16xf32> to vector<16xf32>
        %add3A_1510 = arith.addf %add3A_1422, %get3A_1509 : vector<16xf32>
        %get3A_1511 = arith.constant 1 : i32
        %get3A_1512 = arith.constant 1 : i32
        %get3A_1513 = arith.constant 4 : i32
        %get3A_1514 = arith.index_cast %get3A_1511 : i32 to index
        %get3A_1515 = arith.index_cast %scan3A_365 : i32 to index
        %get3A_1516 = arith.index_cast %get3A_1512 : i32 to index
        %get3A_1517 = arith.index_cast %get3A_1513 : i32 to index
        %get3A_1518 = arith.constant 96 : index
        %get3A_1519 = tpu.vector_load %arg4[%get3A_1514, %get3A_1515, %get3A_1516, %get3A_1517, %get3A_1518] {strides = array<i32>} : memref<2x14x3x8x128xf32, #tpu.memory_space<vmem>>, vector<1x1x1x1x16xf32>,
        %get3A_1520 = vector.shape_cast %get3A_1519 : vector<1x1x1x1x16xf32> to vector<16xf32>
        %add3A_1521 = arith.addf %add3A_1433, %get3A_1520 : vector<16xf32>
        %get3A_1522 = arith.constant 1 : i32
        %get3A_1523 = arith.constant 1 : i32
        %get3A_1524 = arith.constant 4 : i32
        %get3A_1525 = arith.index_cast %get3A_1522 : i32 to index
        %get3A_1526 = arith.index_cast %scan3A_365 : i32 to index
        %get3A_1527 = arith.index_cast %get3A_1523 : i32 to index
        %get3A_1528 = arith.index_cast %get3A_1524 : i32 to index
        %get3A_1529 = arith.constant 112 : index
        %get3A_1530 = tpu.vector_load %arg4[%get3A_1525, %get3A_1526, %get3A_1527, %get3A_1528, %get3A_1529] {strides = array<i32>} : memref<2x14x3x8x128xf32, #tpu.memory_space<vmem>>, vector<1x1x1x1x16xf32>,
        %get3A_1531 = vector.shape_cast %get3A_1530 : vector<1x1x1x1x16xf32> to vector<16xf32>
        %add3A_1532 = arith.addf %add3A_1444, %get3A_1531 : vector<16xf32>
        %get3A_1533 = arith.constant 1 : i32
        %get3A_1534 = arith.constant 1 : i32
        %get3A_1535 = arith.constant 5 : i32
        %get3A_1536 = arith.index_cast %get3A_1533 : i32 to index
        %get3A_1537 = arith.index_cast %scan3A_365 : i32 to index
        %get3A_1538 = arith.index_cast %get3A_1534 : i32 to index
        %get3A_1539 = arith.index_cast %get3A_1535 : i32 to index
        %get3A_1540 = arith.constant 0 : index
        %get3A_1541 = tpu.vector_load %arg4[%get3A_1536, %get3A_1537, %get3A_1538, %get3A_1539, %get3A_1540] {strides = array<i32>} : memref<2x14x3x8x128xf32, #tpu.memory_space<vmem>>, vector<1x1x1x1x16xf32>,
        %get3A_1542 = vector.shape_cast %get3A_1541 : vector<1x1x1x1x16xf32> to vector<16xf32>
        %add3A_1543 = arith.addf %add3A_1455, %get3A_1542 : vector<16xf32>
        %get3A_1544 = arith.constant 1 : i32
        %get3A_1545 = arith.constant 1 : i32
        %get3A_1546 = arith.constant 5 : i32
        %get3A_1547 = arith.index_cast %get3A_1544 : i32 to index
        %get3A_1548 = arith.index_cast %scan3A_365 : i32 to index
        %get3A_1549 = arith.index_cast %get3A_1545 : i32 to index
        %get3A_1550 = arith.index_cast %get3A_1546 : i32 to index
        %get3A_1551 = arith.constant 16 : index
        %get3A_1552 = tpu.vector_load %arg4[%get3A_1547, %get3A_1548, %get3A_1549, %get3A_1550, %get3A_1551] {strides = array<i32>} : memref<2x14x3x8x128xf32, #tpu.memory_space<vmem>>, vector<1x1x1x1x16xf32>,
        %get3A_1553 = vector.shape_cast %get3A_1552 : vector<1x1x1x1x16xf32> to vector<16xf32>
        %add3A_1554 = arith.addf %add3A_1466, %get3A_1553 : vector<16xf32>
        %get3A_1555 = arith.constant 1 : i32
        %get3A_1556 = arith.constant 1 : i32
        %get3A_1557 = arith.constant 5 : i32
        %get3A_1558 = arith.index_cast %get3A_1555 : i32 to index
        %get3A_1559 = arith.index_cast %scan3A_365 : i32 to index
        %get3A_1560 = arith.index_cast %get3A_1556 : i32 to index
        %get3A_1561 = arith.index_cast %get3A_1557 : i32 to index
        %get3A_1562 = arith.constant 32 : index
        %get3A_1563 = tpu.vector_load %arg4[%get3A_1558, %get3A_1559, %get3A_1560, %get3A_1561, %get3A_1562] {strides = array<i32>} : memref<2x14x3x8x128xf32, #tpu.memory_space<vmem>>, vector<1x1x1x1x16xf32>,
        %get3A_1564 = vector.shape_cast %get3A_1563 : vector<1x1x1x1x16xf32> to vector<16xf32>
        %add3A_1565 = arith.addf %add3A_1477, %get3A_1564 : vector<16xf32>
        %get3A_1566 = arith.constant 1 : i32
        %get3A_1567 = arith.constant 1 : i32
        %get3A_1568 = arith.constant 5 : i32
        %get3A_1569 = arith.index_cast %get3A_1566 : i32 to index
        %get3A_1570 = arith.index_cast %scan3A_365 : i32 to index
        %get3A_1571 = arith.index_cast %get3A_1567 : i32 to index
        %get3A_1572 = arith.index_cast %get3A_1568 : i32 to index
        %get3A_1573 = arith.constant 48 : index
        %get3A_1574 = tpu.vector_load %arg4[%get3A_1569, %get3A_1570, %get3A_1571, %get3A_1572, %get3A_1573] {strides = array<i32>} : memref<2x14x3x8x128xf32, #tpu.memory_space<vmem>>, vector<1x1x1x1x16xf32>,
        %get3A_1575 = vector.shape_cast %get3A_1574 : vector<1x1x1x1x16xf32> to vector<16xf32>
        %add3A_1576 = arith.addf %add3A_1488, %get3A_1575 : vector<16xf32>
        %get3A_1577 = arith.constant 1 : i32
        %get3A_1578 = arith.constant 1 : i32
        %get3A_1579 = arith.constant 5 : i32
        %get3A_1580 = arith.index_cast %get3A_1577 : i32 to index
        %get3A_1581 = arith.index_cast %scan3A_365 : i32 to index
        %get3A_1582 = arith.index_cast %get3A_1578 : i32 to index
        %get3A_1583 = arith.index_cast %get3A_1579 : i32 to index
        %get3A_1584 = arith.constant 64 : index
        %get3A_1585 = tpu.vector_load %arg4[%get3A_1580, %get3A_1581, %get3A_1582, %get3A_1583, %get3A_1584] {strides = array<i32>} : memref<2x14x3x8x128xf32, #tpu.memory_space<vmem>>, vector<1x1x1x1x16xf32>,
        %get3A_1586 = vector.shape_cast %get3A_1585 : vector<1x1x1x1x16xf32> to vector<16xf32>
        %add3A_1587 = arith.addf %add3A_1499, %get3A_1586 : vector<16xf32>
        %get3A_1588 = arith.constant 1 : i32
        %get3A_1589 = arith.constant 1 : i32
        %get3A_1590 = arith.constant 5 : i32
        %get3A_1591 = arith.index_cast %get3A_1588 : i32 to index
        %get3A_1592 = arith.index_cast %scan3A_365 : i32 to index
        %get3A_1593 = arith.index_cast %get3A_1589 : i32 to index
        %get3A_1594 = arith.index_cast %get3A_1590 : i32 to index
        %get3A_1595 = arith.constant 80 : index
        %get3A_1596 = tpu.vector_load %arg4[%get3A_1591, %get3A_1592, %get3A_1593, %get3A_1594, %get3A_1595] {strides = array<i32>} : memref<2x14x3x8x128xf32, #tpu.memory_space<vmem>>, vector<1x1x1x1x16xf32>,
        %get3A_1597 = vector.shape_cast %get3A_1596 : vector<1x1x1x1x16xf32> to vector<16xf32>
        %add3A_1598 = arith.addf %add3A_1510, %get3A_1597 : vector<16xf32>
        %get3A_1599 = arith.constant 1 : i32
        %get3A_1600 = arith.constant 1 : i32
        %get3A_1601 = arith.constant 5 : i32
        %get3A_1602 = arith.index_cast %get3A_1599 : i32 to index
        %get3A_1603 = arith.index_cast %scan3A_365 : i32 to index
        %get3A_1604 = arith.index_cast %get3A_1600 : i32 to index
        %get3A_1605 = arith.index_cast %get3A_1601 : i32 to index
        %get3A_1606 = arith.constant 96 : index
        %get3A_1607 = tpu.vector_load %arg4[%get3A_1602, %get3A_1603, %get3A_1604, %get3A_1605, %get3A_1606] {strides = array<i32>} : memref<2x14x3x8x128xf32, #tpu.memory_space<vmem>>, vector<1x1x1x1x16xf32>,
        %get3A_1608 = vector.shape_cast %get3A_1607 : vector<1x1x1x1x16xf32> to vector<16xf32>
        %add3A_1609 = arith.addf %add3A_1521, %get3A_1608 : vector<16xf32>
        %get3A_1610 = arith.constant 1 : i32
        %get3A_1611 = arith.constant 1 : i32
        %get3A_1612 = arith.constant 5 : i32
        %get3A_1613 = arith.index_cast %get3A_1610 : i32 to index
        %get3A_1614 = arith.index_cast %scan3A_365 : i32 to index
        %get3A_1615 = arith.index_cast %get3A_1611 : i32 to index
        %get3A_1616 = arith.index_cast %get3A_1612 : i32 to index
        %get3A_1617 = arith.constant 112 : index
        %get3A_1618 = tpu.vector_load %arg4[%get3A_1613, %get3A_1614, %get3A_1615, %get3A_1616, %get3A_1617] {strides = array<i32>} : memref<2x14x3x8x128xf32, #tpu.memory_space<vmem>>, vector<1x1x1x1x16xf32>,
        %get3A_1619 = vector.shape_cast %get3A_1618 : vector<1x1x1x1x16xf32> to vector<16xf32>
        %add3A_1620 = arith.addf %add3A_1532, %get3A_1619 : vector<16xf32>
        %get3A_1621 = arith.constant 1 : i32
        %get3A_1622 = arith.constant 1 : i32
        %get3A_1623 = arith.constant 6 : i32
        %get3A_1624 = arith.index_cast %get3A_1621 : i32 to index
        %get3A_1625 = arith.index_cast %scan3A_365 : i32 to index
        %get3A_1626 = arith.index_cast %get3A_1622 : i32 to index
        %get3A_1627 = arith.index_cast %get3A_1623 : i32 to index
        %get3A_1628 = arith.constant 0 : index
        %get3A_1629 = tpu.vector_load %arg4[%get3A_1624, %get3A_1625, %get3A_1626, %get3A_1627, %get3A_1628] {strides = array<i32>} : memref<2x14x3x8x128xf32, #tpu.memory_space<vmem>>, vector<1x1x1x1x16xf32>,
        %get3A_1630 = vector.shape_cast %get3A_1629 : vector<1x1x1x1x16xf32> to vector<16xf32>
        %add3A_1631 = arith.addf %add3A_1543, %get3A_1630 : vector<16xf32>
        %get3A_1632 = arith.constant 1 : i32
        %get3A_1633 = arith.constant 1 : i32
        %get3A_1634 = arith.constant 6 : i32
        %get3A_1635 = arith.index_cast %get3A_1632 : i32 to index
        %get3A_1636 = arith.index_cast %scan3A_365 : i32 to index
        %get3A_1637 = arith.index_cast %get3A_1633 : i32 to index
        %get3A_1638 = arith.index_cast %get3A_1634 : i32 to index
        %get3A_1639 = arith.constant 16 : index
        %get3A_1640 = tpu.vector_load %arg4[%get3A_1635, %get3A_1636, %get3A_1637, %get3A_1638, %get3A_1639] {strides = array<i32>} : memref<2x14x3x8x128xf32, #tpu.memory_space<vmem>>, vector<1x1x1x1x16xf32>,
        %get3A_1641 = vector.shape_cast %get3A_1640 : vector<1x1x1x1x16xf32> to vector<16xf32>
        %add3A_1642 = arith.addf %add3A_1554, %get3A_1641 : vector<16xf32>
        %get3A_1643 = arith.constant 1 : i32
        %get3A_1644 = arith.constant 1 : i32
        %get3A_1645 = arith.constant 6 : i32
        %get3A_1646 = arith.index_cast %get3A_1643 : i32 to index
        %get3A_1647 = arith.index_cast %scan3A_365 : i32 to index
        %get3A_1648 = arith.index_cast %get3A_1644 : i32 to index
        %get3A_1649 = arith.index_cast %get3A_1645 : i32 to index
        %get3A_1650 = arith.constant 32 : index
        %get3A_1651 = tpu.vector_load %arg4[%get3A_1646, %get3A_1647, %get3A_1648, %get3A_1649, %get3A_1650] {strides = array<i32>} : memref<2x14x3x8x128xf32, #tpu.memory_space<vmem>>, vector<1x1x1x1x16xf32>,
        %get3A_1652 = vector.shape_cast %get3A_1651 : vector<1x1x1x1x16xf32> to vector<16xf32>
        %add3A_1653 = arith.addf %add3A_1565, %get3A_1652 : vector<16xf32>
        %get3A_1654 = arith.constant 1 : i32
        %get3A_1655 = arith.constant 1 : i32
        %get3A_1656 = arith.constant 6 : i32
        %get3A_1657 = arith.index_cast %get3A_1654 : i32 to index
        %get3A_1658 = arith.index_cast %scan3A_365 : i32 to index
        %get3A_1659 = arith.index_cast %get3A_1655 : i32 to index
        %get3A_1660 = arith.index_cast %get3A_1656 : i32 to index
        %get3A_1661 = arith.constant 48 : index
        %get3A_1662 = tpu.vector_load %arg4[%get3A_1657, %get3A_1658, %get3A_1659, %get3A_1660, %get3A_1661] {strides = array<i32>} : memref<2x14x3x8x128xf32, #tpu.memory_space<vmem>>, vector<1x1x1x1x16xf32>,
        %get3A_1663 = vector.shape_cast %get3A_1662 : vector<1x1x1x1x16xf32> to vector<16xf32>
        %add3A_1664 = arith.addf %add3A_1576, %get3A_1663 : vector<16xf32>
        %get3A_1665 = arith.constant 1 : i32
        %get3A_1666 = arith.constant 1 : i32
        %get3A_1667 = arith.constant 6 : i32
        %get3A_1668 = arith.index_cast %get3A_1665 : i32 to index
        %get3A_1669 = arith.index_cast %scan3A_365 : i32 to index
        %get3A_1670 = arith.index_cast %get3A_1666 : i32 to index
        %get3A_1671 = arith.index_cast %get3A_1667 : i32 to index
        %get3A_1672 = arith.constant 64 : index
        %get3A_1673 = tpu.vector_load %arg4[%get3A_1668, %get3A_1669, %get3A_1670, %get3A_1671, %get3A_1672] {strides = array<i32>} : memref<2x14x3x8x128xf32, #tpu.memory_space<vmem>>, vector<1x1x1x1x16xf32>,
        %get3A_1674 = vector.shape_cast %get3A_1673 : vector<1x1x1x1x16xf32> to vector<16xf32>
        %add3A_1675 = arith.addf %add3A_1587, %get3A_1674 : vector<16xf32>
        %get3A_1676 = arith.constant 1 : i32
        %get3A_1677 = arith.constant 1 : i32
        %get3A_1678 = arith.constant 6 : i32
        %get3A_1679 = arith.index_cast %get3A_1676 : i32 to index
        %get3A_1680 = arith.index_cast %scan3A_365 : i32 to index
        %get3A_1681 = arith.index_cast %get3A_1677 : i32 to index
        %get3A_1682 = arith.index_cast %get3A_1678 : i32 to index
        %get3A_1683 = arith.constant 80 : index
        %get3A_1684 = tpu.vector_load %arg4[%get3A_1679, %get3A_1680, %get3A_1681, %get3A_1682, %get3A_1683] {strides = array<i32>} : memref<2x14x3x8x128xf32, #tpu.memory_space<vmem>>, vector<1x1x1x1x16xf32>,
        %get3A_1685 = vector.shape_cast %get3A_1684 : vector<1x1x1x1x16xf32> to vector<16xf32>
        %add3A_1686 = arith.addf %add3A_1598, %get3A_1685 : vector<16xf32>
        %get3A_1687 = arith.constant 1 : i32
        %get3A_1688 = arith.constant 1 : i32
        %get3A_1689 = arith.constant 6 : i32
        %get3A_1690 = arith.index_cast %get3A_1687 : i32 to index
        %get3A_1691 = arith.index_cast %scan3A_365 : i32 to index
        %get3A_1692 = arith.index_cast %get3A_1688 : i32 to index
        %get3A_1693 = arith.index_cast %get3A_1689 : i32 to index
        %get3A_1694 = arith.constant 96 : index
        %get3A_1695 = tpu.vector_load %arg4[%get3A_1690, %get3A_1691, %get3A_1692, %get3A_1693, %get3A_1694] {strides = array<i32>} : memref<2x14x3x8x128xf32, #tpu.memory_space<vmem>>, vector<1x1x1x1x16xf32>,
        %get3A_1696 = vector.shape_cast %get3A_1695 : vector<1x1x1x1x16xf32> to vector<16xf32>
        %add3A_1697 = arith.addf %add3A_1609, %get3A_1696 : vector<16xf32>
        %get3A_1698 = arith.constant 1 : i32
        %get3A_1699 = arith.constant 1 : i32
        %get3A_1700 = arith.constant 6 : i32
        %get3A_1701 = arith.index_cast %get3A_1698 : i32 to index
        %get3A_1702 = arith.index_cast %scan3A_365 : i32 to index
        %get3A_1703 = arith.index_cast %get3A_1699 : i32 to index
        %get3A_1704 = arith.index_cast %get3A_1700 : i32 to index
        %get3A_1705 = arith.constant 112 : index
        %get3A_1706 = tpu.vector_load %arg4[%get3A_1701, %get3A_1702, %get3A_1703, %get3A_1704, %get3A_1705] {strides = array<i32>} : memref<2x14x3x8x128xf32, #tpu.memory_space<vmem>>, vector<1x1x1x1x16xf32>,
        %get3A_1707 = vector.shape_cast %get3A_1706 : vector<1x1x1x1x16xf32> to vector<16xf32>
        %add3A_1708 = arith.addf %add3A_1620, %get3A_1707 : vector<16xf32>
        %get3A_1709 = arith.constant 1 : i32
        %get3A_1710 = arith.constant 1 : i32
        %get3A_1711 = arith.constant 7 : i32
        %get3A_1712 = arith.index_cast %get3A_1709 : i32 to index
        %get3A_1713 = arith.index_cast %scan3A_365 : i32 to index
        %get3A_1714 = arith.index_cast %get3A_1710 : i32 to index
        %get3A_1715 = arith.index_cast %get3A_1711 : i32 to index
        %get3A_1716 = arith.constant 0 : index
        %get3A_1717 = tpu.vector_load %arg4[%get3A_1712, %get3A_1713, %get3A_1714, %get3A_1715, %get3A_1716] {strides = array<i32>} : memref<2x14x3x8x128xf32, #tpu.memory_space<vmem>>, vector<1x1x1x1x16xf32>,
        %get3A_1718 = vector.shape_cast %get3A_1717 : vector<1x1x1x1x16xf32> to vector<16xf32>
        %add3A_1719 = arith.addf %add3A_1631, %get3A_1718 : vector<16xf32>
        %get3A_1720 = arith.constant 1 : i32
        %get3A_1721 = arith.constant 1 : i32
        %get3A_1722 = arith.constant 7 : i32
        %get3A_1723 = arith.index_cast %get3A_1720 : i32 to index
        %get3A_1724 = arith.index_cast %scan3A_365 : i32 to index
        %get3A_1725 = arith.index_cast %get3A_1721 : i32 to index
        %get3A_1726 = arith.index_cast %get3A_1722 : i32 to index
        %get3A_1727 = arith.constant 16 : index
        %get3A_1728 = tpu.vector_load %arg4[%get3A_1723, %get3A_1724, %get3A_1725, %get3A_1726, %get3A_1727] {strides = array<i32>} : memref<2x14x3x8x128xf32, #tpu.memory_space<vmem>>, vector<1x1x1x1x16xf32>,
        %get3A_1729 = vector.shape_cast %get3A_1728 : vector<1x1x1x1x16xf32> to vector<16xf32>
        %add3A_1730 = arith.addf %add3A_1642, %get3A_1729 : vector<16xf32>
        %get3A_1731 = arith.constant 1 : i32
        %get3A_1732 = arith.constant 1 : i32
        %get3A_1733 = arith.constant 7 : i32
        %get3A_1734 = arith.index_cast %get3A_1731 : i32 to index
        %get3A_1735 = arith.index_cast %scan3A_365 : i32 to index
        %get3A_1736 = arith.index_cast %get3A_1732 : i32 to index
        %get3A_1737 = arith.index_cast %get3A_1733 : i32 to index
        %get3A_1738 = arith.constant 32 : index
        %get3A_1739 = tpu.vector_load %arg4[%get3A_1734, %get3A_1735, %get3A_1736, %get3A_1737, %get3A_1738] {strides = array<i32>} : memref<2x14x3x8x128xf32, #tpu.memory_space<vmem>>, vector<1x1x1x1x16xf32>,
        %get3A_1740 = vector.shape_cast %get3A_1739 : vector<1x1x1x1x16xf32> to vector<16xf32>
        %add3A_1741 = arith.addf %add3A_1653, %get3A_1740 : vector<16xf32>
        %get3A_1742 = arith.constant 1 : i32
        %get3A_1743 = arith.constant 1 : i32
        %get3A_1744 = arith.constant 7 : i32
        %get3A_1745 = arith.index_cast %get3A_1742 : i32 to index
        %get3A_1746 = arith.index_cast %scan3A_365 : i32 to index
        %get3A_1747 = arith.index_cast %get3A_1743 : i32 to index
        %get3A_1748 = arith.index_cast %get3A_1744 : i32 to index
        %get3A_1749 = arith.constant 48 : index
        %get3A_1750 = tpu.vector_load %arg4[%get3A_1745, %get3A_1746, %get3A_1747, %get3A_1748, %get3A_1749] {strides = array<i32>} : memref<2x14x3x8x128xf32, #tpu.memory_space<vmem>>, vector<1x1x1x1x16xf32>,
        %get3A_1751 = vector.shape_cast %get3A_1750 : vector<1x1x1x1x16xf32> to vector<16xf32>
        %add3A_1752 = arith.addf %add3A_1664, %get3A_1751 : vector<16xf32>
        %get3A_1753 = arith.constant 1 : i32
        %get3A_1754 = arith.constant 1 : i32
        %get3A_1755 = arith.constant 7 : i32
        %get3A_1756 = arith.index_cast %get3A_1753 : i32 to index
        %get3A_1757 = arith.index_cast %scan3A_365 : i32 to index
        %get3A_1758 = arith.index_cast %get3A_1754 : i32 to index
        %get3A_1759 = arith.index_cast %get3A_1755 : i32 to index
        %get3A_1760 = arith.constant 64 : index
        %get3A_1761 = tpu.vector_load %arg4[%get3A_1756, %get3A_1757, %get3A_1758, %get3A_1759, %get3A_1760] {strides = array<i32>} : memref<2x14x3x8x128xf32, #tpu.memory_space<vmem>>, vector<1x1x1x1x16xf32>,
        %get3A_1762 = vector.shape_cast %get3A_1761 : vector<1x1x1x1x16xf32> to vector<16xf32>
        %add3A_1763 = arith.addf %add3A_1675, %get3A_1762 : vector<16xf32>
        %get3A_1764 = arith.constant 1 : i32
        %get3A_1765 = arith.constant 1 : i32
        %get3A_1766 = arith.constant 7 : i32
        %get3A_1767 = arith.index_cast %get3A_1764 : i32 to index
        %get3A_1768 = arith.index_cast %scan3A_365 : i32 to index
        %get3A_1769 = arith.index_cast %get3A_1765 : i32 to index
        %get3A_1770 = arith.index_cast %get3A_1766 : i32 to index
        %get3A_1771 = arith.constant 80 : index
        %get3A_1772 = tpu.vector_load %arg4[%get3A_1767, %get3A_1768, %get3A_1769, %get3A_1770, %get3A_1771] {strides = array<i32>} : memref<2x14x3x8x128xf32, #tpu.memory_space<vmem>>, vector<1x1x1x1x16xf32>,
        %get3A_1773 = vector.shape_cast %get3A_1772 : vector<1x1x1x1x16xf32> to vector<16xf32>
        %add3A_1774 = arith.addf %add3A_1686, %get3A_1773 : vector<16xf32>
        %get3A_1775 = arith.constant 1 : i32
        %get3A_1776 = arith.constant 1 : i32
        %get3A_1777 = arith.constant 7 : i32
        %get3A_1778 = arith.index_cast %get3A_1775 : i32 to index
        %get3A_1779 = arith.index_cast %scan3A_365 : i32 to index
        %get3A_1780 = arith.index_cast %get3A_1776 : i32 to index
        %get3A_1781 = arith.index_cast %get3A_1777 : i32 to index
        %get3A_1782 = arith.constant 96 : index
        %get3A_1783 = tpu.vector_load %arg4[%get3A_1778, %get3A_1779, %get3A_1780, %get3A_1781, %get3A_1782] {strides = array<i32>} : memref<2x14x3x8x128xf32, #tpu.memory_space<vmem>>, vector<1x1x1x1x16xf32>,
        %get3A_1784 = vector.shape_cast %get3A_1783 : vector<1x1x1x1x16xf32> to vector<16xf32>
        %add3A_1785 = arith.addf %add3A_1697, %get3A_1784 : vector<16xf32>
        %get3A_1786 = arith.constant 1 : i32
        %get3A_1787 = arith.constant 1 : i32
        %get3A_1788 = arith.constant 7 : i32
        %get3A_1789 = arith.index_cast %get3A_1786 : i32 to index
        %get3A_1790 = arith.index_cast %scan3A_365 : i32 to index
        %get3A_1791 = arith.index_cast %get3A_1787 : i32 to index
        %get3A_1792 = arith.index_cast %get3A_1788 : i32 to index
        %get3A_1793 = arith.constant 112 : index
        %get3A_1794 = tpu.vector_load %arg4[%get3A_1789, %get3A_1790, %get3A_1791, %get3A_1792, %get3A_1793] {strides = array<i32>} : memref<2x14x3x8x128xf32, #tpu.memory_space<vmem>>, vector<1x1x1x1x16xf32>,
        %get3A_1795 = vector.shape_cast %get3A_1794 : vector<1x1x1x1x16xf32> to vector<16xf32>
        %add3A_1796 = arith.addf %add3A_1708, %get3A_1795 : vector<16xf32>
        %get3A_1797 = arith.constant 1 : i32
        %get3A_1798 = arith.constant 2 : i32
        %get3A_1799 = arith.constant 0 : i32
        %get3A_1800 = arith.index_cast %get3A_1797 : i32 to index
        %get3A_1801 = arith.index_cast %scan3A_365 : i32 to index
        %get3A_1802 = arith.index_cast %get3A_1798 : i32 to index
        %get3A_1803 = arith.index_cast %get3A_1799 : i32 to index
        %get3A_1804 = arith.constant 0 : index
        %get3A_1805 = tpu.vector_load %arg4[%get3A_1800, %get3A_1801, %get3A_1802, %get3A_1803, %get3A_1804] {strides = array<i32>} : memref<2x14x3x8x128xf32, #tpu.memory_space<vmem>>, vector<1x1x1x1x16xf32>,
        %get3A_1806 = vector.shape_cast %get3A_1805 : vector<1x1x1x1x16xf32> to vector<16xf32>
        %add3A_1807 = arith.addf %scan3A_382, %get3A_1806 : vector<16xf32>
        %get3A_1808 = arith.constant 1 : i32
        %get3A_1809 = arith.constant 2 : i32
        %get3A_1810 = arith.constant 0 : i32
        %get3A_1811 = arith.index_cast %get3A_1808 : i32 to index
        %get3A_1812 = arith.index_cast %scan3A_365 : i32 to index
        %get3A_1813 = arith.index_cast %get3A_1809 : i32 to index
        %get3A_1814 = arith.index_cast %get3A_1810 : i32 to index
        %get3A_1815 = arith.constant 16 : index
        %get3A_1816 = tpu.vector_load %arg4[%get3A_1811, %get3A_1812, %get3A_1813, %get3A_1814, %get3A_1815] {strides = array<i32>} : memref<2x14x3x8x128xf32, #tpu.memory_space<vmem>>, vector<1x1x1x1x16xf32>,
        %get3A_1817 = vector.shape_cast %get3A_1816 : vector<1x1x1x1x16xf32> to vector<16xf32>
        %add3A_1818 = arith.addf %scan3A_383, %get3A_1817 : vector<16xf32>
        %get3A_1819 = arith.constant 1 : i32
        %get3A_1820 = arith.constant 2 : i32
        %get3A_1821 = arith.constant 0 : i32
        %get3A_1822 = arith.index_cast %get3A_1819 : i32 to index
        %get3A_1823 = arith.index_cast %scan3A_365 : i32 to index
        %get3A_1824 = arith.index_cast %get3A_1820 : i32 to index
        %get3A_1825 = arith.index_cast %get3A_1821 : i32 to index
        %get3A_1826 = arith.constant 32 : index
        %get3A_1827 = tpu.vector_load %arg4[%get3A_1822, %get3A_1823, %get3A_1824, %get3A_1825, %get3A_1826] {strides = array<i32>} : memref<2x14x3x8x128xf32, #tpu.memory_space<vmem>>, vector<1x1x1x1x16xf32>,
        %get3A_1828 = vector.shape_cast %get3A_1827 : vector<1x1x1x1x16xf32> to vector<16xf32>
        %add3A_1829 = arith.addf %scan3A_384, %get3A_1828 : vector<16xf32>
        %get3A_1830 = arith.constant 1 : i32
        %get3A_1831 = arith.constant 2 : i32
        %get3A_1832 = arith.constant 0 : i32
        %get3A_1833 = arith.index_cast %get3A_1830 : i32 to index
        %get3A_1834 = arith.index_cast %scan3A_365 : i32 to index
        %get3A_1835 = arith.index_cast %get3A_1831 : i32 to index
        %get3A_1836 = arith.index_cast %get3A_1832 : i32 to index
        %get3A_1837 = arith.constant 48 : index
        %get3A_1838 = tpu.vector_load %arg4[%get3A_1833, %get3A_1834, %get3A_1835, %get3A_1836, %get3A_1837] {strides = array<i32>} : memref<2x14x3x8x128xf32, #tpu.memory_space<vmem>>, vector<1x1x1x1x16xf32>,
        %get3A_1839 = vector.shape_cast %get3A_1838 : vector<1x1x1x1x16xf32> to vector<16xf32>
        %add3A_1840 = arith.addf %scan3A_385, %get3A_1839 : vector<16xf32>
        %get3A_1841 = arith.constant 1 : i32
        %get3A_1842 = arith.constant 2 : i32
        %get3A_1843 = arith.constant 0 : i32
        %get3A_1844 = arith.index_cast %get3A_1841 : i32 to index
        %get3A_1845 = arith.index_cast %scan3A_365 : i32 to index
        %get3A_1846 = arith.index_cast %get3A_1842 : i32 to index
        %get3A_1847 = arith.index_cast %get3A_1843 : i32 to index
        %get3A_1848 = arith.constant 64 : index
        %get3A_1849 = tpu.vector_load %arg4[%get3A_1844, %get3A_1845, %get3A_1846, %get3A_1847, %get3A_1848] {strides = array<i32>} : memref<2x14x3x8x128xf32, #tpu.memory_space<vmem>>, vector<1x1x1x1x16xf32>,
        %get3A_1850 = vector.shape_cast %get3A_1849 : vector<1x1x1x1x16xf32> to vector<16xf32>
        %add3A_1851 = arith.addf %scan3A_386, %get3A_1850 : vector<16xf32>
        %get3A_1852 = arith.constant 1 : i32
        %get3A_1853 = arith.constant 2 : i32
        %get3A_1854 = arith.constant 0 : i32
        %get3A_1855 = arith.index_cast %get3A_1852 : i32 to index
        %get3A_1856 = arith.index_cast %scan3A_365 : i32 to index
        %get3A_1857 = arith.index_cast %get3A_1853 : i32 to index
        %get3A_1858 = arith.index_cast %get3A_1854 : i32 to index
        %get3A_1859 = arith.constant 80 : index
        %get3A_1860 = tpu.vector_load %arg4[%get3A_1855, %get3A_1856, %get3A_1857, %get3A_1858, %get3A_1859] {strides = array<i32>} : memref<2x14x3x8x128xf32, #tpu.memory_space<vmem>>, vector<1x1x1x1x16xf32>,
        %get3A_1861 = vector.shape_cast %get3A_1860 : vector<1x1x1x1x16xf32> to vector<16xf32>
        %add3A_1862 = arith.addf %scan3A_387, %get3A_1861 : vector<16xf32>
        %get3A_1863 = arith.constant 1 : i32
        %get3A_1864 = arith.constant 2 : i32
        %get3A_1865 = arith.constant 0 : i32
        %get3A_1866 = arith.index_cast %get3A_1863 : i32 to index
        %get3A_1867 = arith.index_cast %scan3A_365 : i32 to index
        %get3A_1868 = arith.index_cast %get3A_1864 : i32 to index
        %get3A_1869 = arith.index_cast %get3A_1865 : i32 to index
        %get3A_1870 = arith.constant 96 : index
        %get3A_1871 = tpu.vector_load %arg4[%get3A_1866, %get3A_1867, %get3A_1868, %get3A_1869, %get3A_1870] {strides = array<i32>} : memref<2x14x3x8x128xf32, #tpu.memory_space<vmem>>, vector<1x1x1x1x16xf32>,
        %get3A_1872 = vector.shape_cast %get3A_1871 : vector<1x1x1x1x16xf32> to vector<16xf32>
        %add3A_1873 = arith.addf %scan3A_388, %get3A_1872 : vector<16xf32>
        %get3A_1874 = arith.constant 1 : i32
        %get3A_1875 = arith.constant 2 : i32
        %get3A_1876 = arith.constant 0 : i32
        %get3A_1877 = arith.index_cast %get3A_1874 : i32 to index
        %get3A_1878 = arith.index_cast %scan3A_365 : i32 to index
        %get3A_1879 = arith.index_cast %get3A_1875 : i32 to index
        %get3A_1880 = arith.index_cast %get3A_1876 : i32 to index
        %get3A_1881 = arith.constant 112 : index
        %get3A_1882 = tpu.vector_load %arg4[%get3A_1877, %get3A_1878, %get3A_1879, %get3A_1880, %get3A_1881] {strides = array<i32>} : memref<2x14x3x8x128xf32, #tpu.memory_space<vmem>>, vector<1x1x1x1x16xf32>,
        %get3A_1883 = vector.shape_cast %get3A_1882 : vector<1x1x1x1x16xf32> to vector<16xf32>
        %add3A_1884 = arith.addf %scan3A_389, %get3A_1883 : vector<16xf32>
        %get3A_1885 = arith.constant 1 : i32
        %get3A_1886 = arith.constant 2 : i32
        %get3A_1887 = arith.constant 1 : i32
        %get3A_1888 = arith.index_cast %get3A_1885 : i32 to index
        %get3A_1889 = arith.index_cast %scan3A_365 : i32 to index
        %get3A_1890 = arith.index_cast %get3A_1886 : i32 to index
        %get3A_1891 = arith.index_cast %get3A_1887 : i32 to index
        %get3A_1892 = arith.constant 0 : index
        %get3A_1893 = tpu.vector_load %arg4[%get3A_1888, %get3A_1889, %get3A_1890, %get3A_1891, %get3A_1892] {strides = array<i32>} : memref<2x14x3x8x128xf32, #tpu.memory_space<vmem>>, vector<1x1x1x1x16xf32>,
        %get3A_1894 = vector.shape_cast %get3A_1893 : vector<1x1x1x1x16xf32> to vector<16xf32>
        %add3A_1895 = arith.addf %add3A_1807, %get3A_1894 : vector<16xf32>
        %get3A_1896 = arith.constant 1 : i32
        %get3A_1897 = arith.constant 2 : i32
        %get3A_1898 = arith.constant 1 : i32
        %get3A_1899 = arith.index_cast %get3A_1896 : i32 to index
        %get3A_1900 = arith.index_cast %scan3A_365 : i32 to index
        %get3A_1901 = arith.index_cast %get3A_1897 : i32 to index
        %get3A_1902 = arith.index_cast %get3A_1898 : i32 to index
        %get3A_1903 = arith.constant 16 : index
        %get3A_1904 = tpu.vector_load %arg4[%get3A_1899, %get3A_1900, %get3A_1901, %get3A_1902, %get3A_1903] {strides = array<i32>} : memref<2x14x3x8x128xf32, #tpu.memory_space<vmem>>, vector<1x1x1x1x16xf32>,
        %get3A_1905 = vector.shape_cast %get3A_1904 : vector<1x1x1x1x16xf32> to vector<16xf32>
        %add3A_1906 = arith.addf %add3A_1818, %get3A_1905 : vector<16xf32>
        %get3A_1907 = arith.constant 1 : i32
        %get3A_1908 = arith.constant 2 : i32
        %get3A_1909 = arith.constant 1 : i32
        %get3A_1910 = arith.index_cast %get3A_1907 : i32 to index
        %get3A_1911 = arith.index_cast %scan3A_365 : i32 to index
        %get3A_1912 = arith.index_cast %get3A_1908 : i32 to index
        %get3A_1913 = arith.index_cast %get3A_1909 : i32 to index
        %get3A_1914 = arith.constant 32 : index
        %get3A_1915 = tpu.vector_load %arg4[%get3A_1910, %get3A_1911, %get3A_1912, %get3A_1913, %get3A_1914] {strides = array<i32>} : memref<2x14x3x8x128xf32, #tpu.memory_space<vmem>>, vector<1x1x1x1x16xf32>,
        %get3A_1916 = vector.shape_cast %get3A_1915 : vector<1x1x1x1x16xf32> to vector<16xf32>
        %add3A_1917 = arith.addf %add3A_1829, %get3A_1916 : vector<16xf32>
        %get3A_1918 = arith.constant 1 : i32
        %get3A_1919 = arith.constant 2 : i32
        %get3A_1920 = arith.constant 1 : i32
        %get3A_1921 = arith.index_cast %get3A_1918 : i32 to index
        %get3A_1922 = arith.index_cast %scan3A_365 : i32 to index
        %get3A_1923 = arith.index_cast %get3A_1919 : i32 to index
        %get3A_1924 = arith.index_cast %get3A_1920 : i32 to index
        %get3A_1925 = arith.constant 48 : index
        %get3A_1926 = tpu.vector_load %arg4[%get3A_1921, %get3A_1922, %get3A_1923, %get3A_1924, %get3A_1925] {strides = array<i32>} : memref<2x14x3x8x128xf32, #tpu.memory_space<vmem>>, vector<1x1x1x1x16xf32>,
        %get3A_1927 = vector.shape_cast %get3A_1926 : vector<1x1x1x1x16xf32> to vector<16xf32>
        %add3A_1928 = arith.addf %add3A_1840, %get3A_1927 : vector<16xf32>
        %get3A_1929 = arith.constant 1 : i32
        %get3A_1930 = arith.constant 2 : i32
        %get3A_1931 = arith.constant 1 : i32
        %get3A_1932 = arith.index_cast %get3A_1929 : i32 to index
        %get3A_1933 = arith.index_cast %scan3A_365 : i32 to index
        %get3A_1934 = arith.index_cast %get3A_1930 : i32 to index
        %get3A_1935 = arith.index_cast %get3A_1931 : i32 to index
        %get3A_1936 = arith.constant 64 : index
        %get3A_1937 = tpu.vector_load %arg4[%get3A_1932, %get3A_1933, %get3A_1934, %get3A_1935, %get3A_1936] {strides = array<i32>} : memref<2x14x3x8x128xf32, #tpu.memory_space<vmem>>, vector<1x1x1x1x16xf32>,
        %get3A_1938 = vector.shape_cast %get3A_1937 : vector<1x1x1x1x16xf32> to vector<16xf32>
        %add3A_1939 = arith.addf %add3A_1851, %get3A_1938 : vector<16xf32>
        %get3A_1940 = arith.constant 1 : i32
        %get3A_1941 = arith.constant 2 : i32
        %get3A_1942 = arith.constant 1 : i32
        %get3A_1943 = arith.index_cast %get3A_1940 : i32 to index
        %get3A_1944 = arith.index_cast %scan3A_365 : i32 to index
        %get3A_1945 = arith.index_cast %get3A_1941 : i32 to index
        %get3A_1946 = arith.index_cast %get3A_1942 : i32 to index
        %get3A_1947 = arith.constant 80 : index
        %get3A_1948 = tpu.vector_load %arg4[%get3A_1943, %get3A_1944, %get3A_1945, %get3A_1946, %get3A_1947] {strides = array<i32>} : memref<2x14x3x8x128xf32, #tpu.memory_space<vmem>>, vector<1x1x1x1x16xf32>,
        %get3A_1949 = vector.shape_cast %get3A_1948 : vector<1x1x1x1x16xf32> to vector<16xf32>
        %add3A_1950 = arith.addf %add3A_1862, %get3A_1949 : vector<16xf32>
        %get3A_1951 = arith.constant 1 : i32
        %get3A_1952 = arith.constant 2 : i32
        %get3A_1953 = arith.constant 1 : i32
        %get3A_1954 = arith.index_cast %get3A_1951 : i32 to index
        %get3A_1955 = arith.index_cast %scan3A_365 : i32 to index
        %get3A_1956 = arith.index_cast %get3A_1952 : i32 to index
        %get3A_1957 = arith.index_cast %get3A_1953 : i32 to index
        %get3A_1958 = arith.constant 96 : index
        %get3A_1959 = tpu.vector_load %arg4[%get3A_1954, %get3A_1955, %get3A_1956, %get3A_1957, %get3A_1958] {strides = array<i32>} : memref<2x14x3x8x128xf32, #tpu.memory_space<vmem>>, vector<1x1x1x1x16xf32>,
        %get3A_1960 = vector.shape_cast %get3A_1959 : vector<1x1x1x1x16xf32> to vector<16xf32>
        %add3A_1961 = arith.addf %add3A_1873, %get3A_1960 : vector<16xf32>
        %get3A_1962 = arith.constant 1 : i32
        %get3A_1963 = arith.constant 2 : i32
        %get3A_1964 = arith.constant 1 : i32
        %get3A_1965 = arith.index_cast %get3A_1962 : i32 to index
        %get3A_1966 = arith.index_cast %scan3A_365 : i32 to index
        %get3A_1967 = arith.index_cast %get3A_1963 : i32 to index
        %get3A_1968 = arith.index_cast %get3A_1964 : i32 to index
        %get3A_1969 = arith.constant 112 : index
        %get3A_1970 = tpu.vector_load %arg4[%get3A_1965, %get3A_1966, %get3A_1967, %get3A_1968, %get3A_1969] {strides = array<i32>} : memref<2x14x3x8x128xf32, #tpu.memory_space<vmem>>, vector<1x1x1x1x16xf32>,
        %get3A_1971 = vector.shape_cast %get3A_1970 : vector<1x1x1x1x16xf32> to vector<16xf32>
        %add3A_1972 = arith.addf %add3A_1884, %get3A_1971 : vector<16xf32>
        %get3A_1973 = arith.constant 1 : i32
        %get3A_1974 = arith.constant 2 : i32
        %get3A_1975 = arith.constant 2 : i32
        %get3A_1976 = arith.index_cast %get3A_1973 : i32 to index
        %get3A_1977 = arith.index_cast %scan3A_365 : i32 to index
        %get3A_1978 = arith.index_cast %get3A_1974 : i32 to index
        %get3A_1979 = arith.index_cast %get3A_1975 : i32 to index
        %get3A_1980 = arith.constant 0 : index
        %get3A_1981 = tpu.vector_load %arg4[%get3A_1976, %get3A_1977, %get3A_1978, %get3A_1979, %get3A_1980] {strides = array<i32>} : memref<2x14x3x8x128xf32, #tpu.memory_space<vmem>>, vector<1x1x1x1x16xf32>,
        %get3A_1982 = vector.shape_cast %get3A_1981 : vector<1x1x1x1x16xf32> to vector<16xf32>
        %add3A_1983 = arith.addf %add3A_1895, %get3A_1982 : vector<16xf32>
        %get3A_1984 = arith.constant 1 : i32
        %get3A_1985 = arith.constant 2 : i32
        %get3A_1986 = arith.constant 2 : i32
        %get3A_1987 = arith.index_cast %get3A_1984 : i32 to index
        %get3A_1988 = arith.index_cast %scan3A_365 : i32 to index
        %get3A_1989 = arith.index_cast %get3A_1985 : i32 to index
        %get3A_1990 = arith.index_cast %get3A_1986 : i32 to index
        %get3A_1991 = arith.constant 16 : index
        %get3A_1992 = tpu.vector_load %arg4[%get3A_1987, %get3A_1988, %get3A_1989, %get3A_1990, %get3A_1991] {strides = array<i32>} : memref<2x14x3x8x128xf32, #tpu.memory_space<vmem>>, vector<1x1x1x1x16xf32>,
        %get3A_1993 = vector.shape_cast %get3A_1992 : vector<1x1x1x1x16xf32> to vector<16xf32>
        %add3A_1994 = arith.addf %add3A_1906, %get3A_1993 : vector<16xf32>
        %get3A_1995 = arith.constant 1 : i32
        %get3A_1996 = arith.constant 2 : i32
        %get3A_1997 = arith.constant 2 : i32
        %get3A_1998 = arith.index_cast %get3A_1995 : i32 to index
        %get3A_1999 = arith.index_cast %scan3A_365 : i32 to index
        %get3A_2000 = arith.index_cast %get3A_1996 : i32 to index
        %get3A_2001 = arith.index_cast %get3A_1997 : i32 to index
        %get3A_2002 = arith.constant 32 : index
        %get3A_2003 = tpu.vector_load %arg4[%get3A_1998, %get3A_1999, %get3A_2000, %get3A_2001, %get3A_2002] {strides = array<i32>} : memref<2x14x3x8x128xf32, #tpu.memory_space<vmem>>, vector<1x1x1x1x16xf32>,
        %get3A_2004 = vector.shape_cast %get3A_2003 : vector<1x1x1x1x16xf32> to vector<16xf32>
        %add3A_2005 = arith.addf %add3A_1917, %get3A_2004 : vector<16xf32>
        %get3A_2006 = arith.constant 1 : i32
        %get3A_2007 = arith.constant 2 : i32
        %get3A_2008 = arith.constant 2 : i32
        %get3A_2009 = arith.index_cast %get3A_2006 : i32 to index
        %get3A_2010 = arith.index_cast %scan3A_365 : i32 to index
        %get3A_2011 = arith.index_cast %get3A_2007 : i32 to index
        %get3A_2012 = arith.index_cast %get3A_2008 : i32 to index
        %get3A_2013 = arith.constant 48 : index
        %get3A_2014 = tpu.vector_load %arg4[%get3A_2009, %get3A_2010, %get3A_2011, %get3A_2012, %get3A_2013] {strides = array<i32>} : memref<2x14x3x8x128xf32, #tpu.memory_space<vmem>>, vector<1x1x1x1x16xf32>,
        %get3A_2015 = vector.shape_cast %get3A_2014 : vector<1x1x1x1x16xf32> to vector<16xf32>
        %add3A_2016 = arith.addf %add3A_1928, %get3A_2015 : vector<16xf32>
        %get3A_2017 = arith.constant 1 : i32
        %get3A_2018 = arith.constant 2 : i32
        %get3A_2019 = arith.constant 2 : i32
        %get3A_2020 = arith.index_cast %get3A_2017 : i32 to index
        %get3A_2021 = arith.index_cast %scan3A_365 : i32 to index
        %get3A_2022 = arith.index_cast %get3A_2018 : i32 to index
        %get3A_2023 = arith.index_cast %get3A_2019 : i32 to index
        %get3A_2024 = arith.constant 64 : index
        %get3A_2025 = tpu.vector_load %arg4[%get3A_2020, %get3A_2021, %get3A_2022, %get3A_2023, %get3A_2024] {strides = array<i32>} : memref<2x14x3x8x128xf32, #tpu.memory_space<vmem>>, vector<1x1x1x1x16xf32>,
        %get3A_2026 = vector.shape_cast %get3A_2025 : vector<1x1x1x1x16xf32> to vector<16xf32>
        %add3A_2027 = arith.addf %add3A_1939, %get3A_2026 : vector<16xf32>
        %get3A_2028 = arith.constant 1 : i32
        %get3A_2029 = arith.constant 2 : i32
        %get3A_2030 = arith.constant 2 : i32
        %get3A_2031 = arith.index_cast %get3A_2028 : i32 to index
        %get3A_2032 = arith.index_cast %scan3A_365 : i32 to index
        %get3A_2033 = arith.index_cast %get3A_2029 : i32 to index
        %get3A_2034 = arith.index_cast %get3A_2030 : i32 to index
        %get3A_2035 = arith.constant 80 : index
        %get3A_2036 = tpu.vector_load %arg4[%get3A_2031, %get3A_2032, %get3A_2033, %get3A_2034, %get3A_2035] {strides = array<i32>} : memref<2x14x3x8x128xf32, #tpu.memory_space<vmem>>, vector<1x1x1x1x16xf32>,
        %get3A_2037 = vector.shape_cast %get3A_2036 : vector<1x1x1x1x16xf32> to vector<16xf32>
        %add3A_2038 = arith.addf %add3A_1950, %get3A_2037 : vector<16xf32>
        %get3A_2039 = arith.constant 1 : i32
        %get3A_2040 = arith.constant 2 : i32
        %get3A_2041 = arith.constant 2 : i32
        %get3A_2042 = arith.index_cast %get3A_2039 : i32 to index
        %get3A_2043 = arith.index_cast %scan3A_365 : i32 to index
        %get3A_2044 = arith.index_cast %get3A_2040 : i32 to index
        %get3A_2045 = arith.index_cast %get3A_2041 : i32 to index
        %get3A_2046 = arith.constant 96 : index
        %get3A_2047 = tpu.vector_load %arg4[%get3A_2042, %get3A_2043, %get3A_2044, %get3A_2045, %get3A_2046] {strides = array<i32>} : memref<2x14x3x8x128xf32, #tpu.memory_space<vmem>>, vector<1x1x1x1x16xf32>,
        %get3A_2048 = vector.shape_cast %get3A_2047 : vector<1x1x1x1x16xf32> to vector<16xf32>
        %add3A_2049 = arith.addf %add3A_1961, %get3A_2048 : vector<16xf32>
        %get3A_2050 = arith.constant 1 : i32
        %get3A_2051 = arith.constant 2 : i32
        %get3A_2052 = arith.constant 2 : i32
        %get3A_2053 = arith.index_cast %get3A_2050 : i32 to index
        %get3A_2054 = arith.index_cast %scan3A_365 : i32 to index
        %get3A_2055 = arith.index_cast %get3A_2051 : i32 to index
        %get3A_2056 = arith.index_cast %get3A_2052 : i32 to index
        %get3A_2057 = arith.constant 112 : index
        %get3A_2058 = tpu.vector_load %arg4[%get3A_2053, %get3A_2054, %get3A_2055, %get3A_2056, %get3A_2057] {strides = array<i32>} : memref<2x14x3x8x128xf32, #tpu.memory_space<vmem>>, vector<1x1x1x1x16xf32>,
        %get3A_2059 = vector.shape_cast %get3A_2058 : vector<1x1x1x1x16xf32> to vector<16xf32>
        %add3A_2060 = arith.addf %add3A_1972, %get3A_2059 : vector<16xf32>
        %get3A_2061 = arith.constant 1 : i32
        %get3A_2062 = arith.constant 2 : i32
        %get3A_2063 = arith.constant 3 : i32
        %get3A_2064 = arith.index_cast %get3A_2061 : i32 to index
        %get3A_2065 = arith.index_cast %scan3A_365 : i32 to index
        %get3A_2066 = arith.index_cast %get3A_2062 : i32 to index
        %get3A_2067 = arith.index_cast %get3A_2063 : i32 to index
        %get3A_2068 = arith.constant 0 : index
        %get3A_2069 = tpu.vector_load %arg4[%get3A_2064, %get3A_2065, %get3A_2066, %get3A_2067, %get3A_2068] {strides = array<i32>} : memref<2x14x3x8x128xf32, #tpu.memory_space<vmem>>, vector<1x1x1x1x16xf32>,
        %get3A_2070 = vector.shape_cast %get3A_2069 : vector<1x1x1x1x16xf32> to vector<16xf32>
        %add3A_2071 = arith.addf %add3A_1983, %get3A_2070 : vector<16xf32>
        %get3A_2072 = arith.constant 1 : i32
        %get3A_2073 = arith.constant 2 : i32
        %get3A_2074 = arith.constant 3 : i32
        %get3A_2075 = arith.index_cast %get3A_2072 : i32 to index
        %get3A_2076 = arith.index_cast %scan3A_365 : i32 to index
        %get3A_2077 = arith.index_cast %get3A_2073 : i32 to index
        %get3A_2078 = arith.index_cast %get3A_2074 : i32 to index
        %get3A_2079 = arith.constant 16 : index
        %get3A_2080 = tpu.vector_load %arg4[%get3A_2075, %get3A_2076, %get3A_2077, %get3A_2078, %get3A_2079] {strides = array<i32>} : memref<2x14x3x8x128xf32, #tpu.memory_space<vmem>>, vector<1x1x1x1x16xf32>,
        %get3A_2081 = vector.shape_cast %get3A_2080 : vector<1x1x1x1x16xf32> to vector<16xf32>
        %add3A_2082 = arith.addf %add3A_1994, %get3A_2081 : vector<16xf32>
        %get3A_2083 = arith.constant 1 : i32
        %get3A_2084 = arith.constant 2 : i32
        %get3A_2085 = arith.constant 3 : i32
        %get3A_2086 = arith.index_cast %get3A_2083 : i32 to index
        %get3A_2087 = arith.index_cast %scan3A_365 : i32 to index
        %get3A_2088 = arith.index_cast %get3A_2084 : i32 to index
        %get3A_2089 = arith.index_cast %get3A_2085 : i32 to index
        %get3A_2090 = arith.constant 32 : index
        %get3A_2091 = tpu.vector_load %arg4[%get3A_2086, %get3A_2087, %get3A_2088, %get3A_2089, %get3A_2090] {strides = array<i32>} : memref<2x14x3x8x128xf32, #tpu.memory_space<vmem>>, vector<1x1x1x1x16xf32>,
        %get3A_2092 = vector.shape_cast %get3A_2091 : vector<1x1x1x1x16xf32> to vector<16xf32>
        %add3A_2093 = arith.addf %add3A_2005, %get3A_2092 : vector<16xf32>
        %get3A_2094 = arith.constant 1 : i32
        %get3A_2095 = arith.constant 2 : i32
        %get3A_2096 = arith.constant 3 : i32
        %get3A_2097 = arith.index_cast %get3A_2094 : i32 to index
        %get3A_2098 = arith.index_cast %scan3A_365 : i32 to index
        %get3A_2099 = arith.index_cast %get3A_2095 : i32 to index
        %get3A_2100 = arith.index_cast %get3A_2096 : i32 to index
        %get3A_2101 = arith.constant 48 : index
        %get3A_2102 = tpu.vector_load %arg4[%get3A_2097, %get3A_2098, %get3A_2099, %get3A_2100, %get3A_2101] {strides = array<i32>} : memref<2x14x3x8x128xf32, #tpu.memory_space<vmem>>, vector<1x1x1x1x16xf32>,
        %get3A_2103 = vector.shape_cast %get3A_2102 : vector<1x1x1x1x16xf32> to vector<16xf32>
        %add3A_2104 = arith.addf %add3A_2016, %get3A_2103 : vector<16xf32>
        %get3A_2105 = arith.constant 1 : i32
        %get3A_2106 = arith.constant 2 : i32
        %get3A_2107 = arith.constant 3 : i32
        %get3A_2108 = arith.index_cast %get3A_2105 : i32 to index
        %get3A_2109 = arith.index_cast %scan3A_365 : i32 to index
        %get3A_2110 = arith.index_cast %get3A_2106 : i32 to index
        %get3A_2111 = arith.index_cast %get3A_2107 : i32 to index
        %get3A_2112 = arith.constant 64 : index
        %get3A_2113 = tpu.vector_load %arg4[%get3A_2108, %get3A_2109, %get3A_2110, %get3A_2111, %get3A_2112] {strides = array<i32>} : memref<2x14x3x8x128xf32, #tpu.memory_space<vmem>>, vector<1x1x1x1x16xf32>,
        %get3A_2114 = vector.shape_cast %get3A_2113 : vector<1x1x1x1x16xf32> to vector<16xf32>
        %add3A_2115 = arith.addf %add3A_2027, %get3A_2114 : vector<16xf32>
        %get3A_2116 = arith.constant 1 : i32
        %get3A_2117 = arith.constant 2 : i32
        %get3A_2118 = arith.constant 3 : i32
        %get3A_2119 = arith.index_cast %get3A_2116 : i32 to index
        %get3A_2120 = arith.index_cast %scan3A_365 : i32 to index
        %get3A_2121 = arith.index_cast %get3A_2117 : i32 to index
        %get3A_2122 = arith.index_cast %get3A_2118 : i32 to index
        %get3A_2123 = arith.constant 80 : index
        %get3A_2124 = tpu.vector_load %arg4[%get3A_2119, %get3A_2120, %get3A_2121, %get3A_2122, %get3A_2123] {strides = array<i32>} : memref<2x14x3x8x128xf32, #tpu.memory_space<vmem>>, vector<1x1x1x1x16xf32>,
        %get3A_2125 = vector.shape_cast %get3A_2124 : vector<1x1x1x1x16xf32> to vector<16xf32>
        %add3A_2126 = arith.addf %add3A_2038, %get3A_2125 : vector<16xf32>
        %get3A_2127 = arith.constant 1 : i32
        %get3A_2128 = arith.constant 2 : i32
        %get3A_2129 = arith.constant 3 : i32
        %get3A_2130 = arith.index_cast %get3A_2127 : i32 to index
        %get3A_2131 = arith.index_cast %scan3A_365 : i32 to index
        %get3A_2132 = arith.index_cast %get3A_2128 : i32 to index
        %get3A_2133 = arith.index_cast %get3A_2129 : i32 to index
        %get3A_2134 = arith.constant 96 : index
        %get3A_2135 = tpu.vector_load %arg4[%get3A_2130, %get3A_2131, %get3A_2132, %get3A_2133, %get3A_2134] {strides = array<i32>} : memref<2x14x3x8x128xf32, #tpu.memory_space<vmem>>, vector<1x1x1x1x16xf32>,
        %get3A_2136 = vector.shape_cast %get3A_2135 : vector<1x1x1x1x16xf32> to vector<16xf32>
        %add3A_2137 = arith.addf %add3A_2049, %get3A_2136 : vector<16xf32>
        %get3A_2138 = arith.constant 1 : i32
        %get3A_2139 = arith.constant 2 : i32
        %get3A_2140 = arith.constant 3 : i32
        %get3A_2141 = arith.index_cast %get3A_2138 : i32 to index
        %get3A_2142 = arith.index_cast %scan3A_365 : i32 to index
        %get3A_2143 = arith.index_cast %get3A_2139 : i32 to index
        %get3A_2144 = arith.index_cast %get3A_2140 : i32 to index
        %get3A_2145 = arith.constant 112 : index
        %get3A_2146 = tpu.vector_load %arg4[%get3A_2141, %get3A_2142, %get3A_2143, %get3A_2144, %get3A_2145] {strides = array<i32>} : memref<2x14x3x8x128xf32, #tpu.memory_space<vmem>>, vector<1x1x1x1x16xf32>,
        %get3A_2147 = vector.shape_cast %get3A_2146 : vector<1x1x1x1x16xf32> to vector<16xf32>
        %add3A_2148 = arith.addf %add3A_2060, %get3A_2147 : vector<16xf32>
        %get3A_2149 = arith.constant 1 : i32
        %get3A_2150 = arith.constant 2 : i32
        %get3A_2151 = arith.constant 4 : i32
        %get3A_2152 = arith.index_cast %get3A_2149 : i32 to index
        %get3A_2153 = arith.index_cast %scan3A_365 : i32 to index
        %get3A_2154 = arith.index_cast %get3A_2150 : i32 to index
        %get3A_2155 = arith.index_cast %get3A_2151 : i32 to index
        %get3A_2156 = arith.constant 0 : index
        %get3A_2157 = tpu.vector_load %arg4[%get3A_2152, %get3A_2153, %get3A_2154, %get3A_2155, %get3A_2156] {strides = array<i32>} : memref<2x14x3x8x128xf32, #tpu.memory_space<vmem>>, vector<1x1x1x1x16xf32>,
        %get3A_2158 = vector.shape_cast %get3A_2157 : vector<1x1x1x1x16xf32> to vector<16xf32>
        %add3A_2159 = arith.addf %add3A_2071, %get3A_2158 : vector<16xf32>
        %get3A_2160 = arith.constant 1 : i32
        %get3A_2161 = arith.constant 2 : i32
        %get3A_2162 = arith.constant 4 : i32
        %get3A_2163 = arith.index_cast %get3A_2160 : i32 to index
        %get3A_2164 = arith.index_cast %scan3A_365 : i32 to index
        %get3A_2165 = arith.index_cast %get3A_2161 : i32 to index
        %get3A_2166 = arith.index_cast %get3A_2162 : i32 to index
        %get3A_2167 = arith.constant 16 : index
        %get3A_2168 = tpu.vector_load %arg4[%get3A_2163, %get3A_2164, %get3A_2165, %get3A_2166, %get3A_2167] {strides = array<i32>} : memref<2x14x3x8x128xf32, #tpu.memory_space<vmem>>, vector<1x1x1x1x16xf32>,
        %get3A_2169 = vector.shape_cast %get3A_2168 : vector<1x1x1x1x16xf32> to vector<16xf32>
        %add3A_2170 = arith.addf %add3A_2082, %get3A_2169 : vector<16xf32>
        %get3A_2171 = arith.constant 1 : i32
        %get3A_2172 = arith.constant 2 : i32
        %get3A_2173 = arith.constant 4 : i32
        %get3A_2174 = arith.index_cast %get3A_2171 : i32 to index
        %get3A_2175 = arith.index_cast %scan3A_365 : i32 to index
        %get3A_2176 = arith.index_cast %get3A_2172 : i32 to index
        %get3A_2177 = arith.index_cast %get3A_2173 : i32 to index
        %get3A_2178 = arith.constant 32 : index
        %get3A_2179 = tpu.vector_load %arg4[%get3A_2174, %get3A_2175, %get3A_2176, %get3A_2177, %get3A_2178] {strides = array<i32>} : memref<2x14x3x8x128xf32, #tpu.memory_space<vmem>>, vector<1x1x1x1x16xf32>,
        %get3A_2180 = vector.shape_cast %get3A_2179 : vector<1x1x1x1x16xf32> to vector<16xf32>
        %add3A_2181 = arith.addf %add3A_2093, %get3A_2180 : vector<16xf32>
        %get3A_2182 = arith.constant 1 : i32
        %get3A_2183 = arith.constant 2 : i32
        %get3A_2184 = arith.constant 4 : i32
        %get3A_2185 = arith.index_cast %get3A_2182 : i32 to index
        %get3A_2186 = arith.index_cast %scan3A_365 : i32 to index
        %get3A_2187 = arith.index_cast %get3A_2183 : i32 to index
        %get3A_2188 = arith.index_cast %get3A_2184 : i32 to index
        %get3A_2189 = arith.constant 48 : index
        %get3A_2190 = tpu.vector_load %arg4[%get3A_2185, %get3A_2186, %get3A_2187, %get3A_2188, %get3A_2189] {strides = array<i32>} : memref<2x14x3x8x128xf32, #tpu.memory_space<vmem>>, vector<1x1x1x1x16xf32>,
        %get3A_2191 = vector.shape_cast %get3A_2190 : vector<1x1x1x1x16xf32> to vector<16xf32>
        %add3A_2192 = arith.addf %add3A_2104, %get3A_2191 : vector<16xf32>
        %get3A_2193 = arith.constant 1 : i32
        %get3A_2194 = arith.constant 2 : i32
        %get3A_2195 = arith.constant 4 : i32
        %get3A_2196 = arith.index_cast %get3A_2193 : i32 to index
        %get3A_2197 = arith.index_cast %scan3A_365 : i32 to index
        %get3A_2198 = arith.index_cast %get3A_2194 : i32 to index
        %get3A_2199 = arith.index_cast %get3A_2195 : i32 to index
        %get3A_2200 = arith.constant 64 : index
        %get3A_2201 = tpu.vector_load %arg4[%get3A_2196, %get3A_2197, %get3A_2198, %get3A_2199, %get3A_2200] {strides = array<i32>} : memref<2x14x3x8x128xf32, #tpu.memory_space<vmem>>, vector<1x1x1x1x16xf32>,
        %get3A_2202 = vector.shape_cast %get3A_2201 : vector<1x1x1x1x16xf32> to vector<16xf32>
        %add3A_2203 = arith.addf %add3A_2115, %get3A_2202 : vector<16xf32>
        %get3A_2204 = arith.constant 1 : i32
        %get3A_2205 = arith.constant 2 : i32
        %get3A_2206 = arith.constant 4 : i32
        %get3A_2207 = arith.index_cast %get3A_2204 : i32 to index
        %get3A_2208 = arith.index_cast %scan3A_365 : i32 to index
        %get3A_2209 = arith.index_cast %get3A_2205 : i32 to index
        %get3A_2210 = arith.index_cast %get3A_2206 : i32 to index
        %get3A_2211 = arith.constant 80 : index
        %get3A_2212 = tpu.vector_load %arg4[%get3A_2207, %get3A_2208, %get3A_2209, %get3A_2210, %get3A_2211] {strides = array<i32>} : memref<2x14x3x8x128xf32, #tpu.memory_space<vmem>>, vector<1x1x1x1x16xf32>,
        %get3A_2213 = vector.shape_cast %get3A_2212 : vector<1x1x1x1x16xf32> to vector<16xf32>
        %add3A_2214 = arith.addf %add3A_2126, %get3A_2213 : vector<16xf32>
        %get3A_2215 = arith.constant 1 : i32
        %get3A_2216 = arith.constant 2 : i32
        %get3A_2217 = arith.constant 4 : i32
        %get3A_2218 = arith.index_cast %get3A_2215 : i32 to index
        %get3A_2219 = arith.index_cast %scan3A_365 : i32 to index
        %get3A_2220 = arith.index_cast %get3A_2216 : i32 to index
        %get3A_2221 = arith.index_cast %get3A_2217 : i32 to index
        %get3A_2222 = arith.constant 96 : index
        %get3A_2223 = tpu.vector_load %arg4[%get3A_2218, %get3A_2219, %get3A_2220, %get3A_2221, %get3A_2222] {strides = array<i32>} : memref<2x14x3x8x128xf32, #tpu.memory_space<vmem>>, vector<1x1x1x1x16xf32>,
        %get3A_2224 = vector.shape_cast %get3A_2223 : vector<1x1x1x1x16xf32> to vector<16xf32>
        %add3A_2225 = arith.addf %add3A_2137, %get3A_2224 : vector<16xf32>
        %get3A_2226 = arith.constant 1 : i32
        %get3A_2227 = arith.constant 2 : i32
        %get3A_2228 = arith.constant 4 : i32
        %get3A_2229 = arith.index_cast %get3A_2226 : i32 to index
        %get3A_2230 = arith.index_cast %scan3A_365 : i32 to index
        %get3A_2231 = arith.index_cast %get3A_2227 : i32 to index
        %get3A_2232 = arith.index_cast %get3A_2228 : i32 to index
        %get3A_2233 = arith.constant 112 : index
        %get3A_2234 = tpu.vector_load %arg4[%get3A_2229, %get3A_2230, %get3A_2231, %get3A_2232, %get3A_2233] {strides = array<i32>} : memref<2x14x3x8x128xf32, #tpu.memory_space<vmem>>, vector<1x1x1x1x16xf32>,
        %get3A_2235 = vector.shape_cast %get3A_2234 : vector<1x1x1x1x16xf32> to vector<16xf32>
        %add3A_2236 = arith.addf %add3A_2148, %get3A_2235 : vector<16xf32>
        %get3A_2237 = arith.constant 1 : i32
        %get3A_2238 = arith.constant 2 : i32
        %get3A_2239 = arith.constant 5 : i32
        %get3A_2240 = arith.index_cast %get3A_2237 : i32 to index
        %get3A_2241 = arith.index_cast %scan3A_365 : i32 to index
        %get3A_2242 = arith.index_cast %get3A_2238 : i32 to index
        %get3A_2243 = arith.index_cast %get3A_2239 : i32 to index
        %get3A_2244 = arith.constant 0 : index
        %get3A_2245 = tpu.vector_load %arg4[%get3A_2240, %get3A_2241, %get3A_2242, %get3A_2243, %get3A_2244] {strides = array<i32>} : memref<2x14x3x8x128xf32, #tpu.memory_space<vmem>>, vector<1x1x1x1x16xf32>,
        %get3A_2246 = vector.shape_cast %get3A_2245 : vector<1x1x1x1x16xf32> to vector<16xf32>
        %add3A_2247 = arith.addf %add3A_2159, %get3A_2246 : vector<16xf32>
        %get3A_2248 = arith.constant 1 : i32
        %get3A_2249 = arith.constant 2 : i32
        %get3A_2250 = arith.constant 5 : i32
        %get3A_2251 = arith.index_cast %get3A_2248 : i32 to index
        %get3A_2252 = arith.index_cast %scan3A_365 : i32 to index
        %get3A_2253 = arith.index_cast %get3A_2249 : i32 to index
        %get3A_2254 = arith.index_cast %get3A_2250 : i32 to index
        %get3A_2255 = arith.constant 16 : index
        %get3A_2256 = tpu.vector_load %arg4[%get3A_2251, %get3A_2252, %get3A_2253, %get3A_2254, %get3A_2255] {strides = array<i32>} : memref<2x14x3x8x128xf32, #tpu.memory_space<vmem>>, vector<1x1x1x1x16xf32>,
        %get3A_2257 = vector.shape_cast %get3A_2256 : vector<1x1x1x1x16xf32> to vector<16xf32>
        %add3A_2258 = arith.addf %add3A_2170, %get3A_2257 : vector<16xf32>
        %get3A_2259 = arith.constant 1 : i32
        %get3A_2260 = arith.constant 2 : i32
        %get3A_2261 = arith.constant 5 : i32
        %get3A_2262 = arith.index_cast %get3A_2259 : i32 to index
        %get3A_2263 = arith.index_cast %scan3A_365 : i32 to index
        %get3A_2264 = arith.index_cast %get3A_2260 : i32 to index
        %get3A_2265 = arith.index_cast %get3A_2261 : i32 to index
        %get3A_2266 = arith.constant 32 : index
        %get3A_2267 = tpu.vector_load %arg4[%get3A_2262, %get3A_2263, %get3A_2264, %get3A_2265, %get3A_2266] {strides = array<i32>} : memref<2x14x3x8x128xf32, #tpu.memory_space<vmem>>, vector<1x1x1x1x16xf32>,
        %get3A_2268 = vector.shape_cast %get3A_2267 : vector<1x1x1x1x16xf32> to vector<16xf32>
        %add3A_2269 = arith.addf %add3A_2181, %get3A_2268 : vector<16xf32>
        %get3A_2270 = arith.constant 1 : i32
        %get3A_2271 = arith.constant 2 : i32
        %get3A_2272 = arith.constant 5 : i32
        %get3A_2273 = arith.index_cast %get3A_2270 : i32 to index
        %get3A_2274 = arith.index_cast %scan3A_365 : i32 to index
        %get3A_2275 = arith.index_cast %get3A_2271 : i32 to index
        %get3A_2276 = arith.index_cast %get3A_2272 : i32 to index
        %get3A_2277 = arith.constant 48 : index
        %get3A_2278 = tpu.vector_load %arg4[%get3A_2273, %get3A_2274, %get3A_2275, %get3A_2276, %get3A_2277] {strides = array<i32>} : memref<2x14x3x8x128xf32, #tpu.memory_space<vmem>>, vector<1x1x1x1x16xf32>,
        %get3A_2279 = vector.shape_cast %get3A_2278 : vector<1x1x1x1x16xf32> to vector<16xf32>
        %add3A_2280 = arith.addf %add3A_2192, %get3A_2279 : vector<16xf32>
        %get3A_2281 = arith.constant 1 : i32
        %get3A_2282 = arith.constant 2 : i32
        %get3A_2283 = arith.constant 5 : i32
        %get3A_2284 = arith.index_cast %get3A_2281 : i32 to index
        %get3A_2285 = arith.index_cast %scan3A_365 : i32 to index
        %get3A_2286 = arith.index_cast %get3A_2282 : i32 to index
        %get3A_2287 = arith.index_cast %get3A_2283 : i32 to index
        %get3A_2288 = arith.constant 64 : index
        %get3A_2289 = tpu.vector_load %arg4[%get3A_2284, %get3A_2285, %get3A_2286, %get3A_2287, %get3A_2288] {strides = array<i32>} : memref<2x14x3x8x128xf32, #tpu.memory_space<vmem>>, vector<1x1x1x1x16xf32>,
        %get3A_2290 = vector.shape_cast %get3A_2289 : vector<1x1x1x1x16xf32> to vector<16xf32>
        %add3A_2291 = arith.addf %add3A_2203, %get3A_2290 : vector<16xf32>
        %get3A_2292 = arith.constant 1 : i32
        %get3A_2293 = arith.constant 2 : i32
        %get3A_2294 = arith.constant 5 : i32
        %get3A_2295 = arith.index_cast %get3A_2292 : i32 to index
        %get3A_2296 = arith.index_cast %scan3A_365 : i32 to index
        %get3A_2297 = arith.index_cast %get3A_2293 : i32 to index
        %get3A_2298 = arith.index_cast %get3A_2294 : i32 to index
        %get3A_2299 = arith.constant 80 : index
        %get3A_2300 = tpu.vector_load %arg4[%get3A_2295, %get3A_2296, %get3A_2297, %get3A_2298, %get3A_2299] {strides = array<i32>} : memref<2x14x3x8x128xf32, #tpu.memory_space<vmem>>, vector<1x1x1x1x16xf32>,
        %get3A_2301 = vector.shape_cast %get3A_2300 : vector<1x1x1x1x16xf32> to vector<16xf32>
        %add3A_2302 = arith.addf %add3A_2214, %get3A_2301 : vector<16xf32>
        %get3A_2303 = arith.constant 1 : i32
        %get3A_2304 = arith.constant 2 : i32
        %get3A_2305 = arith.constant 5 : i32
        %get3A_2306 = arith.index_cast %get3A_2303 : i32 to index
        %get3A_2307 = arith.index_cast %scan3A_365 : i32 to index
        %get3A_2308 = arith.index_cast %get3A_2304 : i32 to index
        %get3A_2309 = arith.index_cast %get3A_2305 : i32 to index
        %get3A_2310 = arith.constant 96 : index
        %get3A_2311 = tpu.vector_load %arg4[%get3A_2306, %get3A_2307, %get3A_2308, %get3A_2309, %get3A_2310] {strides = array<i32>} : memref<2x14x3x8x128xf32, #tpu.memory_space<vmem>>, vector<1x1x1x1x16xf32>,
        %get3A_2312 = vector.shape_cast %get3A_2311 : vector<1x1x1x1x16xf32> to vector<16xf32>
        %add3A_2313 = arith.addf %add3A_2225, %get3A_2312 : vector<16xf32>
        %get3A_2314 = arith.constant 1 : i32
        %get3A_2315 = arith.constant 2 : i32
        %get3A_2316 = arith.constant 5 : i32
        %get3A_2317 = arith.index_cast %get3A_2314 : i32 to index
        %get3A_2318 = arith.index_cast %scan3A_365 : i32 to index
        %get3A_2319 = arith.index_cast %get3A_2315 : i32 to index
        %get3A_2320 = arith.index_cast %get3A_2316 : i32 to index
        %get3A_2321 = arith.constant 112 : index
        %get3A_2322 = tpu.vector_load %arg4[%get3A_2317, %get3A_2318, %get3A_2319, %get3A_2320, %get3A_2321] {strides = array<i32>} : memref<2x14x3x8x128xf32, #tpu.memory_space<vmem>>, vector<1x1x1x1x16xf32>,
        %get3A_2323 = vector.shape_cast %get3A_2322 : vector<1x1x1x1x16xf32> to vector<16xf32>
        %add3A_2324 = arith.addf %add3A_2236, %get3A_2323 : vector<16xf32>
        %get3A_2325 = arith.constant 1 : i32
        %get3A_2326 = arith.constant 2 : i32
        %get3A_2327 = arith.constant 6 : i32
        %get3A_2328 = arith.index_cast %get3A_2325 : i32 to index
        %get3A_2329 = arith.index_cast %scan3A_365 : i32 to index
        %get3A_2330 = arith.index_cast %get3A_2326 : i32 to index
        %get3A_2331 = arith.index_cast %get3A_2327 : i32 to index
        %get3A_2332 = arith.constant 0 : index
        %get3A_2333 = tpu.vector_load %arg4[%get3A_2328, %get3A_2329, %get3A_2330, %get3A_2331, %get3A_2332] {strides = array<i32>} : memref<2x14x3x8x128xf32, #tpu.memory_space<vmem>>, vector<1x1x1x1x16xf32>,
        %get3A_2334 = vector.shape_cast %get3A_2333 : vector<1x1x1x1x16xf32> to vector<16xf32>
        %add3A_2335 = arith.addf %add3A_2247, %get3A_2334 : vector<16xf32>
        %get3A_2336 = arith.constant 1 : i32
        %get3A_2337 = arith.constant 2 : i32
        %get3A_2338 = arith.constant 6 : i32
        %get3A_2339 = arith.index_cast %get3A_2336 : i32 to index
        %get3A_2340 = arith.index_cast %scan3A_365 : i32 to index
        %get3A_2341 = arith.index_cast %get3A_2337 : i32 to index
        %get3A_2342 = arith.index_cast %get3A_2338 : i32 to index
        %get3A_2343 = arith.constant 16 : index
        %get3A_2344 = tpu.vector_load %arg4[%get3A_2339, %get3A_2340, %get3A_2341, %get3A_2342, %get3A_2343] {strides = array<i32>} : memref<2x14x3x8x128xf32, #tpu.memory_space<vmem>>, vector<1x1x1x1x16xf32>,
        %get3A_2345 = vector.shape_cast %get3A_2344 : vector<1x1x1x1x16xf32> to vector<16xf32>
        %add3A_2346 = arith.addf %add3A_2258, %get3A_2345 : vector<16xf32>
        %get3A_2347 = arith.constant 1 : i32
        %get3A_2348 = arith.constant 2 : i32
        %get3A_2349 = arith.constant 6 : i32
        %get3A_2350 = arith.index_cast %get3A_2347 : i32 to index
        %get3A_2351 = arith.index_cast %scan3A_365 : i32 to index
        %get3A_2352 = arith.index_cast %get3A_2348 : i32 to index
        %get3A_2353 = arith.index_cast %get3A_2349 : i32 to index
        %get3A_2354 = arith.constant 32 : index
        %get3A_2355 = tpu.vector_load %arg4[%get3A_2350, %get3A_2351, %get3A_2352, %get3A_2353, %get3A_2354] {strides = array<i32>} : memref<2x14x3x8x128xf32, #tpu.memory_space<vmem>>, vector<1x1x1x1x16xf32>,
        %get3A_2356 = vector.shape_cast %get3A_2355 : vector<1x1x1x1x16xf32> to vector<16xf32>
        %add3A_2357 = arith.addf %add3A_2269, %get3A_2356 : vector<16xf32>
        %get3A_2358 = arith.constant 1 : i32
        %get3A_2359 = arith.constant 2 : i32
        %get3A_2360 = arith.constant 6 : i32
        %get3A_2361 = arith.index_cast %get3A_2358 : i32 to index
        %get3A_2362 = arith.index_cast %scan3A_365 : i32 to index
        %get3A_2363 = arith.index_cast %get3A_2359 : i32 to index
        %get3A_2364 = arith.index_cast %get3A_2360 : i32 to index
        %get3A_2365 = arith.constant 48 : index
        %get3A_2366 = tpu.vector_load %arg4[%get3A_2361, %get3A_2362, %get3A_2363, %get3A_2364, %get3A_2365] {strides = array<i32>} : memref<2x14x3x8x128xf32, #tpu.memory_space<vmem>>, vector<1x1x1x1x16xf32>,
        %get3A_2367 = vector.shape_cast %get3A_2366 : vector<1x1x1x1x16xf32> to vector<16xf32>
        %add3A_2368 = arith.addf %add3A_2280, %get3A_2367 : vector<16xf32>
        %get3A_2369 = arith.constant 1 : i32
        %get3A_2370 = arith.constant 2 : i32
        %get3A_2371 = arith.constant 6 : i32
        %get3A_2372 = arith.index_cast %get3A_2369 : i32 to index
        %get3A_2373 = arith.index_cast %scan3A_365 : i32 to index
        %get3A_2374 = arith.index_cast %get3A_2370 : i32 to index
        %get3A_2375 = arith.index_cast %get3A_2371 : i32 to index
        %get3A_2376 = arith.constant 64 : index
        %get3A_2377 = tpu.vector_load %arg4[%get3A_2372, %get3A_2373, %get3A_2374, %get3A_2375, %get3A_2376] {strides = array<i32>} : memref<2x14x3x8x128xf32, #tpu.memory_space<vmem>>, vector<1x1x1x1x16xf32>,
        %get3A_2378 = vector.shape_cast %get3A_2377 : vector<1x1x1x1x16xf32> to vector<16xf32>
        %add3A_2379 = arith.addf %add3A_2291, %get3A_2378 : vector<16xf32>
        %get3A_2380 = arith.constant 1 : i32
        %get3A_2381 = arith.constant 2 : i32
        %get3A_2382 = arith.constant 6 : i32
        %get3A_2383 = arith.index_cast %get3A_2380 : i32 to index
        %get3A_2384 = arith.index_cast %scan3A_365 : i32 to index
        %get3A_2385 = arith.index_cast %get3A_2381 : i32 to index
        %get3A_2386 = arith.index_cast %get3A_2382 : i32 to index
        %get3A_2387 = arith.constant 80 : index
        %get3A_2388 = tpu.vector_load %arg4[%get3A_2383, %get3A_2384, %get3A_2385, %get3A_2386, %get3A_2387] {strides = array<i32>} : memref<2x14x3x8x128xf32, #tpu.memory_space<vmem>>, vector<1x1x1x1x16xf32>,
        %get3A_2389 = vector.shape_cast %get3A_2388 : vector<1x1x1x1x16xf32> to vector<16xf32>
        %add3A_2390 = arith.addf %add3A_2302, %get3A_2389 : vector<16xf32>
        %get3A_2391 = arith.constant 1 : i32
        %get3A_2392 = arith.constant 2 : i32
        %get3A_2393 = arith.constant 6 : i32
        %get3A_2394 = arith.index_cast %get3A_2391 : i32 to index
        %get3A_2395 = arith.index_cast %scan3A_365 : i32 to index
        %get3A_2396 = arith.index_cast %get3A_2392 : i32 to index
        %get3A_2397 = arith.index_cast %get3A_2393 : i32 to index
        %get3A_2398 = arith.constant 96 : index
        %get3A_2399 = tpu.vector_load %arg4[%get3A_2394, %get3A_2395, %get3A_2396, %get3A_2397, %get3A_2398] {strides = array<i32>} : memref<2x14x3x8x128xf32, #tpu.memory_space<vmem>>, vector<1x1x1x1x16xf32>,
        %get3A_2400 = vector.shape_cast %get3A_2399 : vector<1x1x1x1x16xf32> to vector<16xf32>
        %add3A_2401 = arith.addf %add3A_2313, %get3A_2400 : vector<16xf32>
        %get3A_2402 = arith.constant 1 : i32
        %get3A_2403 = arith.constant 2 : i32
        %get3A_2404 = arith.constant 6 : i32
        %get3A_2405 = arith.index_cast %get3A_2402 : i32 to index
        %get3A_2406 = arith.index_cast %scan3A_365 : i32 to index
        %get3A_2407 = arith.index_cast %get3A_2403 : i32 to index
        %get3A_2408 = arith.index_cast %get3A_2404 : i32 to index
        %get3A_2409 = arith.constant 112 : index
        %get3A_2410 = tpu.vector_load %arg4[%get3A_2405, %get3A_2406, %get3A_2407, %get3A_2408, %get3A_2409] {strides = array<i32>} : memref<2x14x3x8x128xf32, #tpu.memory_space<vmem>>, vector<1x1x1x1x16xf32>,
        %get3A_2411 = vector.shape_cast %get3A_2410 : vector<1x1x1x1x16xf32> to vector<16xf32>
        %add3A_2412 = arith.addf %add3A_2324, %get3A_2411 : vector<16xf32>
        %get3A_2413 = arith.constant 1 : i32
        %get3A_2414 = arith.constant 2 : i32
        %get3A_2415 = arith.constant 7 : i32
        %get3A_2416 = arith.index_cast %get3A_2413 : i32 to index
        %get3A_2417 = arith.index_cast %scan3A_365 : i32 to index
        %get3A_2418 = arith.index_cast %get3A_2414 : i32 to index
        %get3A_2419 = arith.index_cast %get3A_2415 : i32 to index
        %get3A_2420 = arith.constant 0 : index
        %get3A_2421 = tpu.vector_load %arg4[%get3A_2416, %get3A_2417, %get3A_2418, %get3A_2419, %get3A_2420] {strides = array<i32>} : memref<2x14x3x8x128xf32, #tpu.memory_space<vmem>>, vector<1x1x1x1x16xf32>,
        %get3A_2422 = vector.shape_cast %get3A_2421 : vector<1x1x1x1x16xf32> to vector<16xf32>
        %add3A_2423 = arith.addf %add3A_2335, %get3A_2422 : vector<16xf32>
        %get3A_2424 = arith.constant 1 : i32
        %get3A_2425 = arith.constant 2 : i32
        %get3A_2426 = arith.constant 7 : i32
        %get3A_2427 = arith.index_cast %get3A_2424 : i32 to index
        %get3A_2428 = arith.index_cast %scan3A_365 : i32 to index
        %get3A_2429 = arith.index_cast %get3A_2425 : i32 to index
        %get3A_2430 = arith.index_cast %get3A_2426 : i32 to index
        %get3A_2431 = arith.constant 16 : index
        %get3A_2432 = tpu.vector_load %arg4[%get3A_2427, %get3A_2428, %get3A_2429, %get3A_2430, %get3A_2431] {strides = array<i32>} : memref<2x14x3x8x128xf32, #tpu.memory_space<vmem>>, vector<1x1x1x1x16xf32>,
        %get3A_2433 = vector.shape_cast %get3A_2432 : vector<1x1x1x1x16xf32> to vector<16xf32>
        %add3A_2434 = arith.addf %add3A_2346, %get3A_2433 : vector<16xf32>
        %get3A_2435 = arith.constant 1 : i32
        %get3A_2436 = arith.constant 2 : i32
        %get3A_2437 = arith.constant 7 : i32
        %get3A_2438 = arith.index_cast %get3A_2435 : i32 to index
        %get3A_2439 = arith.index_cast %scan3A_365 : i32 to index
        %get3A_2440 = arith.index_cast %get3A_2436 : i32 to index
        %get3A_2441 = arith.index_cast %get3A_2437 : i32 to index
        %get3A_2442 = arith.constant 32 : index
        %get3A_2443 = tpu.vector_load %arg4[%get3A_2438, %get3A_2439, %get3A_2440, %get3A_2441, %get3A_2442] {strides = array<i32>} : memref<2x14x3x8x128xf32, #tpu.memory_space<vmem>>, vector<1x1x1x1x16xf32>,
        %get3A_2444 = vector.shape_cast %get3A_2443 : vector<1x1x1x1x16xf32> to vector<16xf32>
        %add3A_2445 = arith.addf %add3A_2357, %get3A_2444 : vector<16xf32>
        %get3A_2446 = arith.constant 1 : i32
        %get3A_2447 = arith.constant 2 : i32
        %get3A_2448 = arith.constant 7 : i32
        %get3A_2449 = arith.index_cast %get3A_2446 : i32 to index
        %get3A_2450 = arith.index_cast %scan3A_365 : i32 to index
        %get3A_2451 = arith.index_cast %get3A_2447 : i32 to index
        %get3A_2452 = arith.index_cast %get3A_2448 : i32 to index
        %get3A_2453 = arith.constant 48 : index
        %get3A_2454 = tpu.vector_load %arg4[%get3A_2449, %get3A_2450, %get3A_2451, %get3A_2452, %get3A_2453] {strides = array<i32>} : memref<2x14x3x8x128xf32, #tpu.memory_space<vmem>>, vector<1x1x1x1x16xf32>,
        %get3A_2455 = vector.shape_cast %get3A_2454 : vector<1x1x1x1x16xf32> to vector<16xf32>
        %add3A_2456 = arith.addf %add3A_2368, %get3A_2455 : vector<16xf32>
        %get3A_2457 = arith.constant 1 : i32
        %get3A_2458 = arith.constant 2 : i32
        %get3A_2459 = arith.constant 7 : i32
        %get3A_2460 = arith.index_cast %get3A_2457 : i32 to index
        %get3A_2461 = arith.index_cast %scan3A_365 : i32 to index
        %get3A_2462 = arith.index_cast %get3A_2458 : i32 to index
        %get3A_2463 = arith.index_cast %get3A_2459 : i32 to index
        %get3A_2464 = arith.constant 64 : index
        %get3A_2465 = tpu.vector_load %arg4[%get3A_2460, %get3A_2461, %get3A_2462, %get3A_2463, %get3A_2464] {strides = array<i32>} : memref<2x14x3x8x128xf32, #tpu.memory_space<vmem>>, vector<1x1x1x1x16xf32>,
        %get3A_2466 = vector.shape_cast %get3A_2465 : vector<1x1x1x1x16xf32> to vector<16xf32>
        %add3A_2467 = arith.addf %add3A_2379, %get3A_2466 : vector<16xf32>
        %get3A_2468 = arith.constant 1 : i32
        %get3A_2469 = arith.constant 2 : i32
        %get3A_2470 = arith.constant 7 : i32
        %get3A_2471 = arith.index_cast %get3A_2468 : i32 to index
        %get3A_2472 = arith.index_cast %scan3A_365 : i32 to index
        %get3A_2473 = arith.index_cast %get3A_2469 : i32 to index
        %get3A_2474 = arith.index_cast %get3A_2470 : i32 to index
        %get3A_2475 = arith.constant 80 : index
        %get3A_2476 = tpu.vector_load %arg4[%get3A_2471, %get3A_2472, %get3A_2473, %get3A_2474, %get3A_2475] {strides = array<i32>} : memref<2x14x3x8x128xf32, #tpu.memory_space<vmem>>, vector<1x1x1x1x16xf32>,
        %get3A_2477 = vector.shape_cast %get3A_2476 : vector<1x1x1x1x16xf32> to vector<16xf32>
        %add3A_2478 = arith.addf %add3A_2390, %get3A_2477 : vector<16xf32>
        %get3A_2479 = arith.constant 1 : i32
        %get3A_2480 = arith.constant 2 : i32
        %get3A_2481 = arith.constant 7 : i32
        %get3A_2482 = arith.index_cast %get3A_2479 : i32 to index
        %get3A_2483 = arith.index_cast %scan3A_365 : i32 to index
        %get3A_2484 = arith.index_cast %get3A_2480 : i32 to index
        %get3A_2485 = arith.index_cast %get3A_2481 : i32 to index
        %get3A_2486 = arith.constant 96 : index
        %get3A_2487 = tpu.vector_load %arg4[%get3A_2482, %get3A_2483, %get3A_2484, %get3A_2485, %get3A_2486] {strides = array<i32>} : memref<2x14x3x8x128xf32, #tpu.memory_space<vmem>>, vector<1x1x1x1x16xf32>,
        %get3A_2488 = vector.shape_cast %get3A_2487 : vector<1x1x1x1x16xf32> to vector<16xf32>
        %add3A_2489 = arith.addf %add3A_2401, %get3A_2488 : vector<16xf32>
        %get3A_2490 = arith.constant 1 : i32
        %get3A_2491 = arith.constant 2 : i32
        %get3A_2492 = arith.constant 7 : i32
        %get3A_2493 = arith.index_cast %get3A_2490 : i32 to index
        %get3A_2494 = arith.index_cast %scan3A_365 : i32 to index
        %get3A_2495 = arith.index_cast %get3A_2491 : i32 to index
        %get3A_2496 = arith.index_cast %get3A_2492 : i32 to index
        %get3A_2497 = arith.constant 112 : index
        %get3A_2498 = tpu.vector_load %arg4[%get3A_2493, %get3A_2494, %get3A_2495, %get3A_2496, %get3A_2497] {strides = array<i32>} : memref<2x14x3x8x128xf32, #tpu.memory_space<vmem>>, vector<1x1x1x1x16xf32>,
        %get3A_2499 = vector.shape_cast %get3A_2498 : vector<1x1x1x1x16xf32> to vector<16xf32>
        %add3A_2500 = arith.addf %add3A_2412, %get3A_2499 : vector<16xf32>
        scf.yield %add3A_1015, %add3A_1026, %add3A_1037, %add3A_1048, %add3A_1059, %add3A_1070, %add3A_1081, %add3A_1092, %add3A_1719, %add3A_1730, %add3A_1741, %add3A_1752, %add3A_1763, %add3A_1774, %add3A_1785, %add3A_1796, %add3A_2423, %add3A_2434, %add3A_2445, %add3A_2456, %add3A_2467, %add3A_2478, %add3A_2489, %add3A_2500 : vector<16xf32>, vector<16xf32>, vector<16xf32>, vector<16xf32>, vector<16xf32>, vector<16xf32>, vector<16xf32>, vector<16xf32>, vector<16xf32>, vector<16xf32>, vector<16xf32>, vector<16xf32>, vector<16xf32>, vector<16xf32>, vector<16xf32>, vector<16xf32>, vector<16xf32>, vector<16xf32>, vector<16xf32>, vector<16xf32>, vector<16xf32>, vector<16xf32>, vector<16xf32>, vector<16xf32>
      }
      %scan3A_357 = arith.constant 14 : i32
      %add3A_358 = arith.constant 1 : i32
      %add3A_359 = arith.addi %scan3A_267, %add3A_358 : i32
      %lt3A_360 = arith.constant 14 : i32
      %lt3A_361 = arith.cmpi slt, %add3A_359, %lt3A_360 : i32
      %convert_element_type3A_362 = arith.extui %lt3A_361 : i1 to i32
      %cond3A_363 = arith.constant 0 : i32
      %cond3A_364 = arith.cmpi ne, %convert_element_type3A_362, %cond3A_363 : i32
      scf.if %cond3A_364 {
        %add3A_365 = arith.constant 1 : i32
        %add3A_366 = arith.addi %add3A_292, %add3A_365 : i32
        %dma_start3A_367 = arith.constant 1 : i32
        %dma_start3A_368 = arith.constant 0 : i32
        %dma_start3A_369 = arith.constant 0 : i32
        %dma_start3A_370 = arith.constant 0 : i32
        %dma_start3A_371 = arith.constant 0 : i32
        %dma_start3A_372 = tpu.memref_slice %arg4[%dma_start3A_367, %dma_start3A_368, %dma_start3A_369, %dma_start3A_370, %dma_start3A_371] : memref<2x14x3x8x128xf32, #tpu.memory_space<vmem>> -> memref<1x14x3x8x128xf32, #tpu.memory_space<vmem>>
        %dma_start3A_373 = tpu.memref_squeeze %dma_start3A_372 : memref<1x14x3x8x128xf32, #tpu.memory_space<vmem>> -> memref<14x3x8x128xf32, #tpu.memory_space<vmem>>
        %dma_start3A_374 = arith.constant 14 : i32
        %dma_start3A_375 = arith.constant 0 : i32
        %dma_start3A_376 = arith.constant 0 : i32
        %dma_start3A_377 = arith.constant 0 : i32
        %dma_start3A_378 = tpu.memref_slice %arg2[%select_n3A, %add3A_366, %dma_start3A_374, %dma_start3A_375, %dma_start3A_376, %dma_start3A_377] : memref<8x224x28x3x8x128xf32, #tpu.memory_space<hbm>> -> memref<1x1x14x3x8x128xf32, #tpu.memory_space<hbm>>
        %dma_start3A_379 = tpu.memref_squeeze %dma_start3A_378 : memref<1x1x14x3x8x128xf32, #tpu.memory_space<hbm>> -> memref<14x3x8x128xf32, #tpu.memory_space<hbm>>
        %dma_start3A_380 = arith.constant 0 : i32
        %dma_start3A_381 = arith.constant 0 : i32
        %dma_start3A_382 = arith.constant 0 : i32
        %dma_start3A_383 = arith.constant 0 : i32
        %dma_start3A_384 = tpu.memref_slice %arg4[%dma_start3A_367, %dma_start3A_380, %dma_start3A_381, %dma_start3A_382, %dma_start3A_383] : memref<2x14x3x8x128xf32, #tpu.memory_space<vmem>> -> memref<1x14x3x8x128xf32, #tpu.memory_space<vmem>>
        %dma_start3A_385 = tpu.memref_squeeze %dma_start3A_384 : memref<1x14x3x8x128xf32, #tpu.memory_space<vmem>> -> memref<14x3x8x128xf32, #tpu.memory_space<vmem>>
        %dma_start3A_386 = arith.constant 14 : i32
        %dma_start3A_387 = arith.constant 0 : i32
        %dma_start3A_388 = arith.constant 0 : i32
        %dma_start3A_389 = arith.constant 0 : i32
        %dma_start3A_390 = tpu.memref_slice %arg2[%select_n3A, %add3A_366, %dma_start3A_386, %dma_start3A_387, %dma_start3A_388, %dma_start3A_389] : memref<8x224x28x3x8x128xf32, #tpu.memory_space<hbm>> -> memref<1x1x14x3x8x128xf32, #tpu.memory_space<hbm>>
        %dma_start3A_391 = tpu.memref_squeeze %dma_start3A_390 : memref<1x1x14x3x8x128xf32, #tpu.memory_space<hbm>> -> memref<14x3x8x128xf32, #tpu.memory_space<hbm>>
        tpu.enqueue_dma source(%dma_start3A_391 : memref<14x3x8x128xf32, #tpu.memory_space<hbm>>) target(%dma_start3A_385 : memref<14x3x8x128xf32, #tpu.memory_space<vmem>>) target_semaphore(%arg7 : memref<!tpu.dma_semaphore, #tpu.memory_space<semaphore_mem>>)
      } else {
      }
      scf.yield %scan3A_356#0, %scan3A_356#1, %scan3A_356#2, %scan3A_356#3, %scan3A_356#4, %scan3A_356#5, %scan3A_356#6, %scan3A_356#7, %scan3A_356#8, %scan3A_356#9, %scan3A_356#10, %scan3A_356#11, %scan3A_356#12, %scan3A_356#13, %scan3A_356#14, %scan3A_356#15, %scan3A_356#16, %scan3A_356#17, %scan3A_356#18, %scan3A_356#19, %scan3A_356#20, %scan3A_356#21, %scan3A_356#22, %scan3A_356#23 : vector<16xf32>, vector<16xf32>, vector<16xf32>, vector<16xf32>, vector<16xf32>, vector<16xf32>, vector<16xf32>, vector<16xf32>, vector<16xf32>, vector<16xf32>, vector<16xf32>, vector<16xf32>, vector<16xf32>, vector<16xf32>, vector<16xf32>, vector<16xf32>, vector<16xf32>, vector<16xf32>, vector<16xf32>, vector<16xf32>, vector<16xf32>, vector<16xf32>, vector<16xf32>, vector<16xf32>
    }
    %scan3A_123 = arith.constant 14 : i32
    %swap3A = arith.constant 0 : i32
    %swap3A_124 = arith.index_cast %swap3A : i32 to index
    %swap3A_125 = arith.constant 0 : index
    %swap3A_126 = tpu.vector_load %arg5[%swap3A_124, %swap3A_125] {strides = array<i32>} : memref<24x16xf32, #tpu.memory_space<vmem>>, vector<1x16xf32>,
    %swap3A_127 = vector.shape_cast %swap3A_126 : vector<1x16xf32> to vector<16xf32>
    %swap3A_128 = vector.shape_cast %scan3A_122#0 : vector<16xf32> to vector<1x16xf32>
    tpu.vector_store %arg5[%swap3A_124, %swap3A_125], %swap3A_128 {strides = array<i32>} : memref<24x16xf32, #tpu.memory_space<vmem>>, vector<1x16xf32>,
    %swap3A_129 = arith.constant 1 : i32
    %swap3A_130 = arith.index_cast %swap3A_129 : i32 to index
    %swap3A_131 = arith.constant 0 : index
    %swap3A_132 = tpu.vector_load %arg5[%swap3A_130, %swap3A_131] {strides = array<i32>} : memref<24x16xf32, #tpu.memory_space<vmem>>, vector<1x16xf32>,
    %swap3A_133 = vector.shape_cast %swap3A_132 : vector<1x16xf32> to vector<16xf32>
    %swap3A_134 = vector.shape_cast %scan3A_122#1 : vector<16xf32> to vector<1x16xf32>
    tpu.vector_store %arg5[%swap3A_130, %swap3A_131], %swap3A_134 {strides = array<i32>} : memref<24x16xf32, #tpu.memory_space<vmem>>, vector<1x16xf32>,
    %swap3A_135 = arith.constant 2 : i32
    %swap3A_136 = arith.index_cast %swap3A_135 : i32 to index
    %swap3A_137 = arith.constant 0 : index
    %swap3A_138 = tpu.vector_load %arg5[%swap3A_136, %swap3A_137] {strides = array<i32>} : memref<24x16xf32, #tpu.memory_space<vmem>>, vector<1x16xf32>,
    %swap3A_139 = vector.shape_cast %swap3A_138 : vector<1x16xf32> to vector<16xf32>
    %swap3A_140 = vector.shape_cast %scan3A_122#2 : vector<16xf32> to vector<1x16xf32>
    tpu.vector_store %arg5[%swap3A_136, %swap3A_137], %swap3A_140 {strides = array<i32>} : memref<24x16xf32, #tpu.memory_space<vmem>>, vector<1x16xf32>,
    %swap3A_141 = arith.constant 3 : i32
    %swap3A_142 = arith.index_cast %swap3A_141 : i32 to index
    %swap3A_143 = arith.constant 0 : index
    %swap3A_144 = tpu.vector_load %arg5[%swap3A_142, %swap3A_143] {strides = array<i32>} : memref<24x16xf32, #tpu.memory_space<vmem>>, vector<1x16xf32>,
    %swap3A_145 = vector.shape_cast %swap3A_144 : vector<1x16xf32> to vector<16xf32>
    %swap3A_146 = vector.shape_cast %scan3A_122#3 : vector<16xf32> to vector<1x16xf32>
    tpu.vector_store %arg5[%swap3A_142, %swap3A_143], %swap3A_146 {strides = array<i32>} : memref<24x16xf32, #tpu.memory_space<vmem>>, vector<1x16xf32>,
    %swap3A_147 = arith.constant 4 : i32
    %swap3A_148 = arith.index_cast %swap3A_147 : i32 to index
    %swap3A_149 = arith.constant 0 : index
    %swap3A_150 = tpu.vector_load %arg5[%swap3A_148, %swap3A_149] {strides = array<i32>} : memref<24x16xf32, #tpu.memory_space<vmem>>, vector<1x16xf32>,
    %swap3A_151 = vector.shape_cast %swap3A_150 : vector<1x16xf32> to vector<16xf32>
    %swap3A_152 = vector.shape_cast %scan3A_122#4 : vector<16xf32> to vector<1x16xf32>
    tpu.vector_store %arg5[%swap3A_148, %swap3A_149], %swap3A_152 {strides = array<i32>} : memref<24x16xf32, #tpu.memory_space<vmem>>, vector<1x16xf32>,
    %swap3A_153 = arith.constant 5 : i32
    %swap3A_154 = arith.index_cast %swap3A_153 : i32 to index
    %swap3A_155 = arith.constant 0 : index
    %swap3A_156 = tpu.vector_load %arg5[%swap3A_154, %swap3A_155] {strides = array<i32>} : memref<24x16xf32, #tpu.memory_space<vmem>>, vector<1x16xf32>,
    %swap3A_157 = vector.shape_cast %swap3A_156 : vector<1x16xf32> to vector<16xf32>
    %swap3A_158 = vector.shape_cast %scan3A_122#5 : vector<16xf32> to vector<1x16xf32>
    tpu.vector_store %arg5[%swap3A_154, %swap3A_155], %swap3A_158 {strides = array<i32>} : memref<24x16xf32, #tpu.memory_space<vmem>>, vector<1x16xf32>,
    %swap3A_159 = arith.constant 6 : i32
    %swap3A_160 = arith.index_cast %swap3A_159 : i32 to index
    %swap3A_161 = arith.constant 0 : index
    %swap3A_162 = tpu.vector_load %arg5[%swap3A_160, %swap3A_161] {strides = array<i32>} : memref<24x16xf32, #tpu.memory_space<vmem>>, vector<1x16xf32>,
    %swap3A_163 = vector.shape_cast %swap3A_162 : vector<1x16xf32> to vector<16xf32>
    %swap3A_164 = vector.shape_cast %scan3A_122#6 : vector<16xf32> to vector<1x16xf32>
    tpu.vector_store %arg5[%swap3A_160, %swap3A_161], %swap3A_164 {strides = array<i32>} : memref<24x16xf32, #tpu.memory_space<vmem>>, vector<1x16xf32>,
    %swap3A_165 = arith.constant 7 : i32
    %swap3A_166 = arith.index_cast %swap3A_165 : i32 to index
    %swap3A_167 = arith.constant 0 : index
    %swap3A_168 = tpu.vector_load %arg5[%swap3A_166, %swap3A_167] {strides = array<i32>} : memref<24x16xf32, #tpu.memory_space<vmem>>, vector<1x16xf32>,
    %swap3A_169 = vector.shape_cast %swap3A_168 : vector<1x16xf32> to vector<16xf32>
    %swap3A_170 = vector.shape_cast %scan3A_122#7 : vector<16xf32> to vector<1x16xf32>
    tpu.vector_store %arg5[%swap3A_166, %swap3A_167], %swap3A_170 {strides = array<i32>} : memref<24x16xf32, #tpu.memory_space<vmem>>, vector<1x16xf32>,
    %swap3A_171 = arith.constant 8 : i32
    %swap3A_172 = arith.index_cast %swap3A_171 : i32 to index
    %swap3A_173 = arith.constant 0 : index
    %swap3A_174 = tpu.vector_load %arg5[%swap3A_172, %swap3A_173] {strides = array<i32>} : memref<24x16xf32, #tpu.memory_space<vmem>>, vector<1x16xf32>,
    %swap3A_175 = vector.shape_cast %swap3A_174 : vector<1x16xf32> to vector<16xf32>
    %swap3A_176 = vector.shape_cast %scan3A_122#8 : vector<16xf32> to vector<1x16xf32>
    tpu.vector_store %arg5[%swap3A_172, %swap3A_173], %swap3A_176 {strides = array<i32>} : memref<24x16xf32, #tpu.memory_space<vmem>>, vector<1x16xf32>,
    %swap3A_177 = arith.constant 9 : i32
    %swap3A_178 = arith.index_cast %swap3A_177 : i32 to index
    %swap3A_179 = arith.constant 0 : index
    %swap3A_180 = tpu.vector_load %arg5[%swap3A_178, %swap3A_179] {strides = array<i32>} : memref<24x16xf32, #tpu.memory_space<vmem>>, vector<1x16xf32>,
    %swap3A_181 = vector.shape_cast %swap3A_180 : vector<1x16xf32> to vector<16xf32>
    %swap3A_182 = vector.shape_cast %scan3A_122#9 : vector<16xf32> to vector<1x16xf32>
    tpu.vector_store %arg5[%swap3A_178, %swap3A_179], %swap3A_182 {strides = array<i32>} : memref<24x16xf32, #tpu.memory_space<vmem>>, vector<1x16xf32>,
    %swap3A_183 = arith.constant 10 : i32
    %swap3A_184 = arith.index_cast %swap3A_183 : i32 to index
    %swap3A_185 = arith.constant 0 : index
    %swap3A_186 = tpu.vector_load %arg5[%swap3A_184, %swap3A_185] {strides = array<i32>} : memref<24x16xf32, #tpu.memory_space<vmem>>, vector<1x16xf32>,
    %swap3A_187 = vector.shape_cast %swap3A_186 : vector<1x16xf32> to vector<16xf32>
    %swap3A_188 = vector.shape_cast %scan3A_122#10 : vector<16xf32> to vector<1x16xf32>
    tpu.vector_store %arg5[%swap3A_184, %swap3A_185], %swap3A_188 {strides = array<i32>} : memref<24x16xf32, #tpu.memory_space<vmem>>, vector<1x16xf32>,
    %swap3A_189 = arith.constant 11 : i32
    %swap3A_190 = arith.index_cast %swap3A_189 : i32 to index
    %swap3A_191 = arith.constant 0 : index
    %swap3A_192 = tpu.vector_load %arg5[%swap3A_190, %swap3A_191] {strides = array<i32>} : memref<24x16xf32, #tpu.memory_space<vmem>>, vector<1x16xf32>,
    %swap3A_193 = vector.shape_cast %swap3A_192 : vector<1x16xf32> to vector<16xf32>
    %swap3A_194 = vector.shape_cast %scan3A_122#11 : vector<16xf32> to vector<1x16xf32>
    tpu.vector_store %arg5[%swap3A_190, %swap3A_191], %swap3A_194 {strides = array<i32>} : memref<24x16xf32, #tpu.memory_space<vmem>>, vector<1x16xf32>,
    %swap3A_195 = arith.constant 12 : i32
    %swap3A_196 = arith.index_cast %swap3A_195 : i32 to index
    %swap3A_197 = arith.constant 0 : index
    %swap3A_198 = tpu.vector_load %arg5[%swap3A_196, %swap3A_197] {strides = array<i32>} : memref<24x16xf32, #tpu.memory_space<vmem>>, vector<1x16xf32>,
    %swap3A_199 = vector.shape_cast %swap3A_198 : vector<1x16xf32> to vector<16xf32>
    %swap3A_200 = vector.shape_cast %scan3A_122#12 : vector<16xf32> to vector<1x16xf32>
    tpu.vector_store %arg5[%swap3A_196, %swap3A_197], %swap3A_200 {strides = array<i32>} : memref<24x16xf32, #tpu.memory_space<vmem>>, vector<1x16xf32>,
    %swap3A_201 = arith.constant 13 : i32
    %swap3A_202 = arith.index_cast %swap3A_201 : i32 to index
    %swap3A_203 = arith.constant 0 : index
    %swap3A_204 = tpu.vector_load %arg5[%swap3A_202, %swap3A_203] {strides = array<i32>} : memref<24x16xf32, #tpu.memory_space<vmem>>, vector<1x16xf32>,
    %swap3A_205 = vector.shape_cast %swap3A_204 : vector<1x16xf32> to vector<16xf32>
    %swap3A_206 = vector.shape_cast %scan3A_122#13 : vector<16xf32> to vector<1x16xf32>
    tpu.vector_store %arg5[%swap3A_202, %swap3A_203], %swap3A_206 {strides = array<i32>} : memref<24x16xf32, #tpu.memory_space<vmem>>, vector<1x16xf32>,
    %swap3A_207 = arith.constant 14 : i32
    %swap3A_208 = arith.index_cast %swap3A_207 : i32 to index
    %swap3A_209 = arith.constant 0 : index
    %swap3A_210 = tpu.vector_load %arg5[%swap3A_208, %swap3A_209] {strides = array<i32>} : memref<24x16xf32, #tpu.memory_space<vmem>>, vector<1x16xf32>,
    %swap3A_211 = vector.shape_cast %swap3A_210 : vector<1x16xf32> to vector<16xf32>
    %swap3A_212 = vector.shape_cast %scan3A_122#14 : vector<16xf32> to vector<1x16xf32>
    tpu.vector_store %arg5[%swap3A_208, %swap3A_209], %swap3A_212 {strides = array<i32>} : memref<24x16xf32, #tpu.memory_space<vmem>>, vector<1x16xf32>,
    %swap3A_213 = arith.constant 15 : i32
    %swap3A_214 = arith.index_cast %swap3A_213 : i32 to index
    %swap3A_215 = arith.constant 0 : index
    %swap3A_216 = tpu.vector_load %arg5[%swap3A_214, %swap3A_215] {strides = array<i32>} : memref<24x16xf32, #tpu.memory_space<vmem>>, vector<1x16xf32>,
    %swap3A_217 = vector.shape_cast %swap3A_216 : vector<1x16xf32> to vector<16xf32>
    %swap3A_218 = vector.shape_cast %scan3A_122#15 : vector<16xf32> to vector<1x16xf32>
    tpu.vector_store %arg5[%swap3A_214, %swap3A_215], %swap3A_218 {strides = array<i32>} : memref<24x16xf32, #tpu.memory_space<vmem>>, vector<1x16xf32>,
    %swap3A_219 = arith.constant 16 : i32
    %swap3A_220 = arith.index_cast %swap3A_219 : i32 to index
    %swap3A_221 = arith.constant 0 : index
    %swap3A_222 = tpu.vector_load %arg5[%swap3A_220, %swap3A_221] {strides = array<i32>} : memref<24x16xf32, #tpu.memory_space<vmem>>, vector<1x16xf32>,
    %swap3A_223 = vector.shape_cast %swap3A_222 : vector<1x16xf32> to vector<16xf32>
    %swap3A_224 = vector.shape_cast %scan3A_122#16 : vector<16xf32> to vector<1x16xf32>
    tpu.vector_store %arg5[%swap3A_220, %swap3A_221], %swap3A_224 {strides = array<i32>} : memref<24x16xf32, #tpu.memory_space<vmem>>, vector<1x16xf32>,
    %swap3A_225 = arith.constant 17 : i32
    %swap3A_226 = arith.index_cast %swap3A_225 : i32 to index
    %swap3A_227 = arith.constant 0 : index
    %swap3A_228 = tpu.vector_load %arg5[%swap3A_226, %swap3A_227] {strides = array<i32>} : memref<24x16xf32, #tpu.memory_space<vmem>>, vector<1x16xf32>,
    %swap3A_229 = vector.shape_cast %swap3A_228 : vector<1x16xf32> to vector<16xf32>
    %swap3A_230 = vector.shape_cast %scan3A_122#17 : vector<16xf32> to vector<1x16xf32>
    tpu.vector_store %arg5[%swap3A_226, %swap3A_227], %swap3A_230 {strides = array<i32>} : memref<24x16xf32, #tpu.memory_space<vmem>>, vector<1x16xf32>,
    %swap3A_231 = arith.constant 18 : i32
    %swap3A_232 = arith.index_cast %swap3A_231 : i32 to index
    %swap3A_233 = arith.constant 0 : index
    %swap3A_234 = tpu.vector_load %arg5[%swap3A_232, %swap3A_233] {strides = array<i32>} : memref<24x16xf32, #tpu.memory_space<vmem>>, vector<1x16xf32>,
    %swap3A_235 = vector.shape_cast %swap3A_234 : vector<1x16xf32> to vector<16xf32>
    %swap3A_236 = vector.shape_cast %scan3A_122#18 : vector<16xf32> to vector<1x16xf32>
    tpu.vector_store %arg5[%swap3A_232, %swap3A_233], %swap3A_236 {strides = array<i32>} : memref<24x16xf32, #tpu.memory_space<vmem>>, vector<1x16xf32>,
    %swap3A_237 = arith.constant 19 : i32
    %swap3A_238 = arith.index_cast %swap3A_237 : i32 to index
    %swap3A_239 = arith.constant 0 : index
    %swap3A_240 = tpu.vector_load %arg5[%swap3A_238, %swap3A_239] {strides = array<i32>} : memref<24x16xf32, #tpu.memory_space<vmem>>, vector<1x16xf32>,
    %swap3A_241 = vector.shape_cast %swap3A_240 : vector<1x16xf32> to vector<16xf32>
    %swap3A_242 = vector.shape_cast %scan3A_122#19 : vector<16xf32> to vector<1x16xf32>
    tpu.vector_store %arg5[%swap3A_238, %swap3A_239], %swap3A_242 {strides = array<i32>} : memref<24x16xf32, #tpu.memory_space<vmem>>, vector<1x16xf32>,
    %swap3A_243 = arith.constant 20 : i32
    %swap3A_244 = arith.index_cast %swap3A_243 : i32 to index
    %swap3A_245 = arith.constant 0 : index
    %swap3A_246 = tpu.vector_load %arg5[%swap3A_244, %swap3A_245] {strides = array<i32>} : memref<24x16xf32, #tpu.memory_space<vmem>>, vector<1x16xf32>,
    %swap3A_247 = vector.shape_cast %swap3A_246 : vector<1x16xf32> to vector<16xf32>
    %swap3A_248 = vector.shape_cast %scan3A_122#20 : vector<16xf32> to vector<1x16xf32>
    tpu.vector_store %arg5[%swap3A_244, %swap3A_245], %swap3A_248 {strides = array<i32>} : memref<24x16xf32, #tpu.memory_space<vmem>>, vector<1x16xf32>,
    %swap3A_249 = arith.constant 21 : i32
    %swap3A_250 = arith.index_cast %swap3A_249 : i32 to index
    %swap3A_251 = arith.constant 0 : index
    %swap3A_252 = tpu.vector_load %arg5[%swap3A_250, %swap3A_251] {strides = array<i32>} : memref<24x16xf32, #tpu.memory_space<vmem>>, vector<1x16xf32>,
    %swap3A_253 = vector.shape_cast %swap3A_252 : vector<1x16xf32> to vector<16xf32>
    %swap3A_254 = vector.shape_cast %scan3A_122#21 : vector<16xf32> to vector<1x16xf32>
    tpu.vector_store %arg5[%swap3A_250, %swap3A_251], %swap3A_254 {strides = array<i32>} : memref<24x16xf32, #tpu.memory_space<vmem>>, vector<1x16xf32>,
    %swap3A_255 = arith.constant 22 : i32
    %swap3A_256 = arith.index_cast %swap3A_255 : i32 to index
    %swap3A_257 = arith.constant 0 : index
    %swap3A_258 = tpu.vector_load %arg5[%swap3A_256, %swap3A_257] {strides = array<i32>} : memref<24x16xf32, #tpu.memory_space<vmem>>, vector<1x16xf32>,
    %swap3A_259 = vector.shape_cast %swap3A_258 : vector<1x16xf32> to vector<16xf32>
    %swap3A_260 = vector.shape_cast %scan3A_122#22 : vector<16xf32> to vector<1x16xf32>
    tpu.vector_store %arg5[%swap3A_256, %swap3A_257], %swap3A_260 {strides = array<i32>} : memref<24x16xf32, #tpu.memory_space<vmem>>, vector<1x16xf32>,
    %swap3A_261 = arith.constant 23 : i32
    %swap3A_262 = arith.index_cast %swap3A_261 : i32 to index
    %swap3A_263 = arith.constant 0 : index
    %swap3A_264 = tpu.vector_load %arg5[%swap3A_262, %swap3A_263] {strides = array<i32>} : memref<24x16xf32, #tpu.memory_space<vmem>>, vector<1x16xf32>,
    %swap3A_265 = vector.shape_cast %swap3A_264 : vector<1x16xf32> to vector<16xf32>
    %swap3A_266 = vector.shape_cast %scan3A_122#23 : vector<16xf32> to vector<1x16xf32>
    tpu.vector_store %arg5[%swap3A_262, %swap3A_263], %swap3A_266 {strides = array<i32>} : memref<24x16xf32, #tpu.memory_space<vmem>>, vector<1x16xf32>,
    "tpu.region"() ({
      %run_scoped3A = tpu.sem_alloc : memref<!tpu.dma_semaphore, #tpu.memory_space<semaphore_mem>>
      %dma_start3A_267 = arith.constant 0 : i32
      %dma_start3A_268 = arith.constant 0 : i32
      %dma_start3A_269 = tpu.memref_slice %arg3[%select_n3A, %rem3A_18, %dma_start3A_267, %dma_start3A_268] : memref<8x4x24x16xf32, #tpu.memory_space<hbm>> -> memref<1x1x24x16xf32, #tpu.memory_space<hbm>>
      %dma_start3A_270 = tpu.memref_squeeze %dma_start3A_269 : memref<1x1x24x16xf32, #tpu.memory_space<hbm>> -> memref<24x16xf32, #tpu.memory_space<hbm>>
      %dma_start3A_271 = arith.constant 0 : i32
      %dma_start3A_272 = arith.constant 0 : i32
      %dma_start3A_273 = tpu.memref_slice %arg3[%select_n3A, %rem3A_18, %dma_start3A_271, %dma_start3A_272] : memref<8x4x24x16xf32, #tpu.memory_space<hbm>> -> memref<1x1x24x16xf32, #tpu.memory_space<hbm>>
      %dma_start3A_274 = tpu.memref_squeeze %dma_start3A_273 : memref<1x1x24x16xf32, #tpu.memory_space<hbm>> -> memref<24x16xf32, #tpu.memory_space<hbm>>
      tpu.enqueue_dma source(%arg5 : memref<24x16xf32, #tpu.memory_space<vmem>>) target(%dma_start3A_274 : memref<24x16xf32, #tpu.memory_space<hbm>>) target_semaphore(%run_scoped3A : memref<!tpu.dma_semaphore, #tpu.memory_space<semaphore_mem>>)
      %dma_wait3A = arith.constant 0 : i32
      %dma_wait3A_275 = arith.constant 0 : i32
      %dma_wait3A_276 = tpu.memref_slice %arg3[%select_n3A, %rem3A_18, %dma_wait3A, %dma_wait3A_275] : memref<8x4x24x16xf32, #tpu.memory_space<hbm>> -> memref<1x1x24x16xf32, #tpu.memory_space<hbm>>
      %dma_wait3A_277 = tpu.memref_squeeze %dma_wait3A_276 : memref<1x1x24x16xf32, #tpu.memory_space<hbm>> -> memref<24x16xf32, #tpu.memory_space<hbm>>
      %dma_wait3A_278 = arith.constant 0 : i32
      %dma_wait3A_279 = arith.constant 0 : i32
      %dma_wait3A_280 = tpu.memref_slice %arg3[%select_n3A, %rem3A_18, %dma_wait3A_278, %dma_wait3A_279] : memref<8x4x24x16xf32, #tpu.memory_space<hbm>> -> memref<1x1x24x16xf32, #tpu.memory_space<hbm>>
      %dma_wait3A_281 = tpu.memref_squeeze %dma_wait3A_280 : memref<1x1x24x16xf32, #tpu.memory_space<hbm>> -> memref<24x16xf32, #tpu.memory_space<hbm>>
      tpu.wait_dma2 semaphore(%run_scoped3A : memref<!tpu.dma_semaphore, #tpu.memory_space<semaphore_mem>>) src(%arg5 : memref<24x16xf32, #tpu.memory_space<vmem>>) dst(%dma_wait3A_281 : memref<24x16xf32, #tpu.memory_space<hbm>>)
      tpu.yield
    }) : () -> ()
    return
  }
}

module attributes {stable_mosaic.version = 14 : i64} {
  func.func @_router_body(%arg0: memref<8x384xf32, #tpu.memory_space<vmem>>, %arg1: memref<8x4x384xf32, #tpu.memory_space<vmem>>, %arg2: memref<96x384xf32, #tpu.memory_space<vmem>>, %arg3: memref<1x96xf32, #tpu.memory_space<vmem>>, %arg4: memref<64x96xf32, #tpu.memory_space<vmem>>, %arg5: memref<1x64xf32, #tpu.memory_space<vmem>>, %arg6: memref<8x2xi32, #tpu.memory_space<vmem>>, %arg7: memref<8x2xf32, #tpu.memory_space<vmem>>, %arg8: memref<8x64xf32, #tpu.memory_space<vmem>>) attributes {dimension_semantics = [], scalar_prefetch = 0 : i64, scratch_operands = 0 : i64, tpu.core_type = #tpu.core_type<tc>} {
    %get3A = arith.constant 0 : index
    %get3A_0 = arith.constant 0 : index
    %get3A_1 = vector.load %arg0[%get3A, %get3A_0] : memref<8x384xf32, #tpu.memory_space<vmem>>, vector<8x384xf32>
    %get3A_2 = arith.constant 0 : index
    %get3A_3 = arith.constant 0 : index
    %get3A_4 = arith.constant 0 : index
    %get3A_5 = vector.load %arg1[%get3A_2, %get3A_3, %get3A_4] : memref<8x4x384xf32, #tpu.memory_space<vmem>>, vector<8x4x384xf32>
    %reduce_sum3A = arith.constant dense<0.000000e+00> : vector<8x384xf32>
    %reduce_sum3A_6 = vector.multi_reduction <add>, %get3A_5, %reduce_sum3A [1] : vector<8x4x384xf32> to vector<8x384xf32>
    %add3A = arith.addf %get3A_1, %reduce_sum3A_6 : vector<8x384xf32>
    %mul3A = arith.constant 1.99298465E-5 : f32
    %mul3A_7 = vector.broadcast %mul3A : f32 to vector<8x384xf32>
    %mul3A_8 = arith.mulf %add3A, %mul3A_7 : vector<8x384xf32>
    %get3A_9 = arith.constant 0 : index
    %get3A_10 = arith.constant 0 : index
    %get3A_11 = vector.load %arg2[%get3A_9, %get3A_10] : memref<96x384xf32, #tpu.memory_space<vmem>>, vector<96x384xf32>
    %dot_general3A = arith.constant dense<0.000000e+00> : vector<8x96xf32>
    %dot_general3A_12 = tpu.matmul %mul3A_8, %get3A_11, %dot_general3A {dimension_numbers = #tpu.dot_dimension_numbers<[1], [1], [0], [0], [0, 0, 1, 0], [], []>, transpose_lhs_hint = false} : vector<8x384xf32>, vector<96x384xf32>, vector<8x96xf32> -> vector<8x96xf32>
    %get3A_13 = arith.constant 0 : index
    %get3A_14 = arith.constant 0 : index
    %get3A_15 = vector.load %arg3[%get3A_13, %get3A_14] : memref<1x96xf32, #tpu.memory_space<vmem>>, vector<1x96xf32>
    %add3A_16 = vector.broadcast %get3A_15 : vector<1x96xf32> to vector<8x96xf32>
    %add3A_17 = arith.addf %dot_general3A_12, %add3A_16 : vector<8x96xf32>
    %max3A = arith.constant 0.000000e+00 : f32
    %max3A_18 = vector.broadcast %max3A : f32 to vector<8x96xf32>
    %max3A_19 = arith.maximumf %add3A_17, %max3A_18 : vector<8x96xf32>
    %get3A_20 = arith.constant 0 : index
    %get3A_21 = arith.constant 0 : index
    %get3A_22 = vector.load %arg4[%get3A_20, %get3A_21] : memref<64x96xf32, #tpu.memory_space<vmem>>, vector<64x96xf32>
    %dot_general3A_23 = arith.constant dense<0.000000e+00> : vector<8x64xf32>
    %dot_general3A_24 = tpu.matmul %max3A_19, %get3A_22, %dot_general3A_23 {dimension_numbers = #tpu.dot_dimension_numbers<[1], [1], [0], [0], [0, 0, 1, 0], [], []>, transpose_lhs_hint = false} : vector<8x96xf32>, vector<64x96xf32>, vector<8x64xf32> -> vector<8x64xf32>
    %get3A_25 = arith.constant 0 : index
    %get3A_26 = arith.constant 0 : index
    %get3A_27 = vector.load %arg5[%get3A_25, %get3A_26] : memref<1x64xf32, #tpu.memory_space<vmem>>, vector<1x64xf32>
    %add3A_28 = vector.broadcast %get3A_27 : vector<1x64xf32> to vector<8x64xf32>
    %add3A_29 = arith.addf %dot_general3A_24, %add3A_28 : vector<8x64xf32>
    %reduce_max3A = arith.constant dense<0xFF800000> : vector<8xf32>
    %reduce_max3A_30 = vector.multi_reduction <maximumf>, %add3A_29, %reduce_max3A [1] : vector<8x64xf32> to vector<8xf32>
    %broadcast_in_dim3A = vector.shape_cast %reduce_max3A_30 : vector<8xf32> to vector<8x1xf32>
    %sub3A = vector.broadcast %broadcast_in_dim3A : vector<8x1xf32> to vector<8x64xf32>
    %sub3A_31 = arith.subf %add3A_29, %sub3A : vector<8x64xf32>
    %exp3A = math.exp %sub3A_31 : vector<8x64xf32>
    %reduce_sum3A_32 = arith.constant dense<0.000000e+00> : vector<8xf32>
    %reduce_sum3A_33 = vector.multi_reduction <add>, %exp3A, %reduce_sum3A_32 [1] : vector<8x64xf32> to vector<8xf32>
    %broadcast_in_dim3A_34 = vector.shape_cast %reduce_sum3A_33 : vector<8xf32> to vector<8x1xf32>
    %div3A = vector.broadcast %broadcast_in_dim3A_34 : vector<8x1xf32> to vector<8x64xf32>
    %div3A_35 = arith.divf %exp3A, %div3A : vector<8x64xf32>
    %swap3A = arith.constant 0 : index
    %swap3A_36 = arith.constant 0 : index
    %swap3A_37 = vector.load %arg8[%swap3A, %swap3A_36] : memref<8x64xf32, #tpu.memory_space<vmem>>, vector<8x64xf32>
    tpu.vector_store %arg8[%swap3A, %swap3A_36], %div3A_35 {strides = array<i32>} : memref<8x64xf32, #tpu.memory_space<vmem>>, vector<8x64xf32>,
    %iota3A = tpu.iota {dimensions = array<i32: 1>} : vector<8x64xi32>
    %reduce_max3A_38 = arith.constant dense<0xFF800000> : vector<8xf32>
    %reduce_max3A_39 = vector.multi_reduction <maximumf>, %div3A_35, %reduce_max3A_38 [1] : vector<8x64xf32> to vector<8xf32>
    %broadcast_in_dim3A_40 = vector.shape_cast %reduce_max3A_39 : vector<8xf32> to vector<8x1xf32>
    %eq3A = vector.broadcast %broadcast_in_dim3A_40 : vector<8x1xf32> to vector<8x64xf32>
    %eq3A_41 = arith.cmpf oeq, %div3A_35, %eq3A : vector<8x64xf32>
    %jit3A = arith.constant 64 : i32
    %broadcast_in_dim3A_42 = vector.broadcast %jit3A : i32 to vector<8x64xi32>
    %select_n3A = arith.select %eq3A_41, %iota3A, %broadcast_in_dim3A_42 : vector<8x64xi1>, vector<8x64xi32>
    %reduce_min3A = arith.constant dense<2147483647> : vector<8xi32>
    %reduce_min3A_43 = vector.multi_reduction <minsi>, %select_n3A, %reduce_min3A [1] : vector<8x64xi32> to vector<8xi32>
    %broadcast_in_dim3A_44 = vector.shape_cast %reduce_min3A_43 : vector<8xi32> to vector<8x1xi32>
    %eq3A_45 = vector.broadcast %broadcast_in_dim3A_44 : vector<8x1xi32> to vector<8x64xi32>
    %eq3A_46 = arith.cmpi eq, %iota3A, %eq3A_45 : vector<8x64xi32>
    %jit3A_47 = arith.constant 0xFF800000 : f32
    %broadcast_in_dim3A_48 = vector.broadcast %jit3A_47 : f32 to vector<8x64xf32>
    %select_n3A_49 = arith.select %eq3A_46, %broadcast_in_dim3A_48, %div3A_35 : vector<8x64xi1>, vector<8x64xf32>
    %reduce_max3A_50 = arith.constant dense<0xFF800000> : vector<8xf32>
    %reduce_max3A_51 = vector.multi_reduction <maximumf>, %select_n3A_49, %reduce_max3A_50 [1] : vector<8x64xf32> to vector<8xf32>
    %broadcast_in_dim3A_52 = vector.shape_cast %reduce_max3A_51 : vector<8xf32> to vector<8x1xf32>
    %eq3A_53 = vector.broadcast %broadcast_in_dim3A_52 : vector<8x1xf32> to vector<8x64xf32>
    %eq3A_54 = arith.cmpf oeq, %select_n3A_49, %eq3A_53 : vector<8x64xf32>
    %jit3A_55 = arith.constant 64 : i32
    %broadcast_in_dim3A_56 = vector.broadcast %jit3A_55 : i32 to vector<8x64xi32>
    %select_n3A_57 = arith.select %eq3A_54, %iota3A, %broadcast_in_dim3A_56 : vector<8x64xi1>, vector<8x64xi32>
    %reduce_min3A_58 = arith.constant dense<2147483647> : vector<8xi32>
    %reduce_min3A_59 = vector.multi_reduction <minsi>, %select_n3A_57, %reduce_min3A_58 [1] : vector<8x64xi32> to vector<8xi32>
    %broadcast_in_dim3A_60 = vector.shape_cast %reduce_min3A_59 : vector<8xi32> to vector<8x1xi32>
    %concatenate3A = tpu.concatenate %broadcast_in_dim3A_40, %broadcast_in_dim3A_52 in 1 : vector<8x1xf32>, vector<8x1xf32> -> vector<8x2xf32>
    %swap3A_61 = arith.constant 0 : index
    %swap3A_62 = arith.constant 0 : index
    %swap3A_63 = vector.load %arg7[%swap3A_61, %swap3A_62] : memref<8x2xf32, #tpu.memory_space<vmem>>, vector<8x2xf32>
    tpu.vector_store %arg7[%swap3A_61, %swap3A_62], %concatenate3A {strides = array<i32>} : memref<8x2xf32, #tpu.memory_space<vmem>>, vector<8x2xf32>,
    %concatenate3A_64 = tpu.concatenate %broadcast_in_dim3A_44, %broadcast_in_dim3A_60 in 1 : vector<8x1xi32>, vector<8x1xi32> -> vector<8x2xi32>
    %swap3A_65 = arith.constant 0 : index
    %swap3A_66 = arith.constant 0 : index
    %swap3A_67 = vector.load %arg6[%swap3A_65, %swap3A_66] : memref<8x2xi32, #tpu.memory_space<vmem>>, vector<8x2xi32>
    tpu.vector_store %arg6[%swap3A_65, %swap3A_66], %concatenate3A_64 {strides = array<i32>} : memref<8x2xi32, #tpu.memory_space<vmem>>, vector<8x2xi32>,
    return
  }
}

module attributes {stable_mosaic.version = 14 : i64} {
  func.func @_tc_body(%arg0: i32, %arg1: i32, %arg2: memref<1x28x224x384xf32, #tpu.memory_space<vmem>>, %arg3: memref<8x384xf32, #tpu.memory_space<vmem>>) attributes {dimension_semantics = [#tpu.dimension_semantics<arbitrary>, #tpu.dimension_semantics<arbitrary>], iteration_bounds = array<i64: 8, 6>, scalar_prefetch = 0 : i64, scratch_operands = 0 : i64, tpu.core_type = #tpu.core_type<tc>, window_params = [{transform_indices = @transform_0, window_bounds = array<i64: 1, 28, 224, 384>}, {pipeline_mode = #tpu.pipeline_mode<synchronous>, transform_indices = @transform_1, window_bounds = array<i64: 8, 384>}]} {
    %get3A = arith.constant 0 : index
    %get3A_0 = arith.constant 0 : index
    %get3A_1 = arith.constant 0 : index
    %get3A_2 = arith.constant 0 : index
    %get3A_3 = vector.load %arg2[%get3A, %get3A_0, %get3A_1, %get3A_2] : memref<1x28x224x384xf32, #tpu.memory_space<vmem>>, vector<1x28x224x384xf32>
    %reduce_sum3A = arith.constant dense<0.000000e+00> : vector<1x384xf32>
    %reduce_sum3A_4 = vector.multi_reduction <add>, %get3A_3, %reduce_sum3A [1, 2] : vector<1x28x224x384xf32> to vector<1x384xf32>
    %eq3A = arith.constant 0 : i32
    %eq3A_5 = arith.cmpi eq, %arg1, %eq3A : i32
    %convert_element_type3A = arith.extui %eq3A_5 : i1 to i32
    %cond3A = arith.constant 0 : i32
    %cond3A_6 = arith.cmpi ne, %convert_element_type3A, %cond3A : i32
    scf.if %cond3A_6 {
      %swap3A = arith.index_cast %arg0 : i32 to index
      %swap3A_11 = arith.constant 0 : index
      %swap3A_12 = vector.load %arg3[%swap3A, %swap3A_11] : memref<8x384xf32, #tpu.memory_space<vmem>>, vector<1x384xf32>
      tpu.vector_store %arg3[%swap3A, %swap3A_11], %reduce_sum3A_4 {strides = array<i32>} : memref<8x384xf32, #tpu.memory_space<vmem>>, vector<1x384xf32>,
    } else {
    }
    %ne3A = arith.constant 0 : i32
    %ne3A_7 = arith.cmpi ne, %arg1, %ne3A : i32
    %convert_element_type3A_8 = arith.extui %ne3A_7 : i1 to i32
    %cond3A_9 = arith.constant 0 : i32
    %cond3A_10 = arith.cmpi ne, %convert_element_type3A_8, %cond3A_9 : i32
    scf.if %cond3A_10 {
      %get3A_11 = arith.index_cast %arg0 : i32 to index
      %get3A_12 = arith.constant 0 : index
      %get3A_13 = vector.load %arg3[%get3A_11, %get3A_12] : memref<8x384xf32, #tpu.memory_space<vmem>>, vector<1x384xf32>
      %add3A = arith.addf %get3A_13, %reduce_sum3A_4 : vector<1x384xf32>
      %swap3A = arith.index_cast %arg0 : i32 to index
      %swap3A_14 = arith.constant 0 : index
      %swap3A_15 = vector.load %arg3[%swap3A, %swap3A_14] : memref<8x384xf32, #tpu.memory_space<vmem>>, vector<1x384xf32>
      tpu.vector_store %arg3[%swap3A, %swap3A_14], %add3A {strides = array<i32>} : memref<8x384xf32, #tpu.memory_space<vmem>>, vector<1x384xf32>,
    } else {
    }
    return
  }
  func.func @transform_0(%arg0: i32, %arg1: i32) -> (i32, i32, i32, i32) {
    %c0_i32 = arith.constant 0 : i32
    %c0_i32_0 = arith.constant 0 : i32
    %c0_i32_1 = arith.constant 0 : i32
    return %arg0, %arg1, %c0_i32, %c0_i32_0 : i32, i32, i32, i32
  }
  func.func @transform_1(%arg0: i32, %arg1: i32) -> (i32, i32) {
    %c0_i32 = arith.constant 0 : i32
    %c0_i32_0 = arith.constant 0 : i32
    %c0_i32_1 = arith.constant 0 : i32
    return %c0_i32, %c0_i32_0 : i32, i32
  }
}

</mosaic_0001>

<sc_bundles>
// kernel: kernel.5.cloned.1.call-start
scs
__scs_entry_jumppad:
0x0: {  	(pc) =	sbr.rel $0x88, $3  }
0x1: {  	(tag) =	ssettag $0x0;
	lr =	simm.s32 $0x1  }
0x2: {  	[smem:$0x3F9C] =	sst lr;
	_ =	strace $0xD0000000  }
0x3: {  	_ = 	snop  }
0x4: {  	_ = 	snop  }
0x5: {  	_ = 	snop  }
0x6: {  	_ = 	snop  }
0x7: {  	_ = 	snop  }
__scs_overlays_trampoline_lowered:
0x8: {  	[smem:$0x3FAB] =	sst s0  }
0x9: {  	[smem:$0x3FAC] =	sst s1  }
0xa: {  	[smem:$0x3FAD] =	sst s2  }
0xb: {  	[smem:$0x3FAE] =	sst s3  }
0xc: {  	[smem:$0x3FAF] =	sst s4  }
0xd: {  	[smem:$0x3FB0] =	sst s5  }
0xe: {  	[smem:$0x3FB1] =	sst s6  }
0xf: {  	[smem:$0x3FB2] =	sst s7  }
0x10: {  	[smem:$0x3FB3] =	sst s8  }
0x11: {  	[smem:$0x3FB4] =	sst s9;
	s0 =	simm.s32 @!p0 $0x0  }
0x12: {  	s1 =	sld [smem:$0x3F9A];
	s0 =	simm.s32 @p0 $0x1  }
0x13: {  	[smem:$0x3FB5] =	sst s0;
	s0 =	simm.s32 @!p1 $0x0  }
0x14: {  	s2 =	sld [smem:$0x3F99];
	s0 =	simm.s32 @p1 $0x1  }
0x15: {  	[smem:$0x3FB6] =	sst s0;
	s0 =	simm.s32 @!p2 $0x0  }
0x16: {  	s3 =	sld [smem:$0x3FDB];
	s0 =	simm.s32 @p2 $0x1  }
0x17: {  	s4 =	simm.s32 $0x1BF5;
	[smem:$0x3FB8] =	sst s0  }
0x18: {  	s0 =	sld [smem:$0x3F9B];
	_ =	swait.ge [sflag:s4], $0x0  }
0x19: {  	s7 =	sld [smem:$0x3F9C]  }
0x1a: {  	s8 =	sadd.s32 $0xFFFFE003, lr  }
0x1b: {  	s9 =	sadd.s32 $0xFFFFFEF7, lr;
	s5 =	simm.s32 $0xFFFFFFFF;
	p2 =	slt.u32 s8, $0xFFFFF086  }
0x1c: {  	p1 =	slt.u32 s9, $0xF7A;
	s5 =	simm.s32 @!p2 $0x0  }
0x1d: {  	s5 =	simm.s32 @p1 $0x1;
	p0 =	seq.s32 s7, s2  }
0x1e: {  	s7 =	smul.u32 @!p0 $0xF7A, s2;
	p2 =	seq.s32 @!p0 s5, $0x0  }
0x1f: {  	s9 =	smul.u32 $0xF7A, s1;
	s8 =	simm.s32 @!p0 $0x1BF5;
	p2 =	por !p2, p0  }
0x20: {  	[sflag:s8] =	ssyncset.s32 @!p0 $0xFFFFF086;
	s6 =	sadd.s32 @!p0 s3, s7;
	s7 =	simm.s32 @!p0 $0x108  }
0x21: {  	s3 =	sadd.s32 s3, s9;
	s6 =	sadd.s32 @!p0 $0x88, s6;
	s7 =	simm.s32 @p2 $0x1082  }
0x22: {  	[simem:s7], [sflag:s8] =	dma.local @!p0 [hbm:s6], $0xF7A  }
0x23: {  	s9 =	sor.u32 $0xD0000000, s2;
	s6 =	simm.s32 $0x108;
	_ =	swait.ge @!p0 [sflag:s8], $0x0  }
0x24: {  	s3 =	sadd.s32 $0x88, s3;
	s6 =	simm.s32 @!p1 $0x1082;
	[sflag:s4] =	ssyncset.s32 $0xFFFFF086  }
0x25: {  	[simem:s6], [sflag:s4] =	dma.local [hbm:s3], $0xF7A  }
0x26: {  	[smem:$0x3F9C] =	sst s1;
	(tag) =	ssettag s2;
	_ =	strace s9  }
0x27: {  	s1 =	sld [smem:$0x3FAC]  }
0x28: {  	s2 =	sld [smem:$0x3FAD]  }
0x29: {  	s4 =	sld [smem:$0x3FAF]  }
0x2a: {  	p0 =	seq.s32 s5, $0x0;
	s5 =	sld [smem:$0x3FB0]  }
0x2b: {  	s6 =	sld [smem:$0x3FB1]  }
0x2c: {  	s7 =	sld [smem:$0x3FB2]  }
0x2d: {  	s3 =	simm.s32 $0x108;
	s8 =	sld [smem:$0x3FB3]  }
0x2e: {  	s3 =	simm.s32 @!p0 $0x1082;
	s9 =	sld [smem:$0x3FB4]  }
0x2f: {  	lr =	sadd.s32 s0, s3;
	s0 =	sld [smem:$0x3FAB]  }
0x30: {  	s3 =	sld [smem:$0x3FAE]  }
0x31: {  	[smem:$0x3FB7] =	sst s10  }
0x32: {  	s10 =	sld [smem:$0x3FB5];
	_ =	sdelay $0x3  }
0x33: {  	p0 =	seq.s32 s10, $0x1;
	s10 =	sld [smem:$0x3FB7];
	_ =	sdelay $0x3  }
0x34: {  	[smem:$0x3FB7] =	sst s10  }
0x35: {  	s10 =	sld [smem:$0x3FB6];
	_ =	sdelay $0x3  }
0x36: {  	p1 =	seq.s32 s10, $0x1;
	s10 =	sld [smem:$0x3FB7];
	_ =	sdelay $0x3  }
0x37: {  	[smem:$0x3FB7] =	sst s10  }
0x38: {  	s10 =	sld [smem:$0x3FB8]  }
0x39: {  	_ = 	snop;
	(pc) =	sbr.ind lr, $3  }
0x3a: {  	_ = 	snop  }
0x3b: {  	_ = 	snop  }
0x3c: {  	p2 =	seq.s32 s10, $0x1;
	s10 =	sld [smem:$0x3FB7]  }
0x3d: {  	_ =	shalt  }
0x3e: {  	_ =	shalt  }
0x3f: {  	_ =	shalt  }
0x40: {  	_ =	shalt  }
0x41: {  	_ =	shalt  }
0x42: {  	_ =	shalt  }
0x43: {  	_ =	shalt  }
0x44: {  	_ =	shalt  }
0x45: {  	_ =	shalt  }
0x46: {  	_ =	shalt  }
0x47: {  	_ =	shalt  }
0x48: {  	_ =	shalt  }
0x49: {  	_ =	shalt  }
0x4a: {  	_ =	shalt  }
0x4b: {  	_ =	shalt  }
0x4c: {  	_ =	shalt  }
0x4d: {  	_ =	shalt  }
0x4e: {  	_ =	shalt  }
0x4f: {  	_ =	shalt  }
0x50: {  	_ =	shalt  }
0x51: {  	_ =	shalt  }
0x52: {  	_ =	shalt  }
0x53: {  	_ =	shalt  }
0x54: {  	_ =	shalt  }
0x55: {  	_ =	shalt  }
0x56: {  	_ =	shalt  }
0x57: {  	_ =	shalt  }
0x58: {  	_ =	shalt  }
0x59: {  	_ =	shalt  }
0x5a: {  	_ =	shalt  }
0x5b: {  	_ =	shalt  }
0x5c: {  	_ =	shalt  }
0x5d: {  	_ =	shalt  }
0x5e: {  	_ =	shalt  }
0x5f: {  	_ =	shalt  }
0x60: {  	_ =	shalt  }
0x61: {  	_ =	shalt  }
0x62: {  	_ =	shalt  }
0x63: {  	_ =	shalt  }
0x64: {  	_ =	shalt  }
0x65: {  	_ =	shalt  }
0x66: {  	_ =	shalt  }
0x67: {  	_ =	shalt  }
0x68: {  	_ =	shalt  }
0x69: {  	_ =	shalt  }
0x6a: {  	_ =	shalt  }
0x6b: {  	_ =	shalt  }
0x6c: {  	_ =	shalt  }
0x6d: {  	_ =	shalt  }
0x6e: {  	_ =	shalt  }
0x6f: {  	_ =	shalt  }
0x70: {  	_ =	shalt  }
0x71: {  	_ =	shalt  }
0x72: {  	_ =	shalt  }
0x73: {  	_ =	shalt  }
0x74: {  	_ =	shalt  }
0x75: {  	_ =	shalt  }
0x76: {  	_ =	shalt  }
0x77: {  	_ =	shalt  }
0x78: {  	_ =	shalt  }
0x79: {  	_ =	shalt  }
0x7a: {  	_ =	shalt  }
0x7b: {  	_ =	shalt  }
0x7c: {  	_ =	shalt  }
0x7d: {  	_ =	shalt  }
0x7e: {  	_ =	shalt  }
0x7f: {  	_ =	shalt  }
0x80: {  	_ =	shalt  }
0x81: {  	_ =	shalt  }
0x82: {  	_ =	shalt  }
0x83: {  	_ =	shalt  }
0x84: {  	_ =	shalt  }
0x85: {  	_ =	shalt  }
0x86: {  	_ =	shalt  }
0x87: {  	_ =	shalt  }
.Lfunc_end0:
.L_simem_size_0:
called_computation_lowered:
.L_overlay_start_0:
0x88: {  	s2 =	sld [smem:$0x3FD9]  }
0x89: {  	s3 =	sld [smem:$0x3FFE];
	_ =	sdelay $0x1  }
0x8a: {  	s1 =	srdreg.scid  }
0x8b: {  	s0 =	sand.u32 $0x1, s1  }
0x8c: {  	s17 =	sshll.u32 s0, $0xA;
	s2 =	sadd.s32 s3, s2  }
0x8d: {  	s2 =	sadd.s32 s2, s17  }
0x8e: {  	[smem:$0x3FC3] =	sst s2  }
0x8f: {  	_ = 	snop  }
0x90: {  	s2 =	sld [smem:$0x3FC9];
	(tm) =	ssettm $0x1  }
0x91: {  	s18 =	sld [smem:$0x3FFB];
	_ =	sdelay $0x3  }
0x92: {  	_ =	strace s18  }
0x93: {  	s3 =	sld [smem:$0x3FFC];
	_ =	sdelay $0x3  }
0x94: {  	_ =	strace s3  }
0x95: {  	s3 =	sld [smem:$0x3FFD];
	_ =	sdelay $0x3  }
0x96: {  	_ =	strace s3  }
0x97: {  	_ =	strace $0x8FFFFFFF  }
0x98: {  	s19 =	sld [smem:$0x3FDB];
	_ =	sdelay $0x1  }
0x99: {  	s4 =	simm.s32 $_scs_section_size  }
0x9a: {  	s5 =	simm.s32 $_size__tile_overlayer_lowered;
	s6 =	simm.s32 $_tile_overlayer_lowered  }
0x9b: {  	s22 =	simm.s32 $0x1BFF;
	s21 =	sshll.u32 s6, $0x1;
	s3 =	sadd.s32 s4, s19  }
0x9c: {  	s7 =	simm.s32 $0x0;
	s20 =	sshll.u32 s5, $0x1;
	s5 =	sadd.s32 s21, s3  }
0x9d: {  	[timem:s7], [sflag:s22] =	dma.local [hbm:s5], s20  }
0x9e: {  	_ =	swait.ge [sflag:s22], s20  }
0x9f: {  	s4 =	ssub.s32 $0x0, s20;
	[sflag:s22] =	ssyncset.done $0x0  }
0xa0: {  	[sflag:s22] =	ssyncadd.s32 s4;
	_ =	sdelay $0x1  }
0xa1: {  	s23 =	simm.s32 $0x1B8B  }
0xa2: {  	_ =	swait.ge [sflag:s23], $0x1  }
0xa3: {  	[sflag:s23] =	ssyncset.done $0x0  }
0xa4: {  	s25 =	simm.s32 $0x1B8E;
	s24 =	sld [smem:$0x3FFE];
	[sflag:s23] =	ssyncadd.s32 $0xFFFFFFFF  }
0xa5: {  	s26 =	simm.s32 $execute0_lowered;
	[smem:$0x3FD2] =	sst s25  }
0xa6: {  	s5 =	sshll.u32 s26, $0x1;
	_ =	strace $0x80000046;
	[dreg:$0x1] =	wrdreg $0xFFFFFFFF  }
0xa7: {  	s28 =	simm.s32 $_size_execute0_lowered;
	s3 =	sadd.s32 s3, s5;
	[dreg:$0x0] =	wrdreg $0x0  }
0xa8: {  	s5 =	sshll.u32 s28, $0x1;
	[dreg:$0x2] =	wrdreg s3  }
0xa9: {  	[dreg:$0x3] =	wrdreg s5  }
0xaa: {  	[dreg:$0x4] =	wrdreg $0xC0  }
0xab: {  	_ =	task [dreg:s7], $0x5FFFF  }
0xac: {  	[dreg:$0x1] =	wrdreg $0xFFFFFFFF  }
0xad: {  	[dreg:$0x0] =	wrdreg $0x60  }
0xae: {  	[dreg:$0x2] =	wrdreg s2  }
0xaf: {  	[dreg:$0x3] =	wrdreg s24  }
0xb0: {  	[dreg:$0x4] =	wrdreg $0x9  }
0xb1: {  	_ =	task.clear_ibuf [dreg:s7], $0x5FFFF;
	_ =	strace $0x90000046  }
0xb2: {  	s29 =	simm.s32 $0x9;
	_ =	strace $0x80000048  }
0xb3: {  	_ =	swait.ge [sflag:s29], $0x1  }
0xb4: {  	[sflag:s29] =	ssyncadd.s32 $0xFFFFFFFF  }
0xb5: {  	_ =	strace $0x90000048  }
0xb6: {  	_ =	sfence  }
0xb7: {  	s30 =	sld [smem:$0x0];
	_ =	sdelay $0x2  }
0xb8: {  	s31 =	sshll.u32 s1, $0xD;
	s1 =	sshrl.u32 s1, $0x2  }
0xb9: {  	s3 =	sand.u32 $0x4000, s31;
	s1 =	sadd.s32 s1, s30  }
0xba: {  	s0 =	sor.u32 s3, s0;
	s1 =	sshll.u32 s1, $0x11  }
0xbb: {  	s0 =	sor.u32 s1, s0  }
0xbc: {  	s0 =	sadd.s32 $0x8F2B, s0  }
0xbd: {  	[sflag:s0] =	ssyncadd.remote.s32 $0x1  }
0xbe: {  	_ =	sfence.sel $0xFFFF  }
0xbf: {  	[dreg:$0x0] =	wrdreg $0xFFFFFFFF;
	(pc) =	sbr.abs _section_cstart, $3  }
0xc0: {  	[dreg:$0x1] =	wrdreg $0xFFFFFFFF  }
0xc1: {  	_ =	task.clear_ibuf [dreg:s7], $0x2FFFF;
	_ =	strace $0x9FFFFFFF  }
0xc2: {  	(tm) =	ssettm $0x7FFFFFFF  }
0xc3: {  	_ =	shalt  }
tec
execute0_lowered:
.L_overlay_start_1:
0x0: {  	(tag) =	ssettag $0x1  }
0x1: {  	s0 =	stileid.u32  }
0x2: {  	s1 =	srdreg.scid;
	s8 =	rddreg [dreg:$0x1]  }
0x3: {  	s12 =	simm.s32 $0x1;
	s13 =	simm.s32 $0x2;
	s2 =	sshll.u32 s0, $0x1  }
0x4: {  	s5 =	sand.u32 $0x1, s1;
	s26 =	sshrl.u32 s0, $0x1;
	s2 =	sand.u32 $0x2, s2  }
0x5: {  	s14 =	simm.s32 $0x15000;
	s6 =	smul.u32 $0x3000, s26;
	s3 =	sor.u32 s5, s2  }
0x6: {  	s15 =	simm.s32 $0x3;
	s16 =	simm.s32 $0x0;
	s4 =	smul.u32 $0xE, s3  }
0x7: {  	s1 =	rddreg [dreg:$0x2];
	s9 =	smul.u32 $0x1260000, s26;
	s29 =	ssub.s32 $0x2, s5  }
0x8: {  	s2 =	rddreg [dreg:$0x0];
	s7 =	smul.u32 $0xC00, s3;
	s3 =	sadd.s32 $0xA8, s4  }
0x9: {  	s31 =	sshrl.u32 s29, $0x1;
	s4 =	simm.s32 $0x0;
	s10 =	smul.u32 $0x15000, s3  }
0xa: {  	s6 =	sadd.s32 s6, s7;
	s7 =	sor.u32 $0x15000, s9;
	[smem:$0x7FF] =	sst s4  }
0xb: {  	s6 =	sshrl.u32 s6, $0x3;
	_ =	strace $0x80000047;
	s28 =	sadd.s32 s9, s10  }
0xc: {  	s11 =	sadd.s32 s6, s8;
	s8 =	sor.u32 $0x1F800, s9;
	s30 =	sshrl.u32 s28, $0x3  }
0xd: {  	s10 =	ssub.s32 s29, s31;
	s9 =	sadd.s32 $0xE00, s11;
	s5 =	sadd.s32 s2, s30  }
0xe: {  	s11 =	simm.s32 $0xA800;
	s10 =	smax.u32 s10, $0x1;
	s6 =	sadd.s32 $0x1500, s5  }
.LBB2_1:
0xf: {  	v0 =	vimm.f32 $0.0e+00;
	v1 =	vimm.f32 $0.0e+00;
	v4 =	vimm.f32 $0.0e+00  }
0x10: {  	v6 =	vimm.f32 $0.0e+00;
	v13 =	vimm.f32 $0.0e+00;
	v16 =	vimm.f32 $0.0e+00  }
0x11: {  	v17 =	vimm.f32 $0.0e+00;
	v18 =	vimm.f32 $0.0e+00;
	v43 =	vimm.f32 $0.0e+00  }
0x12: {  	v45 =	vimm.f32 $0.0e+00;
	v2 =	vimm.f32 $0.0e+00;
	v48 =	vimm.f32 $0.0e+00  }
0x13: {  	[tilespmem:s4], [sflag:$0x1] =	stream.linear.gather [hbm4b:s5+s4], $0xA800, $0x38;
	v49 =	vimm.f32 $0.0e+00;
	v39 =	vimm.f32 $0.0e+00;
	v38 =	vimm.f32 $0.0e+00;
	[tilespmem:$0x15C00] =	vst v63  }
0x14: {  	v50 =	vimm.f32 $0.0e+00;
	v51 =	vimm.f32 $0.0e+00;
	[tilespmem:$0x1FFE0] =	vst v2;
	v2 =	vimm.f32 $0.0e+00  }
0x15: {  	v54 =	vimm.f32 $0.0e+00;
	v55 =	vimm.f32 $0.0e+00;
	v21 =	vimm.f32 $0.0e+00;
	s17 =	simm.s32 $0x0;
	[tilespmem:$0x1FFF0] =	vst v2  }
0x16: {  	v26 =	vimm.f32 $0.0e+00;
	v47 =	vimm.f32 $0.0e+00;
	v46 =	vimm.f32 $0.0e+00;
	[tilespmem:s11], [sflag:$0x2] =	stream.linear.gather [hbm4b:s6+s4], $0xA800, $0x38;
	[tilespmem:$0x15C00] =	vst v63  }
.LBB2_2:
0x17: {  	[tilespmem:$0x1FF20] =	vst v18  }
0x18: {  	[tilespmem:$0x1FF30] =	vst v17  }
0x19: {  	[tilespmem:$0x1FF40] =	vst v16  }
0x1a: {  	[tilespmem:$0x1FF50] =	vst v13  }
0x1b: {  	[tilespmem:$0x1FB40] =	vst v6  }
0x1c: {  	[tilespmem:$0x1FB50] =	vst v1  }
0x1d: {  	[tilespmem:$0x1FB60] =	vst v0  }
0x1e: {  	[tilespmem:$0x1FB70] =	vst v4  }
0x1f: {  	_ =	swait.ge [sflag:s12], $0xA800  }
0x20: {  	[sflag:s12] =	ssyncset.done $0x0  }
0x21: {  	s19 =	simm.s32 $0x0;
	[sflag:s12] =	ssyncadd.s32 $0xFFFF5800  }
0x22: {  	v56 =	vld [tilespmem:s19+$0x380]  }
0x23: {  	v57 =	vld [tilespmem:s19+$0x390]  }
0x24: {  	v42 =	vld [tilespmem:s19+$0x3A0]  }
0x25: {  	v44 =	vld [tilespmem:s19+$0x3B0]  }
0x26: {  	v0 =	vld [tilespmem:s19+$0x3C0]  }
0x27: {  	v7 =	vld [tilespmem:s19+$0xBC0]  }
0x28: {  	v40 =	vld [tilespmem:s19+$0xBD0]  }
0x29: {  	v62 =	vld [tilespmem:s19+$0x300]  }
0x2a: {  	v63 =	vld [tilespmem:s19+$0x310]  }
0x2b: {  	v1 =	vld [tilespmem:s19+$0x330]  }
0x2c: {  	v4 =	vld [tilespmem:s19+$0x340]  }
0x2d: {  	v5 =	vld [tilespmem:s19+$0x350]  }
0x2e: {  	v52 =	vld [tilespmem:s19+$0x360]  }
0x2f: {  	v53 =	vld [tilespmem:s19+$0x370]  }
0x30: {  	[tilespmem:$0x1FCC0] =	vst v0;
	v0 =	vld [tilespmem:s19+$0x3D0]  }
0x31: {  	v2 =	vld [tilespmem:s19+$0x700]  }
0x32: {  	v41 =	vld [tilespmem:s19+$0xB40]  }
0x33: {  	v58 =	vld [tilespmem:s19+$0xB50]  }
0x34: {  	v20 =	vld [tilespmem:s19+$0x280]  }
0x35: {  	[tilespmem:$0x1FCE0] =	vst v0;
	v0 =	vld [tilespmem:s19+$0x3E0]  }
0x36: {  	v9 =	vld [tilespmem:s19+$0x290]  }
0x37: {  	v10 =	vld [tilespmem:s19+$0x2A0]  }
0x38: {  	v11 =	vld [tilespmem:s19+$0x2B0]  }
0x39: {  	v60 =	vld [tilespmem:s19+$0x2C0]  }
0x3a: {  	[tilespmem:$0x1FD00] =	vst v0;
	v0 =	vld [tilespmem:s19+$0x3F0]  }
0x3b: {  	v61 =	vld [tilespmem:s19+$0x2D0]  }
0x3c: {  	v3 =	vld [tilespmem:s19+$0x2F0]  }
0x3d: {  	v8 =	vld [tilespmem:s19+$0x690]  }
0x3e: {  	v59 =	vld [tilespmem:s19+$0x6C0]  }
0x3f: {  	[tilespmem:$0x1FD20] =	vst v0;
	v0 =	vld [tilespmem:s19+$0x780]  }
0x40: {  	v16 =	vld [tilespmem:s19+$0x6D0]  }
0x41: {  	v17 =	vld [tilespmem:s19+$0x6E0]  }
0x42: {  	v18 =	vld [tilespmem:s19+$0x6F0]  }
0x43: {  	v19 =	vld [tilespmem:s19+$0xA80]  }
0x44: {  	[tilespmem:$0x1FD70] =	vst v0;
	v0 =	vld [tilespmem:s19+$0x790]  }
0x45: {  	v22 =	vld [tilespmem:s19+$0xA90]  }
0x46: {  	v23 =	vld [tilespmem:s19+$0xAA0]  }
0x47: {  	v24 =	vld [tilespmem:s19+$0xAB0]  }
0x48: {  	v25 =	vld [tilespmem:s19+$0xAC0]  }
0x49: {  	[tilespmem:$0x1FD90] =	vst v0;
	v0 =	vld [tilespmem:s19+$0x7A0]  }
0x4a: {  	v27 =	vld [tilespmem:s19+$0xAD0]  }
0x4b: {  	v13 =	vld [tilespmem:s19+$0x200]  }
0x4c: {  	v15 =	vld [tilespmem:s19+$0x210]  }
0x4d: {  	v28 =	vld [tilespmem:s19+$0x660]  }
0x4e: {  	[tilespmem:$0x1FDB0] =	vst v0;
	v0 =	vld [tilespmem:s19+$0x7B0]  }
0x4f: {  	v29 =	vld [tilespmem:s19+$0x670]  }
0x50: {  	v30 =	vld [tilespmem:s19+$0xA00]  }
0x51: {  	v31 =	vld [tilespmem:s19+$0xA10]  }
0x52: {  	v32 =	vld [tilespmem:s19+$0xA20]  }
0x53: {  	[tilespmem:$0x1FDD0] =	vst v0;
	v0 =	vld [tilespmem:s19+$0x7C0]  }
0x54: {  	v33 =	vld [tilespmem:s19+$0xA30]  }
0x55: {  	[tilespmem:$0x1FD30] =	vst v2;
	v2 =	vld [tilespmem:s19+$0x710]  }
0x56: {  	v34 =	vld [tilespmem:s19+$0xA40]  }
0x57: {  	v35 =	vld [tilespmem:s19+$0xA50]  }
0x58: {  	[tilespmem:$0x1FEA0] =	vst v0;
	v0 =	vld [tilespmem:s19+$0x7D0]  }
0x59: {  	v36 =	vld [tilespmem:s19+$0xB0]  }
0x5a: {  	[tilespmem:$0x1FD40] =	vst v2;
	v2 =	vld [tilespmem:s19+$0x720]  }
0x5b: {  	v37 =	vld [tilespmem:s19+$0x120]  }
0x5c: {  	[tilespmem:$0x1FBC0] =	vst v7;
	v7 =	vld [tilespmem:s19+$0x680]  }
0x5d: {  	[tilespmem:$0x1FEC0] =	vst v0;
	v0 =	vld [tilespmem:s19+$0x7E0]  }
0x5e: {  	[tilespmem:$0x1FE30] =	vst v16;
	v16 =	vld [tilespmem:s19+$0x220]  }
0x5f: {  	[tilespmem:$0x1FD50] =	vst v2;
	v2 =	vld [tilespmem:s19+$0x730]  }
0x60: {  	[tilespmem:$0x1FE40] =	vst v17;
	v17 =	vld [tilespmem:s19+$0x230]  }
0x61: {  	[tilespmem:$0x1FE50] =	vst v18;
	v18 =	vld [tilespmem:s19+$0x240]  }
0x62: {  	[tilespmem:$0x1FEE0] =	vst v0;
	v0 =	vld [tilespmem:s19+$0x7F0]  }
0x63: {  	[tilespmem:$0x1FFA0] =	vst v19;
	v19 =	vld [tilespmem:s19+$0x250]  }
0x64: {  	[tilespmem:$0x1FD60] =	vst v2;
	v2 =	vld [tilespmem:s19+$0x740]  }
0x65: {  	[tilespmem:$0x1FC40] =	vst v25;
	v25 =	vld [tilespmem:s19+$0x190]  }
0x66: {  	[tilespmem:$0x1FE00] =	vst v28;
	v28 =	vld [tilespmem:s19+$0x110]  }
0x67: {  	[tilespmem:$0x1FF00] =	vst v0;
	v0 =	vld [tilespmem:s19+$0xB80]  }
0x68: {  	[tilespmem:$0x1FE10] =	vst v29;
	v29 =	vld [tilespmem:s19+$0x80]  }
0x69: {  	[tilespmem:$0x1FE60] =	vst v2;
	v2 =	vld [tilespmem:s19+$0x750]  }
0x6a: {  	[tilespmem:$0x1FF70] =	vst v31;
	v31 =	vld [tilespmem:s19+$0x0]  }
0x6b: {  	[tilespmem:$0x1FF90] =	vst v33;
	v33 =	vld [tilespmem:s19+$0x10]  }
0x6c: {  	[tilespmem:$0x1FB80] =	vst v0;
	v0 =	vld [tilespmem:s19+$0xB90]  }
0x6d: {  	[tilespmem:$0x1FC60] =	vst v34;
	v34 =	vld [tilespmem:s19+$0x20]  }
0x6e: {  	[tilespmem:$0x1FE70] =	vst v2;
	v2 =	vld [tilespmem:s19+$0x760]  }
0x6f: {  	[tilespmem:$0x1FC70] =	vst v35;
	v35 =	vld [tilespmem:s19+$0x30]  }
0x70: {  	[tilespmem:$0x1FF80] =	vst v32;
	v32 =	vld [tilespmem:s19+$0xA0]  }
0x71: {  	[tilespmem:$0x1FB90] =	vst v0;
	v0 =	vld [tilespmem:s19+$0xBA0]  }
0x72: {  	[tilespmem:$0x1FF60] =	vst v30;
	v30 =	vld [tilespmem:s19+$0x90]  }
0x73: {  	[tilespmem:$0x1FE80] =	vst v2;
	v2 =	vld [tilespmem:s19+$0x770]  }
0x74: {  	v33 =	vadd.f32 v33, v47;
	v47 =	vld [tilespmem:s19+$0x130];
	v34 =	vadd.f32 v34, v26  }
0x75: {  	v31 =	vadd.f32 v31, v46;
	v35 =	vadd.f32 v35, v21;
	v21 =	vld [tilespmem:s19+$0x1A0]  }
0x76: {  	v32 =	vadd.f32 v32, v34;
	[tilespmem:$0x1FBA0] =	vst v0;
	v0 =	vld [tilespmem:s19+$0xBB0]  }
0x77: {  	v29 =	vadd.f32 v29, v31;
	v31 =	vld [tilespmem:s19+$0x1B0]  }
0x78: {  	v36 =	vadd.f32 v36, v35;
	v46 =	vadd.f32 v37, v32;
	[tilespmem:$0x1FE90] =	vst v2;
	v2 =	vld [tilespmem:s19+$0xB00]  }
0x79: {  	[tilespmem:$0x1FFB0] =	vst v22;
	v22 =	vld [tilespmem:s19+$0x260];
	v30 =	vadd.f32 v30, v33  }
0x7a: {  	[tilespmem:$0x1FFC0] =	vst v23;
	v23 =	vld [tilespmem:s19+$0x270];
	v36 =	vadd.f32 v47, v36;
	v21 =	vadd.f32 v21, v46  }
0x7b: {  	v28 =	vadd.f32 v28, v30;
	[tilespmem:$0x1FBB0] =	vst v0;
	v0 =	vld [tilespmem:s19+$0x320]  }
0x7c: {  	[tilespmem:$0x1FFD0] =	vst v24;
	v24 =	vld [tilespmem:s19+$0x650];
	v37 =	vadd.f32 v31, v36;
	v16 =	vadd.f32 v16, v21  }
0x7d: {  	v25 =	vadd.f32 v25, v28;
	[tilespmem:$0x1FBE0] =	vst v2;
	v2 =	vld [tilespmem:s19+$0xB10]  }
0x7e: {  	[tilespmem:$0x1FC50] =	vst v27;
	v27 =	vld [tilespmem:s19+$0x100];
	v17 =	vadd.f32 v17, v37;
	v10 =	vadd.f32 v10, v16  }
0x7f: {  	v26 =	vld [tilespmem:s19+$0x60];
	v15 =	vadd.f32 v15, v25  }
0x80: {  	v33 =	vld [tilespmem:s19+$0x140];
	v11 =	vadd.f32 v11, v17;
	v0 =	vadd.f32 v0, v10  }
0x81: {  	v9 =	vadd.f32 v9, v15;
	v15 =	vld [tilespmem:s19+$0x50]  }
0x82: {  	v1 =	vadd.f32 v1, v11;
	[tilespmem:$0x1FBF0] =	vst v2;
	v2 =	vld [tilespmem:s19+$0xB20];
	v0 =	vadd.f32 v42, v0  }
0x83: {  	v25 =	vld [tilespmem:s19+$0x40]  }
0x84: {  	v31 =	vld [tilespmem:s19+$0xE0];
	[tilespmem:$0x1FCA0] =	vst v0;
	v0 =	vadd.f32 v44, v1  }
0x85: {  	v46 =	vld [tilespmem:s19+$0xC0]  }
0x86: {  	[tilespmem:$0x1FCB0] =	vst v0;
	v0 =	vld [tilespmem:s19+$0x160]  }
0x87: {  	v36 =	vadd.f32 v15, v54;
	v15 =	vadd.f32 v26, v51;
	[tilespmem:$0x1FC00] =	vst v2;
	v2 =	vld [tilespmem:s19+$0xB30]  }
0x88: {  	v42 =	vld [tilespmem:s19+$0x1E0];
	v1 =	vadd.f32 v25, v55  }
0x89: {  	v34 =	vld [tilespmem:s19+$0x1C0];
	v10 =	vadd.f32 v31, v15  }
0x8a: {  	[tilespmem:$0x1FDF0] =	vst v24;
	v24 =	vld [tilespmem:s19+$0x180];
	v1 =	vadd.f32 v46, v1  }
0x8b: {  	[tilespmem:$0x1FBD0] =	vst v40;
	v40 =	vld [tilespmem:s19+$0x600];
	v0 =	vadd.f32 v0, v10  }
0x8c: {  	[tilespmem:$0x1FC10] =	vst v2;
	v2 =	vld [tilespmem:s19+$0x2E0];
	v1 =	vadd.f32 v33, v1  }
0x8d: {  	[tilespmem:$0x1FC20] =	vst v41;
	v41 =	vld [tilespmem:s19+$0x610];
	v27 =	vadd.f32 v27, v29;
	v0 =	vadd.f32 v42, v0  }
0x8e: {  	v35 =	vld [tilespmem:s19+$0xF0];
	v1 =	vadd.f32 v34, v1  }
0x8f: {  	v24 =	vadd.f32 v24, v27;
	v28 =	vld [tilespmem:s19+$0x70];
	v0 =	vadd.f32 v22, v0  }
0x90: {  	v29 =	vld [tilespmem:s19+$0x1D0];
	v1 =	vadd.f32 v18, v1  }
0x91: {  	v13 =	vadd.f32 v13, v24;
	v0 =	vadd.f32 v2, v0;
	v2 =	vld [tilespmem:$0x1FCC0]  }
0x92: {  	v47 =	vld [tilespmem:s19+$0xD0];
	v1 =	vadd.f32 v60, v1  }
0x93: {  	v27 =	vld [tilespmem:s19+$0x150];
	v13 =	vadd.f32 v20, v13;
	v9 =	vadd.f32 v63, v9  }
0x94: {  	v37 =	vadd.f32 v28, v50;
	v50 =	vld [tilespmem:s19+$0x480];
	v1 =	vadd.f32 v4, v1  }
0x95: {  	v13 =	vadd.f32 v62, v13;
	v9 =	vadd.f32 v57, v9;
	v57 =	vld [tilespmem:s19+$0x400]  }
0x96: {  	v1 =	vadd.f32 v2, v1;
	v2 =	vld [tilespmem:$0x1FD00]  }
0x97: {  	v32 =	vadd.f32 v56, v13;
	v13 =	vld [tilespmem:s19+$0x170]  }
0x98: {  	v63 =	vld [tilespmem:s19+$0x4A0];
	v11 =	vadd.f32 v47, v36  }
0x99: {  	v44 =	vld [tilespmem:s19+$0x1F0];
	v0 =	vadd.f32 v52, v0  }
0x9a: {  	[tilespmem:$0x1FC90] =	vst v9;
	v9 =	vadd.f32 v35, v37;
	v47 =	vld [tilespmem:s19+$0x500];
	v11 =	vadd.f32 v27, v11  }
0x9b: {  	v51 =	vld [tilespmem:s19+$0x490];
	v0 =	vadd.f32 v2, v0;
	v2 =	vadd.f32 v57, v38  }
0x9c: {  	v9 =	vadd.f32 v13, v9;
	v11 =	vadd.f32 v29, v11;
	v15 =	vld [tilespmem:s19+$0x580]  }
0x9d: {  	v60 =	vld [tilespmem:s19+$0x410];
	v2 =	vadd.f32 v50, v2  }
0x9e: {  	[tilespmem:$0x1FC80] =	vst v32;
	v32 =	vld [tilespmem:$0x1FD30];
	v11 =	vadd.f32 v19, v11;
	v9 =	vadd.f32 v44, v9  }
0x9f: {  	v13 =	vld [tilespmem:s19+$0x510];
	v2 =	vadd.f32 v47, v2  }
0xa0: {  	v11 =	vadd.f32 v61, v11;
	v61 =	vld [tilespmem:s19+$0x420];
	v9 =	vadd.f32 v23, v9  }
0xa1: {  	[tilespmem:$0x1FD10] =	vst v0;
	v0 =	vld [tilespmem:$0x1FD20];
	v2 =	vadd.f32 v15, v2  }
0xa2: {  	v46 =	vld [tilespmem:s19+$0x590];
	v9 =	vadd.f32 v3, v9;
	v3 =	vadd.f32 v60, v39  }
0xa3: {  	[tilespmem:$0x1FCD0] =	vst v1;
	v1 =	vld [tilespmem:$0x1FCE0];
	v2 =	vadd.f32 v40, v2  }
0xa4: {  	v37 =	vld [tilespmem:$0x1FD70];
	v9 =	vadd.f32 v53, v9;
	v3 =	vadd.f32 v51, v3  }
0xa5: {  	[tilespmem:$0x1FE20] =	vst v59;
	v59 =	vld [tilespmem:s19+$0x620];
	v11 =	vadd.f32 v5, v11;
	v2 =	vadd.f32 v7, v2  }
0xa6: {  	v3 =	vadd.f32 v13, v3;
	v55 =	vadd.f32 v0, v9;
	v0 =	vld [tilespmem:s19+$0x520]  }
0xa7: {  	v62 =	vld [tilespmem:s19+$0x430];
	v5 =	vadd.f32 v61, v49;
	v2 =	vadd.f32 v32, v2  }
0xa8: {  	v25 =	vld [tilespmem:s19+$0x5A0];
	v3 =	vadd.f32 v46, v3;
	v1 =	vadd.f32 v1, v11  }
0xa9: {  	v5 =	vadd.f32 v63, v5;
	v33 =	vld [tilespmem:$0x1FD40];
	v2 =	vadd.f32 v37, v2  }
0xaa: {  	v3 =	vadd.f32 v41, v3;
	[tilespmem:$0x1FCF0] =	vst v1;
	v1 =	vld [tilespmem:s19+$0x4B0]  }
0xab: {  	v0 =	vadd.f32 v0, v5;
	[tilespmem:$0x1FD80] =	vst v2;
	v2 =	vld [tilespmem:$0x1FD90]  }
0xac: {  	v12 =	vld [tilespmem:s19+$0x6A0];
	v3 =	vadd.f32 v8, v3  }
0xad: {  	v4 =	vld [tilespmem:s19+$0x530];
	v0 =	vadd.f32 v25, v0  }
0xae: {  	v24 =	vadd.f32 v62, v48;
	v34 =	vld [tilespmem:$0x1FD50];
	v3 =	vadd.f32 v33, v3  }
0xaf: {  	v26 =	vld [tilespmem:s19+$0x5B0];
	v0 =	vadd.f32 v59, v0  }
0xb0: {  	v1 =	vadd.f32 v1, v24;
	v2 =	vadd.f32 v2, v3;
	v3 =	vld [tilespmem:$0x1FDB0]  }
0xb1: {  	[tilespmem:$0x1FC30] =	vst v58;
	v58 =	vld [tilespmem:s19+$0x630];
	v0 =	vadd.f32 v12, v0  }
0xb2: {  	v1 =	vadd.f32 v4, v1  }
0xb3: {  	v14 =	vld [tilespmem:s19+$0x6B0];
	v0 =	vadd.f32 v34, v0  }
0xb4: {  	v1 =	vadd.f32 v26, v1  }
0xb5: {  	v35 =	vld [tilespmem:$0x1FD60];
	v0 =	vadd.f32 v3, v0  }
0xb6: {  	v1 =	vadd.f32 v58, v1  }
0xb7: {  	[tilespmem:$0x1FDC0] =	vst v0;
	v0 =	vld [tilespmem:$0x1FDD0]  }
0xb8: {  	v6 =	vld [tilespmem:s19+$0x640];
	v1 =	vadd.f32 v14, v1  }
0xb9: {  	v30 =	vld [tilespmem:s19+$0x450]  }
0xba: {  	v28 =	vld [tilespmem:s19+$0x5D0];
	v1 =	vadd.f32 v35, v1  }
0xbb: {  	v15 =	vld [tilespmem:s19+$0x440]  }
0xbc: {  	v0 =	vadd.f32 v0, v1;
	v1 =	vld [tilespmem:$0x1FFF0]  }
0xbd: {  	v48 =	vld [tilespmem:$0x1FE20]  }
0xbe: {  	v29 =	vld [tilespmem:s19+$0x4C0]  }
0xbf: {  	v27 =	vld [tilespmem:s19+$0x5C0]  }
0xc0: {  	v4 =	vld [tilespmem:s19+$0x540]  }
0xc1: {  	v14 =	vld [tilespmem:s19+$0x470];
	v1 =	vadd.f32 v15, v1  }
0xc2: {  	[tilespmem:$0x1FDA0] =	vst v2;
	v2 =	vld [tilespmem:s19+$0x4F0]  }
0xc3: {  	v3 =	vld [tilespmem:$0x1FFE0];
	v1 =	vadd.f32 v29, v1  }
0xc4: {  	v13 =	vld [tilespmem:s19+$0x4D0]  }
0xc5: {  	v15 =	vld [tilespmem:s19+$0x570];
	v1 =	vadd.f32 v4, v1  }
0xc6: {  	v31 =	vld [tilespmem:s19+$0x460];
	v14 =	vadd.f32 v14, v43  }
0xc7: {  	v5 =	vld [tilespmem:s19+$0x550];
	v1 =	vadd.f32 v27, v1  }
0xc8: {  	v12 =	vld [tilespmem:$0x1FE60];
	v2 =	vadd.f32 v2, v14;
	v3 =	vadd.f32 v30, v3  }
0xc9: {  	v36 =	vld [tilespmem:s19+$0x4E0];
	v1 =	vadd.f32 v6, v1  }
0xca: {  	v3 =	vadd.f32 v13, v3;
	v2 =	vadd.f32 v15, v2;
	v15 =	vld [tilespmem:$0x1FEA0]  }
0xcb: {  	v43 =	vld [tilespmem:$0x1FDF0];
	v1 =	vadd.f32 v48, v1  }
0xcc: {  	[tilespmem:$0x1FDE0] =	vst v0;
	v0 =	vld [tilespmem:s19+$0x560];
	v3 =	vadd.f32 v5, v3  }
0xcd: {  	v49 =	vld [tilespmem:$0x1FE30];
	v38 =	vadd.f32 v31, v45;
	v1 =	vadd.f32 v12, v1  }
0xce: {  	v39 =	vld [tilespmem:s19+$0x5E0];
	v3 =	vadd.f32 v28, v3  }
0xcf: {  	v13 =	vadd.f32 v36, v38;
	v12 =	vld [tilespmem:$0x1FE70];
	v1 =	vadd.f32 v15, v1  }
0xd0: {  	v45 =	vld [tilespmem:$0x1FE00];
	v3 =	vadd.f32 v43, v3  }
0xd1: {  	v0 =	vadd.f32 v0, v13;
	[tilespmem:$0x1FEB0] =	vst v1;
	v1 =	vld [tilespmem:$0x1FEC0]  }
0xd2: {  	v51 =	vld [tilespmem:$0x1FE40];
	v3 =	vadd.f32 v49, v3  }
0xd3: {  	v0 =	vadd.f32 v39, v0  }
0xd4: {  	v13 =	vld [tilespmem:$0x1FE80];
	v3 =	vadd.f32 v12, v3  }
0xd5: {  	v40 =	vld [tilespmem:s19+$0x5F0];
	v0 =	vadd.f32 v45, v0  }
0xd6: {  	v1 =	vadd.f32 v1, v3;
	v3 =	vld [tilespmem:$0x1FEE0]  }
0xd7: {  	v46 =	vld [tilespmem:$0x1FE10];
	v0 =	vadd.f32 v51, v0;
	_ =	sdelay $0x1  }
0xd8: {  	v52 =	vld [tilespmem:$0x1FE50];
	v0 =	vadd.f32 v13, v0  }
0xd9: {  	v56 =	vld [tilespmem:$0x1FF40];
	v2 =	vadd.f32 v40, v2  }
0xda: {  	v13 =	vld [tilespmem:$0x1FE90];
	v0 =	vadd.f32 v3, v0  }
0xdb: {  	v54 =	vld [tilespmem:s19+$0x930];
	v2 =	vadd.f32 v46, v2  }
0xdc: {  	[tilespmem:$0x1FEF0] =	vst v0;
	v0 =	vld [tilespmem:$0x1FF00]  }
0xdd: {  	v62 =	vld [tilespmem:$0x1FF90];
	v2 =	vadd.f32 v52, v2  }
0xde: {  	v63 =	vld [tilespmem:$0x1FFA0]  }
0xdf: {  	v44 =	vld [tilespmem:s19+$0x890];
	v2 =	vadd.f32 v13, v2  }
0xe0: {  	v42 =	vld [tilespmem:s19+$0x880]  }
0xe1: {  	v53 =	vld [tilespmem:s19+$0x820];
	v0 =	vadd.f32 v0, v2  }
0xe2: {  	v47 =	vld [tilespmem:s19+$0x800]  }
0xe3: {  	[tilespmem:$0x1FF10] =	vst v0;
	v0 =	vld [tilespmem:$0x1FF20]  }
0xe4: {  	v41 =	vld [tilespmem:s19+$0x910]  }
0xe5: {  	v57 =	vld [tilespmem:$0x1FF50]  }
0xe6: {  	v50 =	vld [tilespmem:s19+$0x810]  }
0xe7: {  	v5 =	vld [tilespmem:s19+$0x900]  }
0xe8: {  	v3 =	vld [tilespmem:$0x1FF30];
	v0 =	vadd.f32 v47, v0  }
0xe9: {  	v14 =	vld [tilespmem:s19+$0x980]  }
0xea: {  	v12 =	vld [tilespmem:s19+$0x830];
	v10 =	vadd.f32 v42, v0  }
0xeb: {  	v59 =	vld [tilespmem:$0x1FF60]  }
0xec: {  	[tilespmem:$0x1FED0] =	vst v1;
	v1 =	vld [tilespmem:s19+$0x8B0];
	v5 =	vadd.f32 v5, v10  }
0xed: {  	v60 =	vld [tilespmem:$0x1FF70];
	v3 =	vadd.f32 v50, v3  }
0xee: {  	v4 =	vld [tilespmem:s19+$0x990];
	v5 =	vadd.f32 v14, v5  }
0xef: {  	v13 =	vld [tilespmem:s19+$0x8A0];
	v11 =	vadd.f32 v12, v57;
	v3 =	vadd.f32 v44, v3  }
0xf0: {  	v58 =	vld [tilespmem:s19+$0x9B0];
	v5 =	vadd.f32 v59, v5  }
0xf1: {  	v11 =	vadd.f32 v1, v11;
	v2 =	vld [tilespmem:s19+$0x920];
	v3 =	vadd.f32 v41, v3  }
0xf2: {  	v8 =	vadd.f32 v53, v56;
	v59 =	vadd.f32 v63, v5;
	v5 =	vld [tilespmem:$0x1FFB0]  }
0xf3: {  	v12 =	vld [tilespmem:s19+$0x9A0];
	v7 =	vadd.f32 v54, v11;
	v4 =	vadd.f32 v4, v3  }
0xf4: {  	v8 =	vadd.f32 v13, v8  }
0xf5: {  	v61 =	vld [tilespmem:$0x1FF80];
	v6 =	vadd.f32 v58, v7;
	v4 =	vadd.f32 v60, v4  }
0xf6: {  	v8 =	vadd.f32 v2, v8  }
0xf7: {  	v6 =	vadd.f32 v62, v6;
	v62 =	vadd.f32 v5, v4;
	v4 =	vld [tilespmem:$0x1FFC0]  }
0xf8: {  	v33 =	vld [tilespmem:s19+$0x8C0];
	v8 =	vadd.f32 v12, v8  }
0xf9: {  	v38 =	vld [tilespmem:s19+$0x850]  }
0xfa: {  	v1 =	vld [tilespmem:s19+$0x9D0];
	v7 =	vadd.f32 v61, v8  }
0xfb: {  	v58 =	vld [tilespmem:s19+$0x860]  }
0xfc: {  	v63 =	vadd.f32 v4, v7;
	v4 =	vld [tilespmem:$0x1FFD0]  }
0xfd: {  	v3 =	vld [tilespmem:s19+$0x950]  }
0xfe: {  	v2 =	vld [tilespmem:s19+$0x940]  }
0xff: {  	v12 =	vld [tilespmem:s19+$0x840]  }
0x100: {  	v0 =	vld [tilespmem:s19+$0x9C0]  }
0x101: {  	s18 =	simm.s32 $0x3000;
	v14 =	vld [tilespmem:s19+$0x8D0];
	v60 =	vadd.f32 v4, v6  }
.LBB2_3:
0x102: {  	v5 =	vld [tilespmem:$0x1FBE0];
	_ =	sdelay $0x1  }
0x103: {  	v11 =	vld [tilespmem:$0x1FB80];
	_ =	sdelay $0x2  }
0x104: {  	v6 =	vld [tilespmem:$0x1FBF0];
	v5 =	vadd.f32 v5, v59  }
0x105: {  	v8 =	vld [tilespmem:$0x1FC00]  }
0x106: {  	v9 =	vld [tilespmem:$0x1FC10];
	v5 =	vadd.f32 v11, v5  }
0x107: {  	v27 =	vld [tilespmem:$0x1FBA0]  }
0x108: {  	[tilespmem:$0x1FA80] =	vst v5;
	v5 =	vld [tilespmem:$0x1FB90];
	_ =	sdelay $0x1  }
0x109: {  	v28 =	vld [tilespmem:$0x1FBB0]  }
0x10a: {  	v6 =	vadd.f32 v6, v62;
	v8 =	vadd.f32 v8, v63  }
0x10b: {  	v29 =	vld [tilespmem:$0x1FB40];
	v9 =	vadd.f32 v9, v60  }
0x10c: {  	v5 =	vadd.f32 v5, v6;
	v6 =	vadd.f32 v27, v8;
	_ =	sdelay $0x1  }
0x10d: {  	[tilespmem:$0x1FAA0] =	vst v6;
	v6 =	vadd.f32 v28, v9  }
0x10e: {  	v4 =	vld [tilespmem:s19+$0x870]  }
0x10f: {  	[tilespmem:$0x1FAB0] =	vst v6;
	v6 =	vadd.f32 v12, v29;
	v12 =	vld [tilespmem:$0x1FB60];
	_ =	sdelay $0x1  }
0x110: {  	v10 =	vld [tilespmem:s19+$0x8F0];
	_ =	sdelay $0x1  }
0x111: {  	v31 =	vld [tilespmem:s19+$0x970]  }
0x112: {  	v4 =	vadd.f32 v4, v12  }
0x113: {  	v13 =	vld [tilespmem:s19+$0x9F0];
	v6 =	vadd.f32 v33, v6  }
0x114: {  	v30 =	vld [tilespmem:$0x1FB70];
	v4 =	vadd.f32 v10, v4  }
0x115: {  	v34 =	vld [tilespmem:s19+$0xA70];
	v2 =	vadd.f32 v2, v6  }
0x116: {  	v4 =	vadd.f32 v31, v4  }
0x117: {  	v0 =	vadd.f32 v0, v2;
	v2 =	vld [tilespmem:s19+$0xAF0]  }
0x118: {  	v36 =	vld [tilespmem:$0x1FC60];
	v4 =	vadd.f32 v13, v4;
	_ =	sdelay $0x1  }
0x119: {  	v40 =	vld [tilespmem:$0x1FC40];
	v8 =	vadd.f32 v38, v30;
	v4 =	vadd.f32 v34, v4;
	_ =	sdelay $0x1  }
0x11a: {  	v8 =	vadd.f32 v14, v8;
	v2 =	vadd.f32 v2, v4;
	v4 =	vld [tilespmem:$0x1FC20]  }
0x11b: {  	v37 =	vld [tilespmem:$0x1FC70];
	v0 =	vadd.f32 v36, v0  }
0x11c: {  	v3 =	vadd.f32 v3, v8  }
0x11d: {  	v41 =	vld [tilespmem:$0x1FC50];
	v0 =	vadd.f32 v40, v0  }
0x11e: {  	v32 =	vld [tilespmem:$0x1FB50];
	v1 =	vadd.f32 v1, v3  }
0x11f: {  	v0 =	vadd.f32 v4, v0;
	v4 =	vld [tilespmem:$0x1FC30]  }
0x120: {  	v1 =	vadd.f32 v37, v1  }
0x121: {  	v7 =	vld [tilespmem:s19+$0x8E0]  }
0x122: {  	v1 =	vadd.f32 v41, v1  }
0x123: {  	[tilespmem:$0x1FA90] =	vst v5;
	v5 =	vld [tilespmem:s19+$0x960]  }
0x124: {  	v11 =	vadd.f32 v58, v32;
	v1 =	vadd.f32 v4, v1;
	v4 =	vld [tilespmem:$0x1FBC0]  }
0x125: {  	v12 =	vld [tilespmem:s19+$0x9E0]  }
0x126: {  	v7 =	vadd.f32 v7, v11  }
0x127: {  	v33 =	vld [tilespmem:s19+$0xA60]  }
0x128: {  	v5 =	vadd.f32 v5, v7  }
0x129: {  	v35 =	vld [tilespmem:s19+$0xAE0];
	v0 =	vadd.f32 v4, v0  }
0x12a: {  	v3 =	vadd.f32 v12, v5;
	v5 =	vld [tilespmem:s19+$0xB60]  }
0x12b: {  	[tilespmem:$0x1FB40] =	vst v0;
	v0 =	vld [tilespmem:$0x1FBD0]  }
0x12c: {  	v39 =	vld [tilespmem:s19+$0xBE0];
	v3 =	vadd.f32 v33, v3  }
0x12d: {  	v38 =	vld [tilespmem:s19+$0xB70]  }
0x12e: {  	v3 =	vadd.f32 v35, v3  }
0x12f: {  	v42 =	vld [tilespmem:s19+$0xBF0]  }
0x130: {  	v3 =	vadd.f32 v5, v3;
	v0 =	vadd.f32 v0, v1;
	_ =	sdelay $0x1  }
0x131: {  	v2 =	vadd.f32 v38, v2;
	[tilespmem:$0x1FB70] =	vst v0;
	v0 =	vadd.f32 v39, v3;
	_ =	sdelay $0x1  }
0x132: {  	[tilespmem:$0x1FB50] =	vst v0;
	v0 =	vadd.f32 v42, v2  }
0x133: {  	s19 =	sshra.s32 s18, $0x2  }
0x134: {  	[tilespmem:$0x1FB60] =	vst v0;
	v0 =	vld [tilespmem:s19+$0x780];
	_ =	sdelay $0x4  }
0x135: {  	[tilespmem:$0x1F980] =	vst v0;
	v0 =	vld [tilespmem:s19+$0x790];
	_ =	sdelay $0x4  }
0x136: {  	[tilespmem:$0x1F990] =	vst v0;
	v0 =	vld [tilespmem:s19+$0x7A0];
	_ =	sdelay $0x4  }
0x137: {  	[tilespmem:$0x1F9A0] =	vst v0;
	v0 =	vld [tilespmem:s19+$0x7B0];
	_ =	sdelay $0x4  }
0x138: {  	[tilespmem:$0x1F9B0] =	vst v0;
	v0 =	vld [tilespmem:s19+$0x7C0];
	_ =	sdelay $0x4  }
0x139: {  	[tilespmem:$0x1FA40] =	vst v0;
	v0 =	vld [tilespmem:s19+$0x7D0];
	_ =	sdelay $0x4  }
0x13a: {  	[tilespmem:$0x1FA50] =	vst v0;
	v0 =	vld [tilespmem:s19+$0x7E0];
	_ =	sdelay $0x4  }
0x13b: {  	[tilespmem:$0x1FA60] =	vst v0;
	v0 =	vld [tilespmem:s19+$0x7F0];
	_ =	sdelay $0x4  }
0x13c: {  	[tilespmem:$0x1FA70] =	vst v0;
	v0 =	vld [tilespmem:s19+$0xB80];
	_ =	sdelay $0x4  }
0x13d: {  	[tilespmem:$0x1FB80] =	vst v0;
	v0 =	vld [tilespmem:s19+$0xB90];
	_ =	sdelay $0x4  }
0x13e: {  	[tilespmem:$0x1FB90] =	vst v0;
	v0 =	vld [tilespmem:s19+$0xBA0];
	_ =	sdelay $0x4  }
0x13f: {  	[tilespmem:$0x1FBA0] =	vst v0;
	v0 =	vld [tilespmem:s19+$0xBB0];
	_ =	sdelay $0x4  }
0x140: {  	[tilespmem:$0x1FBB0] =	vst v0;
	v0 =	vld [tilespmem:s19+$0xBC0];
	_ =	sdelay $0x4  }
0x141: {  	[tilespmem:$0x1FBC0] =	vst v0;
	v0 =	vld [tilespmem:s19+$0xBD0];
	_ =	sdelay $0x4  }
0x142: {  	[tilespmem:$0x1FBD0] =	vst v0;
	v0 =	vld [tilespmem:s19+$0x740];
	_ =	sdelay $0x4  }
0x143: {  	[tilespmem:$0x1FA00] =	vst v0;
	v0 =	vld [tilespmem:s19+$0x750];
	_ =	sdelay $0x4  }
0x144: {  	[tilespmem:$0x1FA10] =	vst v0;
	v0 =	vld [tilespmem:s19+$0x760];
	_ =	sdelay $0x4  }
0x145: {  	[tilespmem:$0x1FA20] =	vst v0;
	v0 =	vld [tilespmem:s19+$0x770];
	_ =	sdelay $0x4  }
0x146: {  	[tilespmem:$0x1FA30] =	vst v0;
	v0 =	vld [tilespmem:s19+$0xB00];
	_ =	sdelay $0x4  }
0x147: {  	[tilespmem:$0x1FBE0] =	vst v0;
	v0 =	vld [tilespmem:s19+$0xB10];
	_ =	sdelay $0x4  }
0x148: {  	[tilespmem:$0x1FBF0] =	vst v0;
	v0 =	vld [tilespmem:s19+$0xB20];
	_ =	sdelay $0x4  }
0x149: {  	[tilespmem:$0x1FC00] =	vst v0;
	v0 =	vld [tilespmem:s19+$0xB30];
	_ =	sdelay $0x4  }
0x14a: {  	[tilespmem:$0x1FC10] =	vst v0;
	v0 =	vld [tilespmem:s19+$0xB40];
	_ =	sdelay $0x4  }
0x14b: {  	[tilespmem:$0x1FC20] =	vst v0;
	v0 =	vld [tilespmem:s19+$0xB50];
	_ =	sdelay $0x4  }
0x14c: {  	[tilespmem:$0x1FC30] =	vst v0;
	v0 =	vld [tilespmem:s19+$0x6C0];
	_ =	sdelay $0x4  }
0x14d: {  	[tilespmem:$0x1F9C0] =	vst v0;
	v0 =	vld [tilespmem:s19+$0x6D0];
	_ =	sdelay $0x4  }
0x14e: {  	[tilespmem:$0x1F9D0] =	vst v0;
	v0 =	vld [tilespmem:s19+$0x6E0];
	_ =	sdelay $0x4  }
0x14f: {  	[tilespmem:$0x1F9E0] =	vst v0;
	v0 =	vld [tilespmem:s19+$0x6F0];
	_ =	sdelay $0x4  }
0x150: {  	[tilespmem:$0x1F9F0] =	vst v0;
	v0 =	vld [tilespmem:s19+$0xA80];
	_ =	sdelay $0x4  }
0x151: {  	[tilespmem:$0x1FB00] =	vst v0;
	v0 =	vld [tilespmem:s19+$0xA90];
	_ =	sdelay $0x4  }
0x152: {  	[tilespmem:$0x1FB10] =	vst v0;
	v0 =	vld [tilespmem:s19+$0xAA0];
	_ =	sdelay $0x4  }
0x153: {  	[tilespmem:$0x1FB20] =	vst v0;
	v0 =	vld [tilespmem:s19+$0xAB0];
	_ =	sdelay $0x3  }
0x154: {  	v8 =	vld [tilespmem:$0x1FCA0]  }
0x155: {  	[tilespmem:$0x1FB30] =	vst v0;
	v0 =	vld [tilespmem:s19+$0xAC0]  }
0x156: {  	v6 =	vld [tilespmem:$0x1FC80]  }
0x157: {  	v52 =	vld [tilespmem:s19+$0x380]  }
0x158: {  	v47 =	vld [tilespmem:s19+$0x390]  }
0x159: {  	v22 =	vld [tilespmem:s19+$0x3A0]  }
0x15a: {  	[tilespmem:$0x1FC40] =	vst v0;
	v0 =	vld [tilespmem:s19+$0xAD0]  }
0x15b: {  	v25 =	vld [tilespmem:s19+$0x3B0]  }
0x15c: {  	v59 =	vld [tilespmem:s19+$0x3C0]  }
0x15d: {  	v56 =	vld [tilespmem:s19+$0x3D0]  }
0x15e: {  	v58 =	vld [tilespmem:s19+$0x3E0]  }
0x15f: {  	[tilespmem:$0x1FC50] =	vst v0;
	v0 =	vld [tilespmem:s19+$0xA00]  }
0x160: {  	v57 =	vld [tilespmem:s19+$0x3F0]  }
0x161: {  	v28 =	vld [tilespmem:s19+$0x300]  }
0x162: {  	v36 =	vld [tilespmem:s19+$0x330]  }
0x163: {  	v23 =	vld [tilespmem:s19+$0x340]  }
0x164: {  	[tilespmem:$0x1FAC0] =	vst v0;
	v0 =	vld [tilespmem:s19+$0xA10]  }
0x165: {  	v18 =	vld [tilespmem:s19+$0x350]  }
0x166: {  	v24 =	vld [tilespmem:s19+$0x360]  }
0x167: {  	v19 =	vld [tilespmem:s19+$0x370]  }
0x168: {  	v62 =	vld [tilespmem:s19+$0x700]  }
0x169: {  	[tilespmem:$0x1FAD0] =	vst v0;
	v0 =	vld [tilespmem:s19+$0xA20]  }
0x16a: {  	v60 =	vld [tilespmem:s19+$0x710]  }
0x16b: {  	v40 =	vld [tilespmem:s19+$0x280]  }
0x16c: {  	v44 =	vld [tilespmem:s19+$0x290]  }
0x16d: {  	v41 =	vld [tilespmem:s19+$0x2A0]  }
0x16e: {  	[tilespmem:$0x1FAE0] =	vst v0;
	v0 =	vld [tilespmem:s19+$0xA30]  }
0x16f: {  	v30 =	vld [tilespmem:s19+$0x2D0]  }
0x170: {  	v29 =	vld [tilespmem:s19+$0x2E0]  }
0x171: {  	v31 =	vld [tilespmem:s19+$0x2F0]  }
0x172: {  	v49 =	vld [tilespmem:s19+$0x680]  }
0x173: {  	[tilespmem:$0x1FAF0] =	vst v0;
	v0 =	vld [tilespmem:s19+$0xA40]  }
0x174: {  	v43 =	vld [tilespmem:s19+$0x200]  }
0x175: {  	v45 =	vld [tilespmem:s19+$0x210]  }
0x176: {  	v16 =	vld [tilespmem:s19+$0x220]  }
0x177: {  	v3 =	vld [tilespmem:s19+$0x0]  }
0x178: {  	[tilespmem:$0x1FC60] =	vst v0;
	v0 =	vld [tilespmem:s19+$0xA50]  }
0x179: {  	v2 =	vld [tilespmem:s19+$0x20]  }
0x17a: {  	v15 =	vld [tilespmem:s19+$0x230]  }
0x17b: {  	v1 =	vld [tilespmem:s19+$0x30]  }
0x17c: {  	v3 =	vadd.f32 v3, v6;
	v6 =	vld [tilespmem:$0x1FC90]  }
0x17d: {  	[tilespmem:$0x1FC70] =	vst v0;
	v0 =	vld [tilespmem:s19+$0x10]  }
0x17e: {  	v2 =	vadd.f32 v2, v8;
	v8 =	vld [tilespmem:$0x1FCB0]  }
0x17f: {  	v9 =	vld [tilespmem:s19+$0x90]  }
0x180: {  	v4 =	vld [tilespmem:s19+$0xB0]  }
0x181: {  	v5 =	vld [tilespmem:s19+$0xA0]  }
0x182: {  	v0 =	vadd.f32 v0, v6;
	v6 =	vld [tilespmem:s19+$0x130]  }
0x183: {  	v7 =	vld [tilespmem:s19+$0x120];
	v1 =	vadd.f32 v1, v8  }
0x184: {  	v0 =	vadd.f32 v9, v0;
	v9 =	vld [tilespmem:s19+$0x1B0]  }
0x185: {  	v8 =	vld [tilespmem:s19+$0x1A0];
	v1 =	vadd.f32 v4, v1  }
0x186: {  	v37 =	vld [tilespmem:s19+$0x240];
	v2 =	vadd.f32 v5, v2  }
0x187: {  	v10 =	vld [tilespmem:s19+$0x80];
	v1 =	vadd.f32 v6, v1  }
0x188: {  	v42 =	vld [tilespmem:s19+$0x2B0];
	v2 =	vadd.f32 v7, v2  }
0x189: {  	v12 =	vld [tilespmem:s19+$0x100];
	v1 =	vadd.f32 v9, v1  }
0x18a: {  	v14 =	vld [tilespmem:s19+$0x180];
	v2 =	vadd.f32 v8, v2  }
0x18b: {  	v34 =	vld [tilespmem:s19+$0x320];
	v1 =	vadd.f32 v15, v1  }
0x18c: {  	v11 =	vld [tilespmem:s19+$0x110];
	v3 =	vadd.f32 v10, v3;
	v2 =	vadd.f32 v16, v2  }
0x18d: {  	v32 =	vld [tilespmem:s19+$0x260];
	v1 =	vadd.f32 v42, v1  }
0x18e: {  	v13 =	vld [tilespmem:s19+$0x190];
	v3 =	vadd.f32 v12, v3;
	v2 =	vadd.f32 v41, v2  }
0x18f: {  	v20 =	vld [tilespmem:s19+$0x600];
	v1 =	vadd.f32 v36, v1  }
0x190: {  	v33 =	vld [tilespmem:s19+$0x2C0];
	v3 =	vadd.f32 v14, v3;
	v2 =	vadd.f32 v34, v2  }
0x191: {  	v10 =	vld [tilespmem:s19+$0xC0];
	v0 =	vadd.f32 v11, v0;
	v1 =	vadd.f32 v25, v1  }
0x192: {  	v3 =	vadd.f32 v43, v3;
	v43 =	vld [tilespmem:s19+$0x40];
	v2 =	vadd.f32 v22, v2  }
0x193: {  	v0 =	vadd.f32 v13, v0;
	[tilespmem:$0x1FCB0] =	vst v1;
	v1 =	vld [tilespmem:$0x1FCD0]  }
0x194: {  	[tilespmem:$0x1FCA0] =	vst v2;
	v2 =	vld [tilespmem:$0x1FCF0]  }
0x195: {  	v0 =	vadd.f32 v45, v0;
	v45 =	vld [tilespmem:s19+$0x50]  }
0x196: {  	v8 =	vld [tilespmem:s19+$0xD0]  }
0x197: {  	v6 =	vld [tilespmem:s19+$0x140]  }
0x198: {  	v7 =	vld [tilespmem:s19+$0x150];
	v1 =	vadd.f32 v43, v1  }
0x199: {  	v4 =	vld [tilespmem:s19+$0x1C0];
	v3 =	vadd.f32 v40, v3  }
0x19a: {  	v35 =	vld [tilespmem:s19+$0x310];
	v2 =	vadd.f32 v45, v2;
	v1 =	vadd.f32 v10, v1  }
0x19b: {  	v5 =	vld [tilespmem:s19+$0x1D0];
	v3 =	vadd.f32 v28, v3  }
0x19c: {  	v13 =	vld [tilespmem:s19+$0x70];
	v2 =	vadd.f32 v8, v2;
	v1 =	vadd.f32 v6, v1  }
0x19d: {  	v38 =	vld [tilespmem:s19+$0x250];
	v3 =	vadd.f32 v52, v3  }
0x19e: {  	v15 =	vld [tilespmem:s19+$0xF0];
	v2 =	vadd.f32 v7, v2;
	v1 =	vadd.f32 v4, v1  }
0x19f: {  	v39 =	vld [tilespmem:s19+$0x270]  }
0x1a0: {  	[tilespmem:$0x1FC80] =	vst v3;
	v3 =	vld [tilespmem:s19+$0x170];
	v2 =	vadd.f32 v5, v2;
	v1 =	vadd.f32 v37, v1  }
0x1a1: {  	v12 =	vld [tilespmem:s19+$0x60];
	v0 =	vadd.f32 v44, v0;
	v42 =	vadd.f32 v13, v55  }
0x1a2: {  	v2 =	vadd.f32 v38, v2;
	v43 =	vld [tilespmem:s19+$0x1F0];
	v1 =	vadd.f32 v33, v1  }
0x1a3: {  	v41 =	vld [tilespmem:$0x1FD10];
	v0 =	vadd.f32 v35, v0;
	v44 =	vadd.f32 v15, v42  }
0x1a4: {  	v14 =	vld [tilespmem:s19+$0xE0];
	v2 =	vadd.f32 v30, v2;
	v1 =	vadd.f32 v23, v1  }
0x1a5: {  	v28 =	vld [tilespmem:s19+$0x410];
	v0 =	vadd.f32 v47, v0;
	v3 =	vadd.f32 v3, v44  }
0x1a6: {  	v25 =	vld [tilespmem:s19+$0x400];
	v2 =	vadd.f32 v18, v2;
	v1 =	vadd.f32 v59, v1  }
0x1a7: {  	[tilespmem:$0x1FC90] =	vst v0;
	v0 =	vld [tilespmem:s19+$0x160];
	v3 =	vadd.f32 v43, v3  }
0x1a8: {  	v9 =	vadd.f32 v12, v41;
	[tilespmem:$0x1FCD0] =	vst v1;
	v1 =	vadd.f32 v56, v2;
	v2 =	vld [tilespmem:$0x1FD80]  }
0x1a9: {  	v12 =	vld [tilespmem:s19+$0x1E0];
	v3 =	vadd.f32 v39, v3  }
0x1aa: {  	v9 =	vadd.f32 v14, v9;
	v5 =	vld [tilespmem:s19+$0x480]  }
0x1ab: {  	v16 =	vld [tilespmem:s19+$0x500];
	v3 =	vadd.f32 v31, v3  }
0x1ac: {  	v22 =	vld [tilespmem:s19+$0x490];
	v0 =	vadd.f32 v0, v9  }
0x1ad: {  	v45 =	vld [tilespmem:s19+$0x580];
	v3 =	vadd.f32 v19, v3;
	v2 =	vadd.f32 v25, v2  }
0x1ae: {  	v0 =	vadd.f32 v12, v0;
	v12 =	vld [tilespmem:s19+$0x420]  }
0x1af: {  	v55 =	vadd.f32 v57, v3;
	v3 =	vld [tilespmem:$0x1FDA0];
	v2 =	vadd.f32 v5, v2  }
0x1b0: {  	v0 =	vadd.f32 v32, v0;
	v31 =	vld [tilespmem:$0x1FDC0]  }
0x1b1: {  	v14 =	vld [tilespmem:s19+$0x4A0];
	v2 =	vadd.f32 v16, v2  }
0x1b2: {  	v13 =	vld [tilespmem:s19+$0x430];
	v0 =	vadd.f32 v29, v0  }
0x1b3: {  	v4 =	vld [tilespmem:s19+$0x510];
	v2 =	vadd.f32 v45, v2  }
0x1b4: {  	v47 =	vld [tilespmem:s19+$0x590];
	v0 =	vadd.f32 v24, v0;
	v3 =	vadd.f32 v28, v3  }
0x1b5: {  	v10 =	vadd.f32 v12, v31;
	v12 =	vld [tilespmem:$0x1FDE0];
	v2 =	vadd.f32 v20, v2  }
0x1b6: {  	v39 =	vld [tilespmem:$0x1F980];
	v0 =	vadd.f32 v58, v0;
	v3 =	vadd.f32 v22, v3  }
0x1b7: {  	v26 =	vld [tilespmem:s19+$0x610];
	v2 =	vadd.f32 v49, v2  }
0x1b8: {  	[tilespmem:$0x1FD10] =	vst v0;
	v0 =	vld [tilespmem:s19+$0x520];
	v3 =	vadd.f32 v4, v3  }
0x1b9: {  	v46 =	vld [tilespmem:s19+$0x690];
	v2 =	vadd.f32 v62, v2  }
0x1ba: {  	v12 =	vadd.f32 v13, v12;
	v13 =	vld [tilespmem:s19+$0x5A0];
	v3 =	vadd.f32 v47, v3  }
0x1bb: {  	v21 =	vld [tilespmem:s19+$0x620];
	v32 =	vadd.f32 v14, v10;
	v2 =	vadd.f32 v39, v2  }
0x1bc: {  	[tilespmem:$0x1FCF0] =	vst v1;
	v1 =	vld [tilespmem:s19+$0x4B0];
	v3 =	vadd.f32 v26, v3  }
0x1bd: {  	v0 =	vadd.f32 v0, v32;
	[tilespmem:$0x1FD80] =	vst v2;
	v2 =	vld [tilespmem:$0x1F990]  }
0x1be: {  	v48 =	vld [tilespmem:s19+$0x6A0];
	v3 =	vadd.f32 v46, v3  }
0x1bf: {  	v30 =	vld [tilespmem:s19+$0x530];
	v0 =	vadd.f32 v13, v0  }
0x1c0: {  	v63 =	vld [tilespmem:s19+$0x720];
	v3 =	vadd.f32 v60, v3  }
0x1c1: {  	v5 =	vld [tilespmem:s19+$0x5B0];
	v0 =	vadd.f32 v21, v0  }
0x1c2: {  	v1 =	vadd.f32 v1, v12;
	v2 =	vadd.f32 v2, v3;
	v3 =	vld [tilespmem:$0x1F9A0]  }
0x1c3: {  	v27 =	vld [tilespmem:s19+$0x630];
	v0 =	vadd.f32 v48, v0  }
0x1c4: {  	v1 =	vadd.f32 v30, v1  }
0x1c5: {  	v17 =	vld [tilespmem:s19+$0x6B0];
	v0 =	vadd.f32 v63, v0  }
0x1c6: {  	v1 =	vadd.f32 v5, v1  }
0x1c7: {  	v61 =	vld [tilespmem:s19+$0x730];
	v0 =	vadd.f32 v3, v0  }
0x1c8: {  	v54 =	vld [tilespmem:s19+$0x640];
	v1 =	vadd.f32 v27, v1  }
0x1c9: {  	[tilespmem:$0x1FDC0] =	vst v0;
	v0 =	vld [tilespmem:$0x1F9B0]  }
0x1ca: {  	v50 =	vld [tilespmem:s19+$0x650];
	v1 =	vadd.f32 v17, v1  }
0x1cb: {  	v53 =	vld [tilespmem:s19+$0x660]  }
0x1cc: {  	v40 =	vld [tilespmem:$0x1FEF0];
	v1 =	vadd.f32 v61, v1  }
0x1cd: {  	v34 =	vld [tilespmem:s19+$0x540]  }
0x1ce: {  	v41 =	vld [tilespmem:$0x1FF10];
	v0 =	vadd.f32 v0, v1  }
0x1cf: {  	v37 =	vld [tilespmem:s19+$0x440]  }
0x1d0: {  	[tilespmem:$0x1FDE0] =	vst v0;
	v0 =	vld [tilespmem:$0x1FEB0]  }
0x1d1: {  	v35 =	vld [tilespmem:s19+$0x550]  }
0x1d2: {  	v36 =	vld [tilespmem:s19+$0x4C0]  }
0x1d3: {  	v38 =	vld [tilespmem:s19+$0x450]  }
0x1d4: {  	v1 =	vld [tilespmem:$0x1FED0]  }
0x1d5: {  	v33 =	vld [tilespmem:s19+$0x5C0];
	v0 =	vadd.f32 v37, v0  }
0x1d6: {  	v5 =	vld [tilespmem:s19+$0x4D0]  }
0x1d7: {  	v13 =	vld [tilespmem:s19+$0x470];
	v0 =	vadd.f32 v36, v0  }
0x1d8: {  	v15 =	vld [tilespmem:s19+$0x4F0]  }
0x1d9: {  	v4 =	vld [tilespmem:s19+$0x5D0];
	v1 =	vadd.f32 v38, v1;
	v0 =	vadd.f32 v34, v0  }
0x1da: {  	v49 =	vld [tilespmem:$0x1F9C0]  }
0x1db: {  	v12 =	vld [tilespmem:s19+$0x460];
	v1 =	vadd.f32 v5, v1;
	v0 =	vadd.f32 v33, v0  }
0x1dc: {  	v11 =	vadd.f32 v13, v41;
	v13 =	vld [tilespmem:$0x1FA00]  }
0x1dd: {  	v14 =	vld [tilespmem:s19+$0x4E0];
	v1 =	vadd.f32 v35, v1;
	v0 =	vadd.f32 v54, v0  }
0x1de: {  	v43 =	vadd.f32 v15, v11;
	v15 =	vld [tilespmem:$0x1FA40]  }
0x1df: {  	[tilespmem:$0x1FDA0] =	vst v2;
	v2 =	vld [tilespmem:s19+$0x560];
	v1 =	vadd.f32 v4, v1;
	v0 =	vadd.f32 v49, v0  }
0x1e0: {  	v9 =	vadd.f32 v12, v40;
	v12 =	vld [tilespmem:s19+$0x5E0]  }
0x1e1: {  	v1 =	vadd.f32 v50, v1;
	v50 =	vld [tilespmem:$0x1F9D0];
	v0 =	vadd.f32 v13, v0  }
0x1e2: {  	v51 =	vld [tilespmem:s19+$0x670];
	v42 =	vadd.f32 v14, v9  }
0x1e3: {  	v13 =	vld [tilespmem:$0x1FA10];
	v0 =	vadd.f32 v15, v0  }
0x1e4: {  	v52 =	vld [tilespmem:s19+$0x930];
	v2 =	vadd.f32 v2, v42  }
0x1e5: {  	[tilespmem:$0x1FEB0] =	vst v0;
	v0 =	vld [tilespmem:$0x1FA50]  }
0x1e6: {  	v2 =	vadd.f32 v12, v2;
	v12 =	vld [tilespmem:$0x1F9E0];
	v1 =	vadd.f32 v50, v1  }
0x1e7: {  	v3 =	vld [tilespmem:s19+$0x570]  }
0x1e8: {  	v14 =	vld [tilespmem:$0x1FA20];
	v1 =	vadd.f32 v13, v1  }
0x1e9: {  	v2 =	vadd.f32 v53, v2;
	v5 =	vld [tilespmem:s19+$0x5F0]  }
0x1ea: {  	v0 =	vadd.f32 v0, v1;
	v1 =	vld [tilespmem:$0x1FA60]  }
0x1eb: {  	v44 =	vld [tilespmem:s19+$0x980];
	v2 =	vadd.f32 v12, v2  }
0x1ec: {  	v58 =	vld [tilespmem:$0x1FAC0];
	v3 =	vadd.f32 v3, v43  }
0x1ed: {  	v12 =	vld [tilespmem:$0x1F9F0];
	v2 =	vadd.f32 v14, v2  }
0x1ee: {  	v59 =	vld [tilespmem:$0x1FAD0];
	v3 =	vadd.f32 v5, v3  }
0x1ef: {  	v14 =	vld [tilespmem:$0x1FA30];
	v1 =	vadd.f32 v1, v2  }
0x1f0: {  	v47 =	vld [tilespmem:s19+$0x890];
	v3 =	vadd.f32 v51, v3  }
0x1f1: {  	[tilespmem:$0x1FEF0] =	vst v1;
	v1 =	vld [tilespmem:$0x1FA70]  }
0x1f2: {  	v45 =	vld [tilespmem:s19+$0x990];
	v3 =	vadd.f32 v12, v3  }
0x1f3: {  	v48 =	vld [tilespmem:s19+$0x800]  }
0x1f4: {  	v53 =	vld [tilespmem:$0x1FAA0];
	v3 =	vadd.f32 v14, v3  }
0x1f5: {  	v51 =	vld [tilespmem:s19+$0x810]  }
0x1f6: {  	v12 =	vld [tilespmem:s19+$0x820];
	v1 =	vadd.f32 v1, v3  }
0x1f7: {  	v3 =	vld [tilespmem:$0x1FA90]  }
0x1f8: {  	[tilespmem:$0x1FF10] =	vst v1;
	v1 =	vld [tilespmem:$0x1FA80]  }
0x1f9: {  	v46 =	vld [tilespmem:s19+$0x900]  }
0x1fa: {  	v5 =	vld [tilespmem:s19+$0x880]  }
0x1fb: {  	v4 =	vld [tilespmem:s19+$0x910]  }
0x1fc: {  	v10 =	vadd.f32 v12, v53;
	v12 =	vld [tilespmem:$0x1FAB0]  }
0x1fd: {  	v13 =	vld [tilespmem:s19+$0x830];
	v3 =	vadd.f32 v51, v3;
	v1 =	vadd.f32 v48, v1  }
0x1fe: {  	v60 =	vld [tilespmem:$0x1FAE0]  }
0x1ff: {  	v14 =	vld [tilespmem:s19+$0x8A0];
	v3 =	vadd.f32 v47, v3;
	v1 =	vadd.f32 v5, v1  }
0x200: {  	v63 =	vld [tilespmem:$0x1FB10]  }
0x201: {  	v2 =	vld [tilespmem:s19+$0x920];
	v4 =	vadd.f32 v4, v3;
	v6 =	vadd.f32 v46, v1  }
0x202: {  	v62 =	vld [tilespmem:$0x1FB00];
	v12 =	vadd.f32 v13, v12  }
0x203: {  	v13 =	vld [tilespmem:s19+$0x9A0];
	v4 =	vadd.f32 v45, v4;
	v6 =	vadd.f32 v44, v6  }
0x204: {  	v54 =	vadd.f32 v14, v10;
	[tilespmem:$0x1FED0] =	vst v0;
	v0 =	vld [tilespmem:s19+$0x8B0]  }
0x205: {  	v61 =	vld [tilespmem:$0x1FAF0];
	v4 =	vadd.f32 v59, v4;
	v6 =	vadd.f32 v58, v6  }
0x206: {  	v38 =	vld [tilespmem:s19+$0x850];
	v8 =	vadd.f32 v2, v54  }
0x207: {  	v59 =	vadd.f32 v62, v6;
	v62 =	vadd.f32 v63, v4;
	v4 =	vld [tilespmem:$0x1FB20]  }
0x208: {  	v57 =	vadd.f32 v13, v8;
	v5 =	vld [tilespmem:s19+$0x9B0]  }
0x209: {  	v33 =	vld [tilespmem:s19+$0x8C0];
	v56 =	vadd.f32 v0, v12  }
0x20a: {  	v14 =	vld [tilespmem:s19+$0x8D0];
	v7 =	vadd.f32 v60, v57  }
0x20b: {  	v0 =	vld [tilespmem:s19+$0x9C0];
	v9 =	vadd.f32 v52, v56  }
0x20c: {  	p0 =	sne.s32 s18, $0x27000;
	v63 =	vadd.f32 v4, v7;
	v4 =	vld [tilespmem:$0x1FB30]  }
.Ltmp0:
0x20d: {  	v12 =	vld [tilespmem:s19+$0x840];
	v5 =	vadd.f32 v5, v9;
	(pc) =	sbr.rel @p0 .LBB2_3-.Ltmp0, $4  }
0x20e: {  	v2 =	vld [tilespmem:s19+$0x940]  }
0x20f: {  	v3 =	vld [tilespmem:s19+$0x950];
	v5 =	vadd.f32 v61, v5  }
0x210: {  	v1 =	vld [tilespmem:s19+$0x9D0]  }
0x211: {  	s18 =	sadd.s32 $0x3000, s18;
	v58 =	vld [tilespmem:s19+$0x860];
	v60 =	vadd.f32 v4, v5  }
0x212: {  	v43 =	vld [tilespmem:s19+$0x870]  }
0x213: {  	v45 =	vld [tilespmem:s19+$0x8E0]  }
0x214: {  	v13 =	vld [tilespmem:s19+$0x8F0]  }
0x215: {  	v16 =	vld [tilespmem:s19+$0x960]  }
0x216: {  	v17 =	vld [tilespmem:s19+$0x970]  }
0x217: {  	v18 =	vld [tilespmem:s19+$0x9E0]  }
0x218: {  	v19 =	vld [tilespmem:s19+$0x9F0]  }
0x219: {  	v20 =	vld [tilespmem:s19+$0xA60]  }
0x21a: {  	v21 =	vld [tilespmem:s19+$0xA70]  }
0x21b: {  	v27 =	vld [tilespmem:s19+$0xAE0];
	s18 =	sadd.s32 s3, s17;
	p0 =	seq.s32 s17, $0xD  }
0x21c: {  	v22 =	vld [tilespmem:s19+$0xAF0];
	s18 =	smul.u32 @!p0 $0x15000, s18  }
0x21d: {  	v28 =	vld [tilespmem:s19+$0xB60]  }
0x21e: {  	v29 =	vld [tilespmem:s19+$0xB70];
	s20 =	sadd.s32 @!p0 s18, s7  }
0x21f: {  	v44 =	vld [tilespmem:s19+$0xBE0];
	s20 =	sshrl.u32 @!p0 s20, $0x3  }
0x220: {  	v30 =	vld [tilespmem:s19+$0xBF0];
	s19 =	sadd.s32 @!p0 s2, s20;
	s20 =	simm.s32 @!p0 $0x0  }
0x221: {  	[tilespmem:s20], [sflag:$0x1] =	stream.linear.gather @!p0 [hbm4b:s19+s20], $0xA800, $0x38;
	[tilespmem:$0x15C00] =	vst v63  }
0x222: {  	_ =	swait.ge [sflag:s13], $0xA800  }
0x223: {  	[sflag:s13] =	ssyncset.done $0x0  }
0x224: {  	s19 =	simm.s32 $0x0;
	[sflag:s13] =	ssyncadd.s32 $0xFFFF5800  }
0x225: {  	v4 =	vld [tilespmem:s19+$0xABC0];
	_ =	sdelay $0x4  }
0x226: {  	[tilespmem:$0x1F6F0] =	vst v4;
	v4 =	vld [tilespmem:s19+$0xABD0];
	_ =	sdelay $0x4  }
0x227: {  	[tilespmem:$0x1F700] =	vst v4;
	v4 =	vld [tilespmem:s19+$0xABE0];
	_ =	sdelay $0x4  }
0x228: {  	[tilespmem:$0x1F710] =	vst v4;
	v4 =	vld [tilespmem:s19+$0xABF0];
	_ =	sdelay $0x4  }
0x229: {  	[tilespmem:$0x1F720] =	vst v4;
	v4 =	vld [tilespmem:s19+$0xAF80];
	_ =	sdelay $0x4  }
0x22a: {  	[tilespmem:$0x1F7B0] =	vst v4;
	v4 =	vld [tilespmem:s19+$0xAF90];
	_ =	sdelay $0x4  }
0x22b: {  	[tilespmem:$0x1F7C0] =	vst v4;
	v4 =	vld [tilespmem:s19+$0xAFA0];
	_ =	sdelay $0x4  }
0x22c: {  	[tilespmem:$0x1F7D0] =	vst v4;
	v4 =	vld [tilespmem:s19+$0xAFB0];
	_ =	sdelay $0x4  }
0x22d: {  	[tilespmem:$0x1F7E0] =	vst v4;
	v4 =	vld [tilespmem:s19+$0xAFC0];
	_ =	sdelay $0x4  }
0x22e: {  	[tilespmem:$0x1F8A0] =	vst v4;
	v4 =	vld [tilespmem:s19+$0xAFD0];
	_ =	sdelay $0x4  }
0x22f: {  	[tilespmem:$0x1F8B0] =	vst v4;
	v4 =	vld [tilespmem:s19+$0xAFE0];
	_ =	sdelay $0x4  }
0x230: {  	[tilespmem:$0x1F8C0] =	vst v4;
	v4 =	vld [tilespmem:s19+$0xAFF0];
	_ =	sdelay $0x4  }
0x231: {  	[tilespmem:$0x1F8D0] =	vst v4;
	v4 =	vld [tilespmem:s19+$0xB380];
	_ =	sdelay $0x4  }
0x232: {  	[tilespmem:$0x1F610] =	vst v4;
	v4 =	vld [tilespmem:s19+$0xB390];
	_ =	sdelay $0x4  }
0x233: {  	[tilespmem:$0x1F620] =	vst v4;
	v4 =	vld [tilespmem:s19+$0xB3A0];
	_ =	sdelay $0x4  }
0x234: {  	[tilespmem:$0x1F630] =	vst v4;
	v4 =	vld [tilespmem:s19+$0xB3B0];
	_ =	sdelay $0x4  }
0x235: {  	[tilespmem:$0x1F640] =	vst v4;
	v4 =	vld [tilespmem:s19+$0xAB60];
	_ =	sdelay $0x4  }
0x236: {  	[tilespmem:$0x1F6E0] =	vst v4;
	v4 =	vld [tilespmem:s19+$0xAF00];
	_ =	sdelay $0x4  }
0x237: {  	[tilespmem:$0x1F770] =	vst v4;
	v4 =	vld [tilespmem:s19+$0xAF10];
	_ =	sdelay $0x4  }
0x238: {  	[tilespmem:$0x1F780] =	vst v4;
	v4 =	vld [tilespmem:s19+$0xAF20];
	_ =	sdelay $0x4  }
0x239: {  	[tilespmem:$0x1F790] =	vst v4;
	v4 =	vld [tilespmem:s19+$0xAF30];
	_ =	sdelay $0x4  }
0x23a: {  	[tilespmem:$0x1F7A0] =	vst v4;
	v4 =	vld [tilespmem:s19+$0xAF40];
	_ =	sdelay $0x4  }
0x23b: {  	[tilespmem:$0x1F860] =	vst v4;
	v4 =	vld [tilespmem:s19+$0xAF50];
	_ =	sdelay $0x4  }
0x23c: {  	[tilespmem:$0x1F870] =	vst v4;
	v4 =	vld [tilespmem:s19+$0xAF60];
	_ =	sdelay $0x4  }
0x23d: {  	[tilespmem:$0x1F880] =	vst v4;
	v4 =	vld [tilespmem:s19+$0xAF70];
	_ =	sdelay $0x4  }
0x23e: {  	[tilespmem:$0x1F890] =	vst v4;
	v4 =	vld [tilespmem:s19+$0xB300];
	_ =	sdelay $0x4  }
0x23f: {  	[tilespmem:$0x1F650] =	vst v4;
	v4 =	vld [tilespmem:s19+$0xB310];
	_ =	sdelay $0x4  }
0x240: {  	[tilespmem:$0x1F660] =	vst v4;
	v4 =	vld [tilespmem:s19+$0xB320];
	_ =	sdelay $0x4  }
0x241: {  	[tilespmem:$0x1F670] =	vst v4;
	v4 =	vld [tilespmem:s19+$0xB330];
	_ =	sdelay $0x4  }
0x242: {  	[tilespmem:$0x1F680] =	vst v4;
	v4 =	vld [tilespmem:s19+$0xB340];
	_ =	sdelay $0x4  }
0x243: {  	[tilespmem:$0x1F690] =	vst v4;
	v4 =	vld [tilespmem:s19+$0xB350];
	_ =	sdelay $0x4  }
0x244: {  	[tilespmem:$0x1F6A0] =	vst v4;
	v4 =	vld [tilespmem:s19+$0xAE80];
	_ =	sdelay $0x4  }
0x245: {  	[tilespmem:$0x1F730] =	vst v4;
	v4 =	vld [tilespmem:s19+$0xAE90];
	_ =	sdelay $0x4  }
0x246: {  	[tilespmem:$0x1F740] =	vst v4;
	v4 =	vld [tilespmem:s19+$0xAEA0];
	_ =	sdelay $0x4  }
0x247: {  	[tilespmem:$0x1F750] =	vst v4;
	v4 =	vld [tilespmem:s19+$0xAEB0];
	_ =	sdelay $0x4  }
0x248: {  	[tilespmem:$0x1F760] =	vst v4;
	v4 =	vld [tilespmem:s19+$0xAEC0];
	_ =	sdelay $0x4  }
0x249: {  	[tilespmem:$0x1F820] =	vst v4;
	v4 =	vld [tilespmem:s19+$0xAED0];
	_ =	sdelay $0x4  }
0x24a: {  	[tilespmem:$0x1F830] =	vst v4;
	v4 =	vld [tilespmem:s19+$0xAEE0];
	_ =	sdelay $0x4  }
0x24b: {  	[tilespmem:$0x1F840] =	vst v4;
	v4 =	vld [tilespmem:s19+$0xAEF0];
	_ =	sdelay $0x4  }
0x24c: {  	[tilespmem:$0x1F850] =	vst v4;
	v4 =	vld [tilespmem:s19+$0xB280];
	_ =	sdelay $0x4  }
0x24d: {  	[tilespmem:$0x1F940] =	vst v4;
	v4 =	vld [tilespmem:s19+$0xB290];
	_ =	sdelay $0x4  }
0x24e: {  	[tilespmem:$0x1F950] =	vst v4;
	v4 =	vld [tilespmem:s19+$0xB2A0];
	_ =	sdelay $0x4  }
0x24f: {  	[tilespmem:$0x1F960] =	vst v4;
	v4 =	vld [tilespmem:s19+$0xB2B0];
	_ =	sdelay $0x4  }
0x250: {  	[tilespmem:$0x1F970] =	vst v4;
	v4 =	vld [tilespmem:s19+$0xB2C0];
	_ =	sdelay $0x4  }
0x251: {  	[tilespmem:$0x1F6B0] =	vst v4;
	v4 =	vld [tilespmem:s19+$0xB2D0];
	_ =	sdelay $0x4  }
0x252: {  	[tilespmem:$0x1F6C0] =	vst v4;
	v4 =	vld [tilespmem:s19+$0xAE40];
	_ =	sdelay $0x1  }
0x253: {  	v54 =	vld [tilespmem:$0x1FC00];
	_ =	sdelay $0x2  }
0x254: {  	[tilespmem:$0x1F7F0] =	vst v4;
	v4 =	vld [tilespmem:s19+$0xAE50];
	_ =	sdelay $0x1  }
0x255: {  	v63 =	vadd.f32 v54, v63;
	v54 =	vld [tilespmem:$0x1FC10];
	_ =	sdelay $0x2  }
0x256: {  	[tilespmem:$0x1F800] =	vst v4;
	v4 =	vld [tilespmem:s19+$0xAE60];
	_ =	sdelay $0x1  }
0x257: {  	v60 =	vadd.f32 v54, v60;
	v54 =	vld [tilespmem:s19+$0xB200];
	_ =	sdelay $0x2  }
0x258: {  	[tilespmem:$0x1F810] =	vst v4;
	v4 =	vld [tilespmem:$0x1FBE0];
	_ =	sdelay $0x1  }
0x259: {  	[tilespmem:$0x1F920] =	vst v54;
	v54 =	vld [tilespmem:$0x1FB80];
	_ =	sdelay $0x2  }
0x25a: {  	v59 =	vadd.f32 v4, v59;
	v4 =	vld [tilespmem:$0x1FBF0];
	_ =	sdelay $0x1  }
0x25b: {  	v54 =	vadd.f32 v54, v59;
	v59 =	vld [tilespmem:$0x1FB90];
	_ =	sdelay $0x2  }
0x25c: {  	v4 =	vadd.f32 v4, v62;
	_ =	sdelay $0x1  }
0x25d: {  	v4 =	vadd.f32 v59, v4;
	_ =	sdelay $0x1  }
0x25e: {  	[tilespmem:$0x1F8F0] =	vst v4;
	v4 =	vld [tilespmem:s19+$0xB210];
	_ =	sdelay $0x4  }
0x25f: {  	[tilespmem:$0x1F930] =	vst v4;
	v4 =	vld [tilespmem:$0x1FBA0];
	_ =	sdelay $0x4  }
0x260: {  	v4 =	vadd.f32 v4, v63;
	_ =	sdelay $0x1  }
0x261: {  	[tilespmem:$0x1F900] =	vst v4;
	v4 =	vld [tilespmem:$0x1FBB0];
	_ =	sdelay $0x4  }
0x262: {  	v4 =	vadd.f32 v4, v60;
	_ =	sdelay $0x1  }
0x263: {  	[tilespmem:$0x1F910] =	vst v4;
	v4 =	vld [tilespmem:$0x1FB40];
	_ =	sdelay $0x4  }
0x264: {  	v4 =	vadd.f32 v12, v4;
	v12 =	vld [tilespmem:$0x1FB70];
	_ =	sdelay $0x4  }
0x265: {  	[tilespmem:$0x1F8E0] =	vst v54;
	v54 =	vadd.f32 v38, v12;
	v12 =	vld [tilespmem:$0x1FB50];
	_ =	sdelay $0x4  }
0x266: {  	v58 =	vadd.f32 v58, v12;
	v12 =	vld [tilespmem:$0x1FB60];
	_ =	sdelay $0x3  }
0x267: {  	v4 =	vadd.f32 v33, v4  }
0x268: {  	v43 =	vadd.f32 v43, v12;
	v12 =	vld [tilespmem:$0x1FC60]  }
0x269: {  	v2 =	vadd.f32 v2, v4;
	_ =	sdelay $0x1  }
0x26a: {  	v0 =	vadd.f32 v0, v2  }
0x26b: {  	v54 =	vadd.f32 v14, v54  }
0x26c: {  	v0 =	vadd.f32 v12, v0;
	v12 =	vld [tilespmem:$0x1FC70]  }
0x26d: {  	v3 =	vadd.f32 v3, v54;
	_ =	sdelay $0x1  }
0x26e: {  	v1 =	vadd.f32 v1, v3;
	_ =	sdelay $0x1  }
0x26f: {  	v1 =	vadd.f32 v12, v1;
	v12 =	vld [tilespmem:$0x1FC40];
	_ =	sdelay $0x3  }
0x270: {  	v37 =	vld [tilespmem:s19+$0xAB80]  }
0x271: {  	v0 =	vadd.f32 v12, v0;
	v12 =	vld [tilespmem:$0x1FC50]  }
0x272: {  	v36 =	vld [tilespmem:s19+$0xAB90]  }
0x273: {  	v42 =	vld [tilespmem:s19+$0xABA0]  }
0x274: {  	v46 =	vld [tilespmem:s19+$0xABB0]  }
0x275: {  	v40 =	vld [tilespmem:s19+$0xAB00]  }
0x276: {  	v1 =	vadd.f32 v12, v1;
	v12 =	vld [tilespmem:$0x1FC20]  }
0x277: {  	v41 =	vld [tilespmem:s19+$0xAB10]  }
0x278: {  	v39 =	vld [tilespmem:s19+$0xAB20]  }
0x279: {  	v50 =	vld [tilespmem:s19+$0xAB30]  }
0x27a: {  	v57 =	vld [tilespmem:s19+$0xAB40]  }
0x27b: {  	v45 =	vadd.f32 v45, v58;
	v0 =	vadd.f32 v12, v0;
	v12 =	vld [tilespmem:$0x1FC30]  }
0x27c: {  	v61 =	vld [tilespmem:s19+$0xAB70]  }
0x27d: {  	v10 =	vld [tilespmem:s19+$0xAA80];
	v16 =	vadd.f32 v16, v45  }
0x27e: {  	v9 =	vld [tilespmem:s19+$0xAA90];
	v13 =	vadd.f32 v13, v43  }
0x27f: {  	v15 =	vld [tilespmem:s19+$0xAAA0];
	v3 =	vadd.f32 v18, v16  }
0x280: {  	v13 =	vadd.f32 v17, v13;
	v1 =	vadd.f32 v12, v1;
	v12 =	vld [tilespmem:$0x1FBC0]  }
0x281: {  	v11 =	vld [tilespmem:s19+$0xAAB0];
	v3 =	vadd.f32 v20, v3  }
0x282: {  	v32 =	vld [tilespmem:s19+$0xAAC0];
	v13 =	vadd.f32 v19, v13  }
0x283: {  	v35 =	vld [tilespmem:s19+$0xAAE0];
	v3 =	vadd.f32 v27, v3  }
0x284: {  	v20 =	vld [tilespmem:s19+$0xA810];
	v13 =	vadd.f32 v21, v13  }
0x285: {  	v3 =	vadd.f32 v28, v3;
	v28 =	vadd.f32 v12, v0;
	v12 =	vld [tilespmem:$0x1FC90]  }
0x286: {  	v6 =	vld [tilespmem:s19+$0xAA00];
	v13 =	vadd.f32 v22, v13  }
0x287: {  	v7 =	vld [tilespmem:s19+$0xAA30]  }
0x288: {  	v13 =	vadd.f32 v29, v13;
	v0 =	vld [tilespmem:$0x1FBD0]  }
0x289: {  	v21 =	vld [tilespmem:s19+$0xA820]  }
0x28a: {  	v30 =	vadd.f32 v30, v13;
	v13 =	vadd.f32 v20, v12;
	v12 =	vld [tilespmem:$0x1FCA0]  }
0x28b: {  	v16 =	vld [tilespmem:s19+$0xA880]  }
0x28c: {  	v19 =	vld [tilespmem:s19+$0xA800]  }
0x28d: {  	v33 =	vadd.f32 v0, v1;
	v1 =	vadd.f32 v44, v3;
	v3 =	vld [tilespmem:$0x1FC80]  }
0x28e: {  	v22 =	vld [tilespmem:s19+$0xA830]  }
0x28f: {  	v20 =	vadd.f32 v21, v12;
	v12 =	vld [tilespmem:$0x1FCB0]  }
0x290: {  	v17 =	vld [tilespmem:s19+$0xA900]  }
0x291: {  	v0 =	vld [tilespmem:s19+$0xA8B0]  }
0x292: {  	v58 =	vld [tilespmem:s19+$0xA980];
	v3 =	vadd.f32 v19, v3  }
0x293: {  	v19 =	vld [tilespmem:s19+$0xA930]  }
0x294: {  	v18 =	vld [tilespmem:s19+$0xA890];
	v3 =	vadd.f32 v16, v3;
	v21 =	vadd.f32 v22, v12  }
0x295: {  	v16 =	vld [tilespmem:s19+$0xA9B0]  }
0x296: {  	v27 =	vld [tilespmem:s19+$0xA8A0];
	v3 =	vadd.f32 v17, v3;
	v0 =	vadd.f32 v0, v21  }
0x297: {  	v2 =	vld [tilespmem:s19+$0xA910]  }
0x298: {  	[tilespmem:$0x1F6D0] =	vst v1;
	v1 =	vld [tilespmem:s19+$0xA920];
	v3 =	vadd.f32 v58, v3;
	v0 =	vadd.f32 v19, v0  }
0x299: {  	v4 =	vld [tilespmem:s19+$0xA990]  }
0x29a: {  	v22 =	vld [tilespmem:s19+$0xA9A0];
	v3 =	vadd.f32 v6, v3;
	v0 =	vadd.f32 v16, v0  }
0x29b: {  	v5 =	vld [tilespmem:s19+$0xAA10];
	v13 =	vadd.f32 v18, v13;
	v18 =	vadd.f32 v27, v20  }
0x29c: {  	v8 =	vld [tilespmem:s19+$0xAA20];
	v3 =	vadd.f32 v10, v3;
	v0 =	vadd.f32 v7, v0  }
0x29d: {  	v24 =	vld [tilespmem:s19+$0xAA40];
	v2 =	vadd.f32 v2, v13;
	v1 =	vadd.f32 v1, v18  }
0x29e: {  	v25 =	vld [tilespmem:s19+$0xAA60];
	v3 =	vadd.f32 v40, v3;
	v0 =	vadd.f32 v11, v0  }
0x29f: {  	v2 =	vadd.f32 v4, v2;
	v1 =	vadd.f32 v22, v1;
	v7 =	vld [tilespmem:s19+$0xA850]  }
0x2a0: {  	v0 =	vadd.f32 v50, v0;
	v50 =	vadd.f32 v37, v3;
	v3 =	vld [tilespmem:$0x1FCF0]  }
0x2a1: {  	v2 =	vadd.f32 v5, v2;
	v5 =	vld [tilespmem:s19+$0xA8D0]  }
0x2a2: {  	v17 =	vld [tilespmem:s19+$0xA940];
	v1 =	vadd.f32 v8, v1  }
0x2a3: {  	v2 =	vadd.f32 v9, v2;
	v9 =	vld [tilespmem:s19+$0xA870]  }
0x2a4: {  	v8 =	vld [tilespmem:s19+$0xA860];
	v1 =	vadd.f32 v15, v1  }
0x2a5: {  	v3 =	vadd.f32 v7, v3;
	v7 =	vld [tilespmem:$0x1FD10]  }
0x2a6: {  	v6 =	vld [tilespmem:s19+$0xA840];
	v1 =	vadd.f32 v39, v1  }
0x2a7: {  	v10 =	vld [tilespmem:s19+$0xA8E0]  }
0x2a8: {  	v42 =	vadd.f32 v42, v1;
	v1 =	vld [tilespmem:$0x1FCD0]  }
0x2a9: {  	v29 =	vadd.f32 v46, v0;
	v0 =	vld [tilespmem:s19+$0xA960]  }
0x2aa: {  	v2 =	vadd.f32 v41, v2;
	v16 =	vld [tilespmem:s19+$0xA8C0];
	v7 =	vadd.f32 v8, v7  }
0x2ab: {  	v8 =	vadd.f32 v9, v55;
	v9 =	vld [tilespmem:s19+$0xA9E0]  }
0x2ac: {  	v44 =	vadd.f32 v36, v2;
	v2 =	vld [tilespmem:s19+$0xA8F0];
	v7 =	vadd.f32 v10, v7  }
0x2ad: {  	v20 =	vld [tilespmem:s19+$0xA9C0];
	v1 =	vadd.f32 v6, v1  }
0x2ae: {  	v6 =	vld [tilespmem:s19+$0xA970];
	v0 =	vadd.f32 v0, v7  }
0x2af: {  	v4 =	vld [tilespmem:s19+$0xA950];
	v1 =	vadd.f32 v16, v1  }
0x2b0: {  	v3 =	vadd.f32 v5, v3;
	v5 =	vld [tilespmem:s19+$0xA9F0];
	v0 =	vadd.f32 v9, v0  }
0x2b1: {  	v12 =	vld [tilespmem:$0x1F6E0];
	v1 =	vadd.f32 v17, v1;
	v2 =	vadd.f32 v2, v8  }
0x2b2: {  	v26 =	vld [tilespmem:s19+$0xAA70];
	v0 =	vadd.f32 v25, v0  }
0x2b3: {  	v13 =	vld [tilespmem:s19+$0xA9D0];
	v1 =	vadd.f32 v20, v1;
	v2 =	vadd.f32 v6, v2  }
0x2b4: {  	v34 =	vld [tilespmem:s19+$0xAAF0];
	v0 =	vadd.f32 v35, v0  }
0x2b5: {  	v23 =	vld [tilespmem:s19+$0xAA50];
	v1 =	vadd.f32 v24, v1;
	v2 =	vadd.f32 v5, v2  }
0x2b6: {  	v3 =	vadd.f32 v4, v3;
	v0 =	vadd.f32 v12, v0;
	v12 =	vld [tilespmem:$0x1F6F0]  }
0x2b7: {  	v31 =	vld [tilespmem:s19+$0xAAD0];
	v1 =	vadd.f32 v32, v1;
	v2 =	vadd.f32 v26, v2  }
0x2b8: {  	v3 =	vadd.f32 v13, v3  }
0x2b9: {  	v56 =	vld [tilespmem:s19+$0xAB50];
	v1 =	vadd.f32 v57, v1;
	v2 =	vadd.f32 v34, v2  }
0x2ba: {  	v3 =	vadd.f32 v23, v3  }
0x2bb: {  	v2 =	vadd.f32 v61, v2;
	v61 =	vadd.f32 v12, v1;
	v1 =	vld [tilespmem:$0x1F700]  }
0x2bc: {  	v3 =	vadd.f32 v31, v3;
	_ =	sdelay $0x1  }
0x2bd: {  	v3 =	vadd.f32 v56, v3;
	_ =	sdelay $0x1  }
0x2be: {  	v54 =	vadd.f32 v1, v3;
	v3 =	vld [tilespmem:$0x1F710];
	_ =	sdelay $0x2  }
0x2bf: {  	v15 =	vld [tilespmem:s19+$0xAC30]  }
0x2c0: {  	v11 =	vld [tilespmem:s19+$0xAC10]  }
0x2c1: {  	v23 =	vadd.f32 v3, v0;
	v3 =	vld [tilespmem:$0x1FDA0]  }
0x2c2: {  	v16 =	vld [tilespmem:s19+$0xACA0]  }
0x2c3: {  	v13 =	vld [tilespmem:s19+$0xAC20]  }
0x2c4: {  	v0 =	vld [tilespmem:$0x1F720]  }
0x2c5: {  	v10 =	vld [tilespmem:s19+$0xAC00]  }
0x2c6: {  	v3 =	vadd.f32 v11, v3;
	v11 =	vld [tilespmem:$0x1FDC0]  }
0x2c7: {  	v12 =	vld [tilespmem:$0x1FDE0]  }
0x2c8: {  	v9 =	vld [tilespmem:s19+$0xAC90]  }
0x2c9: {  	v27 =	vadd.f32 v0, v2;
	v0 =	vld [tilespmem:s19+$0xAD20]  }
0x2ca: {  	v2 =	vld [tilespmem:$0x1FD80]  }
0x2cb: {  	v5 =	vld [tilespmem:s19+$0xAC80];
	v11 =	vadd.f32 v13, v11  }
0x2cc: {  	v13 =	vadd.f32 v15, v12;
	v15 =	vld [tilespmem:s19+$0xADA0]  }
0x2cd: {  	v1 =	vld [tilespmem:s19+$0xACB0];
	v3 =	vadd.f32 v9, v3;
	v9 =	vadd.f32 v16, v11  }
0x2ce: {  	v49 =	vld [tilespmem:s19+$0xAE20]  }
0x2cf: {  	v2 =	vadd.f32 v10, v2;
	v10 =	vld [tilespmem:s19+$0xAD30];
	v0 =	vadd.f32 v0, v9  }
0x2d0: {  	v12 =	vld [tilespmem:$0x1F750]  }
0x2d1: {  	v2 =	vadd.f32 v5, v2;
	v5 =	vld [tilespmem:s19+$0xADB0];
	v0 =	vadd.f32 v15, v0  }
0x2d2: {  	v6 =	vld [tilespmem:s19+$0xAD00];
	v1 =	vadd.f32 v1, v13  }
0x2d3: {  	v51 =	vld [tilespmem:s19+$0xAE30];
	v0 =	vadd.f32 v49, v0  }
0x2d4: {  	v8 =	vld [tilespmem:s19+$0xAD80];
	v1 =	vadd.f32 v10, v1  }
0x2d5: {  	v0 =	vadd.f32 v12, v0;
	v12 =	vld [tilespmem:$0x1F760]  }
0x2d6: {  	v48 =	vld [tilespmem:s19+$0xAE00];
	v1 =	vadd.f32 v5, v1  }
0x2d7: {  	v7 =	vld [tilespmem:s19+$0xAD10];
	v2 =	vadd.f32 v6, v2  }
0x2d8: {  	v10 =	vld [tilespmem:$0x1F730];
	v1 =	vadd.f32 v51, v1  }
0x2d9: {  	v4 =	vld [tilespmem:s19+$0xAD90];
	v2 =	vadd.f32 v8, v2  }
0x2da: {  	v1 =	vadd.f32 v12, v1;
	v12 =	vld [tilespmem:$0x1F770]  }
0x2db: {  	v47 =	vld [tilespmem:s19+$0xAE10];
	v2 =	vadd.f32 v48, v2  }
0x2dc: {  	v3 =	vadd.f32 v7, v3  }
0x2dd: {  	v2 =	vadd.f32 v10, v2;
	v10 =	vld [tilespmem:$0x1F740]  }
0x2de: {  	v3 =	vadd.f32 v4, v3  }
0x2df: {  	v2 =	vadd.f32 v12, v2;
	v12 =	vld [tilespmem:$0x1F780]  }
0x2e0: {  	v3 =	vadd.f32 v47, v3;
	_ =	sdelay $0x1  }
0x2e1: {  	v3 =	vadd.f32 v10, v3;
	_ =	sdelay $0x1  }
0x2e2: {  	v3 =	vadd.f32 v12, v3;
	v12 =	vld [tilespmem:$0x1F790];
	_ =	sdelay $0x4  }
0x2e3: {  	v0 =	vadd.f32 v12, v0;
	v12 =	vld [tilespmem:$0x1F7A0];
	_ =	sdelay $0x4  }
0x2e4: {  	v1 =	vadd.f32 v12, v1;
	v12 =	vld [tilespmem:$0x1F7B0];
	_ =	sdelay $0x4  }
0x2e5: {  	v17 =	vadd.f32 v12, v2;
	v2 =	vld [tilespmem:$0x1F7C0];
	_ =	sdelay $0x4  }
0x2e6: {  	v56 =	vadd.f32 v2, v3;
	v3 =	vld [tilespmem:$0x1F7D0];
	_ =	sdelay $0x2  }
0x2e7: {  	v13 =	vld [tilespmem:s19+$0xAC60]  }
0x2e8: {  	v10 =	vld [tilespmem:s19+$0xAC50]  }
0x2e9: {  	v49 =	vadd.f32 v3, v0;
	v0 =	vld [tilespmem:$0x1F7E0]  }
0x2ea: {  	v3 =	vld [tilespmem:$0x1FED0]  }
0x2eb: {  	v9 =	vld [tilespmem:s19+$0xAC40]  }
0x2ec: {  	v15 =	vld [tilespmem:s19+$0xAC70]  }
0x2ed: {  	v12 =	vld [tilespmem:$0x1FF10]  }
0x2ee: {  	v48 =	vadd.f32 v0, v1;
	v1 =	vld [tilespmem:$0x1FEB0]  }
0x2ef: {  	v3 =	vadd.f32 v10, v3;
	v10 =	vld [tilespmem:$0x1FEF0]  }
0x2f0: {  	v16 =	vld [tilespmem:s19+$0xACE0]  }
0x2f1: {  	v2 =	vld [tilespmem:s19+$0xACF0]  }
0x2f2: {  	v8 =	vld [tilespmem:s19+$0xACD0]  }
0x2f3: {  	v1 =	vadd.f32 v9, v1;
	v9 =	vld [tilespmem:s19+$0xAD70]  }
0x2f4: {  	v0 =	vld [tilespmem:s19+$0xAD60];
	v10 =	vadd.f32 v13, v10;
	v13 =	vadd.f32 v15, v12  }
0x2f5: {  	v5 =	vld [tilespmem:s19+$0xACC0]  }
0x2f6: {  	v15 =	vld [tilespmem:s19+$0xADE0];
	v2 =	vadd.f32 v2, v13  }
0x2f7: {  	v3 =	vadd.f32 v8, v3;
	v8 =	vadd.f32 v16, v10  }
0x2f8: {  	v2 =	vadd.f32 v9, v2;
	v9 =	vld [tilespmem:$0x1F810]  }
0x2f9: {  	v7 =	vld [tilespmem:s19+$0xAD40];
	v0 =	vadd.f32 v0, v8  }
0x2fa: {  	v12 =	vld [tilespmem:$0x1F840]  }
0x2fb: {  	v1 =	vadd.f32 v5, v1;
	v5 =	vld [tilespmem:s19+$0xADF0];
	v0 =	vadd.f32 v15, v0  }
0x2fc: {  	v62 =	vld [tilespmem:s19+$0xAE70]  }
0x2fd: {  	v11 =	vld [tilespmem:s19+$0xADC0];
	v0 =	vadd.f32 v9, v0;
	_ =	sdelay $0x1  }
0x2fe: {  	v0 =	vadd.f32 v12, v0;
	v12 =	vld [tilespmem:$0x1F850]  }
0x2ff: {  	v1 =	vadd.f32 v7, v1;
	v8 =	vld [tilespmem:$0x1F7F0];
	v2 =	vadd.f32 v5, v2  }
0x300: {  	v4 =	vld [tilespmem:s19+$0xAD50]  }
0x301: {  	v1 =	vadd.f32 v11, v1;
	v11 =	vld [tilespmem:$0x1F820];
	v2 =	vadd.f32 v62, v2  }
0x302: {  	v6 =	vld [tilespmem:s19+$0xADD0]  }
0x303: {  	v2 =	vadd.f32 v12, v2;
	v12 =	vld [tilespmem:$0x1F860]  }
0x304: {  	v1 =	vadd.f32 v8, v1;
	v8 =	vld [tilespmem:$0x1F800]  }
0x305: {  	v3 =	vadd.f32 v4, v3  }
0x306: {  	v1 =	vadd.f32 v11, v1;
	v11 =	vld [tilespmem:$0x1F830]  }
0x307: {  	v3 =	vadd.f32 v6, v3  }
0x308: {  	v1 =	vadd.f32 v12, v1;
	v12 =	vld [tilespmem:$0x1F870]  }
0x309: {  	v3 =	vadd.f32 v8, v3;
	_ =	sdelay $0x1  }
0x30a: {  	v3 =	vadd.f32 v11, v3;
	_ =	sdelay $0x1  }
0x30b: {  	v3 =	vadd.f32 v12, v3;
	v12 =	vld [tilespmem:$0x1F880];
	_ =	sdelay $0x4  }
0x30c: {  	v0 =	vadd.f32 v12, v0;
	v12 =	vld [tilespmem:$0x1F890];
	_ =	sdelay $0x4  }
0x30d: {  	v2 =	vadd.f32 v12, v2;
	v12 =	vld [tilespmem:$0x1F8A0];
	_ =	sdelay $0x4  }
0x30e: {  	v18 =	vadd.f32 v12, v1;
	v1 =	vld [tilespmem:$0x1F8B0];
	_ =	sdelay $0x4  }
0x30f: {  	v19 =	vadd.f32 v1, v3;
	v3 =	vld [tilespmem:$0x1F8C0]  }
0x310: {  	v52 =	vld [tilespmem:s19+$0xB3C0]  }
0x311: {  	v13 =	vld [tilespmem:s19+$0xB020]  }
0x312: {  	v15 =	vld [tilespmem:s19+$0xB030]  }
0x313: {  	v11 =	vld [tilespmem:s19+$0xB010]  }
0x314: {  	v45 =	vadd.f32 v3, v0;
	v0 =	vld [tilespmem:$0x1F8D0]  }
0x315: {  	v3 =	vld [tilespmem:$0x1F8F0]  }
0x316: {  	v5 =	vld [tilespmem:s19+$0xB080]  }
0x317: {  	v9 =	vld [tilespmem:s19+$0xB000]  }
0x318: {  	v12 =	vld [tilespmem:$0x1F910]  }
0x319: {  	v43 =	vadd.f32 v0, v2;
	v0 =	vld [tilespmem:$0x1F8E0]  }
0x31a: {  	v3 =	vadd.f32 v11, v3;
	v11 =	vld [tilespmem:$0x1F900]  }
0x31b: {  	v8 =	vld [tilespmem:s19+$0xB090]  }
0x31c: {  	v1 =	vld [tilespmem:s19+$0xB0B0]  }
0x31d: {  	v7 =	vld [tilespmem:s19+$0xB100]  }
0x31e: {  	v0 =	vadd.f32 v9, v0;
	v9 =	vld [tilespmem:s19+$0xB130]  }
0x31f: {  	v53 =	vld [tilespmem:s19+$0xB3D0];
	v11 =	vadd.f32 v13, v11;
	v13 =	vadd.f32 v15, v12  }
0x320: {  	v3 =	vadd.f32 v8, v3;
	v8 =	vld [tilespmem:s19+$0xB1B0]  }
0x321: {  	v59 =	vld [tilespmem:s19+$0xB250];
	v5 =	vadd.f32 v5, v0;
	v13 =	vadd.f32 v1, v13  }
0x322: {  	v38 =	vld [tilespmem:s19+$0xB230]  }
0x323: {  	v10 =	vld [tilespmem:s19+$0xB180];
	v5 =	vadd.f32 v7, v5;
	v7 =	vadd.f32 v9, v13  }
0x324: {  	v4 =	vld [tilespmem:s19+$0xB190]  }
0x325: {  	v7 =	vadd.f32 v8, v7;
	v8 =	vld [tilespmem:$0x1F920]  }
0x326: {  	v6 =	vld [tilespmem:s19+$0xB110]  }
0x327: {  	v16 =	vld [tilespmem:s19+$0xB0A0]  }
0x328: {  	v2 =	vld [tilespmem:s19+$0xB120];
	v5 =	vadd.f32 v10, v5  }
0x329: {  	v13 =	vadd.f32 v38, v7;
	v7 =	vld [tilespmem:$0x1F940]  }
0x32a: {  	v8 =	vadd.f32 v8, v5;
	v5 =	vld [tilespmem:$0x1F930]  }
0x32b: {  	v3 =	vadd.f32 v6, v3;
	v15 =	vld [tilespmem:s19+$0xB1A0]  }
0x32c: {  	v63 =	vld [tilespmem:s19+$0xB220];
	v11 =	vadd.f32 v16, v11  }
0x32d: {  	v60 =	vld [tilespmem:s19+$0xB240];
	v9 =	vadd.f32 v4, v3  }
0x32e: {  	v0 =	vld [tilespmem:s19+$0xB1C0];
	v6 =	vadd.f32 v2, v11  }
0x32f: {  	v10 =	vadd.f32 v5, v9;
	v9 =	vadd.f32 v7, v8;
	v8 =	vld [tilespmem:$0x1F960]  }
0x330: {  	v1 =	vld [tilespmem:s19+$0xB1D0];
	v6 =	vadd.f32 v15, v6  }
0x331: {  	v2 =	vld [tilespmem:s19+$0xB140]  }
0x332: {  	v3 =	vld [tilespmem:s19+$0xB150];
	v11 =	vadd.f32 v63, v6  }
0x333: {  	v7 =	vld [tilespmem:$0x1F950]  }
0x334: {  	v11 =	vadd.f32 v8, v11;
	v8 =	vld [tilespmem:$0x1F970]  }
0x335: {  	v4 =	vld [tilespmem:s19+$0xB0C0]  }
0x336: {  	v6 =	vld [tilespmem:s19+$0xB040]  }
0x337: {  	v5 =	vld [tilespmem:s19+$0xB0D0]  }
0x338: {  	v10 =	vadd.f32 v7, v10;
	v7 =	vld [tilespmem:s19+$0xB050]  }
0x339: {  	s17 =	sadd.s32 $0x1, s17;
	s20 =	simm.s32 $0x3000;
	v13 =	vadd.f32 v8, v13;
	v8 =	vld [tilespmem:s19+$0xB060]  }
.LBB2_5:
0x33a: {  	v12 =	vld [tilespmem:$0x1F650];
	_ =	sdelay $0x4  }
0x33b: {  	v9 =	vadd.f32 v12, v9;
	v12 =	vld [tilespmem:$0x1F660];
	_ =	sdelay $0x4  }
0x33c: {  	v10 =	vadd.f32 v12, v10;
	v12 =	vld [tilespmem:$0x1F670];
	_ =	sdelay $0x4  }
0x33d: {  	v11 =	vadd.f32 v12, v11;
	v12 =	vld [tilespmem:$0x1F680];
	_ =	sdelay $0x4  }
0x33e: {  	v13 =	vadd.f32 v12, v13;
	v12 =	vld [tilespmem:$0x1F610];
	_ =	sdelay $0x4  }
0x33f: {  	v9 =	vadd.f32 v12, v9;
	_ =	sdelay $0x1  }
0x340: {  	[tilespmem:$0x1F550] =	vst v9;
	v9 =	vld [tilespmem:$0x1F620];
	_ =	sdelay $0x4  }
0x341: {  	v9 =	vadd.f32 v9, v10;
	v10 =	vld [tilespmem:$0x1F630];
	_ =	sdelay $0x4  }
0x342: {  	v10 =	vadd.f32 v10, v11;
	_ =	sdelay $0x1  }
0x343: {  	[tilespmem:$0x1F570] =	vst v10;
	v10 =	vld [tilespmem:$0x1F640];
	_ =	sdelay $0x1  }
0x344: {  	v15 =	vld [tilespmem:s19+$0xB070]  }
0x345: {  	v11 =	vld [tilespmem:$0x1F6D0]  }
0x346: {  	v16 =	vld [tilespmem:s19+$0xB0E0]  }
0x347: {  	[tilespmem:$0x1F3B0] =	vst v17;
	v17 =	vld [tilespmem:s19+$0xB0F0];
	v6 =	vadd.f32 v6, v28;
	v10 =	vadd.f32 v10, v13  }
0x348: {  	[tilespmem:$0x1F560] =	vst v9;
	v9 =	vld [tilespmem:s19+$0xB160]  }
0x349: {  	v7 =	vadd.f32 v7, v33;
	v4 =	vadd.f32 v4, v6;
	[tilespmem:$0x1F580] =	vst v10;
	v10 =	vld [tilespmem:s19+$0xB170]  }
0x34a: {  	v6 =	vld [tilespmem:s19+$0xB1F0];
	v8 =	vadd.f32 v8, v11;
	v11 =	vadd.f32 v15, v30  }
0x34b: {  	v5 =	vadd.f32 v5, v7;
	v13 =	vld [tilespmem:s19+$0xB1E0]  }
0x34c: {  	v7 =	vadd.f32 v16, v8;
	v8 =	vadd.f32 v17, v11  }
0x34d: {  	v2 =	vadd.f32 v2, v4;
	v3 =	vadd.f32 v3, v5;
	v4 =	vld [tilespmem:s19+$0xB270]  }
0x34e: {  	v5 =	vadd.f32 v9, v7;
	v7 =	vadd.f32 v10, v8  }
0x34f: {  	v0 =	vadd.f32 v0, v2;
	v1 =	vadd.f32 v1, v3;
	v2 =	vld [tilespmem:s19+$0xB2F0]  }
0x350: {  	v3 =	vadd.f32 v13, v5;
	v5 =	vadd.f32 v6, v7;
	_ =	sdelay $0x1  }
0x351: {  	v9 =	vld [tilespmem:$0x1F6B0];
	v4 =	vadd.f32 v4, v5;
	_ =	sdelay $0x1  }
0x352: {  	v2 =	vadd.f32 v2, v4;
	v4 =	vld [tilespmem:$0x1F690]  }
0x353: {  	v0 =	vadd.f32 v60, v0;
	_ =	sdelay $0x1  }
0x354: {  	v0 =	vadd.f32 v9, v0;
	v9 =	vld [tilespmem:$0x1F6C0];
	_ =	sdelay $0x1  }
0x355: {  	v0 =	vadd.f32 v4, v0;
	v4 =	vld [tilespmem:$0x1F6A0]  }
0x356: {  	v1 =	vadd.f32 v59, v1;
	_ =	sdelay $0x1  }
0x357: {  	v11 =	vld [tilespmem:s19+$0xB260];
	v1 =	vadd.f32 v9, v1  }
0x358: {  	v8 =	vld [tilespmem:s19+$0xB2E0]  }
0x359: {  	v6 =	vld [tilespmem:s19+$0xB360];
	v0 =	vadd.f32 v52, v0;
	v1 =	vadd.f32 v4, v1  }
0x35a: {  	v7 =	vld [tilespmem:s19+$0xB370]  }
0x35b: {  	v5 =	vld [tilespmem:s19+$0xB3E0];
	[tilespmem:$0x1F360] =	vst v0;
	v0 =	vadd.f32 v53, v1  }
0x35c: {  	v3 =	vadd.f32 v11, v3;
	v9 =	vld [tilespmem:s19+$0xB3F0];
	s19 =	sshra.s32 s20, $0x2  }
0x35d: {  	[tilespmem:$0x1F340] =	vst v0;
	v0 =	vld [tilespmem:s19+$0xABC0]  }
0x35e: {  	v3 =	vadd.f32 v8, v3;
	_ =	sdelay $0x1  }
0x35f: {  	v3 =	vadd.f32 v6, v3;
	_ =	sdelay $0x1  }
0x360: {  	v2 =	vadd.f32 v7, v2;
	[tilespmem:$0x1F370] =	vst v0;
	v0 =	vadd.f32 v5, v3;
	_ =	sdelay $0x1  }
0x361: {  	[tilespmem:$0x1F6D0] =	vst v0;
	v0 =	vadd.f32 v9, v2;
	_ =	sdelay $0x1  }
0x362: {  	[tilespmem:$0x1F350] =	vst v0;
	v0 =	vld [tilespmem:s19+$0xABD0];
	_ =	sdelay $0x4  }
0x363: {  	[tilespmem:$0x1F380] =	vst v0;
	v0 =	vld [tilespmem:s19+$0xABE0];
	_ =	sdelay $0x4  }
0x364: {  	[tilespmem:$0x1F390] =	vst v0;
	v0 =	vld [tilespmem:s19+$0xABF0];
	_ =	sdelay $0x4  }
0x365: {  	[tilespmem:$0x1F3A0] =	vst v0;
	v0 =	vld [tilespmem:s19+$0xAF80];
	_ =	sdelay $0x4  }
0x366: {  	[tilespmem:$0x1F400] =	vst v0;
	v0 =	vld [tilespmem:s19+$0xAF90];
	_ =	sdelay $0x4  }
0x367: {  	[tilespmem:$0x1F410] =	vst v0;
	v0 =	vld [tilespmem:s19+$0xAFA0];
	_ =	sdelay $0x4  }
0x368: {  	[tilespmem:$0x1F420] =	vst v0;
	v0 =	vld [tilespmem:s19+$0xAFB0];
	_ =	sdelay $0x4  }
0x369: {  	[tilespmem:$0x1F430] =	vst v0;
	v0 =	vld [tilespmem:s19+$0xAFC0];
	_ =	sdelay $0x4  }
0x36a: {  	[tilespmem:$0x1F510] =	vst v0;
	v0 =	vld [tilespmem:s19+$0xAFD0];
	_ =	sdelay $0x4  }
0x36b: {  	[tilespmem:$0x1F520] =	vst v0;
	v0 =	vld [tilespmem:s19+$0xAFE0];
	_ =	sdelay $0x4  }
0x36c: {  	[tilespmem:$0x1F530] =	vst v0;
	v0 =	vld [tilespmem:s19+$0xAFF0];
	_ =	sdelay $0x4  }
0x36d: {  	[tilespmem:$0x1F540] =	vst v0;
	v0 =	vld [tilespmem:s19+$0xB380];
	_ =	sdelay $0x4  }
0x36e: {  	[tilespmem:$0x1F610] =	vst v0;
	v0 =	vld [tilespmem:s19+$0xB390];
	_ =	sdelay $0x4  }
0x36f: {  	[tilespmem:$0x1F620] =	vst v0;
	v0 =	vld [tilespmem:s19+$0xB3A0];
	_ =	sdelay $0x4  }
0x370: {  	[tilespmem:$0x1F630] =	vst v0;
	v0 =	vld [tilespmem:s19+$0xB3B0];
	_ =	sdelay $0x4  }
0x371: {  	[tilespmem:$0x1F640] =	vst v0;
	v0 =	vld [tilespmem:s19+$0xAF00];
	_ =	sdelay $0x4  }
0x372: {  	[tilespmem:$0x1F3C0] =	vst v0;
	v0 =	vld [tilespmem:s19+$0xAF10];
	_ =	sdelay $0x4  }
0x373: {  	[tilespmem:$0x1F3D0] =	vst v0;
	v0 =	vld [tilespmem:s19+$0xAF20];
	_ =	sdelay $0x4  }
0x374: {  	[tilespmem:$0x1F3E0] =	vst v0;
	v0 =	vld [tilespmem:s19+$0xAF30];
	_ =	sdelay $0x4  }
0x375: {  	[tilespmem:$0x1F3F0] =	vst v0;
	v0 =	vld [tilespmem:s19+$0xAF40];
	_ =	sdelay $0x4  }
0x376: {  	[tilespmem:$0x1F4D0] =	vst v0;
	v0 =	vld [tilespmem:s19+$0xAF50];
	_ =	sdelay $0x4  }
0x377: {  	[tilespmem:$0x1F4E0] =	vst v0;
	v0 =	vld [tilespmem:s19+$0xAF60];
	_ =	sdelay $0x4  }
0x378: {  	[tilespmem:$0x1F4F0] =	vst v0;
	v0 =	vld [tilespmem:s19+$0xAF70];
	_ =	sdelay $0x4  }
0x379: {  	[tilespmem:$0x1F500] =	vst v0;
	v0 =	vld [tilespmem:s19+$0xB300];
	_ =	sdelay $0x4  }
0x37a: {  	[tilespmem:$0x1F650] =	vst v0;
	v0 =	vld [tilespmem:s19+$0xB310];
	_ =	sdelay $0x4  }
0x37b: {  	[tilespmem:$0x1F660] =	vst v0;
	v0 =	vld [tilespmem:s19+$0xB320];
	_ =	sdelay $0x4  }
0x37c: {  	[tilespmem:$0x1F670] =	vst v0;
	v0 =	vld [tilespmem:s19+$0xB330];
	_ =	sdelay $0x4  }
0x37d: {  	[tilespmem:$0x1F680] =	vst v0;
	v0 =	vld [tilespmem:s19+$0xB340];
	_ =	sdelay $0x4  }
0x37e: {  	[tilespmem:$0x1F690] =	vst v0;
	v0 =	vld [tilespmem:s19+$0xB350];
	_ =	sdelay $0x4  }
0x37f: {  	[tilespmem:$0x1F6A0] =	vst v0;
	v0 =	vld [tilespmem:s19+$0xAEC0];
	_ =	sdelay $0x4  }
0x380: {  	[tilespmem:$0x1F490] =	vst v0;
	v0 =	vld [tilespmem:s19+$0xAED0];
	_ =	sdelay $0x4  }
0x381: {  	[tilespmem:$0x1F4A0] =	vst v0;
	v0 =	vld [tilespmem:s19+$0xAEE0];
	_ =	sdelay $0x4  }
0x382: {  	[tilespmem:$0x1F4B0] =	vst v0;
	v0 =	vld [tilespmem:s19+$0xAEF0];
	_ =	sdelay $0x4  }
0x383: {  	[tilespmem:$0x1F4C0] =	vst v0;
	v0 =	vld [tilespmem:s19+$0xB280];
	_ =	sdelay $0x4  }
0x384: {  	[tilespmem:$0x1F5D0] =	vst v0;
	v0 =	vld [tilespmem:s19+$0xB290];
	_ =	sdelay $0x4  }
0x385: {  	[tilespmem:$0x1F5E0] =	vst v0;
	v0 =	vld [tilespmem:s19+$0xB2A0];
	_ =	sdelay $0x4  }
0x386: {  	[tilespmem:$0x1F5F0] =	vst v0;
	v0 =	vld [tilespmem:s19+$0xB2B0];
	_ =	sdelay $0x4  }
0x387: {  	[tilespmem:$0x1F600] =	vst v0;
	v0 =	vld [tilespmem:s19+$0xB2C0];
	_ =	sdelay $0x4  }
0x388: {  	[tilespmem:$0x1F6B0] =	vst v0;
	v0 =	vld [tilespmem:s19+$0xB2D0];
	_ =	sdelay $0x4  }
0x389: {  	[tilespmem:$0x1F6C0] =	vst v0;
	v0 =	vld [tilespmem:s19+$0xAE40];
	_ =	sdelay $0x1  }
0x38a: {  	[tilespmem:$0x1FFF0] =	vst v18;
	v18 =	vld [tilespmem:s19+$0xAB80]  }
0x38b: {  	[tilespmem:$0x1F330] =	vst v23;
	v23 =	vld [tilespmem:s19+$0xAB90]  }
0x38c: {  	v26 =	vld [tilespmem:s19+$0xABA0]  }
0x38d: {  	[tilespmem:$0x1F460] =	vst v0;
	v0 =	vld [tilespmem:s19+$0xAE50]  }
0x38e: {  	v10 =	vld [tilespmem:s19+$0xB3C0]  }
0x38f: {  	v57 =	vld [tilespmem:s19+$0xAB00]  }
0x390: {  	v13 =	vld [tilespmem:s19+$0xAB10]  }
0x391: {  	[tilespmem:$0x1F450] =	vst v43;
	v43 =	vld [tilespmem:s19+$0xAB20]  }
0x392: {  	[tilespmem:$0x1F470] =	vst v0;
	v0 =	vld [tilespmem:s19+$0xAE60]  }
0x393: {  	v15 =	vld [tilespmem:s19+$0xAB30]  }
0x394: {  	[tilespmem:$0x1FFE0] =	vst v19;
	v19 =	vld [tilespmem:s19+$0xAB40]  }
0x395: {  	v30 =	vld [tilespmem:s19+$0xAB50]  }
0x396: {  	v28 =	vld [tilespmem:s19+$0xAB60]  }
0x397: {  	[tilespmem:$0x1F480] =	vst v0;
	v0 =	vld [tilespmem:s19+$0xB200]  }
0x398: {  	v17 =	vld [tilespmem:s19+$0xAB70]  }
0x399: {  	v40 =	vld [tilespmem:s19+$0xAA80]  }
0x39a: {  	v41 =	vld [tilespmem:s19+$0xAAA0]  }
0x39b: {  	[tilespmem:$0x1F440] =	vst v45;
	v45 =	vld [tilespmem:s19+$0xAAB0]  }
0x39c: {  	[tilespmem:$0x1F590] =	vst v0;
	v0 =	vld [tilespmem:s19+$0xB210]  }
0x39d: {  	v33 =	vld [tilespmem:s19+$0xAAC0]  }
0x39e: {  	v36 =	vld [tilespmem:s19+$0xAAD0]  }
0x39f: {  	v35 =	vld [tilespmem:s19+$0xAAE0]  }
0x3a0: {  	v37 =	vld [tilespmem:s19+$0xAAF0]  }
0x3a1: {  	[tilespmem:$0x1F5A0] =	vst v0;
	v0 =	vld [tilespmem:s19+$0xB220]  }
0x3a2: {  	v46 =	vld [tilespmem:s19+$0xAA00]  }
0x3a3: {  	v47 =	vld [tilespmem:s19+$0xAA10]  }
0x3a4: {  	v11 =	vmov v48;
	v48 =	vld [tilespmem:s19+$0xAA20]  }
0x3a5: {  	v58 =	vld [tilespmem:s19+$0xAA30]  }
0x3a6: {  	[tilespmem:$0x1F5B0] =	vst v0;
	v0 =	vld [tilespmem:s19+$0xB230]  }
0x3a7: {  	v12 =	vld [tilespmem:s19+$0xA900]  }
0x3a8: {  	v63 =	vmov v54;
	v54 =	vld [tilespmem:s19+$0xA890]  }
0x3a9: {  	v55 =	vld [tilespmem:s19+$0xA800]  }
0x3aa: {  	v14 =	vld [tilespmem:s19+$0xA810]  }
0x3ab: {  	[tilespmem:$0x1F5C0] =	vst v0;
	v0 =	vld [tilespmem:s19+$0xA830]  }
0x3ac: {  	v53 =	vld [tilespmem:s19+$0xA880]  }
0x3ad: {  	v2 =	vld [tilespmem:s19+$0xA8B0]  }
0x3ae: {  	v4 =	vmov v44;
	v1 =	vld [tilespmem:s19+$0xA820]  }
0x3af: {  	v6 =	vmov v29;
	v14 =	vadd.f32 v14, v4;
	v4 =	vld [tilespmem:s19+$0xA930]  }
0x3b0: {  	v3 =	vld [tilespmem:s19+$0xA8A0];
	v0 =	vadd.f32 v0, v6  }
0x3b1: {  	v55 =	vadd.f32 v55, v50;
	v14 =	vadd.f32 v54, v14;
	v54 =	vld [tilespmem:s19+$0xA9B0]  }
0x3b2: {  	v51 =	vld [tilespmem:s19+$0xA980];
	v0 =	vadd.f32 v2, v0  }
0x3b3: {  	v52 =	vld [tilespmem:s19+$0xA910];
	v1 =	vadd.f32 v1, v42;
	v50 =	vadd.f32 v53, v55  }
0x3b4: {  	v5 =	vld [tilespmem:s19+$0xA920];
	v0 =	vadd.f32 v4, v0  }
0x3b5: {  	v62 =	vmov v49;
	v49 =	vld [tilespmem:s19+$0xA990];
	v1 =	vadd.f32 v3, v1;
	v3 =	vadd.f32 v12, v50  }
0x3b6: {  	v6 =	vld [tilespmem:s19+$0xA9A0];
	v0 =	vadd.f32 v54, v0  }
0x3b7: {  	v8 =	vld [tilespmem:s19+$0xAA40];
	v3 =	vadd.f32 v51, v3  }
0x3b8: {  	v29 =	vld [tilespmem:s19+$0xABB0];
	v12 =	vadd.f32 v52, v14;
	v0 =	vadd.f32 v58, v0  }
0x3b9: {  	v1 =	vadd.f32 v5, v1;
	v3 =	vadd.f32 v46, v3;
	v46 =	vld [tilespmem:s19+$0xA840]  }
0x3ba: {  	v44 =	vld [tilespmem:s19+$0xAA90];
	v0 =	vadd.f32 v45, v0  }
0x3bb: {  	v12 =	vadd.f32 v49, v12;
	v49 =	vld [tilespmem:s19+$0xA8C0];
	v1 =	vadd.f32 v6, v1  }
0x3bc: {  	v55 =	vld [tilespmem:s19+$0xA860];
	v0 =	vadd.f32 v15, v0  }
0x3bd: {  	v12 =	vadd.f32 v47, v12;
	v4 =	vld [tilespmem:s19+$0xA940];
	v1 =	vadd.f32 v48, v1  }
0x3be: {  	v54 =	vld [tilespmem:s19+$0xA850];
	v29 =	vadd.f32 v29, v0;
	v0 =	vadd.f32 v46, v61  }
0x3bf: {  	v2 =	vld [tilespmem:s19+$0xA9C0];
	v1 =	vadd.f32 v41, v1  }
0x3c0: {  	v12 =	vadd.f32 v44, v12;
	v6 =	vld [tilespmem:s19+$0xA8D0];
	v0 =	vadd.f32 v49, v0  }
0x3c1: {  	v5 =	vld [tilespmem:s19+$0xA950];
	v3 =	vadd.f32 v40, v3;
	v1 =	vadd.f32 v43, v1  }
0x3c2: {  	v52 =	vmov v10;
	v10 =	vadd.f32 v13, v12;
	v13 =	vld [tilespmem:$0x1F330];
	v0 =	vadd.f32 v4, v0  }
0x3c3: {  	v38 =	vld [tilespmem:s19+$0xAA50];
	v42 =	vadd.f32 v26, v1;
	v1 =	vadd.f32 v54, v63  }
0x3c4: {  	v14 =	vld [tilespmem:s19+$0xA9D0];
	v3 =	vadd.f32 v57, v3;
	v0 =	vadd.f32 v2, v0  }
0x3c5: {  	v12 =	vld [tilespmem:s19+$0xA8E0];
	v1 =	vadd.f32 v6, v1  }
0x3c6: {  	v50 =	vadd.f32 v18, v3;
	v3 =	vld [tilespmem:s19+$0xA960];
	v0 =	vadd.f32 v8, v0  }
0x3c7: {  	v18 =	vadd.f32 v55, v13;
	v13 =	vld [tilespmem:$0x1F370];
	v1 =	vadd.f32 v5, v1  }
0x3c8: {  	v21 =	vld [tilespmem:s19+$0xAE80];
	v0 =	vadd.f32 v33, v0  }
0x3c9: {  	v26 =	vld [tilespmem:s19+$0xA9E0];
	v1 =	vadd.f32 v14, v1  }
0x3ca: {  	v9 =	vld [tilespmem:s19+$0xB3D0];
	v12 =	vadd.f32 v12, v18;
	v0 =	vadd.f32 v19, v0  }
0x3cb: {  	v7 =	vld [tilespmem:s19+$0xAA60];
	v1 =	vadd.f32 v38, v1  }
0x3cc: {  	v3 =	vadd.f32 v3, v12;
	v61 =	vadd.f32 v13, v0;
	v0 =	vld [tilespmem:$0x1F380]  }
0x3cd: {  	v58 =	vld [tilespmem:s19+$0xA870];
	v1 =	vadd.f32 v36, v1  }
0x3ce: {  	v24 =	vld [tilespmem:s19+$0xAE90];
	v3 =	vadd.f32 v26, v3  }
0x3cf: {  	v53 =	vmov v9;
	v9 =	vld [tilespmem:s19+$0xA8F0];
	v1 =	vadd.f32 v30, v1  }
0x3d0: {  	v44 =	vadd.f32 v23, v10;
	v10 =	vld [tilespmem:s19+$0xA970];
	v3 =	vadd.f32 v7, v3  }
0x3d1: {  	v54 =	vadd.f32 v0, v1;
	v1 =	vld [tilespmem:$0x1F390]  }
0x3d2: {  	v39 =	vld [tilespmem:s19+$0xAA70];
	v23 =	vadd.f32 v58, v27;
	v3 =	vadd.f32 v35, v3  }
0x3d3: {  	v6 =	vld [tilespmem:s19+$0xA9F0]  }
0x3d4: {  	v16 =	vld [tilespmem:s19+$0xAE00];
	v9 =	vadd.f32 v9, v23;
	v3 =	vadd.f32 v28, v3  }
0x3d5: {  	v7 =	vld [tilespmem:s19+$0xAC00]  }
0x3d6: {  	v5 =	vadd.f32 v10, v9;
	v23 =	vadd.f32 v1, v3;
	v3 =	vld [tilespmem:$0x1F3B0]  }
0x3d7: {  	v34 =	vld [tilespmem:s19+$0xAE10]  }
0x3d8: {  	v5 =	vadd.f32 v6, v5;
	v6 =	vld [tilespmem:s19+$0xAC80]  }
0x3d9: {  	v9 =	vld [tilespmem:s19+$0xAD00]  }
0x3da: {  	v10 =	vld [tilespmem:s19+$0xAC10];
	v5 =	vadd.f32 v39, v5  }
0x3db: {  	v1 =	vld [tilespmem:$0x1F3A0];
	v3 =	vadd.f32 v7, v3  }
0x3dc: {  	v18 =	vld [tilespmem:s19+$0xAD80];
	v5 =	vadd.f32 v37, v5  }
0x3dd: {  	v8 =	vld [tilespmem:s19+$0xAC90];
	v3 =	vadd.f32 v6, v3  }
0x3de: {  	v12 =	vld [tilespmem:s19+$0xAC20];
	v5 =	vadd.f32 v17, v5  }
0x3df: {  	v2 =	vld [tilespmem:s19+$0xAD10];
	v3 =	vadd.f32 v9, v3  }
0x3e0: {  	v15 =	vld [tilespmem:s19+$0xACA0];
	v27 =	vadd.f32 v1, v5;
	v5 =	vadd.f32 v10, v56  }
0x3e1: {  	v4 =	vld [tilespmem:s19+$0xAD90];
	v3 =	vadd.f32 v18, v3  }
0x3e2: {  	v13 =	vld [tilespmem:$0x1F3C0];
	v5 =	vadd.f32 v8, v5  }
0x3e3: {  	v14 =	vld [tilespmem:s19+$0xAC30];
	v3 =	vadd.f32 v16, v3  }
0x3e4: {  	v1 =	vld [tilespmem:s19+$0xAD20];
	v2 =	vadd.f32 v2, v5  }
0x3e5: {  	v0 =	vld [tilespmem:s19+$0xACB0];
	v10 =	vadd.f32 v12, v62;
	v3 =	vadd.f32 v21, v3  }
0x3e6: {  	v12 =	vld [tilespmem:s19+$0xADA0];
	v2 =	vadd.f32 v4, v2  }
0x3e7: {  	v8 =	vadd.f32 v15, v10;
	v3 =	vadd.f32 v13, v3;
	v13 =	vld [tilespmem:$0x1F3D0]  }
0x3e8: {  	v31 =	vld [tilespmem:s19+$0xAE20];
	v2 =	vadd.f32 v34, v2  }
0x3e9: {  	v7 =	vld [tilespmem:s19+$0xAD30];
	v1 =	vadd.f32 v1, v8  }
0x3ea: {  	v22 =	vld [tilespmem:s19+$0xAEA0];
	v11 =	vadd.f32 v14, v11;
	v2 =	vadd.f32 v24, v2  }
0x3eb: {  	v6 =	vld [tilespmem:s19+$0xADB0];
	v1 =	vadd.f32 v12, v1  }
0x3ec: {  	v0 =	vadd.f32 v0, v11;
	v2 =	vadd.f32 v13, v2;
	v13 =	vld [tilespmem:$0x1F3E0]  }
0x3ed: {  	v32 =	vld [tilespmem:s19+$0xAE30];
	v1 =	vadd.f32 v31, v1  }
0x3ee: {  	v0 =	vadd.f32 v7, v0  }
0x3ef: {  	v25 =	vld [tilespmem:s19+$0xAEB0];
	v1 =	vadd.f32 v22, v1  }
0x3f0: {  	v0 =	vadd.f32 v6, v0  }
0x3f1: {  	v1 =	vadd.f32 v13, v1;
	v13 =	vld [tilespmem:$0x1F3F0]  }
0x3f2: {  	v0 =	vadd.f32 v32, v0;
	_ =	sdelay $0x1  }
0x3f3: {  	v0 =	vadd.f32 v25, v0;
	_ =	sdelay $0x1  }
0x3f4: {  	v0 =	vadd.f32 v13, v0;
	v13 =	vld [tilespmem:$0x1F400];
	_ =	sdelay $0x4  }
0x3f5: {  	v17 =	vadd.f32 v13, v3;
	v3 =	vld [tilespmem:$0x1F410];
	_ =	sdelay $0x4  }
0x3f6: {  	v56 =	vadd.f32 v3, v2;
	v3 =	vld [tilespmem:$0x1F420];
	_ =	sdelay $0x1  }
0x3f7: {  	v14 =	vld [tilespmem:s19+$0xAC70]  }
0x3f8: {  	v11 =	vld [tilespmem:s19+$0xAC50]  }
0x3f9: {  	v10 =	vld [tilespmem:s19+$0xADC0]  }
0x3fa: {  	v49 =	vadd.f32 v3, v1;
	v1 =	vld [tilespmem:$0x1F430]  }
0x3fb: {  	v15 =	vld [tilespmem:s19+$0xACE0]  }
0x3fc: {  	v5 =	vld [tilespmem:s19+$0xADD0]  }
0x3fd: {  	v9 =	vld [tilespmem:s19+$0xAC40]  }
0x3fe: {  	v7 =	vld [tilespmem:s19+$0xAD40]  }
0x3ff: {  	v48 =	vadd.f32 v1, v0;
	v0 =	vld [tilespmem:$0x1FFF0]  }
0x400: {  	v1 =	vld [tilespmem:$0x1FFE0]  }
0x401: {  	v4 =	vld [tilespmem:s19+$0xACC0]  }
0x402: {  	v6 =	vld [tilespmem:s19+$0xACD0]  }
0x403: {  	v8 =	vld [tilespmem:s19+$0xAD50]  }
0x404: {  	v12 =	vld [tilespmem:s19+$0xAC60]  }
0x405: {  	v16 =	vld [tilespmem:s19+$0xACF0];
	v0 =	vadd.f32 v9, v0;
	v1 =	vadd.f32 v11, v1  }
0x406: {  	v13 =	vld [tilespmem:$0x1F4D0]  }
0x407: {  	v2 =	vld [tilespmem:s19+$0xAD60];
	v0 =	vadd.f32 v4, v0;
	v1 =	vadd.f32 v6, v1  }
0x408: {  	v9 =	vld [tilespmem:$0x1F440]  }
0x409: {  	v0 =	vadd.f32 v7, v0;
	v1 =	vadd.f32 v8, v1;
	v8 =	vld [tilespmem:$0x1F460]  }
0x40a: {  	v11 =	vld [tilespmem:$0x1F450]  }
0x40b: {  	v0 =	vadd.f32 v10, v0;
	v10 =	vld [tilespmem:$0x1F490]  }
0x40c: {  	v3 =	vld [tilespmem:s19+$0xAD70]  }
0x40d: {  	v9 =	vadd.f32 v12, v9;
	v12 =	vld [tilespmem:s19+$0xADE0]  }
0x40e: {  	v0 =	vadd.f32 v8, v0;
	v8 =	vld [tilespmem:$0x1F470]  }
0x40f: {  	v11 =	vadd.f32 v14, v11;
	v6 =	vadd.f32 v15, v9;
	v15 =	vld [tilespmem:$0x1F510]  }
0x410: {  	v0 =	vadd.f32 v10, v0;
	v10 =	vld [tilespmem:$0x1F4A0]  }
0x411: {  	v1 =	vadd.f32 v5, v1;
	v9 =	vadd.f32 v16, v11  }
0x412: {  	v2 =	vadd.f32 v2, v6;
	v0 =	vadd.f32 v13, v0;
	v13 =	vld [tilespmem:$0x1F4E0]  }
0x413: {  	v3 =	vadd.f32 v3, v9;
	v9 =	vld [tilespmem:$0x1F480];
	v1 =	vadd.f32 v8, v1  }
0x414: {  	v18 =	vadd.f32 v15, v0;
	v0 =	vld [tilespmem:$0x1F520]  }
0x415: {  	v2 =	vadd.f32 v12, v2;
	v12 =	vld [tilespmem:$0x1F4B0];
	v1 =	vadd.f32 v10, v1  }
0x416: {  	v4 =	vld [tilespmem:s19+$0xADF0]  }
0x417: {  	v14 =	vld [tilespmem:$0x1F4F0];
	v1 =	vadd.f32 v13, v1  }
0x418: {  	v20 =	vld [tilespmem:s19+$0xAE70];
	v2 =	vadd.f32 v9, v2  }
0x419: {  	v19 =	vadd.f32 v0, v1;
	v1 =	vld [tilespmem:$0x1F530]  }
0x41a: {  	v2 =	vadd.f32 v12, v2;
	v12 =	vld [tilespmem:$0x1F4C0]  }
0x41b: {  	v3 =	vadd.f32 v4, v3  }
0x41c: {  	v2 =	vadd.f32 v14, v2;
	v14 =	vld [tilespmem:$0x1F500]  }
0x41d: {  	v3 =	vadd.f32 v20, v3  }
0x41e: {  	v45 =	vadd.f32 v1, v2;
	v1 =	vld [tilespmem:$0x1F540]  }
0x41f: {  	v3 =	vadd.f32 v12, v3;
	_ =	sdelay $0x1  }
0x420: {  	v3 =	vadd.f32 v14, v3  }
0x421: {  	v10 =	vld [tilespmem:s19+$0xB010]  }
0x422: {  	v43 =	vadd.f32 v1, v3;
	v3 =	vld [tilespmem:$0x1F560];
	_ =	sdelay $0x2  }
0x423: {  	v4 =	vld [tilespmem:s19+$0xB080]  }
0x424: {  	v12 =	vld [tilespmem:s19+$0xB020]  }
0x425: {  	v3 =	vadd.f32 v10, v3;
	v10 =	vld [tilespmem:$0x1F570]  }
0x426: {  	v8 =	vld [tilespmem:s19+$0xB090]  }
0x427: {  	v9 =	vld [tilespmem:s19+$0xB000]  }
0x428: {  	v13 =	vld [tilespmem:s19+$0xB030]  }
0x429: {  	v1 =	vld [tilespmem:$0x1F550]  }
0x42a: {  	v10 =	vadd.f32 v12, v10;
	v12 =	vld [tilespmem:$0x1F580]  }
0x42b: {  	v0 =	vld [tilespmem:s19+$0xB0B0]  }
0x42c: {  	v14 =	vld [tilespmem:s19+$0xB0A0];
	_ =	sdelay $0x1  }
0x42d: {  	v1 =	vadd.f32 v9, v1;
	v9 =	vld [tilespmem:s19+$0xB130]  }
0x42e: {  	v12 =	vadd.f32 v13, v12  }
0x42f: {  	v1 =	vadd.f32 v4, v1;
	v3 =	vadd.f32 v8, v3;
	v8 =	vld [tilespmem:s19+$0xB1B0]  }
0x430: {  	v6 =	vld [tilespmem:s19+$0xB100];
	v4 =	vadd.f32 v14, v10;
	v10 =	vadd.f32 v0, v12;
	_ =	sdelay $0x1  }
0x431: {  	v11 =	vld [tilespmem:s19+$0xB180];
	v9 =	vadd.f32 v9, v10;
	_ =	sdelay $0x1  }
0x432: {  	v8 =	vadd.f32 v8, v9;
	v9 =	vld [tilespmem:$0x1F590]  }
0x433: {  	v5 =	vld [tilespmem:s19+$0xB110];
	v6 =	vadd.f32 v6, v1;
	_ =	sdelay $0x1  }
0x434: {  	v7 =	vld [tilespmem:s19+$0xB190];
	v6 =	vadd.f32 v11, v6;
	_ =	sdelay $0x1  }
0x435: {  	v9 =	vadd.f32 v9, v6;
	v6 =	vld [tilespmem:$0x1F5A0]  }
0x436: {  	v2 =	vld [tilespmem:s19+$0xB120];
	v5 =	vadd.f32 v5, v3;
	_ =	sdelay $0x1  }
0x437: {  	v7 =	vadd.f32 v7, v5;
	v13 =	vld [tilespmem:s19+$0xB1A0];
	_ =	sdelay $0x1  }
0x438: {  	v11 =	vadd.f32 v6, v7;
	v7 =	vld [tilespmem:$0x1F5B0]  }
0x439: {  	v12 =	vadd.f32 v2, v4;
	_ =	sdelay $0x1  }
0x43a: {  	v10 =	vadd.f32 v13, v12;
	_ =	sdelay $0x1  }
0x43b: {  	v12 =	vadd.f32 v7, v10;
	v7 =	vld [tilespmem:$0x1F5C0];
	_ =	sdelay $0x4  }
0x43c: {  	v13 =	vadd.f32 v7, v8;
	v8 =	vld [tilespmem:$0x1F5D0];
	_ =	sdelay $0x3  }
0x43d: {  	v60 =	vld [tilespmem:s19+$0xB240]  }
0x43e: {  	v9 =	vadd.f32 v8, v9;
	v8 =	vld [tilespmem:$0x1F5E0]  }
0x43f: {  	v59 =	vld [tilespmem:s19+$0xB250]  }
0x440: {  	v33 =	vld [tilespmem:$0x1F340]  }
0x441: {  	v28 =	vld [tilespmem:$0x1F360]  }
0x442: {  	v30 =	vld [tilespmem:$0x1F350]  }
0x443: {  	v10 =	vadd.f32 v8, v11;
	v11 =	vld [tilespmem:$0x1F5F0]  }
0x444: {  	v1 =	vld [tilespmem:s19+$0xB1D0]  }
0x445: {  	v3 =	vld [tilespmem:s19+$0xB150]  }
0x446: {  	v5 =	vld [tilespmem:s19+$0xB0D0]  }
0x447: {  	v0 =	vld [tilespmem:s19+$0xB1C0]  }
0x448: {  	p1 =	sne.s32 s20, $0x27000;
	v11 =	vadd.f32 v11, v12;
	v12 =	vld [tilespmem:$0x1F600]  }
.Ltmp1:
0x449: {  	v2 =	vld [tilespmem:s19+$0xB140];
	(pc) =	sbr.rel @p1 .LBB2_5-.Ltmp1, $4  }
0x44a: {  	v4 =	vld [tilespmem:s19+$0xB0C0]  }
0x44b: {  	v6 =	vld [tilespmem:s19+$0xB040]  }
0x44c: {  	v7 =	vld [tilespmem:s19+$0xB050]  }
0x44d: {  	s20 =	sadd.s32 $0x3000, s20;
	v8 =	vld [tilespmem:s19+$0xB060];
	v13 =	vadd.f32 v12, v13  }
0x44e: {  	v14 =	vld [tilespmem:$0x1F650]  }
0x44f: {  	v15 =	vld [tilespmem:$0x1F670];
	_ =	sdelay $0x2  }
0x450: {  	v12 =	vld [tilespmem:s19+$0xB070]  }
0x451: {  	v9 =	vadd.f32 v14, v9;
	v14 =	vld [tilespmem:$0x1F660]  }
0x452: {  	v11 =	vadd.f32 v15, v11;
	v15 =	vld [tilespmem:$0x1F680]  }
0x453: {  	v16 =	vld [tilespmem:$0x1F610]  }
0x454: {  	v37 =	vld [tilespmem:$0x1F620]  }
0x455: {  	v39 =	vmov v56;
	v56 =	vld [tilespmem:$0x1F6D0]  }
0x456: {  	v10 =	vadd.f32 v14, v10;
	v14 =	vld [tilespmem:s19+$0xB0E0]  }
0x457: {  	v6 =	vadd.f32 v6, v28;
	v13 =	vadd.f32 v15, v13;
	v15 =	vld [tilespmem:s19+$0xB0F0]  }
0x458: {  	v40 =	vld [tilespmem:s19+$0xB160]  }
0x459: {  	v47 =	vld [tilespmem:s19+$0xB170];
	v7 =	vadd.f32 v7, v33;
	v4 =	vadd.f32 v4, v6  }
0x45a: {  	v6 =	vld [tilespmem:s19+$0xB1F0];
	v8 =	vadd.f32 v8, v56;
	v57 =	vadd.f32 v12, v30  }
0x45b: {  	v12 =	vld [tilespmem:s19+$0xB1E0];
	v5 =	vadd.f32 v5, v7  }
0x45c: {  	v41 =	vld [tilespmem:$0x1F630];
	v7 =	vadd.f32 v14, v8;
	v8 =	vadd.f32 v15, v57  }
0x45d: {  	v2 =	vadd.f32 v2, v4;
	v4 =	vld [tilespmem:s19+$0xB270];
	v3 =	vadd.f32 v3, v5  }
0x45e: {  	v26 =	vmov v42;
	v42 =	vld [tilespmem:$0x1F640];
	v5 =	vadd.f32 v40, v7;
	v7 =	vadd.f32 v47, v8  }
0x45f: {  	v0 =	vadd.f32 v0, v2;
	v2 =	vld [tilespmem:s19+$0xB2F0];
	v1 =	vadd.f32 v1, v3  }
0x460: {  	v58 =	vld [tilespmem:s19+$0xB260];
	v3 =	vadd.f32 v12, v5;
	v5 =	vadd.f32 v6, v7  }
0x461: {  	v55 =	vmov v61;
	v61 =	vld [tilespmem:$0x1F6B0]  }
0x462: {  	v62 =	vld [tilespmem:$0x1F6C0];
	v4 =	vadd.f32 v4, v5  }
0x463: {  	v63 =	vld [tilespmem:s19+$0xB3F0]  }
0x464: {  	v2 =	vadd.f32 v2, v4;
	v4 =	vld [tilespmem:$0x1F690]  }
0x465: {  	v0 =	vadd.f32 v60, v0;
	v8 =	vld [tilespmem:s19+$0xB2E0]  }
0x466: {  	v6 =	vld [tilespmem:s19+$0xB360]  }
0x467: {  	s18 =	sadd.s32 @!p0 s18, s8;
	v0 =	vadd.f32 v61, v0;
	v7 =	vld [tilespmem:s19+$0xB370]  }
0x468: {  	s20 =	simm.s32 @!p0 $0xA800;
	s18 =	sshrl.u32 @!p0 s18, $0x3;
	v5 =	vld [tilespmem:s19+$0xB3E0]  }
0x469: {  	[tilespmem:$0x1FFF0] =	vst v18;
	p1 =	sne.s32 @!p0 s17, $0xE;
	s18 =	sadd.s32 @!p0 s2, s18;
	v18 =	vadd.f32 v16, v9;
	s19 =	simm.s32 @!p0 $0x0;
	v0 =	vadd.f32 v4, v0;
	v4 =	vld [tilespmem:$0x1F6A0]  }
0x46a: {  	v1 =	vadd.f32 v59, v1;
	v3 =	vadd.f32 v58, v3;
	[tilespmem:s20], [sflag:$0x2] =	stream.linear.gather @!p0 [hbm4b:s18+s19], $0xA800, $0x38;
	[tilespmem:$0x15C00] =	vst v63  }
0x46b: {  	v38 =	vmov v17;
	v16 =	vadd.f32 v41, v11;
	v17 =	vadd.f32 v37, v10;
	p0 =	por p0, !p1  }
.Ltmp2:
0x46c: {  	v1 =	vadd.f32 v62, v1;
	v3 =	vadd.f32 v8, v3;
	(pc) =	sbr.rel @!p0 .LBB2_2-.Ltmp2, $4  }
0x46d: {  	v13 =	vadd.f32 v42, v13;
	v2 =	vadd.f32 v7, v2  }
0x46e: {  	v3 =	vadd.f32 v6, v3;
	v1 =	vadd.f32 v4, v1  }
0x46f: {  	v46 =	vmovc v50;
	v51 =	vmovc v23;
	v50 =	vmov v27;
	v6 =	vadd.f32 v52, v0;
	v0 =	vadd.f32 v63, v2  }
0x470: {  	[tilespmem:$0x1FFE0] =	vst v19;
	v21 =	vmovc v29;
	v47 =	vmov v44;
	v4 =	vadd.f32 v53, v1;
	v1 =	vadd.f32 v5, v3  }
0x471: {  	[tilespmem:$0x15000] =	vst v46  }
0x472: {  	[tilespmem:$0x15080] =	vst v47  }
0x473: {  	[tilespmem:$0x15100] =	vst v26  }
0x474: {  	[tilespmem:$0x15180] =	vst v21  }
0x475: {  	[tilespmem:$0x15200] =	vst v55  }
0x476: {  	[tilespmem:$0x15280] =	vst v54  }
0x477: {  	[tilespmem:$0x15300] =	vst v51  }
0x478: {  	[tilespmem:$0x15380] =	vst v50  }
0x479: {  	[tilespmem:$0x15400] =	vst v38  }
0x47a: {  	[tilespmem:$0x15480] =	vst v39  }
0x47b: {  	[tilespmem:$0x15500] =	vst v49  }
0x47c: {  	[tilespmem:$0x15580] =	vst v48  }
0x47d: {  	[tilespmem:$0x15700] =	vst v45  }
0x47e: {  	[tilespmem:$0x15780] =	vst v43  }
0x47f: {  	[tilespmem:$0x15800] =	vst v18  }
0x480: {  	[tilespmem:$0x15880] =	vst v17  }
0x481: {  	[tilespmem:$0x15900] =	vst v16  }
0x482: {  	v2 =	vld [tilespmem:$0x1FFF0];
	[tilespmem:$0x15980] =	vst v13  }
0x483: {  	v63 =	vld [tilespmem:$0x1FFE0];
	[tilespmem:$0x15A00] =	vst v6  }
0x484: {  	[tilespmem:$0x15B80] =	vst v0  }
0x485: {  	[tilespmem:$0x15A80] =	vst v4  }
0x486: {  	s16 =	sadd.s32 $0x1, s16;
	[tilespmem:$0x15B00] =	vst v1  }
0x487: {  	p0 =	sne.s32 s16, s10;
	[tilespmem:$0x15600] =	vst v2  }
.Ltmp3:
0x488: {  	[tilespmem:$0x15680] =	vst v63;
	(pc) =	sbr.rel @p0 .LBB2_1-.Ltmp3, $4  }
0x489: {  	[hbm4b:s9+s4] =	stream.linear.scatter [tilespmem:s14], [sflag:$0x3], $0xC00, $0x38;
	[tilespmem:$0x15C00] =	vst v63  }
0x48a: {  	_ =	swait.ge [sflag:s15], $0xC00  }
0x48b: {  	[sflag:s15] =	ssyncset.done $0x0  }
0x48c: {  	[sflag:s15] =	ssyncadd.s32 $0xFFFFF400  }
0x48d: {  	_ =	sfence.sel $0x180000  }
0x48e: {  	[bflag:$0x0] =	sbarrier.arrive $0xFFFF  }
0x48f: {  	p0 =	sne.s32 s0, $0x0;
	_ =	strace $0x90000047  }
0x490: {  	s0 =	sadd.s32 @!p0 $0x100000, s1;
	[bflag:$0x2] =	sbarrier.arrive $0xFFFF  }
0x491: {  	[sflag:s0] =	ssyncadd.tile.s32 @!p0 $0x1;
	_ =	shalt  }
.Lfunc_end2:
_tile_overlayer_lowered:
.L_overlay_start_2:
0x492: {  	(tag) =	ssettag $0x2  }
0x493: {  	s0 =	rddreg [dreg:$0x0];
	s2 =	stileid.u32  }
0x494: {  	s1 =	rddreg [dreg:$0x1];
	p0 =	sne.s32 s2, $0x0  }
0x495: {  	s3 =	rddreg [dreg:$0x2];
	[bflag:$0x3] =	sbarrier.arrive $0xFFFF;
	s2 =	simm.s32 @!p0 $0x1C03  }
0x496: {  	[timem:s3], [sflag:s2] =	dma.local @!p0 [hbm:s0], s1  }
0x497: {  	s0 =	simm.s32 @!p0 $0x3  }
0x498: {  	_ =	swait.ge @!p0 [sflag:s0], s1  }
0x499: {  	s1 =	ssub.s32 @!p0 $0x0, s1;
	[sflag:s0] =	ssyncset.done @!p0 $0x0  }
0x49a: {  	[sflag:s0] =	ssyncadd.s32 @!p0 s1  }
0x49b: {  	[bflag:$0x3] =	sbarrier.arrive $0xFFFF  }
0x49c: {  	_ =	shalt  }

</sc_bundles>
